<compile_context>
chip_gen: v7x
topology: tpu7x:2x2x1
jax: 0.10.2.dev20260603
libtpu: 0.0.44.dev20260713+nightly
codegen_flags: <defaults>
</compile_context>

<pallas_src>
import dataclasses
import functools

import jax
import jax.numpy as jnp
from jax import lax
from jax.experimental import pallas as pl
from jax.experimental.pallas import tpu as pltpu
from jax.experimental.pallas import tpu_sc as plsc

N = 10000
E = 320000
D = 128
D_OUT = 64
NEG = 0.2

NP = 10240
JUNK = N
DR = NP // 128
CH = 64
NTEC = 32
EP = 331776
CHUNKS = EP // (NTEC * CH)
EDGES_PER_TEC = EP // NTEC
ROWS_PER_SUB = NP // 16

_HIGH = jax.lax.Precision.HIGHEST
_DN = (((1,), (0,)), ((), ()))


def _dot(a, b):
    return jax.lax.dot_general(a, b, dimension_numbers=_DN,
                               precision=_HIGH,
                               preferred_element_type=jnp.float32)



def _lin_body(x_ref, wl_ref, bl_ref, wr_ref, br_ref, xl_ref, xr_ref):
    x = x_ref[...]
    xl_ref[...] = _dot(x, wl_ref[...]) + bl_ref[...]
    xr_ref[...] = _dot(x, wr_ref[...]) + br_ref[...]


def _combine(pn_ref, pd_ref, bias_ref):
    num = pn_ref[:NP, :] + pn_ref[NP:, :]
    den = jnp.maximum(pd_ref[:DR, :] + pd_ref[DR:, :], 1e-30)
    num3 = num.reshape(DR, 128, D)
    h = num3 / den[:, :, None] + bias_ref[...].reshape(1, 1, D)
    return jnp.maximum(h, 0.0).reshape(NP, D)


def _mid_body(pn_ref, pd_ref, bias_ref, wl_ref, bl_ref, wr_ref, br_ref,
              xl_ref, xr_ref):
    h = _combine(pn_ref, pd_ref, bias_ref)
    xl_ref[...] = _dot(h, wl_ref[...]) + bl_ref[...]
    xr_ref[...] = _dot(h, wr_ref[...]) + br_ref[...]


def _final_body(pn_ref, pd_ref, bias_ref, wo_ref, bo_ref, o_ref):
    h = _combine(pn_ref, pd_ref, bias_ref)
    logits = _dot(h, wo_ref[...]) + bo_ref[...]
    col = jax.lax.broadcasted_iota(jnp.int32, (NP, D), 1)
    logits = jnp.where(col < D_OUT, logits, -1e30)
    m = jnp.max(logits, axis=1, keepdims=True)
    lse = jnp.log(jnp.sum(jnp.exp(logits - m), axis=1, keepdims=True))
    o_ref[...] = logits - m - lse


def _lin_pair(x, wl, bl, wr, br):
    return pl.pallas_call(
        _lin_body,
        out_shape=[jax.ShapeDtypeStruct((NP, D), jnp.float32)] * 2,
    )(x, wl, bl, wr, br)


def _mid(pn, pd, bias, wl, bl, wr, br):
    return pl.pallas_call(
        _mid_body,
        out_shape=[jax.ShapeDtypeStruct((NP, D), jnp.float32)] * 2,
    )(pn, pd, bias, wl, bl, wr, br)


def _final(pn, pd, bias, wo, bo):
    return pl.pallas_call(
        _final_body,
        out_shape=jax.ShapeDtypeStruct((NP, D), jnp.float32),
    )(pn, pd, bias, wo, bo)



def _sc_compiler_params():
    cp = pltpu.CompilerParams()
    if "needs_layout_passes" in pltpu.CompilerParams.__dataclass_fields__:
        cp = dataclasses.replace(cp, needs_layout_passes=False)
    return cp


def _sc_edge_pass(xl, xr, src, dst, att):
    mesh = plsc.VectorSubcoreMesh(core_axis_name="c", subcore_axis_name="s")

    @functools.partial(
        pl.kernel,
        out_type=[jax.ShapeDtypeStruct((2 * NP, D), jnp.float32),
                  jax.ShapeDtypeStruct((2 * DR, 128), jnp.float32)],
        mesh=mesh,
        compiler_params=_sc_compiler_params(),
        scratch_types=[
            pltpu.VMEM_SHARED((NP, D), jnp.float32),
            pltpu.VMEM_SHARED((DR, 128), jnp.float32),
            pltpu.VMEM((CH,), jnp.int32),
            pltpu.VMEM((CH,), jnp.int32),
            pltpu.VMEM((CH, D), jnp.float32),
            pltpu.VMEM((CH, D), jnp.float32),
            pltpu.VMEM((CH, 16), jnp.float32),
            pltpu.VMEM((DR, 128), jnp.float32),
            pltpu.VMEM((DR,), jnp.int32),
            pltpu.VMEM((D,), jnp.float32),
            pltpu.SemaphoreType.DMA,
            pltpu.SemaphoreType.DMA,
        ],
    )
    def sck(xl_hbm, xr_hbm, src_hbm, dst_hbm, att_hbm, num_hbm, den_hbm,
            accum, den_sh, src_idx, dst_idx, xl_rows, xr_rows, wsp,
            den_local, iota_dr, att_v, sem1, sem2):
        c = lax.axis_index("c")
        s = lax.axis_index("s")
        tec = c * 16 + s

        zero = jnp.zeros((16,), jnp.float32)

        @pl.loop(0, CH)
        def _(i):
            for k in range(D // 16):
                xl_rows[i, pl.ds(16 * k, 16)] = zero

        @pl.loop(0, ROWS_PER_SUB // CH)
        def _(j):
            pltpu.sync_copy(xl_rows, accum.at[pl.ds(s * ROWS_PER_SUB + j * CH, CH)])

        @pl.loop(0, DR)
        def _(i):
            for k in range(128 // 16):
                den_local[i, pl.ds(16 * k, 16)] = zero

        @pl.when(s == 0)
        def _():
            pltpu.sync_copy(xl_rows, den_sh.at[pl.ds(0, CH)])
            pltpu.sync_copy(xl_rows.at[pl.ds(0, DR - CH)],
                            den_sh.at[pl.ds(CH, DR - CH)])

        for j in range(DR // 16):
            iota_dr[pl.ds(16 * j, 16)] = lax.iota(jnp.int32, 16) + 16 * j

        pltpu.sync_copy(att_hbm, att_v)
        plsc.subcore_barrier()

        att_vecs = [att_v[pl.ds(16 * k, 16)] for k in range(D // 16)]
        lane = lax.iota(jnp.int32, 16)
        zero_i = jnp.zeros((16,), jnp.int32)

        @pl.loop(0, CHUNKS)
        def _(j):
            base = tec * EDGES_PER_TEC + j * CH
            pltpu.sync_copy(src_hbm.at[pl.ds(base, CH)], src_idx)
            pltpu.sync_copy(dst_hbm.at[pl.ds(base, CH)], dst_idx)
            cp1 = pltpu.async_copy(xl_hbm.at[src_idx], xl_rows, sem1)
            cp2 = pltpu.async_copy(xr_hbm.at[dst_idx], xr_rows, sem2)
            cp1.wait()
            cp2.wait()

            @plsc.parallel_loop(0, CH, unroll=4)
            def _(i):
                acc0 = jnp.zeros((16,), jnp.float32)
                acc1 = jnp.zeros((16,), jnp.float32)
                xs = []
                for k in range(D // 16):
                    a = xl_rows[i, pl.ds(16 * k, 16)]
                    b = xr_rows[i, pl.ds(16 * k, 16)]
                    u = a + b
                    u = jnp.where(u >= 0.0, u, NEG * u)
                    if k % 2 == 0:
                        acc0 = acc0 + att_vecs[k] * u
                    else:
                        acc1 = acc1 + att_vecs[k] * u
                    xs.append(a)
                w = jnp.exp(lax.broadcast_in_dim(jnp.sum(acc0 + acc1),
                                                 (16,), ()))
                for k in range(D // 16):
                    xl_rows[i, pl.ds(16 * k, 16)] = xs[k] * w
                wsp[i, pl.ds(0, 16)] = w

            for jj in range(CH // 16):
                wv = plsc.load_gather(wsp, [lane + 16 * jj, zero_i])
                dv = dst_idx[pl.ds(16 * jj, 16)]
                rowv = lax.shift_right_logical(dv, 7)
                colv = jnp.bitwise_and(dv, 127)
                plsc.addupdate_scatter(den_local, [rowv, colv], wv)

            pltpu.sync_copy(xl_rows, accum.at[dst_idx], add=True)

        pltpu.sync_copy(den_local, den_sh.at[iota_dr], add=True)
        plsc.subcore_barrier()
        pltpu.sync_copy(
            accum.at[pl.ds(s * ROWS_PER_SUB, ROWS_PER_SUB)],
            num_hbm.at[pl.ds(c * NP + s * ROWS_PER_SUB, ROWS_PER_SUB)])
        @pl.when(s < DR // 8)
        def _():
            pltpu.sync_copy(
                den_sh.at[pl.ds(s * 8, 8)],
                den_hbm.at[pl.ds(c * DR + s * 8, 8)])

    return sck(xl, xr, src, dst, att)



def kernel(x, edge_index, Wl1, bl1, Wr1, br1, att1, bias1,
           Wl2, bl2, Wr2, br2, att2, bias2, Wo, bo):
    i32 = jnp.int32
    loop = jnp.arange(N, dtype=i32)
    pad = jnp.full((EP - E - N,), JUNK, i32)
    src = jnp.concatenate([edge_index[0].astype(i32), loop, pad])
    dst = jnp.concatenate([edge_index[1].astype(i32), loop, pad])

    xp = jnp.pad(x, ((0, NP - N), (0, 0)))
    bl1r = bl1.reshape(1, D)
    br1r = br1.reshape(1, D)
    bias1r = bias1.reshape(1, D)
    bl2r = bl2.reshape(1, D)
    br2r = br2.reshape(1, D)
    bias2r = bias2.reshape(1, D)
    wo_p = jnp.pad(Wo, ((0, 0), (0, D - D_OUT)))
    bo_p = jnp.pad(bo, (0, D - D_OUT)).reshape(1, D)

    xl1, xr1 = _lin_pair(xp, Wl1, bl1r, Wr1, br1r)
    pn1, pd1 = _sc_edge_pass(xl1, xr1, src, dst, att1)
    xl2, xr2 = _mid(pn1, pd1, bias1r, Wl2, bl2r, Wr2, br2r)
    pn2, pd2 = _sc_edge_pass(xl2, xr2, src, dst, att2)
    out = _final(pn2, pd2, bias2r, wo_p, bo_p)
    return out[:N, :D_OUT]

# --- scband reference (transcript-rebuilt; emitter-appended) ---
"""Pipeline reference for scband-gatv2-28252294873768 (READ-ONLY COPY).

The authoritative reference and input builder live on the scoring server;
editing this copy changes nothing except your own understanding.
"""

import jax, jax.numpy as jnp
import numpy as np

N = 10000
E = 320000
D_IN = 128
D_HID = 128
D_OUT = 64
NEG_SLOPE = 0.2


def _glorot(k, shape):
    fan_in, fan_out = shape[0], shape[-1]
    s = jnp.sqrt(6.0 / (fan_in + fan_out))
    return jax.random.uniform(k, shape, jnp.float32, -s, s)


def setup_inputs(seed: int = 0) -> dict:
    key = jax.random.key(seed)
    ks = jax.random.split(key, 20)
    x = jax.random.normal(ks[0], (N, D_IN), jnp.float32)
    edge_index = jax.random.randint(ks[1], (2, E), 0, N)
    inp = {
        "x": x,
        "edge_index": edge_index,
        # GATv2Conv layer 1 (heads=1)
        "Wl1": _glorot(ks[2], (D_IN, D_HID)),
        "bl1": jnp.zeros((D_HID,), jnp.float32),
        "Wr1": _glorot(ks[3], (D_IN, D_HID)),
        "br1": jnp.zeros((D_HID,), jnp.float32),
        "att1": _glorot(ks[4], (D_HID, 1))[:, 0],
        "bias1": jnp.zeros((D_HID,), jnp.float32),
        # GATv2Conv layer 2
        "Wl2": _glorot(ks[5], (D_HID, D_HID)),
        "bl2": jnp.zeros((D_HID,), jnp.float32),
        "Wr2": _glorot(ks[6], (D_HID, D_HID)),
        "br2": jnp.zeros((D_HID,), jnp.float32),
        "att2": _glorot(ks[7], (D_HID, 1))[:, 0],
        "bias2": jnp.zeros((D_HID,), jnp.float32),
        # output linear
        "Wo": _glorot(ks[8], (D_HID, D_OUT)),
        "bo": jnp.zeros((D_OUT,), jnp.float32),
    }
    return inp


def _gatv2_conv(x, src, dst, Wl, bl, Wr, br, att, bias):
    # GATv2: x_l = lin_l(x) (source side), x_r = lin_r(x) (target side)
    x_l = x @ Wl + bl
    x_r = x @ Wr + br
    x_j = x_l[src]               # source features per edge
    x_i = x_r[dst]               # target features per edge
    e = x_j + x_i
    e = jnp.where(e >= 0, e, NEG_SLOPE * e)  # leaky_relu(0.2)
    logits = e @ att             # [E']
    # segment softmax over incoming edges of each dst node
    m = jax.ops.segment_max(logits, dst, num_segments=N)
    logits = logits - m[dst]
    ex = jnp.exp(logits)
    denom = jax.ops.segment_sum(ex, dst, num_segments=N)
    alpha = ex / (denom[dst] + 1e-16)
    out = jax.ops.segment_sum(x_j * alpha[:, None], dst, num_segments=N)
    return out + bias


def reference(x, edge_index, Wl1, bl1, Wr1, br1, att1, bias1,
              Wl2, bl2, Wr2, br2, att2, bias2, Wo, bo):
    # add self loops (PyG GATv2Conv default add_self_loops=True)
    loop = jnp.arange(N, dtype=edge_index.dtype)
    src = jnp.concatenate([edge_index[0], loop])
    dst = jnp.concatenate([edge_index[1], loop])
    # GAT layer 1 + Identity norm + relu (dropout is no-op in eval)
    h = _gatv2_conv(x, src, dst, Wl1, bl1, Wr1, br1, att1, bias1)
    h = jax.nn.relu(h)
    # GAT layer 2 + Identity norm + relu
    h = _gatv2_conv(h, src, dst, Wl2, bl2, Wr2, br2, att2, bias2)
    h = jax.nn.relu(h)
    out = h @ Wo + bo
    return jax.nn.log_softmax(out, axis=1)

if __name__ == "__main__":
    import jax
    _d = setup_inputs()
    print(jax.jit(kernel)(*tuple(_d.values())))

</pallas_src>

<mosaic_0001>
#map = affine_map<(d0, d1) -> (0, 0)>
#map1 = affine_map<(d0, d1) -> (0)>
module attributes {stable_mosaic.version = 14 : i64} {
  func.func @sck(%arg0: i32, %arg1: i32, %arg2: memref<10240x128xf32, #tpu.memory_space<hbm>>, %arg3: memref<10240x128xf32, #tpu.memory_space<hbm>>, %arg4: memref<331776xi32, #tpu.memory_space<hbm>>, %arg5: memref<331776xi32, #tpu.memory_space<hbm>>, %arg6: memref<128xf32, #tpu.memory_space<hbm>>, %arg7: memref<20480x128xf32, #tpu.memory_space<hbm>>, %arg8: memref<160x128xf32, #tpu.memory_space<hbm>>, %arg9: memref<10240x128xf32, #tpu.memory_space<vmem_shared>>, %arg10: memref<80x128xf32, #tpu.memory_space<vmem_shared>>, %arg11: memref<64xi32, #tpu.memory_space<vmem>>, %arg12: memref<64xi32, #tpu.memory_space<vmem>>, %arg13: memref<64x128xf32, #tpu.memory_space<vmem>>, %arg14: memref<64x128xf32, #tpu.memory_space<vmem>>, %arg15: memref<64x16xf32, #tpu.memory_space<vmem>>, %arg16: memref<80x128xf32, #tpu.memory_space<vmem>>, %arg17: memref<80xi32, #tpu.memory_space<vmem>>, %arg18: memref<128xf32, #tpu.memory_space<vmem>>, %arg19: memref<!tpu.dma_semaphore, #tpu.memory_space<semaphore_mem>>, %arg20: memref<!tpu.dma_semaphore, #tpu.memory_space<semaphore_mem>>) attributes {dimension_semantics = [#tpu.dimension_semantics<core_parallel>, #tpu.dimension_semantics<subcore_parallel>], iteration_bounds = array<i64: 2, 16>, scalar_prefetch = 0 : i64, scratch_operands = 12 : i64, tpu.core_type = #tpu.core_type<sc_vector_subcore>, window_params = [{transform_indices = #map}, {transform_indices = #map}, {transform_indices = #map1}, {transform_indices = #map1}, {transform_indices = #map1}, {transform_indices = #map}, {transform_indices = #map}]} {
    %mul3A = arith.constant 16 : i32
    %mul3A_0 = arith.muli %arg0, %mul3A : i32
    %add3A = arith.addi %mul3A_0, %arg1 : i32
    %broadcast_in_dim3A = arith.constant 0.000000e+00 : f32
    %broadcast_in_dim3A_1 = vector.broadcast %broadcast_in_dim3A : f32 to vector<16xf32>
    %scan3A = arith.constant 0 : i32
    %scan3A_2 = arith.constant 64 : i32
    %scan3A_3 = arith.addi %scan3A, %scan3A_2 : i32
    %scan3A_4 = arith.constant 1 : i32
    scf.for %scan3A_81 = %scan3A to %scan3A_3 step %scan3A_4  : i32 {
      %mul3A_82 = arith.constant 1 : i32
      %mul3A_83 = arith.muli %scan3A_81, %mul3A_82 : i32
      %add3A_84 = arith.constant 0 : i32
      %add3A_85 = arith.addi %add3A_84, %mul3A_83 : i32
      %swap3A_86 = arith.index_cast %add3A_85 : i32 to index
      %swap3A_87 = arith.constant 0 : index
      %swap3A_88 = tpu.vector_load %arg13[%swap3A_86, %swap3A_87] {strides = array<i32>} : memref<64x128xf32, #tpu.memory_space<vmem>>, vector<16xf32>,
      tpu.vector_store %arg13[%swap3A_86, %swap3A_87], %broadcast_in_dim3A_1 {strides = array<i32>} : memref<64x128xf32, #tpu.memory_space<vmem>>, vector<16xf32>,
      %swap3A_89 = arith.index_cast %add3A_85 : i32 to index
      %swap3A_90 = arith.constant 16 : index
      %swap3A_91 = tpu.vector_load %arg13[%swap3A_89, %swap3A_90] {strides = array<i32>} : memref<64x128xf32, #tpu.memory_space<vmem>>, vector<16xf32>,
      tpu.vector_store %arg13[%swap3A_89, %swap3A_90], %broadcast_in_dim3A_1 {strides = array<i32>} : memref<64x128xf32, #tpu.memory_space<vmem>>, vector<16xf32>,
      %swap3A_92 = arith.index_cast %add3A_85 : i32 to index
      %swap3A_93 = arith.constant 32 : index
      %swap3A_94 = tpu.vector_load %arg13[%swap3A_92, %swap3A_93] {strides = array<i32>} : memref<64x128xf32, #tpu.memory_space<vmem>>, vector<16xf32>,
      tpu.vector_store %arg13[%swap3A_92, %swap3A_93], %broadcast_in_dim3A_1 {strides = array<i32>} : memref<64x128xf32, #tpu.memory_space<vmem>>, vector<16xf32>,
      %swap3A_95 = arith.index_cast %add3A_85 : i32 to index
      %swap3A_96 = arith.constant 48 : index
      %swap3A_97 = tpu.vector_load %arg13[%swap3A_95, %swap3A_96] {strides = array<i32>} : memref<64x128xf32, #tpu.memory_space<vmem>>, vector<16xf32>,
      tpu.vector_store %arg13[%swap3A_95, %swap3A_96], %broadcast_in_dim3A_1 {strides = array<i32>} : memref<64x128xf32, #tpu.memory_space<vmem>>, vector<16xf32>,
      %swap3A_98 = arith.index_cast %add3A_85 : i32 to index
      %swap3A_99 = arith.constant 64 : index
      %swap3A_100 = tpu.vector_load %arg13[%swap3A_98, %swap3A_99] {strides = array<i32>} : memref<64x128xf32, #tpu.memory_space<vmem>>, vector<16xf32>,
      tpu.vector_store %arg13[%swap3A_98, %swap3A_99], %broadcast_in_dim3A_1 {strides = array<i32>} : memref<64x128xf32, #tpu.memory_space<vmem>>, vector<16xf32>,
      %swap3A_101 = arith.index_cast %add3A_85 : i32 to index
      %swap3A_102 = arith.constant 80 : index
      %swap3A_103 = tpu.vector_load %arg13[%swap3A_101, %swap3A_102] {strides = array<i32>} : memref<64x128xf32, #tpu.memory_space<vmem>>, vector<16xf32>,
      tpu.vector_store %arg13[%swap3A_101, %swap3A_102], %broadcast_in_dim3A_1 {strides = array<i32>} : memref<64x128xf32, #tpu.memory_space<vmem>>, vector<16xf32>,
      %swap3A_104 = arith.index_cast %add3A_85 : i32 to index
      %swap3A_105 = arith.constant 96 : index
      %swap3A_106 = tpu.vector_load %arg13[%swap3A_104, %swap3A_105] {strides = array<i32>} : memref<64x128xf32, #tpu.memory_space<vmem>>, vector<16xf32>,
      tpu.vector_store %arg13[%swap3A_104, %swap3A_105], %broadcast_in_dim3A_1 {strides = array<i32>} : memref<64x128xf32, #tpu.memory_space<vmem>>, vector<16xf32>,
      %swap3A_107 = arith.index_cast %add3A_85 : i32 to index
      %swap3A_108 = arith.constant 112 : index
      %swap3A_109 = tpu.vector_load %arg13[%swap3A_107, %swap3A_108] {strides = array<i32>} : memref<64x128xf32, #tpu.memory_space<vmem>>, vector<16xf32>,
      tpu.vector_store %arg13[%swap3A_107, %swap3A_108], %broadcast_in_dim3A_1 {strides = array<i32>} : memref<64x128xf32, #tpu.memory_space<vmem>>, vector<16xf32>,
    }
    %scan3A_5 = arith.constant 64 : i32
    %scan3A_6 = arith.constant 0 : i32
    %scan3A_7 = arith.constant 10 : i32
    %scan3A_8 = arith.addi %scan3A_6, %scan3A_7 : i32
    %scan3A_9 = arith.constant 1 : i32
    scf.for %scan3A_81 = %scan3A_6 to %scan3A_8 step %scan3A_9  : i32 {
      %mul3A_82 = arith.constant 1 : i32
      %mul3A_83 = arith.muli %scan3A_81, %mul3A_82 : i32
      %add3A_84 = arith.constant 0 : i32
      %add3A_85 = arith.addi %add3A_84, %mul3A_83 : i32
      %mul3A_86 = arith.constant 640 : i32
      %mul3A_87 = arith.muli %arg1, %mul3A_86 : i32
      %mul3A_88 = arith.constant 64 : i32
      %mul3A_89 = arith.muli %add3A_85, %mul3A_88 : i32
      %add3A_90 = arith.addi %mul3A_87, %mul3A_89 : i32
      "tpu.region"() ({
        %run_scoped3A = tpu.sem_alloc : memref<!tpu.dma_semaphore, #tpu.memory_space<semaphore_mem>>
        %dma_start3A = arith.constant 0 : i32
        %dma_start3A_91 = tpu.memref_slice %arg9[%add3A_90, %dma_start3A] : memref<10240x128xf32, #tpu.memory_space<vmem_shared>> -> memref<64x128xf32, #tpu.memory_space<vmem_shared>>
        %dma_start3A_92 = arith.constant 0 : i32
        %dma_start3A_93 = tpu.memref_slice %arg9[%add3A_90, %dma_start3A_92] : memref<10240x128xf32, #tpu.memory_space<vmem_shared>> -> memref<64x128xf32, #tpu.memory_space<vmem_shared>>
        tpu.enqueue_dma source(%arg13 : memref<64x128xf32, #tpu.memory_space<vmem>>) target(%dma_start3A_93 : memref<64x128xf32, #tpu.memory_space<vmem_shared>>) target_semaphore(%run_scoped3A : memref<!tpu.dma_semaphore, #tpu.memory_space<semaphore_mem>>)
        %dma_wait3A = arith.constant 0 : i32
        %dma_wait3A_94 = tpu.memref_slice %arg9[%add3A_90, %dma_wait3A] : memref<10240x128xf32, #tpu.memory_space<vmem_shared>> -> memref<64x128xf32, #tpu.memory_space<vmem_shared>>
        %dma_wait3A_95 = arith.constant 0 : i32
        %dma_wait3A_96 = tpu.memref_slice %arg9[%add3A_90, %dma_wait3A_95] : memref<10240x128xf32, #tpu.memory_space<vmem_shared>> -> memref<64x128xf32, #tpu.memory_space<vmem_shared>>
        tpu.wait_dma2 semaphore(%run_scoped3A : memref<!tpu.dma_semaphore, #tpu.memory_space<semaphore_mem>>) src(%arg13 : memref<64x128xf32, #tpu.memory_space<vmem>>) dst(%dma_wait3A_96 : memref<64x128xf32, #tpu.memory_space<vmem_shared>>)
        tpu.yield
      }) : () -> ()
    }
    %scan3A_10 = arith.constant 10 : i32
    %scan3A_11 = arith.constant 0 : i32
    %scan3A_12 = arith.constant 80 : i32
    %scan3A_13 = arith.addi %scan3A_11, %scan3A_12 : i32
    %scan3A_14 = arith.constant 1 : i32
    scf.for %scan3A_81 = %scan3A_11 to %scan3A_13 step %scan3A_14  : i32 {
      %mul3A_82 = arith.constant 1 : i32
      %mul3A_83 = arith.muli %scan3A_81, %mul3A_82 : i32
      %add3A_84 = arith.constant 0 : i32
      %add3A_85 = arith.addi %add3A_84, %mul3A_83 : i32
      %swap3A_86 = arith.index_cast %add3A_85 : i32 to index
      %swap3A_87 = arith.constant 0 : index
      %swap3A_88 = tpu.vector_load %arg16[%swap3A_86, %swap3A_87] {strides = array<i32>} : memref<80x128xf32, #tpu.memory_space<vmem>>, vector<16xf32>,
      tpu.vector_store %arg16[%swap3A_86, %swap3A_87], %broadcast_in_dim3A_1 {strides = array<i32>} : memref<80x128xf32, #tpu.memory_space<vmem>>, vector<16xf32>,
      %swap3A_89 = arith.index_cast %add3A_85 : i32 to index
      %swap3A_90 = arith.constant 16 : index
      %swap3A_91 = tpu.vector_load %arg16[%swap3A_89, %swap3A_90] {strides = array<i32>} : memref<80x128xf32, #tpu.memory_space<vmem>>, vector<16xf32>,
      tpu.vector_store %arg16[%swap3A_89, %swap3A_90], %broadcast_in_dim3A_1 {strides = array<i32>} : memref<80x128xf32, #tpu.memory_space<vmem>>, vector<16xf32>,
      %swap3A_92 = arith.index_cast %add3A_85 : i32 to index
      %swap3A_93 = arith.constant 32 : index
      %swap3A_94 = tpu.vector_load %arg16[%swap3A_92, %swap3A_93] {strides = array<i32>} : memref<80x128xf32, #tpu.memory_space<vmem>>, vector<16xf32>,
      tpu.vector_store %arg16[%swap3A_92, %swap3A_93], %broadcast_in_dim3A_1 {strides = array<i32>} : memref<80x128xf32, #tpu.memory_space<vmem>>, vector<16xf32>,
      %swap3A_95 = arith.index_cast %add3A_85 : i32 to index
      %swap3A_96 = arith.constant 48 : index
      %swap3A_97 = tpu.vector_load %arg16[%swap3A_95, %swap3A_96] {strides = array<i32>} : memref<80x128xf32, #tpu.memory_space<vmem>>, vector<16xf32>,
      tpu.vector_store %arg16[%swap3A_95, %swap3A_96], %broadcast_in_dim3A_1 {strides = array<i32>} : memref<80x128xf32, #tpu.memory_space<vmem>>, vector<16xf32>,
      %swap3A_98 = arith.index_cast %add3A_85 : i32 to index
      %swap3A_99 = arith.constant 64 : index
      %swap3A_100 = tpu.vector_load %arg16[%swap3A_98, %swap3A_99] {strides = array<i32>} : memref<80x128xf32, #tpu.memory_space<vmem>>, vector<16xf32>,
      tpu.vector_store %arg16[%swap3A_98, %swap3A_99], %broadcast_in_dim3A_1 {strides = array<i32>} : memref<80x128xf32, #tpu.memory_space<vmem>>, vector<16xf32>,
      %swap3A_101 = arith.index_cast %add3A_85 : i32 to index
      %swap3A_102 = arith.constant 80 : index
      %swap3A_103 = tpu.vector_load %arg16[%swap3A_101, %swap3A_102] {strides = array<i32>} : memref<80x128xf32, #tpu.memory_space<vmem>>, vector<16xf32>,
      tpu.vector_store %arg16[%swap3A_101, %swap3A_102], %broadcast_in_dim3A_1 {strides = array<i32>} : memref<80x128xf32, #tpu.memory_space<vmem>>, vector<16xf32>,
      %swap3A_104 = arith.index_cast %add3A_85 : i32 to index
      %swap3A_105 = arith.constant 96 : index
      %swap3A_106 = tpu.vector_load %arg16[%swap3A_104, %swap3A_105] {strides = array<i32>} : memref<80x128xf32, #tpu.memory_space<vmem>>, vector<16xf32>,
      tpu.vector_store %arg16[%swap3A_104, %swap3A_105], %broadcast_in_dim3A_1 {strides = array<i32>} : memref<80x128xf32, #tpu.memory_space<vmem>>, vector<16xf32>,
      %swap3A_107 = arith.index_cast %add3A_85 : i32 to index
      %swap3A_108 = arith.constant 112 : index
      %swap3A_109 = tpu.vector_load %arg16[%swap3A_107, %swap3A_108] {strides = array<i32>} : memref<80x128xf32, #tpu.memory_space<vmem>>, vector<16xf32>,
      tpu.vector_store %arg16[%swap3A_107, %swap3A_108], %broadcast_in_dim3A_1 {strides = array<i32>} : memref<80x128xf32, #tpu.memory_space<vmem>>, vector<16xf32>,
    }
    %scan3A_15 = arith.constant 80 : i32
    %eq3A = arith.constant 0 : i32
    %eq3A_16 = arith.cmpi eq, %arg1, %eq3A : i32
    %convert_element_type3A = arith.extui %eq3A_16 : i1 to i32
    %cond3A = arith.constant 0 : i32
    %cond3A_17 = arith.cmpi ne, %convert_element_type3A, %cond3A : i32
    scf.if %cond3A_17 {
      "tpu.region"() ({
        %run_scoped3A = tpu.sem_alloc : memref<!tpu.dma_semaphore, #tpu.memory_space<semaphore_mem>>
        %dma_start3A = arith.constant 0 : i32
        %dma_start3A_81 = arith.constant 0 : i32
        %dma_start3A_82 = tpu.memref_slice %arg10[%dma_start3A, %dma_start3A_81] : memref<80x128xf32, #tpu.memory_space<vmem_shared>> -> memref<64x128xf32, #tpu.memory_space<vmem_shared>>
        %dma_start3A_83 = arith.constant 0 : i32
        %dma_start3A_84 = arith.constant 0 : i32
        %dma_start3A_85 = tpu.memref_slice %arg10[%dma_start3A_83, %dma_start3A_84] : memref<80x128xf32, #tpu.memory_space<vmem_shared>> -> memref<64x128xf32, #tpu.memory_space<vmem_shared>>
        tpu.enqueue_dma source(%arg13 : memref<64x128xf32, #tpu.memory_space<vmem>>) target(%dma_start3A_85 : memref<64x128xf32, #tpu.memory_space<vmem_shared>>) target_semaphore(%run_scoped3A : memref<!tpu.dma_semaphore, #tpu.memory_space<semaphore_mem>>)
        %dma_wait3A = arith.constant 0 : i32
        %dma_wait3A_86 = arith.constant 0 : i32
        %dma_wait3A_87 = tpu.memref_slice %arg10[%dma_wait3A, %dma_wait3A_86] : memref<80x128xf32, #tpu.memory_space<vmem_shared>> -> memref<64x128xf32, #tpu.memory_space<vmem_shared>>
        %dma_wait3A_88 = arith.constant 0 : i32
        %dma_wait3A_89 = arith.constant 0 : i32
        %dma_wait3A_90 = tpu.memref_slice %arg10[%dma_wait3A_88, %dma_wait3A_89] : memref<80x128xf32, #tpu.memory_space<vmem_shared>> -> memref<64x128xf32, #tpu.memory_space<vmem_shared>>
        tpu.wait_dma2 semaphore(%run_scoped3A : memref<!tpu.dma_semaphore, #tpu.memory_space<semaphore_mem>>) src(%arg13 : memref<64x128xf32, #tpu.memory_space<vmem>>) dst(%dma_wait3A_90 : memref<64x128xf32, #tpu.memory_space<vmem_shared>>)
        tpu.yield
      }) : () -> ()
      "tpu.region"() ({
        %run_scoped3A = tpu.sem_alloc : memref<!tpu.dma_semaphore, #tpu.memory_space<semaphore_mem>>
        %dma_start3A = arith.constant 0 : i32
        %dma_start3A_81 = arith.constant 0 : i32
        %dma_start3A_82 = tpu.memref_slice %arg13[%dma_start3A, %dma_start3A_81] : memref<64x128xf32, #tpu.memory_space<vmem>> -> memref<16x128xf32, #tpu.memory_space<vmem>>
        %dma_start3A_83 = arith.constant 64 : i32
        %dma_start3A_84 = arith.constant 0 : i32
        %dma_start3A_85 = tpu.memref_slice %arg10[%dma_start3A_83, %dma_start3A_84] : memref<80x128xf32, #tpu.memory_space<vmem_shared>> -> memref<16x128xf32, #tpu.memory_space<vmem_shared>>
        %dma_start3A_86 = arith.constant 64 : i32
        %dma_start3A_87 = arith.constant 0 : i32
        %dma_start3A_88 = tpu.memref_slice %arg10[%dma_start3A_86, %dma_start3A_87] : memref<80x128xf32, #tpu.memory_space<vmem_shared>> -> memref<16x128xf32, #tpu.memory_space<vmem_shared>>
        %dma_start3A_89 = arith.constant 0 : i32
        %dma_start3A_90 = arith.constant 0 : i32
        %dma_start3A_91 = tpu.memref_slice %arg13[%dma_start3A_89, %dma_start3A_90] : memref<64x128xf32, #tpu.memory_space<vmem>> -> memref<16x128xf32, #tpu.memory_space<vmem>>
        tpu.enqueue_dma source(%dma_start3A_91 : memref<16x128xf32, #tpu.memory_space<vmem>>) target(%dma_start3A_88 : memref<16x128xf32, #tpu.memory_space<vmem_shared>>) target_semaphore(%run_scoped3A : memref<!tpu.dma_semaphore, #tpu.memory_space<semaphore_mem>>)
        %dma_wait3A = arith.constant 0 : i32
        %dma_wait3A_92 = arith.constant 0 : i32
        %dma_wait3A_93 = tpu.memref_slice %arg13[%dma_wait3A, %dma_wait3A_92] : memref<64x128xf32, #tpu.memory_space<vmem>> -> memref<16x128xf32, #tpu.memory_space<vmem>>
        %dma_wait3A_94 = arith.constant 64 : i32
        %dma_wait3A_95 = arith.constant 0 : i32
        %dma_wait3A_96 = tpu.memref_slice %arg10[%dma_wait3A_94, %dma_wait3A_95] : memref<80x128xf32, #tpu.memory_space<vmem_shared>> -> memref<16x128xf32, #tpu.memory_space<vmem_shared>>
        %dma_wait3A_97 = arith.constant 64 : i32
        %dma_wait3A_98 = arith.constant 0 : i32
        %dma_wait3A_99 = tpu.memref_slice %arg10[%dma_wait3A_97, %dma_wait3A_98] : memref<80x128xf32, #tpu.memory_space<vmem_shared>> -> memref<16x128xf32, #tpu.memory_space<vmem_shared>>
        %dma_wait3A_100 = arith.constant 0 : i32
        %dma_wait3A_101 = arith.constant 0 : i32
        %dma_wait3A_102 = tpu.memref_slice %arg13[%dma_wait3A_100, %dma_wait3A_101] : memref<64x128xf32, #tpu.memory_space<vmem>> -> memref<16x128xf32, #tpu.memory_space<vmem>>
        tpu.wait_dma2 semaphore(%run_scoped3A : memref<!tpu.dma_semaphore, #tpu.memory_space<semaphore_mem>>) src(%dma_wait3A_102 : memref<16x128xf32, #tpu.memory_space<vmem>>) dst(%dma_wait3A_99 : memref<16x128xf32, #tpu.memory_space<vmem_shared>>)
        tpu.yield
      }) : () -> ()
    } else {
    }
    %iota3A = tpu.iota {dimensions = array<i32: 0>} : vector<16xi32>
    %add3A_18 = arith.constant 0 : i32
    %add3A_19 = vector.broadcast %add3A_18 : i32 to vector<16xi32>
    %add3A_20 = arith.addi %iota3A, %add3A_19 : vector<16xi32>
    %swap3A = arith.constant 0 : index
    %swap3A_21 = tpu.vector_load %arg17[%swap3A] {strides = array<i32>} : memref<80xi32, #tpu.memory_space<vmem>>, vector<16xi32>,
    tpu.vector_store %arg17[%swap3A], %add3A_20 {strides = array<i32>} : memref<80xi32, #tpu.memory_space<vmem>>, vector<16xi32>,
    %iota3A_22 = tpu.iota {dimensions = array<i32: 0>} : vector<16xi32>
    %add3A_23 = arith.constant 16 : i32
    %add3A_24 = vector.broadcast %add3A_23 : i32 to vector<16xi32>
    %add3A_25 = arith.addi %iota3A_22, %add3A_24 : vector<16xi32>
    %swap3A_26 = arith.constant 16 : index
    %swap3A_27 = tpu.vector_load %arg17[%swap3A_26] {strides = array<i32>} : memref<80xi32, #tpu.memory_space<vmem>>, vector<16xi32>,
    tpu.vector_store %arg17[%swap3A_26], %add3A_25 {strides = array<i32>} : memref<80xi32, #tpu.memory_space<vmem>>, vector<16xi32>,
    %iota3A_28 = tpu.iota {dimensions = array<i32: 0>} : vector<16xi32>
    %add3A_29 = arith.constant 32 : i32
    %add3A_30 = vector.broadcast %add3A_29 : i32 to vector<16xi32>
    %add3A_31 = arith.addi %iota3A_28, %add3A_30 : vector<16xi32>
    %swap3A_32 = arith.constant 32 : index
    %swap3A_33 = tpu.vector_load %arg17[%swap3A_32] {strides = array<i32>} : memref<80xi32, #tpu.memory_space<vmem>>, vector<16xi32>,
    tpu.vector_store %arg17[%swap3A_32], %add3A_31 {strides = array<i32>} : memref<80xi32, #tpu.memory_space<vmem>>, vector<16xi32>,
    %iota3A_34 = tpu.iota {dimensions = array<i32: 0>} : vector<16xi32>
    %add3A_35 = arith.constant 48 : i32
    %add3A_36 = vector.broadcast %add3A_35 : i32 to vector<16xi32>
    %add3A_37 = arith.addi %iota3A_34, %add3A_36 : vector<16xi32>
    %swap3A_38 = arith.constant 48 : index
    %swap3A_39 = tpu.vector_load %arg17[%swap3A_38] {strides = array<i32>} : memref<80xi32, #tpu.memory_space<vmem>>, vector<16xi32>,
    tpu.vector_store %arg17[%swap3A_38], %add3A_37 {strides = array<i32>} : memref<80xi32, #tpu.memory_space<vmem>>, vector<16xi32>,
    %iota3A_40 = tpu.iota {dimensions = array<i32: 0>} : vector<16xi32>
    %add3A_41 = arith.constant 64 : i32
    %add3A_42 = vector.broadcast %add3A_41 : i32 to vector<16xi32>
    %add3A_43 = arith.addi %iota3A_40, %add3A_42 : vector<16xi32>
    %swap3A_44 = arith.constant 64 : index
    %swap3A_45 = tpu.vector_load %arg17[%swap3A_44] {strides = array<i32>} : memref<80xi32, #tpu.memory_space<vmem>>, vector<16xi32>,
    tpu.vector_store %arg17[%swap3A_44], %add3A_43 {strides = array<i32>} : memref<80xi32, #tpu.memory_space<vmem>>, vector<16xi32>,
    "tpu.region"() ({
      %run_scoped3A = tpu.sem_alloc : memref<!tpu.dma_semaphore, #tpu.memory_space<semaphore_mem>>
      tpu.enqueue_dma source(%arg6 : memref<128xf32, #tpu.memory_space<hbm>>) target(%arg18 : memref<128xf32, #tpu.memory_space<vmem>>) target_semaphore(%run_scoped3A : memref<!tpu.dma_semaphore, #tpu.memory_space<semaphore_mem>>)
      tpu.wait_dma2 semaphore(%run_scoped3A : memref<!tpu.dma_semaphore, #tpu.memory_space<semaphore_mem>>) src(%arg6 : memref<128xf32, #tpu.memory_space<hbm>>) dst(%arg18 : memref<128xf32, #tpu.memory_space<vmem>>)
      tpu.yield
    }) : () -> ()
    %barrier3A = arith.constant 0 : index
    tpu.barrier barrier_id(%barrier3A)
    %get3A = arith.constant 0 : index
    %get3A_46 = tpu.vector_load %arg18[%get3A] {strides = array<i32>} : memref<128xf32, #tpu.memory_space<vmem>>, vector<16xf32>,
    %get3A_47 = arith.constant 16 : index
    %get3A_48 = tpu.vector_load %arg18[%get3A_47] {strides = array<i32>} : memref<128xf32, #tpu.memory_space<vmem>>, vector<16xf32>,
    %get3A_49 = arith.constant 32 : index
    %get3A_50 = tpu.vector_load %arg18[%get3A_49] {strides = array<i32>} : memref<128xf32, #tpu.memory_space<vmem>>, vector<16xf32>,
    %get3A_51 = arith.constant 48 : index
    %get3A_52 = tpu.vector_load %arg18[%get3A_51] {strides = array<i32>} : memref<128xf32, #tpu.memory_space<vmem>>, vector<16xf32>,
    %get3A_53 = arith.constant 64 : index
    %get3A_54 = tpu.vector_load %arg18[%get3A_53] {strides = array<i32>} : memref<128xf32, #tpu.memory_space<vmem>>, vector<16xf32>,
    %get3A_55 = arith.constant 80 : index
    %get3A_56 = tpu.vector_load %arg18[%get3A_55] {strides = array<i32>} : memref<128xf32, #tpu.memory_space<vmem>>, vector<16xf32>,
    %get3A_57 = arith.constant 96 : index
    %get3A_58 = tpu.vector_load %arg18[%get3A_57] {strides = array<i32>} : memref<128xf32, #tpu.memory_space<vmem>>, vector<16xf32>,
    %get3A_59 = arith.constant 112 : index
    %get3A_60 = tpu.vector_load %arg18[%get3A_59] {strides = array<i32>} : memref<128xf32, #tpu.memory_space<vmem>>, vector<16xf32>,
    %iota3A_61 = tpu.iota {dimensions = array<i32: 0>} : vector<16xi32>
    %broadcast_in_dim3A_62 = arith.constant 0 : i32
    %broadcast_in_dim3A_63 = vector.broadcast %broadcast_in_dim3A_62 : i32 to vector<16xi32>
    %scan3A_64 = arith.constant 0 : i32
    %scan3A_65 = arith.constant 162 : i32
    %scan3A_66 = arith.addi %scan3A_64, %scan3A_65 : i32
    %scan3A_67 = arith.constant 1 : i32
    scf.for %scan3A_81 = %scan3A_64 to %scan3A_66 step %scan3A_67  : i32 {
      %mul3A_82 = arith.constant 1 : i32
      %mul3A_83 = arith.muli %scan3A_81, %mul3A_82 : i32
      %add3A_84 = arith.constant 0 : i32
      %add3A_85 = arith.addi %add3A_84, %mul3A_83 : i32
      %mul3A_86 = arith.constant 10368 : i32
      %mul3A_87 = arith.muli %add3A, %mul3A_86 : i32
      %mul3A_88 = arith.constant 64 : i32
      %mul3A_89 = arith.muli %add3A_85, %mul3A_88 : i32
      %add3A_90 = arith.addi %mul3A_87, %mul3A_89 : i32
      "tpu.region"() ({
        %run_scoped3A = tpu.sem_alloc : memref<!tpu.dma_semaphore, #tpu.memory_space<semaphore_mem>>
        %dma_start3A_148 = tpu.memref_slice %arg4[%add3A_90] : memref<331776xi32, #tpu.memory_space<hbm>> -> memref<64xi32, #tpu.memory_space<hbm>>
        %dma_start3A_149 = tpu.memref_slice %arg4[%add3A_90] : memref<331776xi32, #tpu.memory_space<hbm>> -> memref<64xi32, #tpu.memory_space<hbm>>
        tpu.enqueue_dma source(%dma_start3A_149 : memref<64xi32, #tpu.memory_space<hbm>>) target(%arg11 : memref<64xi32, #tpu.memory_space<vmem>>) target_semaphore(%run_scoped3A : memref<!tpu.dma_semaphore, #tpu.memory_space<semaphore_mem>>)
        %dma_wait3A_150 = tpu.memref_slice %arg4[%add3A_90] : memref<331776xi32, #tpu.memory_space<hbm>> -> memref<64xi32, #tpu.memory_space<hbm>>
        %dma_wait3A_151 = tpu.memref_slice %arg4[%add3A_90] : memref<331776xi32, #tpu.memory_space<hbm>> -> memref<64xi32, #tpu.memory_space<hbm>>
        tpu.wait_dma2 semaphore(%run_scoped3A : memref<!tpu.dma_semaphore, #tpu.memory_space<semaphore_mem>>) src(%dma_wait3A_151 : memref<64xi32, #tpu.memory_space<hbm>>) dst(%arg11 : memref<64xi32, #tpu.memory_space<vmem>>)
        tpu.yield
      }) : () -> ()
      "tpu.region"() ({
        %run_scoped3A = tpu.sem_alloc : memref<!tpu.dma_semaphore, #tpu.memory_space<semaphore_mem>>
        %dma_start3A_148 = tpu.memref_slice %arg5[%add3A_90] : memref<331776xi32, #tpu.memory_space<hbm>> -> memref<64xi32, #tpu.memory_space<hbm>>
        %dma_start3A_149 = tpu.memref_slice %arg5[%add3A_90] : memref<331776xi32, #tpu.memory_space<hbm>> -> memref<64xi32, #tpu.memory_space<hbm>>
        tpu.enqueue_dma source(%dma_start3A_149 : memref<64xi32, #tpu.memory_space<hbm>>) target(%arg12 : memref<64xi32, #tpu.memory_space<vmem>>) target_semaphore(%run_scoped3A : memref<!tpu.dma_semaphore, #tpu.memory_space<semaphore_mem>>)
        %dma_wait3A_150 = tpu.memref_slice %arg5[%add3A_90] : memref<331776xi32, #tpu.memory_space<hbm>> -> memref<64xi32, #tpu.memory_space<hbm>>
        %dma_wait3A_151 = tpu.memref_slice %arg5[%add3A_90] : memref<331776xi32, #tpu.memory_space<hbm>> -> memref<64xi32, #tpu.memory_space<hbm>>
        tpu.wait_dma2 semaphore(%run_scoped3A : memref<!tpu.dma_semaphore, #tpu.memory_space<semaphore_mem>>) src(%dma_wait3A_151 : memref<64xi32, #tpu.memory_space<hbm>>) dst(%arg12 : memref<64xi32, #tpu.memory_space<vmem>>)
        tpu.yield
      }) : () -> ()
      %dma_start3A = arith.constant 0 : i32
      %dma_start3A_91 = arith.constant 0 : i32
      %dma_start3A_92 = tpu.memref_slice %arg2[%dma_start3A, %dma_start3A_91] : memref<10240x128xf32, #tpu.memory_space<hbm>> -> memref<10240x128xf32, #tpu.memory_space<hbm>>
      tpu.enqueue_indirect_dma source(%dma_start3A_92 : memref<10240x128xf32, #tpu.memory_space<hbm>>) target(%arg13 : memref<64x128xf32, #tpu.memory_space<vmem>>) offsets(%arg11 : memref<64xi32, #tpu.memory_space<vmem>>) semaphore(%arg19 : memref<!tpu.dma_semaphore, #tpu.memory_space<semaphore_mem>>)
      %dma_start3A_93 = arith.constant 0 : i32
      %dma_start3A_94 = arith.constant 0 : i32
      %dma_start3A_95 = tpu.memref_slice %arg3[%dma_start3A_93, %dma_start3A_94] : memref<10240x128xf32, #tpu.memory_space<hbm>> -> memref<10240x128xf32, #tpu.memory_space<hbm>>
      tpu.enqueue_indirect_dma source(%dma_start3A_95 : memref<10240x128xf32, #tpu.memory_space<hbm>>) target(%arg14 : memref<64x128xf32, #tpu.memory_space<vmem>>) offsets(%arg12 : memref<64xi32, #tpu.memory_space<vmem>>) semaphore(%arg20 : memref<!tpu.dma_semaphore, #tpu.memory_space<semaphore_mem>>)
      %dma_wait3A = arith.constant 0 : i32
      %dma_wait3A_96 = arith.constant 0 : i32
      %dma_wait3A_97 = tpu.memref_slice %arg2[%dma_wait3A, %dma_wait3A_96] : memref<10240x128xf32, #tpu.memory_space<hbm>> -> memref<10240x128xf32, #tpu.memory_space<hbm>>
      tpu.wait_indirect_dma semaphore(%arg19 : memref<!tpu.dma_semaphore, #tpu.memory_space<semaphore_mem>>) src(%dma_wait3A_97 : memref<10240x128xf32, #tpu.memory_space<hbm>>) dst(%arg13 : memref<64x128xf32, #tpu.memory_space<vmem>>)
      %dma_wait3A_98 = arith.constant 0 : i32
      %dma_wait3A_99 = arith.constant 0 : i32
      %dma_wait3A_100 = tpu.memref_slice %arg3[%dma_wait3A_98, %dma_wait3A_99] : memref<10240x128xf32, #tpu.memory_space<hbm>> -> memref<10240x128xf32, #tpu.memory_space<hbm>>
      tpu.wait_indirect_dma semaphore(%arg20 : memref<!tpu.dma_semaphore, #tpu.memory_space<semaphore_mem>>) src(%dma_wait3A_100 : memref<10240x128xf32, #tpu.memory_space<hbm>>) dst(%arg14 : memref<64x128xf32, #tpu.memory_space<vmem>>)
      %parallel_loop3A = arith.constant 0 : i32
      %parallel_loop3A_101 = arith.constant 64 : i32
      %parallel_loop3A_102 = arith.constant 1 : i32
      scf.for %parallel_loop3A_148 = %parallel_loop3A to %parallel_loop3A_101 step %parallel_loop3A_102  : i32 {
        %parallel_loop3A_149 = arith.constant 0.000000e+00 : f32
        %parallel_loop3A_150 = vector.broadcast %parallel_loop3A_149 : f32 to vector<16xf32>
        %parallel_loop3A_151 = arith.constant 0.000000e+00 : f32
        %parallel_loop3A_152 = vector.broadcast %parallel_loop3A_151 : f32 to vector<16xf32>
        %parallel_loop3A_153 = arith.index_cast %parallel_loop3A_148 : i32 to index
        %parallel_loop3A_154 = arith.constant 0 : index
        %parallel_loop3A_155 = tpu.vector_load %arg13[%parallel_loop3A_153, %parallel_loop3A_154] {strides = array<i32>} : memref<64x128xf32, #tpu.memory_space<vmem>>, vector<16xf32>,
        %parallel_loop3A_156 = arith.index_cast %parallel_loop3A_148 : i32 to index
        %parallel_loop3A_157 = arith.constant 0 : index
        %parallel_loop3A_158 = tpu.vector_load %arg14[%parallel_loop3A_156, %parallel_loop3A_157] {strides = array<i32>} : memref<64x128xf32, #tpu.memory_space<vmem>>, vector<16xf32>,
        %parallel_loop3A_159 = arith.addf %parallel_loop3A_155, %parallel_loop3A_158 : vector<16xf32>
        %parallel_loop3A_160 = arith.constant 0.000000e+00 : f32
        %parallel_loop3A_161 = vector.broadcast %parallel_loop3A_160 : f32 to vector<16xf32>
        %parallel_loop3A_162 = arith.cmpf oge, %parallel_loop3A_159, %parallel_loop3A_161 : vector<16xf32>
        %parallel_loop3A_163 = arith.constant 2.000000e-01 : f32
        %parallel_loop3A_164 = vector.broadcast %parallel_loop3A_163 : f32 to vector<16xf32>
        %parallel_loop3A_165 = arith.mulf %parallel_loop3A_164, %parallel_loop3A_159 : vector<16xf32>
        %parallel_loop3A_166 = arith.select %parallel_loop3A_162, %parallel_loop3A_159, %parallel_loop3A_165 : vector<16xi1>, vector<16xf32>
        %parallel_loop3A_167 = arith.mulf %get3A_46, %parallel_loop3A_166 : vector<16xf32>
        %parallel_loop3A_168 = arith.addf %parallel_loop3A_150, %parallel_loop3A_167 : vector<16xf32>
        %parallel_loop3A_169 = arith.index_cast %parallel_loop3A_148 : i32 to index
        %parallel_loop3A_170 = arith.constant 16 : index
        %parallel_loop3A_171 = tpu.vector_load %arg13[%parallel_loop3A_169, %parallel_loop3A_170] {strides = array<i32>} : memref<64x128xf32, #tpu.memory_space<vmem>>, vector<16xf32>,
        %parallel_loop3A_172 = arith.index_cast %parallel_loop3A_148 : i32 to index
        %parallel_loop3A_173 = arith.constant 16 : index
        %parallel_loop3A_174 = tpu.vector_load %arg14[%parallel_loop3A_172, %parallel_loop3A_173] {strides = array<i32>} : memref<64x128xf32, #tpu.memory_space<vmem>>, vector<16xf32>,
        %parallel_loop3A_175 = arith.addf %parallel_loop3A_171, %parallel_loop3A_174 : vector<16xf32>
        %parallel_loop3A_176 = arith.constant 0.000000e+00 : f32
        %parallel_loop3A_177 = vector.broadcast %parallel_loop3A_176 : f32 to vector<16xf32>
        %parallel_loop3A_178 = arith.cmpf oge, %parallel_loop3A_175, %parallel_loop3A_177 : vector<16xf32>
        %parallel_loop3A_179 = arith.constant 2.000000e-01 : f32
        %parallel_loop3A_180 = vector.broadcast %parallel_loop3A_179 : f32 to vector<16xf32>
        %parallel_loop3A_181 = arith.mulf %parallel_loop3A_180, %parallel_loop3A_175 : vector<16xf32>
        %parallel_loop3A_182 = arith.select %parallel_loop3A_178, %parallel_loop3A_175, %parallel_loop3A_181 : vector<16xi1>, vector<16xf32>
        %parallel_loop3A_183 = arith.mulf %get3A_48, %parallel_loop3A_182 : vector<16xf32>
        %parallel_loop3A_184 = arith.addf %parallel_loop3A_152, %parallel_loop3A_183 : vector<16xf32>
        %parallel_loop3A_185 = arith.index_cast %parallel_loop3A_148 : i32 to index
        %parallel_loop3A_186 = arith.constant 32 : index
        %parallel_loop3A_187 = tpu.vector_load %arg13[%parallel_loop3A_185, %parallel_loop3A_186] {strides = array<i32>} : memref<64x128xf32, #tpu.memory_space<vmem>>, vector<16xf32>,
        %parallel_loop3A_188 = arith.index_cast %parallel_loop3A_148 : i32 to index
        %parallel_loop3A_189 = arith.constant 32 : index
        %parallel_loop3A_190 = tpu.vector_load %arg14[%parallel_loop3A_188, %parallel_loop3A_189] {strides = array<i32>} : memref<64x128xf32, #tpu.memory_space<vmem>>, vector<16xf32>,
        %parallel_loop3A_191 = arith.addf %parallel_loop3A_187, %parallel_loop3A_190 : vector<16xf32>
        %parallel_loop3A_192 = arith.constant 0.000000e+00 : f32
        %parallel_loop3A_193 = vector.broadcast %parallel_loop3A_192 : f32 to vector<16xf32>
        %parallel_loop3A_194 = arith.cmpf oge, %parallel_loop3A_191, %parallel_loop3A_193 : vector<16xf32>
        %parallel_loop3A_195 = arith.constant 2.000000e-01 : f32
        %parallel_loop3A_196 = vector.broadcast %parallel_loop3A_195 : f32 to vector<16xf32>
        %parallel_loop3A_197 = arith.mulf %parallel_loop3A_196, %parallel_loop3A_191 : vector<16xf32>
        %parallel_loop3A_198 = arith.select %parallel_loop3A_194, %parallel_loop3A_191, %parallel_loop3A_197 : vector<16xi1>, vector<16xf32>
        %parallel_loop3A_199 = arith.mulf %get3A_50, %parallel_loop3A_198 : vector<16xf32>
        %parallel_loop3A_200 = arith.addf %parallel_loop3A_168, %parallel_loop3A_199 : vector<16xf32>
        %parallel_loop3A_201 = arith.index_cast %parallel_loop3A_148 : i32 to index
        %parallel_loop3A_202 = arith.constant 48 : index
        %parallel_loop3A_203 = tpu.vector_load %arg13[%parallel_loop3A_201, %parallel_loop3A_202] {strides = array<i32>} : memref<64x128xf32, #tpu.memory_space<vmem>>, vector<16xf32>,
        %parallel_loop3A_204 = arith.index_cast %parallel_loop3A_148 : i32 to index
        %parallel_loop3A_205 = arith.constant 48 : index
        %parallel_loop3A_206 = tpu.vector_load %arg14[%parallel_loop3A_204, %parallel_loop3A_205] {strides = array<i32>} : memref<64x128xf32, #tpu.memory_space<vmem>>, vector<16xf32>,
        %parallel_loop3A_207 = arith.addf %parallel_loop3A_203, %parallel_loop3A_206 : vector<16xf32>
        %parallel_loop3A_208 = arith.constant 0.000000e+00 : f32
        %parallel_loop3A_209 = vector.broadcast %parallel_loop3A_208 : f32 to vector<16xf32>
        %parallel_loop3A_210 = arith.cmpf oge, %parallel_loop3A_207, %parallel_loop3A_209 : vector<16xf32>
        %parallel_loop3A_211 = arith.constant 2.000000e-01 : f32
        %parallel_loop3A_212 = vector.broadcast %parallel_loop3A_211 : f32 to vector<16xf32>
        %parallel_loop3A_213 = arith.mulf %parallel_loop3A_212, %parallel_loop3A_207 : vector<16xf32>
        %parallel_loop3A_214 = arith.select %parallel_loop3A_210, %parallel_loop3A_207, %parallel_loop3A_213 : vector<16xi1>, vector<16xf32>
        %parallel_loop3A_215 = arith.mulf %get3A_52, %parallel_loop3A_214 : vector<16xf32>
        %parallel_loop3A_216 = arith.addf %parallel_loop3A_184, %parallel_loop3A_215 : vector<16xf32>
        %parallel_loop3A_217 = arith.index_cast %parallel_loop3A_148 : i32 to index
        %parallel_loop3A_218 = arith.constant 64 : index
        %parallel_loop3A_219 = tpu.vector_load %arg13[%parallel_loop3A_217, %parallel_loop3A_218] {strides = array<i32>} : memref<64x128xf32, #tpu.memory_space<vmem>>, vector<16xf32>,
        %parallel_loop3A_220 = arith.index_cast %parallel_loop3A_148 : i32 to index
        %parallel_loop3A_221 = arith.constant 64 : index
        %parallel_loop3A_222 = tpu.vector_load %arg14[%parallel_loop3A_220, %parallel_loop3A_221] {strides = array<i32>} : memref<64x128xf32, #tpu.memory_space<vmem>>, vector<16xf32>,
        %parallel_loop3A_223 = arith.addf %parallel_loop3A_219, %parallel_loop3A_222 : vector<16xf32>
        %parallel_loop3A_224 = arith.constant 0.000000e+00 : f32
        %parallel_loop3A_225 = vector.broadcast %parallel_loop3A_224 : f32 to vector<16xf32>
        %parallel_loop3A_226 = arith.cmpf oge, %parallel_loop3A_223, %parallel_loop3A_225 : vector<16xf32>
        %parallel_loop3A_227 = arith.constant 2.000000e-01 : f32
        %parallel_loop3A_228 = vector.broadcast %parallel_loop3A_227 : f32 to vector<16xf32>
        %parallel_loop3A_229 = arith.mulf %parallel_loop3A_228, %parallel_loop3A_223 : vector<16xf32>
        %parallel_loop3A_230 = arith.select %parallel_loop3A_226, %parallel_loop3A_223, %parallel_loop3A_229 : vector<16xi1>, vector<16xf32>
        %parallel_loop3A_231 = arith.mulf %get3A_54, %parallel_loop3A_230 : vector<16xf32>
        %parallel_loop3A_232 = arith.addf %parallel_loop3A_200, %parallel_loop3A_231 : vector<16xf32>
        %parallel_loop3A_233 = arith.index_cast %parallel_loop3A_148 : i32 to index
        %parallel_loop3A_234 = arith.constant 80 : index
        %parallel_loop3A_235 = tpu.vector_load %arg13[%parallel_loop3A_233, %parallel_loop3A_234] {strides = array<i32>} : memref<64x128xf32, #tpu.memory_space<vmem>>, vector<16xf32>,
        %parallel_loop3A_236 = arith.index_cast %parallel_loop3A_148 : i32 to index
        %parallel_loop3A_237 = arith.constant 80 : index
        %parallel_loop3A_238 = tpu.vector_load %arg14[%parallel_loop3A_236, %parallel_loop3A_237] {strides = array<i32>} : memref<64x128xf32, #tpu.memory_space<vmem>>, vector<16xf32>,
        %parallel_loop3A_239 = arith.addf %parallel_loop3A_235, %parallel_loop3A_238 : vector<16xf32>
        %parallel_loop3A_240 = arith.constant 0.000000e+00 : f32
        %parallel_loop3A_241 = vector.broadcast %parallel_loop3A_240 : f32 to vector<16xf32>
        %parallel_loop3A_242 = arith.cmpf oge, %parallel_loop3A_239, %parallel_loop3A_241 : vector<16xf32>
        %parallel_loop3A_243 = arith.constant 2.000000e-01 : f32
        %parallel_loop3A_244 = vector.broadcast %parallel_loop3A_243 : f32 to vector<16xf32>
        %parallel_loop3A_245 = arith.mulf %parallel_loop3A_244, %parallel_loop3A_239 : vector<16xf32>
        %parallel_loop3A_246 = arith.select %parallel_loop3A_242, %parallel_loop3A_239, %parallel_loop3A_245 : vector<16xi1>, vector<16xf32>
        %parallel_loop3A_247 = arith.mulf %get3A_56, %parallel_loop3A_246 : vector<16xf32>
        %parallel_loop3A_248 = arith.addf %parallel_loop3A_216, %parallel_loop3A_247 : vector<16xf32>
        %parallel_loop3A_249 = arith.index_cast %parallel_loop3A_148 : i32 to index
        %parallel_loop3A_250 = arith.constant 96 : index
        %parallel_loop3A_251 = tpu.vector_load %arg13[%parallel_loop3A_249, %parallel_loop3A_250] {strides = array<i32>} : memref<64x128xf32, #tpu.memory_space<vmem>>, vector<16xf32>,
        %parallel_loop3A_252 = arith.index_cast %parallel_loop3A_148 : i32 to index
        %parallel_loop3A_253 = arith.constant 96 : index
        %parallel_loop3A_254 = tpu.vector_load %arg14[%parallel_loop3A_252, %parallel_loop3A_253] {strides = array<i32>} : memref<64x128xf32, #tpu.memory_space<vmem>>, vector<16xf32>,
        %parallel_loop3A_255 = arith.addf %parallel_loop3A_251, %parallel_loop3A_254 : vector<16xf32>
        %parallel_loop3A_256 = arith.constant 0.000000e+00 : f32
        %parallel_loop3A_257 = vector.broadcast %parallel_loop3A_256 : f32 to vector<16xf32>
        %parallel_loop3A_258 = arith.cmpf oge, %parallel_loop3A_255, %parallel_loop3A_257 : vector<16xf32>
        %parallel_loop3A_259 = arith.constant 2.000000e-01 : f32
        %parallel_loop3A_260 = vector.broadcast %parallel_loop3A_259 : f32 to vector<16xf32>
        %parallel_loop3A_261 = arith.mulf %parallel_loop3A_260, %parallel_loop3A_255 : vector<16xf32>
        %parallel_loop3A_262 = arith.select %parallel_loop3A_258, %parallel_loop3A_255, %parallel_loop3A_261 : vector<16xi1>, vector<16xf32>
        %parallel_loop3A_263 = arith.mulf %get3A_58, %parallel_loop3A_262 : vector<16xf32>
        %parallel_loop3A_264 = arith.addf %parallel_loop3A_232, %parallel_loop3A_263 : vector<16xf32>
        %parallel_loop3A_265 = arith.index_cast %parallel_loop3A_148 : i32 to index
        %parallel_loop3A_266 = arith.constant 112 : index
        %parallel_loop3A_267 = tpu.vector_load %arg13[%parallel_loop3A_265, %parallel_loop3A_266] {strides = array<i32>} : memref<64x128xf32, #tpu.memory_space<vmem>>, vector<16xf32>,
        %parallel_loop3A_268 = arith.index_cast %parallel_loop3A_148 : i32 to index
        %parallel_loop3A_269 = arith.constant 112 : index
        %parallel_loop3A_270 = tpu.vector_load %arg14[%parallel_loop3A_268, %parallel_loop3A_269] {strides = array<i32>} : memref<64x128xf32, #tpu.memory_space<vmem>>, vector<16xf32>,
        %parallel_loop3A_271 = arith.addf %parallel_loop3A_267, %parallel_loop3A_270 : vector<16xf32>
        %parallel_loop3A_272 = arith.constant 0.000000e+00 : f32
        %parallel_loop3A_273 = vector.broadcast %parallel_loop3A_272 : f32 to vector<16xf32>
        %parallel_loop3A_274 = arith.cmpf oge, %parallel_loop3A_271, %parallel_loop3A_273 : vector<16xf32>
        %parallel_loop3A_275 = arith.constant 2.000000e-01 : f32
        %parallel_loop3A_276 = vector.broadcast %parallel_loop3A_275 : f32 to vector<16xf32>
        %parallel_loop3A_277 = arith.mulf %parallel_loop3A_276, %parallel_loop3A_271 : vector<16xf32>
        %parallel_loop3A_278 = arith.select %parallel_loop3A_274, %parallel_loop3A_271, %parallel_loop3A_277 : vector<16xi1>, vector<16xf32>
        %parallel_loop3A_279 = arith.mulf %get3A_60, %parallel_loop3A_278 : vector<16xf32>
        %parallel_loop3A_280 = arith.addf %parallel_loop3A_248, %parallel_loop3A_279 : vector<16xf32>
        %parallel_loop3A_281 = arith.addf %parallel_loop3A_264, %parallel_loop3A_280 : vector<16xf32>
        %parallel_loop3A_282 = arith.constant true
        %parallel_loop3A_283 = vector.broadcast %parallel_loop3A_282 : i1 to vector<16xi1>
        %parallel_loop3A_284 = tpu.scan <sum>, %parallel_loop3A_281 masked %parallel_loop3A_283 : vector<16xf32>, vector<16xi1> -> vector<16xf32>
        %parallel_loop3A_285 = vector.extract %parallel_loop3A_284[15] : f32 from vector<16xf32>
        %parallel_loop3A_286 = vector.broadcast %parallel_loop3A_285 : f32 to vector<16xf32>
        %parallel_loop3A_287 = math.exp %parallel_loop3A_286 : vector<16xf32>
        %parallel_loop3A_288 = arith.mulf %parallel_loop3A_155, %parallel_loop3A_287 : vector<16xf32>
        %parallel_loop3A_289 = arith.index_cast %parallel_loop3A_148 : i32 to index
        %parallel_loop3A_290 = arith.constant 0 : index
        %parallel_loop3A_291 = tpu.vector_load %arg13[%parallel_loop3A_289, %parallel_loop3A_290] {strides = array<i32>} : memref<64x128xf32, #tpu.memory_space<vmem>>, vector<16xf32>,
        tpu.vector_store %arg13[%parallel_loop3A_289, %parallel_loop3A_290], %parallel_loop3A_288 {strides = array<i32>} : memref<64x128xf32, #tpu.memory_space<vmem>>, vector<16xf32>,
        %parallel_loop3A_292 = arith.mulf %parallel_loop3A_171, %parallel_loop3A_287 : vector<16xf32>
        %parallel_loop3A_293 = arith.index_cast %parallel_loop3A_148 : i32 to index
        %parallel_loop3A_294 = arith.constant 16 : index
        %parallel_loop3A_295 = tpu.vector_load %arg13[%parallel_loop3A_293, %parallel_loop3A_294] {strides = array<i32>} : memref<64x128xf32, #tpu.memory_space<vmem>>, vector<16xf32>,
        tpu.vector_store %arg13[%parallel_loop3A_293, %parallel_loop3A_294], %parallel_loop3A_292 {strides = array<i32>} : memref<64x128xf32, #tpu.memory_space<vmem>>, vector<16xf32>,
        %parallel_loop3A_296 = arith.mulf %parallel_loop3A_187, %parallel_loop3A_287 : vector<16xf32>
        %parallel_loop3A_297 = arith.index_cast %parallel_loop3A_148 : i32 to index
        %parallel_loop3A_298 = arith.constant 32 : index
        %parallel_loop3A_299 = tpu.vector_load %arg13[%parallel_loop3A_297, %parallel_loop3A_298] {strides = array<i32>} : memref<64x128xf32, #tpu.memory_space<vmem>>, vector<16xf32>,
        tpu.vector_store %arg13[%parallel_loop3A_297, %parallel_loop3A_298], %parallel_loop3A_296 {strides = array<i32>} : memref<64x128xf32, #tpu.memory_space<vmem>>, vector<16xf32>,
        %parallel_loop3A_300 = arith.mulf %parallel_loop3A_203, %parallel_loop3A_287 : vector<16xf32>
        %parallel_loop3A_301 = arith.index_cast %parallel_loop3A_148 : i32 to index
        %parallel_loop3A_302 = arith.constant 48 : index
        %parallel_loop3A_303 = tpu.vector_load %arg13[%parallel_loop3A_301, %parallel_loop3A_302] {strides = array<i32>} : memref<64x128xf32, #tpu.memory_space<vmem>>, vector<16xf32>,
        tpu.vector_store %arg13[%parallel_loop3A_301, %parallel_loop3A_302], %parallel_loop3A_300 {strides = array<i32>} : memref<64x128xf32, #tpu.memory_space<vmem>>, vector<16xf32>,
        %parallel_loop3A_304 = arith.mulf %parallel_loop3A_219, %parallel_loop3A_287 : vector<16xf32>
        %parallel_loop3A_305 = arith.index_cast %parallel_loop3A_148 : i32 to index
        %parallel_loop3A_306 = arith.constant 64 : index
        %parallel_loop3A_307 = tpu.vector_load %arg13[%parallel_loop3A_305, %parallel_loop3A_306] {strides = array<i32>} : memref<64x128xf32, #tpu.memory_space<vmem>>, vector<16xf32>,
        tpu.vector_store %arg13[%parallel_loop3A_305, %parallel_loop3A_306], %parallel_loop3A_304 {strides = array<i32>} : memref<64x128xf32, #tpu.memory_space<vmem>>, vector<16xf32>,
        %parallel_loop3A_308 = arith.mulf %parallel_loop3A_235, %parallel_loop3A_287 : vector<16xf32>
        %parallel_loop3A_309 = arith.index_cast %parallel_loop3A_148 : i32 to index
        %parallel_loop3A_310 = arith.constant 80 : index
        %parallel_loop3A_311 = tpu.vector_load %arg13[%parallel_loop3A_309, %parallel_loop3A_310] {strides = array<i32>} : memref<64x128xf32, #tpu.memory_space<vmem>>, vector<16xf32>,
        tpu.vector_store %arg13[%parallel_loop3A_309, %parallel_loop3A_310], %parallel_loop3A_308 {strides = array<i32>} : memref<64x128xf32, #tpu.memory_space<vmem>>, vector<16xf32>,
        %parallel_loop3A_312 = arith.mulf %parallel_loop3A_251, %parallel_loop3A_287 : vector<16xf32>
        %parallel_loop3A_313 = arith.index_cast %parallel_loop3A_148 : i32 to index
        %parallel_loop3A_314 = arith.constant 96 : index
        %parallel_loop3A_315 = tpu.vector_load %arg13[%parallel_loop3A_313, %parallel_loop3A_314] {strides = array<i32>} : memref<64x128xf32, #tpu.memory_space<vmem>>, vector<16xf32>,
        tpu.vector_store %arg13[%parallel_loop3A_313, %parallel_loop3A_314], %parallel_loop3A_312 {strides = array<i32>} : memref<64x128xf32, #tpu.memory_space<vmem>>, vector<16xf32>,
        %parallel_loop3A_316 = arith.mulf %parallel_loop3A_267, %parallel_loop3A_287 : vector<16xf32>
        %parallel_loop3A_317 = arith.index_cast %parallel_loop3A_148 : i32 to index
        %parallel_loop3A_318 = arith.constant 112 : index
        %parallel_loop3A_319 = tpu.vector_load %arg13[%parallel_loop3A_317, %parallel_loop3A_318] {strides = array<i32>} : memref<64x128xf32, #tpu.memory_space<vmem>>, vector<16xf32>,
        tpu.vector_store %arg13[%parallel_loop3A_317, %parallel_loop3A_318], %parallel_loop3A_316 {strides = array<i32>} : memref<64x128xf32, #tpu.memory_space<vmem>>, vector<16xf32>,
        %parallel_loop3A_320 = arith.index_cast %parallel_loop3A_148 : i32 to index
        %parallel_loop3A_321 = arith.constant 0 : index
        %parallel_loop3A_322 = tpu.vector_load %arg15[%parallel_loop3A_320, %parallel_loop3A_321] {strides = array<i32>} : memref<64x16xf32, #tpu.memory_space<vmem>>, vector<16xf32>,
        tpu.vector_store %arg15[%parallel_loop3A_320, %parallel_loop3A_321], %parallel_loop3A_287 {strides = array<i32>} : memref<64x16xf32, #tpu.memory_space<vmem>>, vector<16xf32>,
      } {sc.loop_unroll_factor = 4 : i64, sc.parallel_access}
      %add3A_103 = arith.constant 0 : i32
      %add3A_104 = vector.broadcast %add3A_103 : i32 to vector<16xi32>
      %add3A_105 = arith.addi %iota3A_61, %add3A_104 : vector<16xi32>
      %gather3A = tpu.vector_load_idx %arg15[%add3A_105, %broadcast_in_dim3A_63] : memref<64x16xf32, #tpu.memory_space<vmem>>[vector<16xi32>, vector<16xi32>], vector<16xf32>,
      %get3A_106 = arith.constant 0 : index
      %get3A_107 = tpu.vector_load %arg12[%get3A_106] {strides = array<i32>} : memref<64xi32, #tpu.memory_space<vmem>>, vector<16xi32>,
      %shift_right_logical3A = arith.constant 7 : i32
      %shift_right_logical3A_108 = vector.broadcast %shift_right_logical3A : i32 to vector<16xi32>
      %shift_right_logical3A_109 = arith.shrui %get3A_107, %shift_right_logical3A_108 : vector<16xi32>
      %and3A = arith.constant 127 : i32
      %and3A_110 = vector.broadcast %and3A : i32 to vector<16xi32>
      %and3A_111 = arith.andi %get3A_107, %and3A_110 : vector<16xi32>
      tpu.vector_store_idx %arg16[%shift_right_logical3A_109, %and3A_111], %gather3A {add = true} : memref<80x128xf32, #tpu.memory_space<vmem>>[vector<16xi32>, vector<16xi32>], vector<16xf32>,
      %add3A_112 = arith.constant 16 : i32
      %add3A_113 = vector.broadcast %add3A_112 : i32 to vector<16xi32>
      %add3A_114 = arith.addi %iota3A_61, %add3A_113 : vector<16xi32>
      %gather3A_115 = tpu.vector_load_idx %arg15[%add3A_114, %broadcast_in_dim3A_63] : memref<64x16xf32, #tpu.memory_space<vmem>>[vector<16xi32>, vector<16xi32>], vector<16xf32>,
      %get3A_116 = arith.constant 16 : index
      %get3A_117 = tpu.vector_load %arg12[%get3A_116] {strides = array<i32>} : memref<64xi32, #tpu.memory_space<vmem>>, vector<16xi32>,
      %shift_right_logical3A_118 = arith.constant 7 : i32
      %shift_right_logical3A_119 = vector.broadcast %shift_right_logical3A_118 : i32 to vector<16xi32>
      %shift_right_logical3A_120 = arith.shrui %get3A_117, %shift_right_logical3A_119 : vector<16xi32>
      %and3A_121 = arith.constant 127 : i32
      %and3A_122 = vector.broadcast %and3A_121 : i32 to vector<16xi32>
      %and3A_123 = arith.andi %get3A_117, %and3A_122 : vector<16xi32>
      tpu.vector_store_idx %arg16[%shift_right_logical3A_120, %and3A_123], %gather3A_115 {add = true} : memref<80x128xf32, #tpu.memory_space<vmem>>[vector<16xi32>, vector<16xi32>], vector<16xf32>,
      %add3A_124 = arith.constant 32 : i32
      %add3A_125 = vector.broadcast %add3A_124 : i32 to vector<16xi32>
      %add3A_126 = arith.addi %iota3A_61, %add3A_125 : vector<16xi32>
      %gather3A_127 = tpu.vector_load_idx %arg15[%add3A_126, %broadcast_in_dim3A_63] : memref<64x16xf32, #tpu.memory_space<vmem>>[vector<16xi32>, vector<16xi32>], vector<16xf32>,
      %get3A_128 = arith.constant 32 : index
      %get3A_129 = tpu.vector_load %arg12[%get3A_128] {strides = array<i32>} : memref<64xi32, #tpu.memory_space<vmem>>, vector<16xi32>,
      %shift_right_logical3A_130 = arith.constant 7 : i32
      %shift_right_logical3A_131 = vector.broadcast %shift_right_logical3A_130 : i32 to vector<16xi32>
      %shift_right_logical3A_132 = arith.shrui %get3A_129, %shift_right_logical3A_131 : vector<16xi32>
      %and3A_133 = arith.constant 127 : i32
      %and3A_134 = vector.broadcast %and3A_133 : i32 to vector<16xi32>
      %and3A_135 = arith.andi %get3A_129, %and3A_134 : vector<16xi32>
      tpu.vector_store_idx %arg16[%shift_right_logical3A_132, %and3A_135], %gather3A_127 {add = true} : memref<80x128xf32, #tpu.memory_space<vmem>>[vector<16xi32>, vector<16xi32>], vector<16xf32>,
      %add3A_136 = arith.constant 48 : i32
      %add3A_137 = vector.broadcast %add3A_136 : i32 to vector<16xi32>
      %add3A_138 = arith.addi %iota3A_61, %add3A_137 : vector<16xi32>
      %gather3A_139 = tpu.vector_load_idx %arg15[%add3A_138, %broadcast_in_dim3A_63] : memref<64x16xf32, #tpu.memory_space<vmem>>[vector<16xi32>, vector<16xi32>], vector<16xf32>,
      %get3A_140 = arith.constant 48 : index
      %get3A_141 = tpu.vector_load %arg12[%get3A_140] {strides = array<i32>} : memref<64xi32, #tpu.memory_space<vmem>>, vector<16xi32>,
      %shift_right_logical3A_142 = arith.constant 7 : i32
      %shift_right_logical3A_143 = vector.broadcast %shift_right_logical3A_142 : i32 to vector<16xi32>
      %shift_right_logical3A_144 = arith.shrui %get3A_141, %shift_right_logical3A_143 : vector<16xi32>
      %and3A_145 = arith.constant 127 : i32
      %and3A_146 = vector.broadcast %and3A_145 : i32 to vector<16xi32>
      %and3A_147 = arith.andi %get3A_141, %and3A_146 : vector<16xi32>
      tpu.vector_store_idx %arg16[%shift_right_logical3A_144, %and3A_147], %gather3A_139 {add = true} : memref<80x128xf32, #tpu.memory_space<vmem>>[vector<16xi32>, vector<16xi32>], vector<16xf32>,
      "tpu.region"() ({
        %run_scoped3A = tpu.sem_alloc : memref<!tpu.dma_semaphore, #tpu.memory_space<semaphore_mem>>
        %dma_start3A_148 = arith.constant 0 : i32
        %dma_start3A_149 = arith.constant 0 : i32
        %dma_start3A_150 = tpu.memref_slice %arg9[%dma_start3A_148, %dma_start3A_149] : memref<10240x128xf32, #tpu.memory_space<vmem_shared>> -> memref<10240x128xf32, #tpu.memory_space<vmem_shared>>
        tpu.enqueue_indirect_dma source(%arg13 : memref<64x128xf32, #tpu.memory_space<vmem>>) target(%dma_start3A_150 : memref<10240x128xf32, #tpu.memory_space<vmem_shared>>) offsets(%arg12 : memref<64xi32, #tpu.memory_space<vmem>>) semaphore(%run_scoped3A : memref<!tpu.dma_semaphore, #tpu.memory_space<semaphore_mem>>) {add = true}
        %dma_wait3A_151 = arith.constant 0 : i32
        %dma_wait3A_152 = arith.constant 0 : i32
        %dma_wait3A_153 = tpu.memref_slice %arg9[%dma_wait3A_151, %dma_wait3A_152] : memref<10240x128xf32, #tpu.memory_space<vmem_shared>> -> memref<10240x128xf32, #tpu.memory_space<vmem_shared>>
        tpu.wait_indirect_dma semaphore(%run_scoped3A : memref<!tpu.dma_semaphore, #tpu.memory_space<semaphore_mem>>) src(%arg13 : memref<64x128xf32, #tpu.memory_space<vmem>>) dst(%dma_wait3A_153 : memref<10240x128xf32, #tpu.memory_space<vmem_shared>>)
        tpu.yield
      }) : () -> ()
    }
    %scan3A_68 = arith.constant 162 : i32
    "tpu.region"() ({
      %run_scoped3A = tpu.sem_alloc : memref<!tpu.dma_semaphore, #tpu.memory_space<semaphore_mem>>
      %dma_start3A = arith.constant 0 : i32
      %dma_start3A_81 = arith.constant 0 : i32
      %dma_start3A_82 = tpu.memref_slice %arg10[%dma_start3A, %dma_start3A_81] : memref<80x128xf32, #tpu.memory_space<vmem_shared>> -> memref<80x128xf32, #tpu.memory_space<vmem_shared>>
      tpu.enqueue_indirect_dma source(%arg16 : memref<80x128xf32, #tpu.memory_space<vmem>>) target(%dma_start3A_82 : memref<80x128xf32, #tpu.memory_space<vmem_shared>>) offsets(%arg17 : memref<80xi32, #tpu.memory_space<vmem>>) semaphore(%run_scoped3A : memref<!tpu.dma_semaphore, #tpu.memory_space<semaphore_mem>>) {add = true}
      %dma_wait3A = arith.constant 0 : i32
      %dma_wait3A_83 = arith.constant 0 : i32
      %dma_wait3A_84 = tpu.memref_slice %arg10[%dma_wait3A, %dma_wait3A_83] : memref<80x128xf32, #tpu.memory_space<vmem_shared>> -> memref<80x128xf32, #tpu.memory_space<vmem_shared>>
      tpu.wait_indirect_dma semaphore(%run_scoped3A : memref<!tpu.dma_semaphore, #tpu.memory_space<semaphore_mem>>) src(%arg16 : memref<80x128xf32, #tpu.memory_space<vmem>>) dst(%dma_wait3A_84 : memref<80x128xf32, #tpu.memory_space<vmem_shared>>)
      tpu.yield
    }) : () -> ()
    %barrier3A_69 = arith.constant 0 : index
    tpu.barrier barrier_id(%barrier3A_69)
    %mul3A_70 = arith.constant 640 : i32
    %mul3A_71 = arith.muli %arg1, %mul3A_70 : i32
    %mul3A_72 = arith.constant 10240 : i32
    %mul3A_73 = arith.muli %arg0, %mul3A_72 : i32
    %mul3A_74 = arith.constant 640 : i32
    %mul3A_75 = arith.muli %arg1, %mul3A_74 : i32
    %add3A_76 = arith.addi %mul3A_73, %mul3A_75 : i32
    "tpu.region"() ({
      %run_scoped3A = tpu.sem_alloc : memref<!tpu.dma_semaphore, #tpu.memory_space<semaphore_mem>>
      %dma_start3A = arith.constant 0 : i32
      %dma_start3A_81 = tpu.memref_slice %arg7[%add3A_76, %dma_start3A] : memref<20480x128xf32, #tpu.memory_space<hbm>> -> memref<640x128xf32, #tpu.memory_space<hbm>>
      %dma_start3A_82 = arith.constant 0 : i32
      %dma_start3A_83 = tpu.memref_slice %arg9[%mul3A_71, %dma_start3A_82] : memref<10240x128xf32, #tpu.memory_space<vmem_shared>> -> memref<640x128xf32, #tpu.memory_space<vmem_shared>>
      tpu.enqueue_dma source(%dma_start3A_83 : memref<640x128xf32, #tpu.memory_space<vmem_shared>>) target(%dma_start3A_81 : memref<640x128xf32, #tpu.memory_space<hbm>>) target_semaphore(%run_scoped3A : memref<!tpu.dma_semaphore, #tpu.memory_space<semaphore_mem>>)
      %dma_wait3A = arith.constant 0 : i32
      %dma_wait3A_84 = tpu.memref_slice %arg7[%add3A_76, %dma_wait3A] : memref<20480x128xf32, #tpu.memory_space<hbm>> -> memref<640x128xf32, #tpu.memory_space<hbm>>
      %dma_wait3A_85 = arith.constant 0 : i32
      %dma_wait3A_86 = tpu.memref_slice %arg9[%mul3A_71, %dma_wait3A_85] : memref<10240x128xf32, #tpu.memory_space<vmem_shared>> -> memref<640x128xf32, #tpu.memory_space<vmem_shared>>
      tpu.wait_dma2 semaphore(%run_scoped3A : memref<!tpu.dma_semaphore, #tpu.memory_space<semaphore_mem>>) src(%dma_wait3A_86 : memref<640x128xf32, #tpu.memory_space<vmem_shared>>) dst(%dma_wait3A_84 : memref<640x128xf32, #tpu.memory_space<hbm>>)
      tpu.yield
    }) : () -> ()
    %lt3A = arith.constant 10 : i32
    %lt3A_77 = arith.cmpi slt, %arg1, %lt3A : i32
    %convert_element_type3A_78 = arith.extui %lt3A_77 : i1 to i32
    %cond3A_79 = arith.constant 0 : i32
    %cond3A_80 = arith.cmpi ne, %convert_element_type3A_78, %cond3A_79 : i32
    scf.if %cond3A_80 {
      %mul3A_81 = arith.constant 8 : i32
      %mul3A_82 = arith.muli %arg1, %mul3A_81 : i32
      %mul3A_83 = arith.constant 80 : i32
      %mul3A_84 = arith.muli %arg0, %mul3A_83 : i32
      %mul3A_85 = arith.constant 8 : i32
      %mul3A_86 = arith.muli %arg1, %mul3A_85 : i32
      %add3A_87 = arith.addi %mul3A_84, %mul3A_86 : i32
      "tpu.region"() ({
        %run_scoped3A = tpu.sem_alloc : memref<!tpu.dma_semaphore, #tpu.memory_space<semaphore_mem>>
        %dma_start3A = arith.constant 0 : i32
        %dma_start3A_88 = tpu.memref_slice %arg8[%add3A_87, %dma_start3A] : memref<160x128xf32, #tpu.memory_space<hbm>> -> memref<8x128xf32, #tpu.memory_space<hbm>>
        %dma_start3A_89 = arith.constant 0 : i32
        %dma_start3A_90 = tpu.memref_slice %arg10[%mul3A_82, %dma_start3A_89] : memref<80x128xf32, #tpu.memory_space<vmem_shared>> -> memref<8x128xf32, #tpu.memory_space<vmem_shared>>
        tpu.enqueue_dma source(%dma_start3A_90 : memref<8x128xf32, #tpu.memory_space<vmem_shared>>) target(%dma_start3A_88 : memref<8x128xf32, #tpu.memory_space<hbm>>) target_semaphore(%run_scoped3A : memref<!tpu.dma_semaphore, #tpu.memory_space<semaphore_mem>>)
        %dma_wait3A = arith.constant 0 : i32
        %dma_wait3A_91 = tpu.memref_slice %arg8[%add3A_87, %dma_wait3A] : memref<160x128xf32, #tpu.memory_space<hbm>> -> memref<8x128xf32, #tpu.memory_space<hbm>>
        %dma_wait3A_92 = arith.constant 0 : i32
        %dma_wait3A_93 = tpu.memref_slice %arg10[%mul3A_82, %dma_wait3A_92] : memref<80x128xf32, #tpu.memory_space<vmem_shared>> -> memref<8x128xf32, #tpu.memory_space<vmem_shared>>
        tpu.wait_dma2 semaphore(%run_scoped3A : memref<!tpu.dma_semaphore, #tpu.memory_space<semaphore_mem>>) src(%dma_wait3A_93 : memref<8x128xf32, #tpu.memory_space<vmem_shared>>) dst(%dma_wait3A_91 : memref<8x128xf32, #tpu.memory_space<hbm>>)
        tpu.yield
      }) : () -> ()
    } else {
    }
    return
  }
}

#map = affine_map<(d0, d1) -> (0, 0)>
#map1 = affine_map<(d0, d1) -> (0)>
module attributes {stable_mosaic.version = 14 : i64} {
  func.func @sck(%arg0: i32, %arg1: i32, %arg2: memref<10240x128xf32, #tpu.memory_space<hbm>>, %arg3: memref<10240x128xf32, #tpu.memory_space<hbm>>, %arg4: memref<331776xi32, #tpu.memory_space<hbm>>, %arg5: memref<331776xi32, #tpu.memory_space<hbm>>, %arg6: memref<128xf32, #tpu.memory_space<hbm>>, %arg7: memref<20480x128xf32, #tpu.memory_space<hbm>>, %arg8: memref<160x128xf32, #tpu.memory_space<hbm>>, %arg9: memref<10240x128xf32, #tpu.memory_space<vmem_shared>>, %arg10: memref<80x128xf32, #tpu.memory_space<vmem_shared>>, %arg11: memref<64xi32, #tpu.memory_space<vmem>>, %arg12: memref<64xi32, #tpu.memory_space<vmem>>, %arg13: memref<64x128xf32, #tpu.memory_space<vmem>>, %arg14: memref<64x128xf32, #tpu.memory_space<vmem>>, %arg15: memref<64x16xf32, #tpu.memory_space<vmem>>, %arg16: memref<80x128xf32, #tpu.memory_space<vmem>>, %arg17: memref<80xi32, #tpu.memory_space<vmem>>, %arg18: memref<128xf32, #tpu.memory_space<vmem>>, %arg19: memref<!tpu.dma_semaphore, #tpu.memory_space<semaphore_mem>>, %arg20: memref<!tpu.dma_semaphore, #tpu.memory_space<semaphore_mem>>) attributes {dimension_semantics = [#tpu.dimension_semantics<core_parallel>, #tpu.dimension_semantics<subcore_parallel>], iteration_bounds = array<i64: 2, 16>, scalar_prefetch = 0 : i64, scratch_operands = 12 : i64, tpu.core_type = #tpu.core_type<sc_vector_subcore>, window_params = [{transform_indices = #map}, {transform_indices = #map}, {transform_indices = #map1}, {transform_indices = #map1}, {transform_indices = #map1}, {transform_indices = #map}, {transform_indices = #map}]} {
    %mul3A = arith.constant 16 : i32
    %mul3A_0 = arith.muli %arg0, %mul3A : i32
    %add3A = arith.addi %mul3A_0, %arg1 : i32
    %broadcast_in_dim3A = arith.constant 0.000000e+00 : f32
    %broadcast_in_dim3A_1 = vector.broadcast %broadcast_in_dim3A : f32 to vector<16xf32>
    %scan3A = arith.constant 0 : i32
    %scan3A_2 = arith.constant 64 : i32
    %scan3A_3 = arith.addi %scan3A, %scan3A_2 : i32
    %scan3A_4 = arith.constant 1 : i32
    scf.for %scan3A_81 = %scan3A to %scan3A_3 step %scan3A_4  : i32 {
      %mul3A_82 = arith.constant 1 : i32
      %mul3A_83 = arith.muli %scan3A_81, %mul3A_82 : i32
      %add3A_84 = arith.constant 0 : i32
      %add3A_85 = arith.addi %add3A_84, %mul3A_83 : i32
      %swap3A_86 = arith.index_cast %add3A_85 : i32 to index
      %swap3A_87 = arith.constant 0 : index
      %swap3A_88 = tpu.vector_load %arg13[%swap3A_86, %swap3A_87] {strides = array<i32>} : memref<64x128xf32, #tpu.memory_space<vmem>>, vector<16xf32>,
      tpu.vector_store %arg13[%swap3A_86, %swap3A_87], %broadcast_in_dim3A_1 {strides = array<i32>} : memref<64x128xf32, #tpu.memory_space<vmem>>, vector<16xf32>,
      %swap3A_89 = arith.index_cast %add3A_85 : i32 to index
      %swap3A_90 = arith.constant 16 : index
      %swap3A_91 = tpu.vector_load %arg13[%swap3A_89, %swap3A_90] {strides = array<i32>} : memref<64x128xf32, #tpu.memory_space<vmem>>, vector<16xf32>,
      tpu.vector_store %arg13[%swap3A_89, %swap3A_90], %broadcast_in_dim3A_1 {strides = array<i32>} : memref<64x128xf32, #tpu.memory_space<vmem>>, vector<16xf32>,
      %swap3A_92 = arith.index_cast %add3A_85 : i32 to index
      %swap3A_93 = arith.constant 32 : index
      %swap3A_94 = tpu.vector_load %arg13[%swap3A_92, %swap3A_93] {strides = array<i32>} : memref<64x128xf32, #tpu.memory_space<vmem>>, vector<16xf32>,
      tpu.vector_store %arg13[%swap3A_92, %swap3A_93], %broadcast_in_dim3A_1 {strides = array<i32>} : memref<64x128xf32, #tpu.memory_space<vmem>>, vector<16xf32>,
      %swap3A_95 = arith.index_cast %add3A_85 : i32 to index
      %swap3A_96 = arith.constant 48 : index
      %swap3A_97 = tpu.vector_load %arg13[%swap3A_95, %swap3A_96] {strides = array<i32>} : memref<64x128xf32, #tpu.memory_space<vmem>>, vector<16xf32>,
      tpu.vector_store %arg13[%swap3A_95, %swap3A_96], %broadcast_in_dim3A_1 {strides = array<i32>} : memref<64x128xf32, #tpu.memory_space<vmem>>, vector<16xf32>,
      %swap3A_98 = arith.index_cast %add3A_85 : i32 to index
      %swap3A_99 = arith.constant 64 : index
      %swap3A_100 = tpu.vector_load %arg13[%swap3A_98, %swap3A_99] {strides = array<i32>} : memref<64x128xf32, #tpu.memory_space<vmem>>, vector<16xf32>,
      tpu.vector_store %arg13[%swap3A_98, %swap3A_99], %broadcast_in_dim3A_1 {strides = array<i32>} : memref<64x128xf32, #tpu.memory_space<vmem>>, vector<16xf32>,
      %swap3A_101 = arith.index_cast %add3A_85 : i32 to index
      %swap3A_102 = arith.constant 80 : index
      %swap3A_103 = tpu.vector_load %arg13[%swap3A_101, %swap3A_102] {strides = array<i32>} : memref<64x128xf32, #tpu.memory_space<vmem>>, vector<16xf32>,
      tpu.vector_store %arg13[%swap3A_101, %swap3A_102], %broadcast_in_dim3A_1 {strides = array<i32>} : memref<64x128xf32, #tpu.memory_space<vmem>>, vector<16xf32>,
      %swap3A_104 = arith.index_cast %add3A_85 : i32 to index
      %swap3A_105 = arith.constant 96 : index
      %swap3A_106 = tpu.vector_load %arg13[%swap3A_104, %swap3A_105] {strides = array<i32>} : memref<64x128xf32, #tpu.memory_space<vmem>>, vector<16xf32>,
      tpu.vector_store %arg13[%swap3A_104, %swap3A_105], %broadcast_in_dim3A_1 {strides = array<i32>} : memref<64x128xf32, #tpu.memory_space<vmem>>, vector<16xf32>,
      %swap3A_107 = arith.index_cast %add3A_85 : i32 to index
      %swap3A_108 = arith.constant 112 : index
      %swap3A_109 = tpu.vector_load %arg13[%swap3A_107, %swap3A_108] {strides = array<i32>} : memref<64x128xf32, #tpu.memory_space<vmem>>, vector<16xf32>,
      tpu.vector_store %arg13[%swap3A_107, %swap3A_108], %broadcast_in_dim3A_1 {strides = array<i32>} : memref<64x128xf32, #tpu.memory_space<vmem>>, vector<16xf32>,
    }
    %scan3A_5 = arith.constant 64 : i32
    %scan3A_6 = arith.constant 0 : i32
    %scan3A_7 = arith.constant 10 : i32
    %scan3A_8 = arith.addi %scan3A_6, %scan3A_7 : i32
    %scan3A_9 = arith.constant 1 : i32
    scf.for %scan3A_81 = %scan3A_6 to %scan3A_8 step %scan3A_9  : i32 {
      %mul3A_82 = arith.constant 1 : i32
      %mul3A_83 = arith.muli %scan3A_81, %mul3A_82 : i32
      %add3A_84 = arith.constant 0 : i32
      %add3A_85 = arith.addi %add3A_84, %mul3A_83 : i32
      %mul3A_86 = arith.constant 640 : i32
      %mul3A_87 = arith.muli %arg1, %mul3A_86 : i32
      %mul3A_88 = arith.constant 64 : i32
      %mul3A_89 = arith.muli %add3A_85, %mul3A_88 : i32
      %add3A_90 = arith.addi %mul3A_87, %mul3A_89 : i32
      "tpu.region"() ({
        %run_scoped3A = tpu.sem_alloc : memref<!tpu.dma_semaphore, #tpu.memory_space<semaphore_mem>>
        %dma_start3A = arith.constant 0 : i32
        %dma_start3A_91 = tpu.memref_slice %arg9[%add3A_90, %dma_start3A] : memref<10240x128xf32, #tpu.memory_space<vmem_shared>> -> memref<64x128xf32, #tpu.memory_space<vmem_shared>>
        %dma_start3A_92 = arith.constant 0 : i32
        %dma_start3A_93 = tpu.memref_slice %arg9[%add3A_90, %dma_start3A_92] : memref<10240x128xf32, #tpu.memory_space<vmem_shared>> -> memref<64x128xf32, #tpu.memory_space<vmem_shared>>
        tpu.enqueue_dma source(%arg13 : memref<64x128xf32, #tpu.memory_space<vmem>>) target(%dma_start3A_93 : memref<64x128xf32, #tpu.memory_space<vmem_shared>>) target_semaphore(%run_scoped3A : memref<!tpu.dma_semaphore, #tpu.memory_space<semaphore_mem>>)
        %dma_wait3A = arith.constant 0 : i32
        %dma_wait3A_94 = tpu.memref_slice %arg9[%add3A_90, %dma_wait3A] : memref<10240x128xf32, #tpu.memory_space<vmem_shared>> -> memref<64x128xf32, #tpu.memory_space<vmem_shared>>
        %dma_wait3A_95 = arith.constant 0 : i32
        %dma_wait3A_96 = tpu.memref_slice %arg9[%add3A_90, %dma_wait3A_95] : memref<10240x128xf32, #tpu.memory_space<vmem_shared>> -> memref<64x128xf32, #tpu.memory_space<vmem_shared>>
        tpu.wait_dma2 semaphore(%run_scoped3A : memref<!tpu.dma_semaphore, #tpu.memory_space<semaphore_mem>>) src(%arg13 : memref<64x128xf32, #tpu.memory_space<vmem>>) dst(%dma_wait3A_96 : memref<64x128xf32, #tpu.memory_space<vmem_shared>>)
        tpu.yield
      }) : () -> ()
    }
    %scan3A_10 = arith.constant 10 : i32
    %scan3A_11 = arith.constant 0 : i32
    %scan3A_12 = arith.constant 80 : i32
    %scan3A_13 = arith.addi %scan3A_11, %scan3A_12 : i32
    %scan3A_14 = arith.constant 1 : i32
    scf.for %scan3A_81 = %scan3A_11 to %scan3A_13 step %scan3A_14  : i32 {
      %mul3A_82 = arith.constant 1 : i32
      %mul3A_83 = arith.muli %scan3A_81, %mul3A_82 : i32
      %add3A_84 = arith.constant 0 : i32
      %add3A_85 = arith.addi %add3A_84, %mul3A_83 : i32
      %swap3A_86 = arith.index_cast %add3A_85 : i32 to index
      %swap3A_87 = arith.constant 0 : index
      %swap3A_88 = tpu.vector_load %arg16[%swap3A_86, %swap3A_87] {strides = array<i32>} : memref<80x128xf32, #tpu.memory_space<vmem>>, vector<16xf32>,
      tpu.vector_store %arg16[%swap3A_86, %swap3A_87], %broadcast_in_dim3A_1 {strides = array<i32>} : memref<80x128xf32, #tpu.memory_space<vmem>>, vector<16xf32>,
      %swap3A_89 = arith.index_cast %add3A_85 : i32 to index
      %swap3A_90 = arith.constant 16 : index
      %swap3A_91 = tpu.vector_load %arg16[%swap3A_89, %swap3A_90] {strides = array<i32>} : memref<80x128xf32, #tpu.memory_space<vmem>>, vector<16xf32>,
      tpu.vector_store %arg16[%swap3A_89, %swap3A_90], %broadcast_in_dim3A_1 {strides = array<i32>} : memref<80x128xf32, #tpu.memory_space<vmem>>, vector<16xf32>,
      %swap3A_92 = arith.index_cast %add3A_85 : i32 to index
      %swap3A_93 = arith.constant 32 : index
      %swap3A_94 = tpu.vector_load %arg16[%swap3A_92, %swap3A_93] {strides = array<i32>} : memref<80x128xf32, #tpu.memory_space<vmem>>, vector<16xf32>,
      tpu.vector_store %arg16[%swap3A_92, %swap3A_93], %broadcast_in_dim3A_1 {strides = array<i32>} : memref<80x128xf32, #tpu.memory_space<vmem>>, vector<16xf32>,
      %swap3A_95 = arith.index_cast %add3A_85 : i32 to index
      %swap3A_96 = arith.constant 48 : index
      %swap3A_97 = tpu.vector_load %arg16[%swap3A_95, %swap3A_96] {strides = array<i32>} : memref<80x128xf32, #tpu.memory_space<vmem>>, vector<16xf32>,
      tpu.vector_store %arg16[%swap3A_95, %swap3A_96], %broadcast_in_dim3A_1 {strides = array<i32>} : memref<80x128xf32, #tpu.memory_space<vmem>>, vector<16xf32>,
      %swap3A_98 = arith.index_cast %add3A_85 : i32 to index
      %swap3A_99 = arith.constant 64 : index
      %swap3A_100 = tpu.vector_load %arg16[%swap3A_98, %swap3A_99] {strides = array<i32>} : memref<80x128xf32, #tpu.memory_space<vmem>>, vector<16xf32>,
      tpu.vector_store %arg16[%swap3A_98, %swap3A_99], %broadcast_in_dim3A_1 {strides = array<i32>} : memref<80x128xf32, #tpu.memory_space<vmem>>, vector<16xf32>,
      %swap3A_101 = arith.index_cast %add3A_85 : i32 to index
      %swap3A_102 = arith.constant 80 : index
      %swap3A_103 = tpu.vector_load %arg16[%swap3A_101, %swap3A_102] {strides = array<i32>} : memref<80x128xf32, #tpu.memory_space<vmem>>, vector<16xf32>,
      tpu.vector_store %arg16[%swap3A_101, %swap3A_102], %broadcast_in_dim3A_1 {strides = array<i32>} : memref<80x128xf32, #tpu.memory_space<vmem>>, vector<16xf32>,
      %swap3A_104 = arith.index_cast %add3A_85 : i32 to index
      %swap3A_105 = arith.constant 96 : index
      %swap3A_106 = tpu.vector_load %arg16[%swap3A_104, %swap3A_105] {strides = array<i32>} : memref<80x128xf32, #tpu.memory_space<vmem>>, vector<16xf32>,
      tpu.vector_store %arg16[%swap3A_104, %swap3A_105], %broadcast_in_dim3A_1 {strides = array<i32>} : memref<80x128xf32, #tpu.memory_space<vmem>>, vector<16xf32>,
      %swap3A_107 = arith.index_cast %add3A_85 : i32 to index
      %swap3A_108 = arith.constant 112 : index
      %swap3A_109 = tpu.vector_load %arg16[%swap3A_107, %swap3A_108] {strides = array<i32>} : memref<80x128xf32, #tpu.memory_space<vmem>>, vector<16xf32>,
      tpu.vector_store %arg16[%swap3A_107, %swap3A_108], %broadcast_in_dim3A_1 {strides = array<i32>} : memref<80x128xf32, #tpu.memory_space<vmem>>, vector<16xf32>,
    }
    %scan3A_15 = arith.constant 80 : i32
    %eq3A = arith.constant 0 : i32
    %eq3A_16 = arith.cmpi eq, %arg1, %eq3A : i32
    %convert_element_type3A = arith.extui %eq3A_16 : i1 to i32
    %cond3A = arith.constant 0 : i32
    %cond3A_17 = arith.cmpi ne, %convert_element_type3A, %cond3A : i32
    scf.if %cond3A_17 {
      "tpu.region"() ({
        %run_scoped3A = tpu.sem_alloc : memref<!tpu.dma_semaphore, #tpu.memory_space<semaphore_mem>>
        %dma_start3A = arith.constant 0 : i32
        %dma_start3A_81 = arith.constant 0 : i32
        %dma_start3A_82 = tpu.memref_slice %arg10[%dma_start3A, %dma_start3A_81] : memref<80x128xf32, #tpu.memory_space<vmem_shared>> -> memref<64x128xf32, #tpu.memory_space<vmem_shared>>
        %dma_start3A_83 = arith.constant 0 : i32
        %dma_start3A_84 = arith.constant 0 : i32
        %dma_start3A_85 = tpu.memref_slice %arg10[%dma_start3A_83, %dma_start3A_84] : memref<80x128xf32, #tpu.memory_space<vmem_shared>> -> memref<64x128xf32, #tpu.memory_space<vmem_shared>>
        tpu.enqueue_dma source(%arg13 : memref<64x128xf32, #tpu.memory_space<vmem>>) target(%dma_start3A_85 : memref<64x128xf32, #tpu.memory_space<vmem_shared>>) target_semaphore(%run_scoped3A : memref<!tpu.dma_semaphore, #tpu.memory_space<semaphore_mem>>)
        %dma_wait3A = arith.constant 0 : i32
        %dma_wait3A_86 = arith.constant 0 : i32
        %dma_wait3A_87 = tpu.memref_slice %arg10[%dma_wait3A, %dma_wait3A_86] : memref<80x128xf32, #tpu.memory_space<vmem_shared>> -> memref<64x128xf32, #tpu.memory_space<vmem_shared>>
        %dma_wait3A_88 = arith.constant 0 : i32
        %dma_wait3A_89 = arith.constant 0 : i32
        %dma_wait3A_90 = tpu.memref_slice %arg10[%dma_wait3A_88, %dma_wait3A_89] : memref<80x128xf32, #tpu.memory_space<vmem_shared>> -> memref<64x128xf32, #tpu.memory_space<vmem_shared>>
        tpu.wait_dma2 semaphore(%run_scoped3A : memref<!tpu.dma_semaphore, #tpu.memory_space<semaphore_mem>>) src(%arg13 : memref<64x128xf32, #tpu.memory_space<vmem>>) dst(%dma_wait3A_90 : memref<64x128xf32, #tpu.memory_space<vmem_shared>>)
        tpu.yield
      }) : () -> ()
      "tpu.region"() ({
        %run_scoped3A = tpu.sem_alloc : memref<!tpu.dma_semaphore, #tpu.memory_space<semaphore_mem>>
        %dma_start3A = arith.constant 0 : i32
        %dma_start3A_81 = arith.constant 0 : i32
        %dma_start3A_82 = tpu.memref_slice %arg13[%dma_start3A, %dma_start3A_81] : memref<64x128xf32, #tpu.memory_space<vmem>> -> memref<16x128xf32, #tpu.memory_space<vmem>>
        %dma_start3A_83 = arith.constant 64 : i32
        %dma_start3A_84 = arith.constant 0 : i32
        %dma_start3A_85 = tpu.memref_slice %arg10[%dma_start3A_83, %dma_start3A_84] : memref<80x128xf32, #tpu.memory_space<vmem_shared>> -> memref<16x128xf32, #tpu.memory_space<vmem_shared>>
        %dma_start3A_86 = arith.constant 64 : i32
        %dma_start3A_87 = arith.constant 0 : i32
        %dma_start3A_88 = tpu.memref_slice %arg10[%dma_start3A_86, %dma_start3A_87] : memref<80x128xf32, #tpu.memory_space<vmem_shared>> -> memref<16x128xf32, #tpu.memory_space<vmem_shared>>
        %dma_start3A_89 = arith.constant 0 : i32
        %dma_start3A_90 = arith.constant 0 : i32
        %dma_start3A_91 = tpu.memref_slice %arg13[%dma_start3A_89, %dma_start3A_90] : memref<64x128xf32, #tpu.memory_space<vmem>> -> memref<16x128xf32, #tpu.memory_space<vmem>>
        tpu.enqueue_dma source(%dma_start3A_91 : memref<16x128xf32, #tpu.memory_space<vmem>>) target(%dma_start3A_88 : memref<16x128xf32, #tpu.memory_space<vmem_shared>>) target_semaphore(%run_scoped3A : memref<!tpu.dma_semaphore, #tpu.memory_space<semaphore_mem>>)
        %dma_wait3A = arith.constant 0 : i32
        %dma_wait3A_92 = arith.constant 0 : i32
        %dma_wait3A_93 = tpu.memref_slice %arg13[%dma_wait3A, %dma_wait3A_92] : memref<64x128xf32, #tpu.memory_space<vmem>> -> memref<16x128xf32, #tpu.memory_space<vmem>>
        %dma_wait3A_94 = arith.constant 64 : i32
        %dma_wait3A_95 = arith.constant 0 : i32
        %dma_wait3A_96 = tpu.memref_slice %arg10[%dma_wait3A_94, %dma_wait3A_95] : memref<80x128xf32, #tpu.memory_space<vmem_shared>> -> memref<16x128xf32, #tpu.memory_space<vmem_shared>>
        %dma_wait3A_97 = arith.constant 64 : i32
        %dma_wait3A_98 = arith.constant 0 : i32
        %dma_wait3A_99 = tpu.memref_slice %arg10[%dma_wait3A_97, %dma_wait3A_98] : memref<80x128xf32, #tpu.memory_space<vmem_shared>> -> memref<16x128xf32, #tpu.memory_space<vmem_shared>>
        %dma_wait3A_100 = arith.constant 0 : i32
        %dma_wait3A_101 = arith.constant 0 : i32
        %dma_wait3A_102 = tpu.memref_slice %arg13[%dma_wait3A_100, %dma_wait3A_101] : memref<64x128xf32, #tpu.memory_space<vmem>> -> memref<16x128xf32, #tpu.memory_space<vmem>>
        tpu.wait_dma2 semaphore(%run_scoped3A : memref<!tpu.dma_semaphore, #tpu.memory_space<semaphore_mem>>) src(%dma_wait3A_102 : memref<16x128xf32, #tpu.memory_space<vmem>>) dst(%dma_wait3A_99 : memref<16x128xf32, #tpu.memory_space<vmem_shared>>)
        tpu.yield
      }) : () -> ()
    } else {
    }
    %iota3A = tpu.iota {dimensions = array<i32: 0>} : vector<16xi32>
    %add3A_18 = arith.constant 0 : i32
    %add3A_19 = vector.broadcast %add3A_18 : i32 to vector<16xi32>
    %add3A_20 = arith.addi %iota3A, %add3A_19 : vector<16xi32>
    %swap3A = arith.constant 0 : index
    %swap3A_21 = tpu.vector_load %arg17[%swap3A] {strides = array<i32>} : memref<80xi32, #tpu.memory_space<vmem>>, vector<16xi32>,
    tpu.vector_store %arg17[%swap3A], %add3A_20 {strides = array<i32>} : memref<80xi32, #tpu.memory_space<vmem>>, vector<16xi32>,
    %iota3A_22 = tpu.iota {dimensions = array<i32: 0>} : vector<16xi32>
    %add3A_23 = arith.constant 16 : i32
    %add3A_24 = vector.broadcast %add3A_23 : i32 to vector<16xi32>
    %add3A_25 = arith.addi %iota3A_22, %add3A_24 : vector<16xi32>
    %swap3A_26 = arith.constant 16 : index
    %swap3A_27 = tpu.vector_load %arg17[%swap3A_26] {strides = array<i32>} : memref<80xi32, #tpu.memory_space<vmem>>, vector<16xi32>,
    tpu.vector_store %arg17[%swap3A_26], %add3A_25 {strides = array<i32>} : memref<80xi32, #tpu.memory_space<vmem>>, vector<16xi32>,
    %iota3A_28 = tpu.iota {dimensions = array<i32: 0>} : vector<16xi32>
    %add3A_29 = arith.constant 32 : i32
    %add3A_30 = vector.broadcast %add3A_29 : i32 to vector<16xi32>
    %add3A_31 = arith.addi %iota3A_28, %add3A_30 : vector<16xi32>
    %swap3A_32 = arith.constant 32 : index
    %swap3A_33 = tpu.vector_load %arg17[%swap3A_32] {strides = array<i32>} : memref<80xi32, #tpu.memory_space<vmem>>, vector<16xi32>,
    tpu.vector_store %arg17[%swap3A_32], %add3A_31 {strides = array<i32>} : memref<80xi32, #tpu.memory_space<vmem>>, vector<16xi32>,
    %iota3A_34 = tpu.iota {dimensions = array<i32: 0>} : vector<16xi32>
    %add3A_35 = arith.constant 48 : i32
    %add3A_36 = vector.broadcast %add3A_35 : i32 to vector<16xi32>
    %add3A_37 = arith.addi %iota3A_34, %add3A_36 : vector<16xi32>
    %swap3A_38 = arith.constant 48 : index
    %swap3A_39 = tpu.vector_load %arg17[%swap3A_38] {strides = array<i32>} : memref<80xi32, #tpu.memory_space<vmem>>, vector<16xi32>,
    tpu.vector_store %arg17[%swap3A_38], %add3A_37 {strides = array<i32>} : memref<80xi32, #tpu.memory_space<vmem>>, vector<16xi32>,
    %iota3A_40 = tpu.iota {dimensions = array<i32: 0>} : vector<16xi32>
    %add3A_41 = arith.constant 64 : i32
    %add3A_42 = vector.broadcast %add3A_41 : i32 to vector<16xi32>
    %add3A_43 = arith.addi %iota3A_40, %add3A_42 : vector<16xi32>
    %swap3A_44 = arith.constant 64 : index
    %swap3A_45 = tpu.vector_load %arg17[%swap3A_44] {strides = array<i32>} : memref<80xi32, #tpu.memory_space<vmem>>, vector<16xi32>,
    tpu.vector_store %arg17[%swap3A_44], %add3A_43 {strides = array<i32>} : memref<80xi32, #tpu.memory_space<vmem>>, vector<16xi32>,
    "tpu.region"() ({
      %run_scoped3A = tpu.sem_alloc : memref<!tpu.dma_semaphore, #tpu.memory_space<semaphore_mem>>
      tpu.enqueue_dma source(%arg6 : memref<128xf32, #tpu.memory_space<hbm>>) target(%arg18 : memref<128xf32, #tpu.memory_space<vmem>>) target_semaphore(%run_scoped3A : memref<!tpu.dma_semaphore, #tpu.memory_space<semaphore_mem>>)
      tpu.wait_dma2 semaphore(%run_scoped3A : memref<!tpu.dma_semaphore, #tpu.memory_space<semaphore_mem>>) src(%arg6 : memref<128xf32, #tpu.memory_space<hbm>>) dst(%arg18 : memref<128xf32, #tpu.memory_space<vmem>>)
      tpu.yield
    }) : () -> ()
    %barrier3A = arith.constant 0 : index
    tpu.barrier barrier_id(%barrier3A)
    %get3A = arith.constant 0 : index
    %get3A_46 = tpu.vector_load %arg18[%get3A] {strides = array<i32>} : memref<128xf32, #tpu.memory_space<vmem>>, vector<16xf32>,
    %get3A_47 = arith.constant 16 : index
    %get3A_48 = tpu.vector_load %arg18[%get3A_47] {strides = array<i32>} : memref<128xf32, #tpu.memory_space<vmem>>, vector<16xf32>,
    %get3A_49 = arith.constant 32 : index
    %get3A_50 = tpu.vector_load %arg18[%get3A_49] {strides = array<i32>} : memref<128xf32, #tpu.memory_space<vmem>>, vector<16xf32>,
    %get3A_51 = arith.constant 48 : index
    %get3A_52 = tpu.vector_load %arg18[%get3A_51] {strides = array<i32>} : memref<128xf32, #tpu.memory_space<vmem>>, vector<16xf32>,
    %get3A_53 = arith.constant 64 : index
    %get3A_54 = tpu.vector_load %arg18[%get3A_53] {strides = array<i32>} : memref<128xf32, #tpu.memory_space<vmem>>, vector<16xf32>,
    %get3A_55 = arith.constant 80 : index
    %get3A_56 = tpu.vector_load %arg18[%get3A_55] {strides = array<i32>} : memref<128xf32, #tpu.memory_space<vmem>>, vector<16xf32>,
    %get3A_57 = arith.constant 96 : index
    %get3A_58 = tpu.vector_load %arg18[%get3A_57] {strides = array<i32>} : memref<128xf32, #tpu.memory_space<vmem>>, vector<16xf32>,
    %get3A_59 = arith.constant 112 : index
    %get3A_60 = tpu.vector_load %arg18[%get3A_59] {strides = array<i32>} : memref<128xf32, #tpu.memory_space<vmem>>, vector<16xf32>,
    %iota3A_61 = tpu.iota {dimensions = array<i32: 0>} : vector<16xi32>
    %broadcast_in_dim3A_62 = arith.constant 0 : i32
    %broadcast_in_dim3A_63 = vector.broadcast %broadcast_in_dim3A_62 : i32 to vector<16xi32>
    %scan3A_64 = arith.constant 0 : i32
    %scan3A_65 = arith.constant 162 : i32
    %scan3A_66 = arith.addi %scan3A_64, %scan3A_65 : i32
    %scan3A_67 = arith.constant 1 : i32
    scf.for %scan3A_81 = %scan3A_64 to %scan3A_66 step %scan3A_67  : i32 {
      %mul3A_82 = arith.constant 1 : i32
      %mul3A_83 = arith.muli %scan3A_81, %mul3A_82 : i32
      %add3A_84 = arith.constant 0 : i32
      %add3A_85 = arith.addi %add3A_84, %mul3A_83 : i32
      %mul3A_86 = arith.constant 10368 : i32
      %mul3A_87 = arith.muli %add3A, %mul3A_86 : i32
      %mul3A_88 = arith.constant 64 : i32
      %mul3A_89 = arith.muli %add3A_85, %mul3A_88 : i32
      %add3A_90 = arith.addi %mul3A_87, %mul3A_89 : i32
      "tpu.region"() ({
        %run_scoped3A = tpu.sem_alloc : memref<!tpu.dma_semaphore, #tpu.memory_space<semaphore_mem>>
        %dma_start3A_148 = tpu.memref_slice %arg4[%add3A_90] : memref<331776xi32, #tpu.memory_space<hbm>> -> memref<64xi32, #tpu.memory_space<hbm>>
        %dma_start3A_149 = tpu.memref_slice %arg4[%add3A_90] : memref<331776xi32, #tpu.memory_space<hbm>> -> memref<64xi32, #tpu.memory_space<hbm>>
        tpu.enqueue_dma source(%dma_start3A_149 : memref<64xi32, #tpu.memory_space<hbm>>) target(%arg11 : memref<64xi32, #tpu.memory_space<vmem>>) target_semaphore(%run_scoped3A : memref<!tpu.dma_semaphore, #tpu.memory_space<semaphore_mem>>)
        %dma_wait3A_150 = tpu.memref_slice %arg4[%add3A_90] : memref<331776xi32, #tpu.memory_space<hbm>> -> memref<64xi32, #tpu.memory_space<hbm>>
        %dma_wait3A_151 = tpu.memref_slice %arg4[%add3A_90] : memref<331776xi32, #tpu.memory_space<hbm>> -> memref<64xi32, #tpu.memory_space<hbm>>
        tpu.wait_dma2 semaphore(%run_scoped3A : memref<!tpu.dma_semaphore, #tpu.memory_space<semaphore_mem>>) src(%dma_wait3A_151 : memref<64xi32, #tpu.memory_space<hbm>>) dst(%arg11 : memref<64xi32, #tpu.memory_space<vmem>>)
        tpu.yield
      }) : () -> ()
      "tpu.region"() ({
        %run_scoped3A = tpu.sem_alloc : memref<!tpu.dma_semaphore, #tpu.memory_space<semaphore_mem>>
        %dma_start3A_148 = tpu.memref_slice %arg5[%add3A_90] : memref<331776xi32, #tpu.memory_space<hbm>> -> memref<64xi32, #tpu.memory_space<hbm>>
        %dma_start3A_149 = tpu.memref_slice %arg5[%add3A_90] : memref<331776xi32, #tpu.memory_space<hbm>> -> memref<64xi32, #tpu.memory_space<hbm>>
        tpu.enqueue_dma source(%dma_start3A_149 : memref<64xi32, #tpu.memory_space<hbm>>) target(%arg12 : memref<64xi32, #tpu.memory_space<vmem>>) target_semaphore(%run_scoped3A : memref<!tpu.dma_semaphore, #tpu.memory_space<semaphore_mem>>)
        %dma_wait3A_150 = tpu.memref_slice %arg5[%add3A_90] : memref<331776xi32, #tpu.memory_space<hbm>> -> memref<64xi32, #tpu.memory_space<hbm>>
        %dma_wait3A_151 = tpu.memref_slice %arg5[%add3A_90] : memref<331776xi32, #tpu.memory_space<hbm>> -> memref<64xi32, #tpu.memory_space<hbm>>
        tpu.wait_dma2 semaphore(%run_scoped3A : memref<!tpu.dma_semaphore, #tpu.memory_space<semaphore_mem>>) src(%dma_wait3A_151 : memref<64xi32, #tpu.memory_space<hbm>>) dst(%arg12 : memref<64xi32, #tpu.memory_space<vmem>>)
        tpu.yield
      }) : () -> ()
      %dma_start3A = arith.constant 0 : i32
      %dma_start3A_91 = arith.constant 0 : i32
      %dma_start3A_92 = tpu.memref_slice %arg2[%dma_start3A, %dma_start3A_91] : memref<10240x128xf32, #tpu.memory_space<hbm>> -> memref<10240x128xf32, #tpu.memory_space<hbm>>
      tpu.enqueue_indirect_dma source(%dma_start3A_92 : memref<10240x128xf32, #tpu.memory_space<hbm>>) target(%arg13 : memref<64x128xf32, #tpu.memory_space<vmem>>) offsets(%arg11 : memref<64xi32, #tpu.memory_space<vmem>>) semaphore(%arg19 : memref<!tpu.dma_semaphore, #tpu.memory_space<semaphore_mem>>)
      %dma_start3A_93 = arith.constant 0 : i32
      %dma_start3A_94 = arith.constant 0 : i32
      %dma_start3A_95 = tpu.memref_slice %arg3[%dma_start3A_93, %dma_start3A_94] : memref<10240x128xf32, #tpu.memory_space<hbm>> -> memref<10240x128xf32, #tpu.memory_space<hbm>>
      tpu.enqueue_indirect_dma source(%dma_start3A_95 : memref<10240x128xf32, #tpu.memory_space<hbm>>) target(%arg14 : memref<64x128xf32, #tpu.memory_space<vmem>>) offsets(%arg12 : memref<64xi32, #tpu.memory_space<vmem>>) semaphore(%arg20 : memref<!tpu.dma_semaphore, #tpu.memory_space<semaphore_mem>>)
      %dma_wait3A = arith.constant 0 : i32
      %dma_wait3A_96 = arith.constant 0 : i32
      %dma_wait3A_97 = tpu.memref_slice %arg2[%dma_wait3A, %dma_wait3A_96] : memref<10240x128xf32, #tpu.memory_space<hbm>> -> memref<10240x128xf32, #tpu.memory_space<hbm>>
      tpu.wait_indirect_dma semaphore(%arg19 : memref<!tpu.dma_semaphore, #tpu.memory_space<semaphore_mem>>) src(%dma_wait3A_97 : memref<10240x128xf32, #tpu.memory_space<hbm>>) dst(%arg13 : memref<64x128xf32, #tpu.memory_space<vmem>>)
      %dma_wait3A_98 = arith.constant 0 : i32
      %dma_wait3A_99 = arith.constant 0 : i32
      %dma_wait3A_100 = tpu.memref_slice %arg3[%dma_wait3A_98, %dma_wait3A_99] : memref<10240x128xf32, #tpu.memory_space<hbm>> -> memref<10240x128xf32, #tpu.memory_space<hbm>>
      tpu.wait_indirect_dma semaphore(%arg20 : memref<!tpu.dma_semaphore, #tpu.memory_space<semaphore_mem>>) src(%dma_wait3A_100 : memref<10240x128xf32, #tpu.memory_space<hbm>>) dst(%arg14 : memref<64x128xf32, #tpu.memory_space<vmem>>)
      %parallel_loop3A = arith.constant 0 : i32
      %parallel_loop3A_101 = arith.constant 64 : i32
      %parallel_loop3A_102 = arith.constant 1 : i32
      scf.for %parallel_loop3A_148 = %parallel_loop3A to %parallel_loop3A_101 step %parallel_loop3A_102  : i32 {
        %parallel_loop3A_149 = arith.constant 0.000000e+00 : f32
        %parallel_loop3A_150 = vector.broadcast %parallel_loop3A_149 : f32 to vector<16xf32>
        %parallel_loop3A_151 = arith.constant 0.000000e+00 : f32
        %parallel_loop3A_152 = vector.broadcast %parallel_loop3A_151 : f32 to vector<16xf32>
        %parallel_loop3A_153 = arith.index_cast %parallel_loop3A_148 : i32 to index
        %parallel_loop3A_154 = arith.constant 0 : index
        %parallel_loop3A_155 = tpu.vector_load %arg13[%parallel_loop3A_153, %parallel_loop3A_154] {strides = array<i32>} : memref<64x128xf32, #tpu.memory_space<vmem>>, vector<16xf32>,
        %parallel_loop3A_156 = arith.index_cast %parallel_loop3A_148 : i32 to index
        %parallel_loop3A_157 = arith.constant 0 : index
        %parallel_loop3A_158 = tpu.vector_load %arg14[%parallel_loop3A_156, %parallel_loop3A_157] {strides = array<i32>} : memref<64x128xf32, #tpu.memory_space<vmem>>, vector<16xf32>,
        %parallel_loop3A_159 = arith.addf %parallel_loop3A_155, %parallel_loop3A_158 : vector<16xf32>
        %parallel_loop3A_160 = arith.constant 0.000000e+00 : f32
        %parallel_loop3A_161 = vector.broadcast %parallel_loop3A_160 : f32 to vector<16xf32>
        %parallel_loop3A_162 = arith.cmpf oge, %parallel_loop3A_159, %parallel_loop3A_161 : vector<16xf32>
        %parallel_loop3A_163 = arith.constant 2.000000e-01 : f32
        %parallel_loop3A_164 = vector.broadcast %parallel_loop3A_163 : f32 to vector<16xf32>
        %parallel_loop3A_165 = arith.mulf %parallel_loop3A_164, %parallel_loop3A_159 : vector<16xf32>
        %parallel_loop3A_166 = arith.select %parallel_loop3A_162, %parallel_loop3A_159, %parallel_loop3A_165 : vector<16xi1>, vector<16xf32>
        %parallel_loop3A_167 = arith.mulf %get3A_46, %parallel_loop3A_166 : vector<16xf32>
        %parallel_loop3A_168 = arith.addf %parallel_loop3A_150, %parallel_loop3A_167 : vector<16xf32>
        %parallel_loop3A_169 = arith.index_cast %parallel_loop3A_148 : i32 to index
        %parallel_loop3A_170 = arith.constant 16 : index
        %parallel_loop3A_171 = tpu.vector_load %arg13[%parallel_loop3A_169, %parallel_loop3A_170] {strides = array<i32>} : memref<64x128xf32, #tpu.memory_space<vmem>>, vector<16xf32>,
        %parallel_loop3A_172 = arith.index_cast %parallel_loop3A_148 : i32 to index
        %parallel_loop3A_173 = arith.constant 16 : index
        %parallel_loop3A_174 = tpu.vector_load %arg14[%parallel_loop3A_172, %parallel_loop3A_173] {strides = array<i32>} : memref<64x128xf32, #tpu.memory_space<vmem>>, vector<16xf32>,
        %parallel_loop3A_175 = arith.addf %parallel_loop3A_171, %parallel_loop3A_174 : vector<16xf32>
        %parallel_loop3A_176 = arith.constant 0.000000e+00 : f32
        %parallel_loop3A_177 = vector.broadcast %parallel_loop3A_176 : f32 to vector<16xf32>
        %parallel_loop3A_178 = arith.cmpf oge, %parallel_loop3A_175, %parallel_loop3A_177 : vector<16xf32>
        %parallel_loop3A_179 = arith.constant 2.000000e-01 : f32
        %parallel_loop3A_180 = vector.broadcast %parallel_loop3A_179 : f32 to vector<16xf32>
        %parallel_loop3A_181 = arith.mulf %parallel_loop3A_180, %parallel_loop3A_175 : vector<16xf32>
        %parallel_loop3A_182 = arith.select %parallel_loop3A_178, %parallel_loop3A_175, %parallel_loop3A_181 : vector<16xi1>, vector<16xf32>
        %parallel_loop3A_183 = arith.mulf %get3A_48, %parallel_loop3A_182 : vector<16xf32>
        %parallel_loop3A_184 = arith.addf %parallel_loop3A_152, %parallel_loop3A_183 : vector<16xf32>
        %parallel_loop3A_185 = arith.index_cast %parallel_loop3A_148 : i32 to index
        %parallel_loop3A_186 = arith.constant 32 : index
        %parallel_loop3A_187 = tpu.vector_load %arg13[%parallel_loop3A_185, %parallel_loop3A_186] {strides = array<i32>} : memref<64x128xf32, #tpu.memory_space<vmem>>, vector<16xf32>,
        %parallel_loop3A_188 = arith.index_cast %parallel_loop3A_148 : i32 to index
        %parallel_loop3A_189 = arith.constant 32 : index
        %parallel_loop3A_190 = tpu.vector_load %arg14[%parallel_loop3A_188, %parallel_loop3A_189] {strides = array<i32>} : memref<64x128xf32, #tpu.memory_space<vmem>>, vector<16xf32>,
        %parallel_loop3A_191 = arith.addf %parallel_loop3A_187, %parallel_loop3A_190 : vector<16xf32>
        %parallel_loop3A_192 = arith.constant 0.000000e+00 : f32
        %parallel_loop3A_193 = vector.broadcast %parallel_loop3A_192 : f32 to vector<16xf32>
        %parallel_loop3A_194 = arith.cmpf oge, %parallel_loop3A_191, %parallel_loop3A_193 : vector<16xf32>
        %parallel_loop3A_195 = arith.constant 2.000000e-01 : f32
        %parallel_loop3A_196 = vector.broadcast %parallel_loop3A_195 : f32 to vector<16xf32>
        %parallel_loop3A_197 = arith.mulf %parallel_loop3A_196, %parallel_loop3A_191 : vector<16xf32>
        %parallel_loop3A_198 = arith.select %parallel_loop3A_194, %parallel_loop3A_191, %parallel_loop3A_197 : vector<16xi1>, vector<16xf32>
        %parallel_loop3A_199 = arith.mulf %get3A_50, %parallel_loop3A_198 : vector<16xf32>
        %parallel_loop3A_200 = arith.addf %parallel_loop3A_168, %parallel_loop3A_199 : vector<16xf32>
        %parallel_loop3A_201 = arith.index_cast %parallel_loop3A_148 : i32 to index
        %parallel_loop3A_202 = arith.constant 48 : index
        %parallel_loop3A_203 = tpu.vector_load %arg13[%parallel_loop3A_201, %parallel_loop3A_202] {strides = array<i32>} : memref<64x128xf32, #tpu.memory_space<vmem>>, vector<16xf32>,
        %parallel_loop3A_204 = arith.index_cast %parallel_loop3A_148 : i32 to index
        %parallel_loop3A_205 = arith.constant 48 : index
        %parallel_loop3A_206 = tpu.vector_load %arg14[%parallel_loop3A_204, %parallel_loop3A_205] {strides = array<i32>} : memref<64x128xf32, #tpu.memory_space<vmem>>, vector<16xf32>,
        %parallel_loop3A_207 = arith.addf %parallel_loop3A_203, %parallel_loop3A_206 : vector<16xf32>
        %parallel_loop3A_208 = arith.constant 0.000000e+00 : f32
        %parallel_loop3A_209 = vector.broadcast %parallel_loop3A_208 : f32 to vector<16xf32>
        %parallel_loop3A_210 = arith.cmpf oge, %parallel_loop3A_207, %parallel_loop3A_209 : vector<16xf32>
        %parallel_loop3A_211 = arith.constant 2.000000e-01 : f32
        %parallel_loop3A_212 = vector.broadcast %parallel_loop3A_211 : f32 to vector<16xf32>
        %parallel_loop3A_213 = arith.mulf %parallel_loop3A_212, %parallel_loop3A_207 : vector<16xf32>
        %parallel_loop3A_214 = arith.select %parallel_loop3A_210, %parallel_loop3A_207, %parallel_loop3A_213 : vector<16xi1>, vector<16xf32>
        %parallel_loop3A_215 = arith.mulf %get3A_52, %parallel_loop3A_214 : vector<16xf32>
        %parallel_loop3A_216 = arith.addf %parallel_loop3A_184, %parallel_loop3A_215 : vector<16xf32>
        %parallel_loop3A_217 = arith.index_cast %parallel_loop3A_148 : i32 to index
        %parallel_loop3A_218 = arith.constant 64 : index
        %parallel_loop3A_219 = tpu.vector_load %arg13[%parallel_loop3A_217, %parallel_loop3A_218] {strides = array<i32>} : memref<64x128xf32, #tpu.memory_space<vmem>>, vector<16xf32>,
        %parallel_loop3A_220 = arith.index_cast %parallel_loop3A_148 : i32 to index
        %parallel_loop3A_221 = arith.constant 64 : index
        %parallel_loop3A_222 = tpu.vector_load %arg14[%parallel_loop3A_220, %parallel_loop3A_221] {strides = array<i32>} : memref<64x128xf32, #tpu.memory_space<vmem>>, vector<16xf32>,
        %parallel_loop3A_223 = arith.addf %parallel_loop3A_219, %parallel_loop3A_222 : vector<16xf32>
        %parallel_loop3A_224 = arith.constant 0.000000e+00 : f32
        %parallel_loop3A_225 = vector.broadcast %parallel_loop3A_224 : f32 to vector<16xf32>
        %parallel_loop3A_226 = arith.cmpf oge, %parallel_loop3A_223, %parallel_loop3A_225 : vector<16xf32>
        %parallel_loop3A_227 = arith.constant 2.000000e-01 : f32
        %parallel_loop3A_228 = vector.broadcast %parallel_loop3A_227 : f32 to vector<16xf32>
        %parallel_loop3A_229 = arith.mulf %parallel_loop3A_228, %parallel_loop3A_223 : vector<16xf32>
        %parallel_loop3A_230 = arith.select %parallel_loop3A_226, %parallel_loop3A_223, %parallel_loop3A_229 : vector<16xi1>, vector<16xf32>
        %parallel_loop3A_231 = arith.mulf %get3A_54, %parallel_loop3A_230 : vector<16xf32>
        %parallel_loop3A_232 = arith.addf %parallel_loop3A_200, %parallel_loop3A_231 : vector<16xf32>
        %parallel_loop3A_233 = arith.index_cast %parallel_loop3A_148 : i32 to index
        %parallel_loop3A_234 = arith.constant 80 : index
        %parallel_loop3A_235 = tpu.vector_load %arg13[%parallel_loop3A_233, %parallel_loop3A_234] {strides = array<i32>} : memref<64x128xf32, #tpu.memory_space<vmem>>, vector<16xf32>,
        %parallel_loop3A_236 = arith.index_cast %parallel_loop3A_148 : i32 to index
        %parallel_loop3A_237 = arith.constant 80 : index
        %parallel_loop3A_238 = tpu.vector_load %arg14[%parallel_loop3A_236, %parallel_loop3A_237] {strides = array<i32>} : memref<64x128xf32, #tpu.memory_space<vmem>>, vector<16xf32>,
        %parallel_loop3A_239 = arith.addf %parallel_loop3A_235, %parallel_loop3A_238 : vector<16xf32>
        %parallel_loop3A_240 = arith.constant 0.000000e+00 : f32
        %parallel_loop3A_241 = vector.broadcast %parallel_loop3A_240 : f32 to vector<16xf32>
        %parallel_loop3A_242 = arith.cmpf oge, %parallel_loop3A_239, %parallel_loop3A_241 : vector<16xf32>
        %parallel_loop3A_243 = arith.constant 2.000000e-01 : f32
        %parallel_loop3A_244 = vector.broadcast %parallel_loop3A_243 : f32 to vector<16xf32>
        %parallel_loop3A_245 = arith.mulf %parallel_loop3A_244, %parallel_loop3A_239 : vector<16xf32>
        %parallel_loop3A_246 = arith.select %parallel_loop3A_242, %parallel_loop3A_239, %parallel_loop3A_245 : vector<16xi1>, vector<16xf32>
        %parallel_loop3A_247 = arith.mulf %get3A_56, %parallel_loop3A_246 : vector<16xf32>
        %parallel_loop3A_248 = arith.addf %parallel_loop3A_216, %parallel_loop3A_247 : vector<16xf32>
        %parallel_loop3A_249 = arith.index_cast %parallel_loop3A_148 : i32 to index
        %parallel_loop3A_250 = arith.constant 96 : index
        %parallel_loop3A_251 = tpu.vector_load %arg13[%parallel_loop3A_249, %parallel_loop3A_250] {strides = array<i32>} : memref<64x128xf32, #tpu.memory_space<vmem>>, vector<16xf32>,
        %parallel_loop3A_252 = arith.index_cast %parallel_loop3A_148 : i32 to index
        %parallel_loop3A_253 = arith.constant 96 : index
        %parallel_loop3A_254 = tpu.vector_load %arg14[%parallel_loop3A_252, %parallel_loop3A_253] {strides = array<i32>} : memref<64x128xf32, #tpu.memory_space<vmem>>, vector<16xf32>,
        %parallel_loop3A_255 = arith.addf %parallel_loop3A_251, %parallel_loop3A_254 : vector<16xf32>
        %parallel_loop3A_256 = arith.constant 0.000000e+00 : f32
        %parallel_loop3A_257 = vector.broadcast %parallel_loop3A_256 : f32 to vector<16xf32>
        %parallel_loop3A_258 = arith.cmpf oge, %parallel_loop3A_255, %parallel_loop3A_257 : vector<16xf32>
        %parallel_loop3A_259 = arith.constant 2.000000e-01 : f32
        %parallel_loop3A_260 = vector.broadcast %parallel_loop3A_259 : f32 to vector<16xf32>
        %parallel_loop3A_261 = arith.mulf %parallel_loop3A_260, %parallel_loop3A_255 : vector<16xf32>
        %parallel_loop3A_262 = arith.select %parallel_loop3A_258, %parallel_loop3A_255, %parallel_loop3A_261 : vector<16xi1>, vector<16xf32>
        %parallel_loop3A_263 = arith.mulf %get3A_58, %parallel_loop3A_262 : vector<16xf32>
        %parallel_loop3A_264 = arith.addf %parallel_loop3A_232, %parallel_loop3A_263 : vector<16xf32>
        %parallel_loop3A_265 = arith.index_cast %parallel_loop3A_148 : i32 to index
        %parallel_loop3A_266 = arith.constant 112 : index
        %parallel_loop3A_267 = tpu.vector_load %arg13[%parallel_loop3A_265, %parallel_loop3A_266] {strides = array<i32>} : memref<64x128xf32, #tpu.memory_space<vmem>>, vector<16xf32>,
        %parallel_loop3A_268 = arith.index_cast %parallel_loop3A_148 : i32 to index
        %parallel_loop3A_269 = arith.constant 112 : index
        %parallel_loop3A_270 = tpu.vector_load %arg14[%parallel_loop3A_268, %parallel_loop3A_269] {strides = array<i32>} : memref<64x128xf32, #tpu.memory_space<vmem>>, vector<16xf32>,
        %parallel_loop3A_271 = arith.addf %parallel_loop3A_267, %parallel_loop3A_270 : vector<16xf32>
        %parallel_loop3A_272 = arith.constant 0.000000e+00 : f32
        %parallel_loop3A_273 = vector.broadcast %parallel_loop3A_272 : f32 to vector<16xf32>
        %parallel_loop3A_274 = arith.cmpf oge, %parallel_loop3A_271, %parallel_loop3A_273 : vector<16xf32>
        %parallel_loop3A_275 = arith.constant 2.000000e-01 : f32
        %parallel_loop3A_276 = vector.broadcast %parallel_loop3A_275 : f32 to vector<16xf32>
        %parallel_loop3A_277 = arith.mulf %parallel_loop3A_276, %parallel_loop3A_271 : vector<16xf32>
        %parallel_loop3A_278 = arith.select %parallel_loop3A_274, %parallel_loop3A_271, %parallel_loop3A_277 : vector<16xi1>, vector<16xf32>
        %parallel_loop3A_279 = arith.mulf %get3A_60, %parallel_loop3A_278 : vector<16xf32>
        %parallel_loop3A_280 = arith.addf %parallel_loop3A_248, %parallel_loop3A_279 : vector<16xf32>
        %parallel_loop3A_281 = arith.addf %parallel_loop3A_264, %parallel_loop3A_280 : vector<16xf32>
        %parallel_loop3A_282 = arith.constant true
        %parallel_loop3A_283 = vector.broadcast %parallel_loop3A_282 : i1 to vector<16xi1>
        %parallel_loop3A_284 = tpu.scan <sum>, %parallel_loop3A_281 masked %parallel_loop3A_283 : vector<16xf32>, vector<16xi1> -> vector<16xf32>
        %parallel_loop3A_285 = vector.extract %parallel_loop3A_284[15] : f32 from vector<16xf32>
        %parallel_loop3A_286 = vector.broadcast %parallel_loop3A_285 : f32 to vector<16xf32>
        %parallel_loop3A_287 = math.exp %parallel_loop3A_286 : vector<16xf32>
        %parallel_loop3A_288 = arith.mulf %parallel_loop3A_155, %parallel_loop3A_287 : vector<16xf32>
        %parallel_loop3A_289 = arith.index_cast %parallel_loop3A_148 : i32 to index
        %parallel_loop3A_290 = arith.constant 0 : index
        %parallel_loop3A_291 = tpu.vector_load %arg13[%parallel_loop3A_289, %parallel_loop3A_290] {strides = array<i32>} : memref<64x128xf32, #tpu.memory_space<vmem>>, vector<16xf32>,
        tpu.vector_store %arg13[%parallel_loop3A_289, %parallel_loop3A_290], %parallel_loop3A_288 {strides = array<i32>} : memref<64x128xf32, #tpu.memory_space<vmem>>, vector<16xf32>,
        %parallel_loop3A_292 = arith.mulf %parallel_loop3A_171, %parallel_loop3A_287 : vector<16xf32>
        %parallel_loop3A_293 = arith.index_cast %parallel_loop3A_148 : i32 to index
        %parallel_loop3A_294 = arith.constant 16 : index
        %parallel_loop3A_295 = tpu.vector_load %arg13[%parallel_loop3A_293, %parallel_loop3A_294] {strides = array<i32>} : memref<64x128xf32, #tpu.memory_space<vmem>>, vector<16xf32>,
        tpu.vector_store %arg13[%parallel_loop3A_293, %parallel_loop3A_294], %parallel_loop3A_292 {strides = array<i32>} : memref<64x128xf32, #tpu.memory_space<vmem>>, vector<16xf32>,
        %parallel_loop3A_296 = arith.mulf %parallel_loop3A_187, %parallel_loop3A_287 : vector<16xf32>
        %parallel_loop3A_297 = arith.index_cast %parallel_loop3A_148 : i32 to index
        %parallel_loop3A_298 = arith.constant 32 : index
        %parallel_loop3A_299 = tpu.vector_load %arg13[%parallel_loop3A_297, %parallel_loop3A_298] {strides = array<i32>} : memref<64x128xf32, #tpu.memory_space<vmem>>, vector<16xf32>,
        tpu.vector_store %arg13[%parallel_loop3A_297, %parallel_loop3A_298], %parallel_loop3A_296 {strides = array<i32>} : memref<64x128xf32, #tpu.memory_space<vmem>>, vector<16xf32>,
        %parallel_loop3A_300 = arith.mulf %parallel_loop3A_203, %parallel_loop3A_287 : vector<16xf32>
        %parallel_loop3A_301 = arith.index_cast %parallel_loop3A_148 : i32 to index
        %parallel_loop3A_302 = arith.constant 48 : index
        %parallel_loop3A_303 = tpu.vector_load %arg13[%parallel_loop3A_301, %parallel_loop3A_302] {strides = array<i32>} : memref<64x128xf32, #tpu.memory_space<vmem>>, vector<16xf32>,
        tpu.vector_store %arg13[%parallel_loop3A_301, %parallel_loop3A_302], %parallel_loop3A_300 {strides = array<i32>} : memref<64x128xf32, #tpu.memory_space<vmem>>, vector<16xf32>,
        %parallel_loop3A_304 = arith.mulf %parallel_loop3A_219, %parallel_loop3A_287 : vector<16xf32>
        %parallel_loop3A_305 = arith.index_cast %parallel_loop3A_148 : i32 to index
        %parallel_loop3A_306 = arith.constant 64 : index
        %parallel_loop3A_307 = tpu.vector_load %arg13[%parallel_loop3A_305, %parallel_loop3A_306] {strides = array<i32>} : memref<64x128xf32, #tpu.memory_space<vmem>>, vector<16xf32>,
        tpu.vector_store %arg13[%parallel_loop3A_305, %parallel_loop3A_306], %parallel_loop3A_304 {strides = array<i32>} : memref<64x128xf32, #tpu.memory_space<vmem>>, vector<16xf32>,
        %parallel_loop3A_308 = arith.mulf %parallel_loop3A_235, %parallel_loop3A_287 : vector<16xf32>
        %parallel_loop3A_309 = arith.index_cast %parallel_loop3A_148 : i32 to index
        %parallel_loop3A_310 = arith.constant 80 : index
        %parallel_loop3A_311 = tpu.vector_load %arg13[%parallel_loop3A_309, %parallel_loop3A_310] {strides = array<i32>} : memref<64x128xf32, #tpu.memory_space<vmem>>, vector<16xf32>,
        tpu.vector_store %arg13[%parallel_loop3A_309, %parallel_loop3A_310], %parallel_loop3A_308 {strides = array<i32>} : memref<64x128xf32, #tpu.memory_space<vmem>>, vector<16xf32>,
        %parallel_loop3A_312 = arith.mulf %parallel_loop3A_251, %parallel_loop3A_287 : vector<16xf32>
        %parallel_loop3A_313 = arith.index_cast %parallel_loop3A_148 : i32 to index
        %parallel_loop3A_314 = arith.constant 96 : index
        %parallel_loop3A_315 = tpu.vector_load %arg13[%parallel_loop3A_313, %parallel_loop3A_314] {strides = array<i32>} : memref<64x128xf32, #tpu.memory_space<vmem>>, vector<16xf32>,
        tpu.vector_store %arg13[%parallel_loop3A_313, %parallel_loop3A_314], %parallel_loop3A_312 {strides = array<i32>} : memref<64x128xf32, #tpu.memory_space<vmem>>, vector<16xf32>,
        %parallel_loop3A_316 = arith.mulf %parallel_loop3A_267, %parallel_loop3A_287 : vector<16xf32>
        %parallel_loop3A_317 = arith.index_cast %parallel_loop3A_148 : i32 to index
        %parallel_loop3A_318 = arith.constant 112 : index
        %parallel_loop3A_319 = tpu.vector_load %arg13[%parallel_loop3A_317, %parallel_loop3A_318] {strides = array<i32>} : memref<64x128xf32, #tpu.memory_space<vmem>>, vector<16xf32>,
        tpu.vector_store %arg13[%parallel_loop3A_317, %parallel_loop3A_318], %parallel_loop3A_316 {strides = array<i32>} : memref<64x128xf32, #tpu.memory_space<vmem>>, vector<16xf32>,
        %parallel_loop3A_320 = arith.index_cast %parallel_loop3A_148 : i32 to index
        %parallel_loop3A_321 = arith.constant 0 : index
        %parallel_loop3A_322 = tpu.vector_load %arg15[%parallel_loop3A_320, %parallel_loop3A_321] {strides = array<i32>} : memref<64x16xf32, #tpu.memory_space<vmem>>, vector<16xf32>,
        tpu.vector_store %arg15[%parallel_loop3A_320, %parallel_loop3A_321], %parallel_loop3A_287 {strides = array<i32>} : memref<64x16xf32, #tpu.memory_space<vmem>>, vector<16xf32>,
      } {sc.loop_unroll_factor = 4 : i64, sc.parallel_access}
      %add3A_103 = arith.constant 0 : i32
      %add3A_104 = vector.broadcast %add3A_103 : i32 to vector<16xi32>
      %add3A_105 = arith.addi %iota3A_61, %add3A_104 : vector<16xi32>
      %gather3A = tpu.vector_load_idx %arg15[%add3A_105, %broadcast_in_dim3A_63] : memref<64x16xf32, #tpu.memory_space<vmem>>[vector<16xi32>, vector<16xi32>], vector<16xf32>,
      %get3A_106 = arith.constant 0 : index
      %get3A_107 = tpu.vector_load %arg12[%get3A_106] {strides = array<i32>} : memref<64xi32, #tpu.memory_space<vmem>>, vector<16xi32>,
      %shift_right_logical3A = arith.constant 7 : i32
      %shift_right_logical3A_108 = vector.broadcast %shift_right_logical3A : i32 to vector<16xi32>
      %shift_right_logical3A_109 = arith.shrui %get3A_107, %shift_right_logical3A_108 : vector<16xi32>
      %and3A = arith.constant 127 : i32
      %and3A_110 = vector.broadcast %and3A : i32 to vector<16xi32>
      %and3A_111 = arith.andi %get3A_107, %and3A_110 : vector<16xi32>
      tpu.vector_store_idx %arg16[%shift_right_logical3A_109, %and3A_111], %gather3A {add = true} : memref<80x128xf32, #tpu.memory_space<vmem>>[vector<16xi32>, vector<16xi32>], vector<16xf32>,
      %add3A_112 = arith.constant 16 : i32
      %add3A_113 = vector.broadcast %add3A_112 : i32 to vector<16xi32>
      %add3A_114 = arith.addi %iota3A_61, %add3A_113 : vector<16xi32>
      %gather3A_115 = tpu.vector_load_idx %arg15[%add3A_114, %broadcast_in_dim3A_63] : memref<64x16xf32, #tpu.memory_space<vmem>>[vector<16xi32>, vector<16xi32>], vector<16xf32>,
      %get3A_116 = arith.constant 16 : index
      %get3A_117 = tpu.vector_load %arg12[%get3A_116] {strides = array<i32>} : memref<64xi32, #tpu.memory_space<vmem>>, vector<16xi32>,
      %shift_right_logical3A_118 = arith.constant 7 : i32
      %shift_right_logical3A_119 = vector.broadcast %shift_right_logical3A_118 : i32 to vector<16xi32>
      %shift_right_logical3A_120 = arith.shrui %get3A_117, %shift_right_logical3A_119 : vector<16xi32>
      %and3A_121 = arith.constant 127 : i32
      %and3A_122 = vector.broadcast %and3A_121 : i32 to vector<16xi32>
      %and3A_123 = arith.andi %get3A_117, %and3A_122 : vector<16xi32>
      tpu.vector_store_idx %arg16[%shift_right_logical3A_120, %and3A_123], %gather3A_115 {add = true} : memref<80x128xf32, #tpu.memory_space<vmem>>[vector<16xi32>, vector<16xi32>], vector<16xf32>,
      %add3A_124 = arith.constant 32 : i32
      %add3A_125 = vector.broadcast %add3A_124 : i32 to vector<16xi32>
      %add3A_126 = arith.addi %iota3A_61, %add3A_125 : vector<16xi32>
      %gather3A_127 = tpu.vector_load_idx %arg15[%add3A_126, %broadcast_in_dim3A_63] : memref<64x16xf32, #tpu.memory_space<vmem>>[vector<16xi32>, vector<16xi32>], vector<16xf32>,
      %get3A_128 = arith.constant 32 : index
      %get3A_129 = tpu.vector_load %arg12[%get3A_128] {strides = array<i32>} : memref<64xi32, #tpu.memory_space<vmem>>, vector<16xi32>,
      %shift_right_logical3A_130 = arith.constant 7 : i32
      %shift_right_logical3A_131 = vector.broadcast %shift_right_logical3A_130 : i32 to vector<16xi32>
      %shift_right_logical3A_132 = arith.shrui %get3A_129, %shift_right_logical3A_131 : vector<16xi32>
      %and3A_133 = arith.constant 127 : i32
      %and3A_134 = vector.broadcast %and3A_133 : i32 to vector<16xi32>
      %and3A_135 = arith.andi %get3A_129, %and3A_134 : vector<16xi32>
      tpu.vector_store_idx %arg16[%shift_right_logical3A_132, %and3A_135], %gather3A_127 {add = true} : memref<80x128xf32, #tpu.memory_space<vmem>>[vector<16xi32>, vector<16xi32>], vector<16xf32>,
      %add3A_136 = arith.constant 48 : i32
      %add3A_137 = vector.broadcast %add3A_136 : i32 to vector<16xi32>
      %add3A_138 = arith.addi %iota3A_61, %add3A_137 : vector<16xi32>
      %gather3A_139 = tpu.vector_load_idx %arg15[%add3A_138, %broadcast_in_dim3A_63] : memref<64x16xf32, #tpu.memory_space<vmem>>[vector<16xi32>, vector<16xi32>], vector<16xf32>,
      %get3A_140 = arith.constant 48 : index
      %get3A_141 = tpu.vector_load %arg12[%get3A_140] {strides = array<i32>} : memref<64xi32, #tpu.memory_space<vmem>>, vector<16xi32>,
      %shift_right_logical3A_142 = arith.constant 7 : i32
      %shift_right_logical3A_143 = vector.broadcast %shift_right_logical3A_142 : i32 to vector<16xi32>
      %shift_right_logical3A_144 = arith.shrui %get3A_141, %shift_right_logical3A_143 : vector<16xi32>
      %and3A_145 = arith.constant 127 : i32
      %and3A_146 = vector.broadcast %and3A_145 : i32 to vector<16xi32>
      %and3A_147 = arith.andi %get3A_141, %and3A_146 : vector<16xi32>
      tpu.vector_store_idx %arg16[%shift_right_logical3A_144, %and3A_147], %gather3A_139 {add = true} : memref<80x128xf32, #tpu.memory_space<vmem>>[vector<16xi32>, vector<16xi32>], vector<16xf32>,
      "tpu.region"() ({
        %run_scoped3A = tpu.sem_alloc : memref<!tpu.dma_semaphore, #tpu.memory_space<semaphore_mem>>
        %dma_start3A_148 = arith.constant 0 : i32
        %dma_start3A_149 = arith.constant 0 : i32
        %dma_start3A_150 = tpu.memref_slice %arg9[%dma_start3A_148, %dma_start3A_149] : memref<10240x128xf32, #tpu.memory_space<vmem_shared>> -> memref<10240x128xf32, #tpu.memory_space<vmem_shared>>
        tpu.enqueue_indirect_dma source(%arg13 : memref<64x128xf32, #tpu.memory_space<vmem>>) target(%dma_start3A_150 : memref<10240x128xf32, #tpu.memory_space<vmem_shared>>) offsets(%arg12 : memref<64xi32, #tpu.memory_space<vmem>>) semaphore(%run_scoped3A : memref<!tpu.dma_semaphore, #tpu.memory_space<semaphore_mem>>) {add = true}
        %dma_wait3A_151 = arith.constant 0 : i32
        %dma_wait3A_152 = arith.constant 0 : i32
        %dma_wait3A_153 = tpu.memref_slice %arg9[%dma_wait3A_151, %dma_wait3A_152] : memref<10240x128xf32, #tpu.memory_space<vmem_shared>> -> memref<10240x128xf32, #tpu.memory_space<vmem_shared>>
        tpu.wait_indirect_dma semaphore(%run_scoped3A : memref<!tpu.dma_semaphore, #tpu.memory_space<semaphore_mem>>) src(%arg13 : memref<64x128xf32, #tpu.memory_space<vmem>>) dst(%dma_wait3A_153 : memref<10240x128xf32, #tpu.memory_space<vmem_shared>>)
        tpu.yield
      }) : () -> ()
    }
    %scan3A_68 = arith.constant 162 : i32
    "tpu.region"() ({
      %run_scoped3A = tpu.sem_alloc : memref<!tpu.dma_semaphore, #tpu.memory_space<semaphore_mem>>
      %dma_start3A = arith.constant 0 : i32
      %dma_start3A_81 = arith.constant 0 : i32
      %dma_start3A_82 = tpu.memref_slice %arg10[%dma_start3A, %dma_start3A_81] : memref<80x128xf32, #tpu.memory_space<vmem_shared>> -> memref<80x128xf32, #tpu.memory_space<vmem_shared>>
      tpu.enqueue_indirect_dma source(%arg16 : memref<80x128xf32, #tpu.memory_space<vmem>>) target(%dma_start3A_82 : memref<80x128xf32, #tpu.memory_space<vmem_shared>>) offsets(%arg17 : memref<80xi32, #tpu.memory_space<vmem>>) semaphore(%run_scoped3A : memref<!tpu.dma_semaphore, #tpu.memory_space<semaphore_mem>>) {add = true}
      %dma_wait3A = arith.constant 0 : i32
      %dma_wait3A_83 = arith.constant 0 : i32
      %dma_wait3A_84 = tpu.memref_slice %arg10[%dma_wait3A, %dma_wait3A_83] : memref<80x128xf32, #tpu.memory_space<vmem_shared>> -> memref<80x128xf32, #tpu.memory_space<vmem_shared>>
      tpu.wait_indirect_dma semaphore(%run_scoped3A : memref<!tpu.dma_semaphore, #tpu.memory_space<semaphore_mem>>) src(%arg16 : memref<80x128xf32, #tpu.memory_space<vmem>>) dst(%dma_wait3A_84 : memref<80x128xf32, #tpu.memory_space<vmem_shared>>)
      tpu.yield
    }) : () -> ()
    %barrier3A_69 = arith.constant 0 : index
    tpu.barrier barrier_id(%barrier3A_69)
    %mul3A_70 = arith.constant 640 : i32
    %mul3A_71 = arith.muli %arg1, %mul3A_70 : i32
    %mul3A_72 = arith.constant 10240 : i32
    %mul3A_73 = arith.muli %arg0, %mul3A_72 : i32
    %mul3A_74 = arith.constant 640 : i32
    %mul3A_75 = arith.muli %arg1, %mul3A_74 : i32
    %add3A_76 = arith.addi %mul3A_73, %mul3A_75 : i32
    "tpu.region"() ({
      %run_scoped3A = tpu.sem_alloc : memref<!tpu.dma_semaphore, #tpu.memory_space<semaphore_mem>>
      %dma_start3A = arith.constant 0 : i32
      %dma_start3A_81 = tpu.memref_slice %arg7[%add3A_76, %dma_start3A] : memref<20480x128xf32, #tpu.memory_space<hbm>> -> memref<640x128xf32, #tpu.memory_space<hbm>>
      %dma_start3A_82 = arith.constant 0 : i32
      %dma_start3A_83 = tpu.memref_slice %arg9[%mul3A_71, %dma_start3A_82] : memref<10240x128xf32, #tpu.memory_space<vmem_shared>> -> memref<640x128xf32, #tpu.memory_space<vmem_shared>>
      tpu.enqueue_dma source(%dma_start3A_83 : memref<640x128xf32, #tpu.memory_space<vmem_shared>>) target(%dma_start3A_81 : memref<640x128xf32, #tpu.memory_space<hbm>>) target_semaphore(%run_scoped3A : memref<!tpu.dma_semaphore, #tpu.memory_space<semaphore_mem>>)
      %dma_wait3A = arith.constant 0 : i32
      %dma_wait3A_84 = tpu.memref_slice %arg7[%add3A_76, %dma_wait3A] : memref<20480x128xf32, #tpu.memory_space<hbm>> -> memref<640x128xf32, #tpu.memory_space<hbm>>
      %dma_wait3A_85 = arith.constant 0 : i32
      %dma_wait3A_86 = tpu.memref_slice %arg9[%mul3A_71, %dma_wait3A_85] : memref<10240x128xf32, #tpu.memory_space<vmem_shared>> -> memref<640x128xf32, #tpu.memory_space<vmem_shared>>
      tpu.wait_dma2 semaphore(%run_scoped3A : memref<!tpu.dma_semaphore, #tpu.memory_space<semaphore_mem>>) src(%dma_wait3A_86 : memref<640x128xf32, #tpu.memory_space<vmem_shared>>) dst(%dma_wait3A_84 : memref<640x128xf32, #tpu.memory_space<hbm>>)
      tpu.yield
    }) : () -> ()
    %lt3A = arith.constant 10 : i32
    %lt3A_77 = arith.cmpi slt, %arg1, %lt3A : i32
    %convert_element_type3A_78 = arith.extui %lt3A_77 : i1 to i32
    %cond3A_79 = arith.constant 0 : i32
    %cond3A_80 = arith.cmpi ne, %convert_element_type3A_78, %cond3A_79 : i32
    scf.if %cond3A_80 {
      %mul3A_81 = arith.constant 8 : i32
      %mul3A_82 = arith.muli %arg1, %mul3A_81 : i32
      %mul3A_83 = arith.constant 80 : i32
      %mul3A_84 = arith.muli %arg0, %mul3A_83 : i32
      %mul3A_85 = arith.constant 8 : i32
      %mul3A_86 = arith.muli %arg1, %mul3A_85 : i32
      %add3A_87 = arith.addi %mul3A_84, %mul3A_86 : i32
      "tpu.region"() ({
        %run_scoped3A = tpu.sem_alloc : memref<!tpu.dma_semaphore, #tpu.memory_space<semaphore_mem>>
        %dma_start3A = arith.constant 0 : i32
        %dma_start3A_88 = tpu.memref_slice %arg8[%add3A_87, %dma_start3A] : memref<160x128xf32, #tpu.memory_space<hbm>> -> memref<8x128xf32, #tpu.memory_space<hbm>>
        %dma_start3A_89 = arith.constant 0 : i32
        %dma_start3A_90 = tpu.memref_slice %arg10[%mul3A_82, %dma_start3A_89] : memref<80x128xf32, #tpu.memory_space<vmem_shared>> -> memref<8x128xf32, #tpu.memory_space<vmem_shared>>
        tpu.enqueue_dma source(%dma_start3A_90 : memref<8x128xf32, #tpu.memory_space<vmem_shared>>) target(%dma_start3A_88 : memref<8x128xf32, #tpu.memory_space<hbm>>) target_semaphore(%run_scoped3A : memref<!tpu.dma_semaphore, #tpu.memory_space<semaphore_mem>>)
        %dma_wait3A = arith.constant 0 : i32
        %dma_wait3A_91 = tpu.memref_slice %arg8[%add3A_87, %dma_wait3A] : memref<160x128xf32, #tpu.memory_space<hbm>> -> memref<8x128xf32, #tpu.memory_space<hbm>>
        %dma_wait3A_92 = arith.constant 0 : i32
        %dma_wait3A_93 = tpu.memref_slice %arg10[%mul3A_82, %dma_wait3A_92] : memref<80x128xf32, #tpu.memory_space<vmem_shared>> -> memref<8x128xf32, #tpu.memory_space<vmem_shared>>
        tpu.wait_dma2 semaphore(%run_scoped3A : memref<!tpu.dma_semaphore, #tpu.memory_space<semaphore_mem>>) src(%dma_wait3A_93 : memref<8x128xf32, #tpu.memory_space<vmem_shared>>) dst(%dma_wait3A_91 : memref<8x128xf32, #tpu.memory_space<hbm>>)
        tpu.yield
      }) : () -> ()
    } else {
    }
    return
  }
}

module attributes {stable_mosaic.version = 14 : i64} {
  func.func @_lin_body(%arg0: memref<10240x128xf32, #tpu.memory_space<vmem>>, %arg1: memref<128x128xf32, #tpu.memory_space<vmem>>, %arg2: memref<1x128xf32, #tpu.memory_space<vmem>>, %arg3: memref<128x128xf32, #tpu.memory_space<vmem>>, %arg4: memref<1x128xf32, #tpu.memory_space<vmem>>, %arg5: memref<10240x128xf32, #tpu.memory_space<vmem>>, %arg6: memref<10240x128xf32, #tpu.memory_space<vmem>>) attributes {dimension_semantics = [], scalar_prefetch = 0 : i64, scratch_operands = 0 : i64, tpu.core_type = #tpu.core_type<tc>} {
    %get3A = arith.constant 0 : index
    %get3A_0 = arith.constant 0 : index
    %get3A_1 = vector.load %arg0[%get3A, %get3A_0] : memref<10240x128xf32, #tpu.memory_space<vmem>>, vector<10240x128xf32>
    %get3A_2 = arith.constant 0 : index
    %get3A_3 = arith.constant 0 : index
    %get3A_4 = vector.load %arg1[%get3A_2, %get3A_3] : memref<128x128xf32, #tpu.memory_space<vmem>>, vector<128x128xf32>
    %dot_general3A = arith.constant dense<0.000000e+00> : vector<10240x128xf32>
    %dot_general3A_5 = tpu.matmul %get3A_1, %get3A_4, %dot_general3A {dimension_numbers = #tpu.dot_dimension_numbers<[1], [0], [0], [1], [0, 0, 1, 1], [], []>, precision = #tpu.contract_precision<fp32>, transpose_lhs_hint = false} : vector<10240x128xf32>, vector<128x128xf32>, vector<10240x128xf32> -> vector<10240x128xf32>
    %get3A_6 = arith.constant 0 : index
    %get3A_7 = arith.constant 0 : index
    %get3A_8 = vector.load %arg2[%get3A_6, %get3A_7] : memref<1x128xf32, #tpu.memory_space<vmem>>, vector<1x128xf32>
    %add3A = vector.broadcast %get3A_8 : vector<1x128xf32> to vector<10240x128xf32>
    %add3A_9 = arith.addf %dot_general3A_5, %add3A : vector<10240x128xf32>
    %swap3A = arith.constant 0 : index
    %swap3A_10 = arith.constant 0 : index
    %swap3A_11 = vector.load %arg5[%swap3A, %swap3A_10] : memref<10240x128xf32, #tpu.memory_space<vmem>>, vector<10240x128xf32>
    tpu.vector_store %arg5[%swap3A, %swap3A_10], %add3A_9 {strides = array<i32>} : memref<10240x128xf32, #tpu.memory_space<vmem>>, vector<10240x128xf32>,
    %get3A_12 = arith.constant 0 : index
    %get3A_13 = arith.constant 0 : index
    %get3A_14 = vector.load %arg3[%get3A_12, %get3A_13] : memref<128x128xf32, #tpu.memory_space<vmem>>, vector<128x128xf32>
    %dot_general3A_15 = arith.constant dense<0.000000e+00> : vector<10240x128xf32>
    %dot_general3A_16 = tpu.matmul %get3A_1, %get3A_14, %dot_general3A_15 {dimension_numbers = #tpu.dot_dimension_numbers<[1], [0], [0], [1], [0, 0, 1, 1], [], []>, precision = #tpu.contract_precision<fp32>, transpose_lhs_hint = false} : vector<10240x128xf32>, vector<128x128xf32>, vector<10240x128xf32> -> vector<10240x128xf32>
    %get3A_17 = arith.constant 0 : index
    %get3A_18 = arith.constant 0 : index
    %get3A_19 = vector.load %arg4[%get3A_17, %get3A_18] : memref<1x128xf32, #tpu.memory_space<vmem>>, vector<1x128xf32>
    %add3A_20 = vector.broadcast %get3A_19 : vector<1x128xf32> to vector<10240x128xf32>
    %add3A_21 = arith.addf %dot_general3A_16, %add3A_20 : vector<10240x128xf32>
    %swap3A_22 = arith.constant 0 : index
    %swap3A_23 = arith.constant 0 : index
    %swap3A_24 = vector.load %arg6[%swap3A_22, %swap3A_23] : memref<10240x128xf32, #tpu.memory_space<vmem>>, vector<10240x128xf32>
    tpu.vector_store %arg6[%swap3A_22, %swap3A_23], %add3A_21 {strides = array<i32>} : memref<10240x128xf32, #tpu.memory_space<vmem>>, vector<10240x128xf32>,
    return
  }
}

module attributes {stable_mosaic.version = 14 : i64} {
  func.func @_mid_body(%arg0: memref<20480x128xf32, #tpu.memory_space<vmem>>, %arg1: memref<160x128xf32, #tpu.memory_space<vmem>>, %arg2: memref<1x128xf32, #tpu.memory_space<vmem>>, %arg3: memref<128x128xf32, #tpu.memory_space<vmem>>, %arg4: memref<1x128xf32, #tpu.memory_space<vmem>>, %arg5: memref<128x128xf32, #tpu.memory_space<vmem>>, %arg6: memref<1x128xf32, #tpu.memory_space<vmem>>, %arg7: memref<10240x128xf32, #tpu.memory_space<vmem>>, %arg8: memref<10240x128xf32, #tpu.memory_space<vmem>>) attributes {dimension_semantics = [], scalar_prefetch = 0 : i64, scratch_operands = 0 : i64, tpu.core_type = #tpu.core_type<tc>} {
    %get3A = arith.constant 0 : index
    %get3A_0 = arith.constant 0 : index
    %get3A_1 = vector.load %arg0[%get3A, %get3A_0] : memref<20480x128xf32, #tpu.memory_space<vmem>>, vector<10240x128xf32>
    %get3A_2 = arith.constant 10240 : index
    %get3A_3 = arith.constant 0 : index
    %get3A_4 = vector.load %arg0[%get3A_2, %get3A_3] : memref<20480x128xf32, #tpu.memory_space<vmem>>, vector<10240x128xf32>
    %add3A = arith.addf %get3A_1, %get3A_4 : vector<10240x128xf32>
    %get3A_5 = arith.constant 0 : index
    %get3A_6 = arith.constant 0 : index
    %get3A_7 = vector.load %arg1[%get3A_5, %get3A_6] : memref<160x128xf32, #tpu.memory_space<vmem>>, vector<80x128xf32>
    %get3A_8 = arith.constant 80 : index
    %get3A_9 = arith.constant 0 : index
    %get3A_10 = vector.load %arg1[%get3A_8, %get3A_9] : memref<160x128xf32, #tpu.memory_space<vmem>>, vector<80x128xf32>
    %add3A_11 = arith.addf %get3A_7, %get3A_10 : vector<80x128xf32>
    %max3A = arith.constant 1.000000e-30 : f32
    %max3A_12 = vector.broadcast %max3A : f32 to vector<80x128xf32>
    %max3A_13 = arith.maximumf %add3A_11, %max3A_12 : vector<80x128xf32>
    %reshape3A = vector.shape_cast %add3A : vector<10240x128xf32> to vector<80x128x128xf32>
    %broadcast_in_dim3A = vector.shape_cast %max3A_13 : vector<80x128xf32> to vector<80x128x1xf32>
    %div3A = vector.broadcast %broadcast_in_dim3A : vector<80x128x1xf32> to vector<80x128x128xf32>
    %div3A_14 = arith.divf %reshape3A, %div3A : vector<80x128x128xf32>
    %get3A_15 = arith.constant 0 : index
    %get3A_16 = arith.constant 0 : index
    %get3A_17 = vector.load %arg2[%get3A_15, %get3A_16] : memref<1x128xf32, #tpu.memory_space<vmem>>, vector<1x128xf32>
    %reshape3A_18 = vector.shape_cast %get3A_17 : vector<1x128xf32> to vector<1x1x128xf32>
    %add3A_19 = vector.broadcast %reshape3A_18 : vector<1x1x128xf32> to vector<80x128x128xf32>
    %add3A_20 = arith.addf %div3A_14, %add3A_19 : vector<80x128x128xf32>
    %max3A_21 = arith.constant 0.000000e+00 : f32
    %max3A_22 = vector.broadcast %max3A_21 : f32 to vector<80x128x128xf32>
    %max3A_23 = arith.maximumf %add3A_20, %max3A_22 : vector<80x128x128xf32>
    %reshape3A_24 = vector.shape_cast %max3A_23 : vector<80x128x128xf32> to vector<10240x128xf32>
    %get3A_25 = arith.constant 0 : index
    %get3A_26 = arith.constant 0 : index
    %get3A_27 = vector.load %arg3[%get3A_25, %get3A_26] : memref<128x128xf32, #tpu.memory_space<vmem>>, vector<128x128xf32>
    %dot_general3A = arith.constant dense<0.000000e+00> : vector<10240x128xf32>
    %dot_general3A_28 = tpu.matmul %reshape3A_24, %get3A_27, %dot_general3A {dimension_numbers = #tpu.dot_dimension_numbers<[1], [0], [0], [1], [0, 0, 1, 1], [], []>, precision = #tpu.contract_precision<fp32>, transpose_lhs_hint = false} : vector<10240x128xf32>, vector<128x128xf32>, vector<10240x128xf32> -> vector<10240x128xf32>
    %get3A_29 = arith.constant 0 : index
    %get3A_30 = arith.constant 0 : index
    %get3A_31 = vector.load %arg4[%get3A_29, %get3A_30] : memref<1x128xf32, #tpu.memory_space<vmem>>, vector<1x128xf32>
    %add3A_32 = vector.broadcast %get3A_31 : vector<1x128xf32> to vector<10240x128xf32>
    %add3A_33 = arith.addf %dot_general3A_28, %add3A_32 : vector<10240x128xf32>
    %swap3A = arith.constant 0 : index
    %swap3A_34 = arith.constant 0 : index
    %swap3A_35 = vector.load %arg7[%swap3A, %swap3A_34] : memref<10240x128xf32, #tpu.memory_space<vmem>>, vector<10240x128xf32>
    tpu.vector_store %arg7[%swap3A, %swap3A_34], %add3A_33 {strides = array<i32>} : memref<10240x128xf32, #tpu.memory_space<vmem>>, vector<10240x128xf32>,
    %get3A_36 = arith.constant 0 : index
    %get3A_37 = arith.constant 0 : index
    %get3A_38 = vector.load %arg5[%get3A_36, %get3A_37] : memref<128x128xf32, #tpu.memory_space<vmem>>, vector<128x128xf32>
    %dot_general3A_39 = arith.constant dense<0.000000e+00> : vector<10240x128xf32>
    %dot_general3A_40 = tpu.matmul %reshape3A_24, %get3A_38, %dot_general3A_39 {dimension_numbers = #tpu.dot_dimension_numbers<[1], [0], [0], [1], [0, 0, 1, 1], [], []>, precision = #tpu.contract_precision<fp32>, transpose_lhs_hint = false} : vector<10240x128xf32>, vector<128x128xf32>, vector<10240x128xf32> -> vector<10240x128xf32>
    %get3A_41 = arith.constant 0 : index
    %get3A_42 = arith.constant 0 : index
    %get3A_43 = vector.load %arg6[%get3A_41, %get3A_42] : memref<1x128xf32, #tpu.memory_space<vmem>>, vector<1x128xf32>
    %add3A_44 = vector.broadcast %get3A_43 : vector<1x128xf32> to vector<10240x128xf32>
    %add3A_45 = arith.addf %dot_general3A_40, %add3A_44 : vector<10240x128xf32>
    %swap3A_46 = arith.constant 0 : index
    %swap3A_47 = arith.constant 0 : index
    %swap3A_48 = vector.load %arg8[%swap3A_46, %swap3A_47] : memref<10240x128xf32, #tpu.memory_space<vmem>>, vector<10240x128xf32>
    tpu.vector_store %arg8[%swap3A_46, %swap3A_47], %add3A_45 {strides = array<i32>} : memref<10240x128xf32, #tpu.memory_space<vmem>>, vector<10240x128xf32>,
    return
  }
}

module attributes {stable_mosaic.version = 14 : i64} {
  func.func @_final_body(%arg0: memref<20480x128xf32, #tpu.memory_space<vmem>>, %arg1: memref<160x128xf32, #tpu.memory_space<vmem>>, %arg2: memref<1x128xf32, #tpu.memory_space<vmem>>, %arg3: memref<128x128xf32, #tpu.memory_space<vmem>>, %arg4: memref<1x128xf32, #tpu.memory_space<vmem>>, %arg5: memref<10240x128xf32, #tpu.memory_space<vmem>>) attributes {dimension_semantics = [], scalar_prefetch = 0 : i64, scratch_operands = 0 : i64, tpu.core_type = #tpu.core_type<tc>} {
    %get3A = arith.constant 0 : index
    %get3A_0 = arith.constant 0 : index
    %get3A_1 = vector.load %arg0[%get3A, %get3A_0] : memref<20480x128xf32, #tpu.memory_space<vmem>>, vector<10240x128xf32>
    %get3A_2 = arith.constant 10240 : index
    %get3A_3 = arith.constant 0 : index
    %get3A_4 = vector.load %arg0[%get3A_2, %get3A_3] : memref<20480x128xf32, #tpu.memory_space<vmem>>, vector<10240x128xf32>
    %add3A = arith.addf %get3A_1, %get3A_4 : vector<10240x128xf32>
    %get3A_5 = arith.constant 0 : index
    %get3A_6 = arith.constant 0 : index
    %get3A_7 = vector.load %arg1[%get3A_5, %get3A_6] : memref<160x128xf32, #tpu.memory_space<vmem>>, vector<80x128xf32>
    %get3A_8 = arith.constant 80 : index
    %get3A_9 = arith.constant 0 : index
    %get3A_10 = vector.load %arg1[%get3A_8, %get3A_9] : memref<160x128xf32, #tpu.memory_space<vmem>>, vector<80x128xf32>
    %add3A_11 = arith.addf %get3A_7, %get3A_10 : vector<80x128xf32>
    %max3A = arith.constant 1.000000e-30 : f32
    %max3A_12 = vector.broadcast %max3A : f32 to vector<80x128xf32>
    %max3A_13 = arith.maximumf %add3A_11, %max3A_12 : vector<80x128xf32>
    %reshape3A = vector.shape_cast %add3A : vector<10240x128xf32> to vector<80x128x128xf32>
    %broadcast_in_dim3A = vector.shape_cast %max3A_13 : vector<80x128xf32> to vector<80x128x1xf32>
    %div3A = vector.broadcast %broadcast_in_dim3A : vector<80x128x1xf32> to vector<80x128x128xf32>
    %div3A_14 = arith.divf %reshape3A, %div3A : vector<80x128x128xf32>
    %get3A_15 = arith.constant 0 : index
    %get3A_16 = arith.constant 0 : index
    %get3A_17 = vector.load %arg2[%get3A_15, %get3A_16] : memref<1x128xf32, #tpu.memory_space<vmem>>, vector<1x128xf32>
    %reshape3A_18 = vector.shape_cast %get3A_17 : vector<1x128xf32> to vector<1x1x128xf32>
    %add3A_19 = vector.broadcast %reshape3A_18 : vector<1x1x128xf32> to vector<80x128x128xf32>
    %add3A_20 = arith.addf %div3A_14, %add3A_19 : vector<80x128x128xf32>
    %max3A_21 = arith.constant 0.000000e+00 : f32
    %max3A_22 = vector.broadcast %max3A_21 : f32 to vector<80x128x128xf32>
    %max3A_23 = arith.maximumf %add3A_20, %max3A_22 : vector<80x128x128xf32>
    %reshape3A_24 = vector.shape_cast %max3A_23 : vector<80x128x128xf32> to vector<10240x128xf32>
    %get3A_25 = arith.constant 0 : index
    %get3A_26 = arith.constant 0 : index
    %get3A_27 = vector.load %arg3[%get3A_25, %get3A_26] : memref<128x128xf32, #tpu.memory_space<vmem>>, vector<128x128xf32>
    %dot_general3A = arith.constant dense<0.000000e+00> : vector<10240x128xf32>
    %dot_general3A_28 = tpu.matmul %reshape3A_24, %get3A_27, %dot_general3A {dimension_numbers = #tpu.dot_dimension_numbers<[1], [0], [0], [1], [0, 0, 1, 1], [], []>, precision = #tpu.contract_precision<fp32>, transpose_lhs_hint = false} : vector<10240x128xf32>, vector<128x128xf32>, vector<10240x128xf32> -> vector<10240x128xf32>
    %get3A_29 = arith.constant 0 : index
    %get3A_30 = arith.constant 0 : index
    %get3A_31 = vector.load %arg4[%get3A_29, %get3A_30] : memref<1x128xf32, #tpu.memory_space<vmem>>, vector<1x128xf32>
    %add3A_32 = vector.broadcast %get3A_31 : vector<1x128xf32> to vector<10240x128xf32>
    %add3A_33 = arith.addf %dot_general3A_28, %add3A_32 : vector<10240x128xf32>
    %iota3A = tpu.iota {dimensions = array<i32: 1>} : vector<10240x128xi32>
    %lt3A = arith.constant 64 : i32
    %lt3A_34 = vector.broadcast %lt3A : i32 to vector<10240x128xi32>
    %lt3A_35 = arith.cmpi slt, %iota3A, %lt3A_34 : vector<10240x128xi32>
    %jit3A = arith.constant -1.000000e+30 : f32
    %broadcast_in_dim3A_36 = vector.broadcast %jit3A : f32 to vector<10240x128xf32>
    %select_n3A = arith.select %lt3A_35, %add3A_33, %broadcast_in_dim3A_36 : vector<10240x128xi1>, vector<10240x128xf32>
    %reduce_max3A = arith.constant dense<0xFF800000> : vector<10240xf32>
    %reduce_max3A_37 = vector.multi_reduction <maximumf>, %select_n3A, %reduce_max3A [1] : vector<10240x128xf32> to vector<10240xf32>
    %broadcast_in_dim3A_38 = vector.shape_cast %reduce_max3A_37 : vector<10240xf32> to vector<10240x1xf32>
    %sub3A = vector.broadcast %broadcast_in_dim3A_38 : vector<10240x1xf32> to vector<10240x128xf32>
    %sub3A_39 = arith.subf %select_n3A, %sub3A : vector<10240x128xf32>
    %exp3A = math.exp %sub3A_39 : vector<10240x128xf32>
    %reduce_sum3A = arith.constant dense<0.000000e+00> : vector<10240xf32>
    %reduce_sum3A_40 = vector.multi_reduction <add>, %exp3A, %reduce_sum3A [1] : vector<10240x128xf32> to vector<10240xf32>
    %broadcast_in_dim3A_41 = vector.shape_cast %reduce_sum3A_40 : vector<10240xf32> to vector<10240x1xf32>
    %log3A = math.log %broadcast_in_dim3A_41 : vector<10240x1xf32>
    %sub3A_42 = vector.broadcast %broadcast_in_dim3A_38 : vector<10240x1xf32> to vector<10240x128xf32>
    %sub3A_43 = arith.subf %select_n3A, %sub3A_42 : vector<10240x128xf32>
    %sub3A_44 = vector.broadcast %log3A : vector<10240x1xf32> to vector<10240x128xf32>
    %sub3A_45 = arith.subf %sub3A_43, %sub3A_44 : vector<10240x128xf32>
    %swap3A = arith.constant 0 : index
    %swap3A_46 = arith.constant 0 : index
    %swap3A_47 = vector.load %arg5[%swap3A, %swap3A_46] : memref<10240x128xf32, #tpu.memory_space<vmem>>, vector<10240x128xf32>
    tpu.vector_store %arg5[%swap3A, %swap3A_46], %sub3A_45 {strides = array<i32>} : memref<10240x128xf32, #tpu.memory_space<vmem>>, vector<10240x128xf32>,
    return
  }
}

</mosaic_0001>

<sc_bundles>
// kernel: kernel.10.cloned.1.call-start
scs
__scs_entry_jumppad:
0x0: {  	(pc) =	sbr.rel $0x88, $3  }
0x1: {  	(tag) =	ssettag $0x0;
	lr =	simm.s32 $0x1  }
0x2: {  	[smem:$0x3F91] =	sst lr;
	_ =	strace $0xD0000000  }
0x3: {  	_ = 	snop  }
0x4: {  	_ = 	snop  }
0x5: {  	_ = 	snop  }
0x6: {  	_ = 	snop  }
0x7: {  	_ = 	snop  }
__scs_overlays_trampoline_lowered:
0x8: {  	[smem:$0x3FA0] =	sst s0  }
0x9: {  	[smem:$0x3FA1] =	sst s1  }
0xa: {  	[smem:$0x3FA2] =	sst s2  }
0xb: {  	[smem:$0x3FA3] =	sst s3  }
0xc: {  	[smem:$0x3FA4] =	sst s4  }
0xd: {  	[smem:$0x3FA5] =	sst s5  }
0xe: {  	[smem:$0x3FA6] =	sst s6  }
0xf: {  	[smem:$0x3FA7] =	sst s7  }
0x10: {  	[smem:$0x3FA8] =	sst s8  }
0x11: {  	[smem:$0x3FA9] =	sst s9;
	s0 =	simm.s32 @!p0 $0x0  }
0x12: {  	s1 =	sld [smem:$0x3F8F];
	s0 =	simm.s32 @p0 $0x1  }
0x13: {  	[smem:$0x3FAA] =	sst s0;
	s0 =	simm.s32 @!p1 $0x0  }
0x14: {  	s2 =	sld [smem:$0x3F8E];
	s0 =	simm.s32 @p1 $0x1  }
0x15: {  	[smem:$0x3FAB] =	sst s0;
	s0 =	simm.s32 @!p2 $0x0  }
0x16: {  	s3 =	sld [smem:$0x3FDB];
	s0 =	simm.s32 @p2 $0x1  }
0x17: {  	s4 =	simm.s32 $0x1BF5;
	[smem:$0x3FAD] =	sst s0  }
0x18: {  	s0 =	sld [smem:$0x3F90];
	_ =	swait.ge [sflag:s4], $0x0  }
0x19: {  	s7 =	sld [smem:$0x3F91]  }
0x1a: {  	s8 =	sadd.s32 $0xFFFFE003, lr  }
0x1b: {  	s9 =	sadd.s32 $0xFFFFFEF7, lr;
	s5 =	simm.s32 $0xFFFFFFFF;
	p2 =	slt.u32 s8, $0xFFFFF086  }
0x1c: {  	p1 =	slt.u32 s9, $0xF7A;
	s5 =	simm.s32 @!p2 $0x0  }
0x1d: {  	s5 =	simm.s32 @p1 $0x1;
	p0 =	seq.s32 s7, s2  }
0x1e: {  	s7 =	smul.u32 @!p0 $0xF7A, s2;
	p2 =	seq.s32 @!p0 s5, $0x0  }
0x1f: {  	s9 =	smul.u32 $0xF7A, s1;
	s8 =	simm.s32 @!p0 $0x1BF5;
	p2 =	por !p2, p0  }
0x20: {  	[sflag:s8] =	ssyncset.s32 @!p0 $0xFFFFF086;
	s6 =	sadd.s32 @!p0 s3, s7;
	s7 =	simm.s32 @!p0 $0x108  }
0x21: {  	s3 =	sadd.s32 s3, s9;
	s6 =	sadd.s32 @!p0 $0x88, s6;
	s7 =	simm.s32 @p2 $0x1082  }
0x22: {  	[simem:s7], [sflag:s8] =	dma.local @!p0 [hbm:s6], $0xF7A  }
0x23: {  	s9 =	sor.u32 $0xD0000000, s2;
	s6 =	simm.s32 $0x108;
	_ =	swait.ge @!p0 [sflag:s8], $0x0  }
0x24: {  	s3 =	sadd.s32 $0x88, s3;
	s6 =	simm.s32 @!p1 $0x1082;
	[sflag:s4] =	ssyncset.s32 $0xFFFFF086  }
0x25: {  	[simem:s6], [sflag:s4] =	dma.local [hbm:s3], $0xF7A  }
0x26: {  	[smem:$0x3F91] =	sst s1;
	(tag) =	ssettag s2;
	_ =	strace s9  }
0x27: {  	s1 =	sld [smem:$0x3FA1]  }
0x28: {  	s2 =	sld [smem:$0x3FA2]  }
0x29: {  	s4 =	sld [smem:$0x3FA4]  }
0x2a: {  	p0 =	seq.s32 s5, $0x0;
	s5 =	sld [smem:$0x3FA5]  }
0x2b: {  	s6 =	sld [smem:$0x3FA6]  }
0x2c: {  	s7 =	sld [smem:$0x3FA7]  }
0x2d: {  	s3 =	simm.s32 $0x108;
	s8 =	sld [smem:$0x3FA8]  }
0x2e: {  	s3 =	simm.s32 @!p0 $0x1082;
	s9 =	sld [smem:$0x3FA9]  }
0x2f: {  	lr =	sadd.s32 s0, s3;
	s0 =	sld [smem:$0x3FA0]  }
0x30: {  	s3 =	sld [smem:$0x3FA3]  }
0x31: {  	[smem:$0x3FAC] =	sst s10  }
0x32: {  	s10 =	sld [smem:$0x3FAA];
	_ =	sdelay $0x3  }
0x33: {  	p0 =	seq.s32 s10, $0x1;
	s10 =	sld [smem:$0x3FAC];
	_ =	sdelay $0x3  }
0x34: {  	[smem:$0x3FAC] =	sst s10  }
0x35: {  	s10 =	sld [smem:$0x3FAB];
	_ =	sdelay $0x3  }
0x36: {  	p1 =	seq.s32 s10, $0x1;
	s10 =	sld [smem:$0x3FAC];
	_ =	sdelay $0x3  }
0x37: {  	[smem:$0x3FAC] =	sst s10  }
0x38: {  	s10 =	sld [smem:$0x3FAD]  }
0x39: {  	_ = 	snop;
	(pc) =	sbr.ind lr, $3  }
0x3a: {  	_ = 	snop  }
0x3b: {  	_ = 	snop  }
0x3c: {  	p2 =	seq.s32 s10, $0x1;
	s10 =	sld [smem:$0x3FAC]  }
0x3d: {  	_ =	shalt  }
0x3e: {  	_ =	shalt  }
0x3f: {  	_ =	shalt  }
0x40: {  	_ =	shalt  }
0x41: {  	_ =	shalt  }
0x42: {  	_ =	shalt  }
0x43: {  	_ =	shalt  }
0x44: {  	_ =	shalt  }
0x45: {  	_ =	shalt  }
0x46: {  	_ =	shalt  }
0x47: {  	_ =	shalt  }
0x48: {  	_ =	shalt  }
0x49: {  	_ =	shalt  }
0x4a: {  	_ =	shalt  }
0x4b: {  	_ =	shalt  }
0x4c: {  	_ =	shalt  }
0x4d: {  	_ =	shalt  }
0x4e: {  	_ =	shalt  }
0x4f: {  	_ =	shalt  }
0x50: {  	_ =	shalt  }
0x51: {  	_ =	shalt  }
0x52: {  	_ =	shalt  }
0x53: {  	_ =	shalt  }
0x54: {  	_ =	shalt  }
0x55: {  	_ =	shalt  }
0x56: {  	_ =	shalt  }
0x57: {  	_ =	shalt  }
0x58: {  	_ =	shalt  }
0x59: {  	_ =	shalt  }
0x5a: {  	_ =	shalt  }
0x5b: {  	_ =	shalt  }
0x5c: {  	_ =	shalt  }
0x5d: {  	_ =	shalt  }
0x5e: {  	_ =	shalt  }
0x5f: {  	_ =	shalt  }
0x60: {  	_ =	shalt  }
0x61: {  	_ =	shalt  }
0x62: {  	_ =	shalt  }
0x63: {  	_ =	shalt  }
0x64: {  	_ =	shalt  }
0x65: {  	_ =	shalt  }
0x66: {  	_ =	shalt  }
0x67: {  	_ =	shalt  }
0x68: {  	_ =	shalt  }
0x69: {  	_ =	shalt  }
0x6a: {  	_ =	shalt  }
0x6b: {  	_ =	shalt  }
0x6c: {  	_ =	shalt  }
0x6d: {  	_ =	shalt  }
0x6e: {  	_ =	shalt  }
0x6f: {  	_ =	shalt  }
0x70: {  	_ =	shalt  }
0x71: {  	_ =	shalt  }
0x72: {  	_ =	shalt  }
0x73: {  	_ =	shalt  }
0x74: {  	_ =	shalt  }
0x75: {  	_ =	shalt  }
0x76: {  	_ =	shalt  }
0x77: {  	_ =	shalt  }
0x78: {  	_ =	shalt  }
0x79: {  	_ =	shalt  }
0x7a: {  	_ =	shalt  }
0x7b: {  	_ =	shalt  }
0x7c: {  	_ =	shalt  }
0x7d: {  	_ =	shalt  }
0x7e: {  	_ =	shalt  }
0x7f: {  	_ =	shalt  }
0x80: {  	_ =	shalt  }
0x81: {  	_ =	shalt  }
0x82: {  	_ =	shalt  }
0x83: {  	_ =	shalt  }
0x84: {  	_ =	shalt  }
0x85: {  	_ =	shalt  }
0x86: {  	_ =	shalt  }
0x87: {  	_ =	shalt  }
.Lfunc_end0:
.L_simem_size_0:
called_computation.1_lowered:
.L_overlay_start_0:
0x88: {  	s2 =	sld [smem:$0x3FD9]  }
0x89: {  	s3 =	sld [smem:$0x3FFE];
	_ =	sdelay $0x1  }
0x8a: {  	s1 =	srdreg.scid  }
0x8b: {  	s0 =	sand.u32 $0x1, s1  }
0x8c: {  	s17 =	sshll.u32 s0, $0xA;
	s2 =	sadd.s32 s3, s2  }
0x8d: {  	s2 =	sadd.s32 s2, s17  }
0x8e: {  	[smem:$0x3FB8] =	sst s2  }
0x8f: {  	_ = 	snop  }
0x90: {  	s2 =	sld [smem:$0x3FBD]  }
0x91: {  	s18 =	sld [smem:$0x3FD0];
	(tm) =	ssettm $0x1  }
0x92: {  	s4 =	sld [smem:$0x3FFB];
	_ =	sdelay $0x3  }
0x93: {  	_ =	strace s4  }
0x94: {  	s4 =	sld [smem:$0x3FFC];
	_ =	sdelay $0x3  }
0x95: {  	_ =	strace s4  }
0x96: {  	s4 =	sld [smem:$0x3FFD];
	_ =	sdelay $0x3  }
0x97: {  	_ =	strace s4  }
0x98: {  	_ =	strace $0x8FFFFFFF  }
0x99: {  	s19 =	sld [smem:$0x3FDB];
	_ =	sdelay $0x1  }
0x9a: {  	s5 =	simm.s32 $_scs_section_size  }
0x9b: {  	s6 =	simm.s32 $_size__tile_overlayer_lowered;
	s7 =	simm.s32 $_tile_overlayer_lowered  }
0x9c: {  	s22 =	simm.s32 $0x1BFF;
	s21 =	sshll.u32 s7, $0x1;
	s4 =	sadd.s32 s5, s19  }
0x9d: {  	s8 =	simm.s32 $0x0;
	s20 =	sshll.u32 s6, $0x1;
	s6 =	sadd.s32 s21, s4  }
0x9e: {  	[timem:s8], [sflag:s22] =	dma.local [hbm:s6], s20  }
0x9f: {  	_ =	swait.ge [sflag:s22], s20  }
0xa0: {  	s5 =	ssub.s32 $0x0, s20;
	[sflag:s22] =	ssyncset.done $0x0  }
0xa1: {  	[sflag:s22] =	ssyncadd.s32 s5;
	_ =	sdelay $0x1  }
0xa2: {  	s23 =	simm.s32 $0x1B8B  }
0xa3: {  	_ =	swait.ge [sflag:s23], $0x1  }
0xa4: {  	[sflag:s23] =	ssyncset.done $0x0  }
0xa5: {  	s25 =	simm.s32 $0x1B8E;
	s24 =	sld [smem:$0x3FFE];
	[sflag:s23] =	ssyncadd.s32 $0xFFFFFFFF  }
0xa6: {  	s26 =	simm.s32 $execute0_lowered;
	[smem:$0x3FD2] =	sst s25  }
0xa7: {  	s6 =	sshll.u32 s26, $0x1;
	_ =	strace $0x80000049;
	[dreg:$0x1] =	wrdreg $0xFFFFFFFF  }
0xa8: {  	s28 =	simm.s32 $_size_execute0_lowered;
	s4 =	sadd.s32 s4, s6;
	[dreg:$0x0] =	wrdreg $0x0  }
0xa9: {  	s6 =	sshll.u32 s28, $0x1;
	[dreg:$0x2] =	wrdreg s4  }
0xaa: {  	[dreg:$0x3] =	wrdreg s6  }
0xab: {  	[dreg:$0x4] =	wrdreg $0xC0  }
0xac: {  	_ =	task [dreg:s8], $0x5FFFF  }
0xad: {  	[dreg:$0x1] =	wrdreg $0xFFFFFFFF  }
0xae: {  	[dreg:$0x0] =	wrdreg $0x60  }
0xaf: {  	[dreg:$0x2] =	wrdreg s24  }
0xb0: {  	[dreg:$0x3] =	wrdreg s18  }
0xb1: {  	[dreg:$0x4] =	wrdreg s2  }
0xb2: {  	[dreg:$0x5] =	wrdreg $0x0  }
0xb3: {  	[dreg:$0x6] =	wrdreg $0x140000  }
0xb4: {  	[dreg:$0x7] =	wrdreg $0x9  }
0xb5: {  	_ =	task.clear_ibuf [dreg:s8], $0x8FFFF;
	_ =	strace $0x90000049  }
0xb6: {  	s29 =	simm.s32 $0x9;
	_ =	strace $0x8000004B  }
0xb7: {  	_ =	swait.ge [sflag:s29], $0x1  }
0xb8: {  	[sflag:s29] =	ssyncadd.s32 $0xFFFFFFFF  }
0xb9: {  	_ =	strace $0x9000004B  }
0xba: {  	_ =	sfence  }
0xbb: {  	s30 =	sld [smem:$0x0];
	_ =	sdelay $0x2  }
0xbc: {  	s31 =	sshll.u32 s1, $0xD;
	s1 =	sshrl.u32 s1, $0x2  }
0xbd: {  	s3 =	sand.u32 $0x4000, s31;
	s1 =	sadd.s32 s1, s30  }
0xbe: {  	s0 =	sor.u32 s3, s0;
	s1 =	sshll.u32 s1, $0x11  }
0xbf: {  	s0 =	sor.u32 s1, s0  }
0xc0: {  	s0 =	sadd.s32 $0x8F2B, s0  }
0xc1: {  	[sflag:s0] =	ssyncadd.remote.s32 $0x1  }
0xc2: {  	_ =	sfence.sel $0xFFFF  }
0xc3: {  	[dreg:$0x0] =	wrdreg $0xFFFFFFFF;
	(pc) =	sbr.abs _section_cstart, $3  }
0xc4: {  	[dreg:$0x1] =	wrdreg $0xFFFFFFFF  }
0xc5: {  	_ =	task.clear_ibuf [dreg:s8], $0x2FFFF;
	_ =	strace $0x9FFFFFFF  }
0xc6: {  	(tm) =	ssettm $0x7FFFFFFF  }
0xc7: {  	_ =	shalt  }
tec
execute0_lowered:
.L_overlay_start_1:
0x0: {  	(tag) =	ssettag $0x1  }
0x1: {  	s1 =	rddreg [dreg:$0x0]  }
0x2: {  	s0 =	rddreg [dreg:$0x1]  }
0x3: {  	s2 =	rddreg [dreg:$0x3];
	s3 =	srdreg.scid  }
0x4: {  	s16 =	rddreg [dreg:$0x4];
	s13 =	stileid.u32  }
0x5: {  	s6 =	simm.s32 $0x0;
	s28 =	simm.s32 $0x3;
	s30 =	simm.s32 $0x14280  }
0x6: {  	s31 =	simm.s32 $0x14300;
	s29 =	simm.s32 $0x1;
	s3 =	sand.u32 $0x1, s3  }
0x7: {  	s5 =	smul.u32 $0x280, s13;
	[smem:$0x7FF] =	sst s6;
	s7 =	sadd.s32 $0xD800, s1  }
0x8: {  	s8 =	sadd.s32 $0x35800, s1;
	s11 =	sshll.u32 s13, $0xA;
	s4 =	smul.u32 $0x2800, s3  }
0x9: {  	s9 =	sadd.s32 $0x3600, s1;
	s12 =	smul.u32 $0x50000, s13;
	s14 =	sadd.s32 $0x2000, s16  }
0xa: {  	_ =	strace $0x8000004A;
	s10 =	ssub.s32 $0x2, s3;
	s5 =	sadd.s32 s5, s4  }
0xb: {  	[dreg:$0x6] =	wrdreg s14;
	s4 =	sadd.s32 s4, s11;
	s5 =	sshll.u32 s5, $0x4  }
0xc: {  	s26 =	sshrl.u32 s10, $0x1;
	s4 =	sshrl.u32 s4, $0x3;
	s5 =	sadd.s32 s5, s1  }
0xd: {  	s12 =	sshrl.u32 s12, $0x2;
	s1 =	sadd.s32 s4, s1;
	s15 =	sadd.s32 $0x5D800, s5  }
0xe: {  	s4 =	ssub.s32 s10, s26;
	s1 =	sadd.s32 $0xAD800, s1;
	[dreg:$0x7] =	wrdreg s15  }
0xf: {  	s10 =	sadd.s32 s12, s2;
	s17 =	smax.u32 s4, $0x1;
	[dreg:$0x8] =	wrdreg s1  }
0x10: {  	p0 =	sne.s32 s13, $0x0;
	s18 =	sadd.s32 $0x2000, s10;
	[dreg:$0x9] =	wrdreg s17  }
0x11: {  	p1 =	sgt.u32 s13, $0x9;
	s19 =	sadd.s32 $0x4000, s10;
	[dreg:$0xa] =	wrdreg s18  }
0x12: {  	s3 =	sshll.u32 s3, $0x4;
	s20 =	sadd.s32 $0x6000, s10;
	[dreg:$0xb] =	wrdreg s19  }
0x13: {  	s3 =	sor.u32 s13, s3;
	s21 =	sadd.s32 $0x8000, s10;
	[dreg:$0xc] =	wrdreg s20  }
0x14: {  	s13 =	simm.s32 $0x0;
	s22 =	sadd.s32 $0xA000, s10;
	[dreg:$0xd] =	wrdreg s21  }
0x15: {  	v0 =	vlaneseq.u32;
	s12 =	smul.u32 $0x2880, s3;
	s23 =	sadd.s32 $0xC000, s10;
	[dreg:$0xe] =	wrdreg s22  }
0x16: {  	v2 =	vor.u32 $0x10, v0;
	s3 =	sadd.s32 s11, s16;
	s24 =	sadd.s32 $0xE000, s10;
	[dreg:$0xf] =	wrdreg s23  }
0x17: {  	[tilespmem:$0x1FFC0] =	vst v2;
	v2 =	vor.u32 $0x20, v0;
	s11 =	simm.s32 $0x18380;
	s25 =	sadd.s32 $0x10000, s10;
	[dreg:$0x10] =	wrdreg s24  }
0x18: {  	[tilespmem:$0x1FFD0] =	vst v2;
	v2 =	vor.u32 $0x30, v0;
	s26 =	sadd.s32 $0x12000, s10;
	s5 =	simm.s32 $0x2;
	[dreg:$0x11] =	wrdreg s25  }
0x19: {  	v0 =	vor.u32 $0x40, v0;
	[tilespmem:$0x1FFE0] =	vst v2;
	s4 =	simm.s32 $0x1A380;
	[dreg:$0x12] =	wrdreg s26;
	s25 =	sshrl.u32 @!p1 s3, $0x3  }
0x1a: {  	v1 =	vimm.f32 $0.0e+00;
	[tilespmem:$0x1FFF0] =	vst v0;
	s26 =	simm.s32 $0x14380;
	s3 =	simm.s32 $0x40;
	s1 =	simm.s32 $0x16380  }
.LBB2_1:
0x1b: {  	s14 =	simm.s32 $0x0;
	s15 =	simm.s32 $0x200  }
.LBB2_2:
0x1c: {  	p2 =	sne.s32 s15, $0x7E00;
	[tilespmem:s14+$0x143F0] =	vst v1  }
0x1d: {  	[tilespmem:s14+$0x14380] =	vst v1  }
0x1e: {  	[tilespmem:s14+$0x14390] =	vst v1  }
.Ltmp0:
0x1f: {  	[tilespmem:s14+$0x143A0] =	vst v1;
	(pc) =	sbr.rel @p2 .LBB2_2-.Ltmp0, $4  }
0x20: {  	[tilespmem:s14+$0x143B0] =	vst v1  }
0x21: {  	[tilespmem:s14+$0x143C0] =	vst v1  }
0x22: {  	[tilespmem:s14+$0x143D0] =	vst v1  }
0x23: {  	[tilespmem:s14+$0x143E0] =	vst v1;
	s14 =	sshra.s32 s15, $0x2;
	s15 =	sadd.s32 $0x200, s15  }
0x24: {  	[tilespmem:s14+$0x143F0] =	vst v1  }
0x25: {  	[tilespmem:s14+$0x14380] =	vst v1  }
0x26: {  	[tilespmem:s14+$0x14390] =	vst v1  }
0x27: {  	[tilespmem:s14+$0x143A0] =	vst v1  }
0x28: {  	[tilespmem:s14+$0x143B0] =	vst v1  }
0x29: {  	[tilespmem:s14+$0x143C0] =	vst v1  }
0x2a: {  	[tilespmem:s14+$0x143D0] =	vst v1  }
0x2b: {  	[tilespmem:s14+$0x143E0] =	vst v1  }
0x2c: {  	[spmem:s10] =	stream.linear.scatter [tilespmem:s26], [sflag:$0x3], $0x2000, $0x38;
	[tilespmem:$0x1CC80] =	vst v63  }
0x2d: {  	_ =	swait.ge [sflag:s28], $0x2000  }
0x2e: {  	[sflag:s28] =	ssyncset.done $0x0  }
0x2f: {  	s15 =	rddreg [dreg:$0xa];
	[sflag:s28] =	ssyncadd.s32 $0xFFFFE000  }
0x30: {  	[spmem:s15] =	stream.linear.scatter [tilespmem:s26], [sflag:$0x3], $0x2000, $0x38;
	[tilespmem:$0x1CC80] =	vst v63  }
0x31: {  	_ =	swait.ge [sflag:s28], $0x2000  }
0x32: {  	[sflag:s28] =	ssyncset.done $0x0  }
0x33: {  	s17 =	rddreg [dreg:$0xb];
	[sflag:s28] =	ssyncadd.s32 $0xFFFFE000  }
0x34: {  	[spmem:s17] =	stream.linear.scatter [tilespmem:s26], [sflag:$0x3], $0x2000, $0x38;
	[tilespmem:$0x1CC80] =	vst v63  }
0x35: {  	_ =	swait.ge [sflag:s28], $0x2000  }
0x36: {  	[sflag:s28] =	ssyncset.done $0x0  }
0x37: {  	s18 =	rddreg [dreg:$0xc];
	[sflag:s28] =	ssyncadd.s32 $0xFFFFE000  }
0x38: {  	[spmem:s18] =	stream.linear.scatter [tilespmem:s26], [sflag:$0x3], $0x2000, $0x38;
	[tilespmem:$0x1CC80] =	vst v63  }
0x39: {  	_ =	swait.ge [sflag:s28], $0x2000  }
0x3a: {  	[sflag:s28] =	ssyncset.done $0x0  }
0x3b: {  	s19 =	rddreg [dreg:$0xd];
	[sflag:s28] =	ssyncadd.s32 $0xFFFFE000  }
0x3c: {  	[spmem:s19] =	stream.linear.scatter [tilespmem:s26], [sflag:$0x3], $0x2000, $0x38;
	[tilespmem:$0x1CC80] =	vst v63  }
0x3d: {  	_ =	swait.ge [sflag:s28], $0x2000  }
0x3e: {  	[sflag:s28] =	ssyncset.done $0x0  }
0x3f: {  	s20 =	rddreg [dreg:$0xe];
	[sflag:s28] =	ssyncadd.s32 $0xFFFFE000  }
0x40: {  	[spmem:s20] =	stream.linear.scatter [tilespmem:s26], [sflag:$0x3], $0x2000, $0x38;
	[tilespmem:$0x1CC80] =	vst v63  }
0x41: {  	_ =	swait.ge [sflag:s28], $0x2000  }
0x42: {  	[sflag:s28] =	ssyncset.done $0x0  }
0x43: {  	s21 =	rddreg [dreg:$0xf];
	[sflag:s28] =	ssyncadd.s32 $0xFFFFE000  }
0x44: {  	[spmem:s21] =	stream.linear.scatter [tilespmem:s26], [sflag:$0x3], $0x2000, $0x38;
	[tilespmem:$0x1CC80] =	vst v63  }
0x45: {  	_ =	swait.ge [sflag:s28], $0x2000  }
0x46: {  	[sflag:s28] =	ssyncset.done $0x0  }
0x47: {  	s22 =	rddreg [dreg:$0x10];
	[sflag:s28] =	ssyncadd.s32 $0xFFFFE000  }
0x48: {  	[spmem:s22] =	stream.linear.scatter [tilespmem:s26], [sflag:$0x3], $0x2000, $0x38;
	[tilespmem:$0x1CC80] =	vst v63  }
0x49: {  	_ =	swait.ge [sflag:s28], $0x2000  }
0x4a: {  	[sflag:s28] =	ssyncset.done $0x0  }
0x4b: {  	s23 =	rddreg [dreg:$0x11];
	[sflag:s28] =	ssyncadd.s32 $0xFFFFE000  }
0x4c: {  	[spmem:s23] =	stream.linear.scatter [tilespmem:s26], [sflag:$0x3], $0x2000, $0x38;
	[tilespmem:$0x1CC80] =	vst v63  }
0x4d: {  	_ =	swait.ge [sflag:s28], $0x2000  }
0x4e: {  	[sflag:s28] =	ssyncset.done $0x0  }
0x4f: {  	s24 =	rddreg [dreg:$0x12];
	[sflag:s28] =	ssyncadd.s32 $0xFFFFE000  }
0x50: {  	[spmem:s24] =	stream.linear.scatter [tilespmem:s26], [sflag:$0x3], $0x2000, $0x38;
	[tilespmem:$0x1CC80] =	vst v63  }
0x51: {  	_ =	swait.ge [sflag:s28], $0x2000  }
0x52: {  	[sflag:s28] =	ssyncset.done $0x0  }
0x53: {  	s14 =	simm.s32 $0x0;
	s15 =	simm.s32 $0x200;
	[sflag:s28] =	ssyncadd.s32 $0xFFFFE000  }
.LBB2_4:
0x54: {  	p2 =	sne.s32 s15, $0x9E00;
	[tilespmem:s14+$0x1A3F0] =	vst v1  }
0x55: {  	[tilespmem:s14+$0x1A380] =	vst v1  }
0x56: {  	[tilespmem:s14+$0x1A390] =	vst v1  }
.Ltmp1:
0x57: {  	[tilespmem:s14+$0x1A3A0] =	vst v1;
	(pc) =	sbr.rel @p2 .LBB2_4-.Ltmp1, $4  }
0x58: {  	[tilespmem:s14+$0x1A3B0] =	vst v1  }
0x59: {  	[tilespmem:s14+$0x1A3C0] =	vst v1  }
0x5a: {  	[tilespmem:s14+$0x1A3D0] =	vst v1  }
0x5b: {  	[tilespmem:s14+$0x1A3E0] =	vst v1;
	s14 =	sshra.s32 s15, $0x2;
	s15 =	sadd.s32 $0x200, s15  }
0x5c: {  	[tilespmem:s14+$0x1A3F0] =	vst v1  }
0x5d: {  	[tilespmem:s14+$0x1A380] =	vst v1  }
0x5e: {  	[tilespmem:s14+$0x1A390] =	vst v1  }
0x5f: {  	[tilespmem:s14+$0x1A3A0] =	vst v1  }
0x60: {  	[tilespmem:s14+$0x1A3B0] =	vst v1  }
0x61: {  	[tilespmem:s14+$0x1A3C0] =	vst v1  }
0x62: {  	[tilespmem:s14+$0x1A3D0] =	vst v1  }
0x63: {  	[tilespmem:s14+$0x1A3E0] =	vst v1;
	s14 =	simm.s32 @!p0 $0x14380;
	s15 =	simm.s32 @!p0 $0x3  }
0x64: {  	[spmem:s16] =	stream.linear.scatter @!p0 [tilespmem:s14], [sflag:$0x3], $0x2000, $0x38;
	[tilespmem:$0x1CC80] =	vst v63  }
0x65: {  	_ =	swait.ge @!p0 [sflag:s15], $0x2000  }
0x66: {  	[sflag:s15] =	ssyncset.done @!p0 $0x0  }
0x67: {  	s24 =	smov.u32 s16;
	s16 =	rddreg [dreg:$0x6];
	[sflag:s15] =	ssyncadd.s32 @!p0 $0xFFFFE000  }
0x68: {  	[spmem:s16] =	stream.linear.scatter @!p0 [tilespmem:s14], [sflag:$0x3], $0x800, $0x38;
	[tilespmem:$0x1CC80] =	vst v63  }
0x69: {  	_ =	swait.ge @!p0 [sflag:s15], $0x800  }
0x6a: {  	v58 =	vld [tilespmem:$0x1FFC0]  }
0x6b: {  	v59 =	vld [tilespmem:$0x1FFD0]  }
0x6c: {  	[sflag:s15] =	ssyncset.done @!p0 $0x0;
	v60 =	vld [tilespmem:$0x1FFE0]  }
0x6d: {  	v0 =	vlaneseq.u32;
	v61 =	vld [tilespmem:$0x1FFF0];
	[sflag:s15] =	ssyncadd.s32 @!p0 $0xFFFFF800  }
0x6e: {  	[tilespmem:$0x1CB80] =	vst v0  }
0x6f: {  	[tilespmem:$0x1CB90] =	vst v58  }
0x70: {  	[tilespmem:$0x1CBA0] =	vst v59  }
0x71: {  	[tilespmem:$0x1CBB0] =	vst v60  }
0x72: {  	s23 =	simm.s32 $0x1CC00;
	s14 =	simm.s32 $0x0;
	s15 =	rddreg [dreg:$0x2];
	[tilespmem:$0x1CBC0] =	vst v61  }
0x73: {  	[tilespmem:s23], [sflag:$0x3] =	stream.linear.gather [hbm4b:s15+s14], $0x80, $0x38;
	[tilespmem:$0x1CC80] =	vst v63  }
0x74: {  	_ =	swait.ge [sflag:s28], $0x80  }
0x75: {  	[sflag:s28] =	ssyncset.done $0x0  }
0x76: {  	[sflag:s28] =	ssyncadd.s32 $0xFFFFFF80  }
0x77: {  	[bflag:$0x0] =	sbarrier.arrive $0xFFFF  }
0x78: {  	v62 =	vld [tilespmem:$0x1CC60]  }
0x79: {  	v63 =	vld [tilespmem:$0x1CC70]  }
0x7a: {  	v28 =	vld [tilespmem:$0x1CC20]  }
0x7b: {  	v30 =	vld [tilespmem:$0x1CC30];
	_ =	sdelay $0x1  }
0x7c: {  	v41 =	vld [tilespmem:$0x1CC00];
	[tilespmem:$0x1FF80] =	vst v62  }
0x7d: {  	v42 =	vld [tilespmem:$0x1CC10];
	[tilespmem:$0x1FF90] =	vst v63  }
0x7e: {  	v36 =	vld [tilespmem:$0x1CC40];
	[tilespmem:$0x1FFA0] =	vst v28  }
0x7f: {  	v37 =	vld [tilespmem:$0x1CC50];
	[tilespmem:$0x1FFB0] =	vst v30  }
.LBB2_6:
0x80: {  	s15 =	sshll.u32 s14, $0x6  }
0x81: {  	s15 =	sadd.s32 s12, s15  }
0x82: {  	s15 =	sshrl.u32 s15, $0x3  }
0x83: {  	s16 =	sadd.s32 s0, s15  }
0x84: {  	[tilespmem:s30], [sflag:$0x3] =	stream.linear.gather [hbm4b:s16+s6], $0x40, $0x38;
	[tilespmem:$0x1CC80] =	vst v63  }
0x85: {  	_ =	swait.ge [sflag:s28], $0x40  }
0x86: {  	[sflag:s28] =	ssyncset.done $0x0  }
0x87: {  	s15 =	sadd.s32 s9, s15;
	[sflag:s28] =	ssyncadd.s32 $0xFFFFFFC0  }
0x88: {  	[tilespmem:s31], [sflag:$0x3] =	stream.linear.gather [hbm4b:s15+s6], $0x40, $0x38;
	[tilespmem:$0x1CC80] =	vst v63  }
0x89: {  	_ =	swait.ge [sflag:s28], $0x40  }
0x8a: {  	[sflag:s28] =	ssyncset.done $0x0  }
0x8b: {  	[sflag:s28] =	ssyncadd.s32 $0xFFFFFFC0  }
0x8c: {  	[tilespmem:s26], [sflag:$0x1] =	stream.indirect.gather [hbm4b:s7+s3], $0x80, s30, s3, $0xb8;
	[tilespmem:$0x1CC80] =	vst v63  }
0x8d: {  	_ = 	snop  }
0x8e: {  	[tilespmem:s1], [sflag:$0x2] =	stream.indirect.gather [hbm4b:s8+s3], $0x80, s31, s3, $0xb8;
	[tilespmem:$0x1CC80] =	vst v63  }
0x8f: {  	_ =	swait.ge [sflag:s29], $0x2000  }
0x90: {  	[sflag:s29] =	ssyncset.done $0x0  }
0x91: {  	[sflag:s29] =	ssyncadd.s32 $0xFFFFE000  }
0x92: {  	_ =	swait.ge [sflag:s5], $0x2000  }
0x93: {  	[sflag:s5] =	ssyncset.done $0x0  }
0x94: {  	s15 =	simm.s32 $0x14480;
	[sflag:s5] =	ssyncadd.s32 $0xFFFFE000  }
0x95: {  	v0 =	vld [tilespmem:s15+$0xE0];
	_ =	sdelay $0x4  }
0x96: {  	[tilespmem:$0x1FCB0] =	vst v0  }
0x97: {  	v12 =	vld [tilespmem:s15+$0xF0];
	_ =	sdelay $0x3  }
0x98: {  	s23 =	simm.s32 $0x16480  }
0x99: {  	v1 =	vld [tilespmem:s23+$0xE0];
	[tilespmem:$0x1FCC0] =	vst v12  }
0x9a: {  	v13 =	vld [tilespmem:s15+$0xC0];
	_ =	sdelay $0x4  }
0x9b: {  	v2 =	vld [tilespmem:s23+$0xF0];
	[tilespmem:$0x1FC90] =	vst v13  }
0x9c: {  	v14 =	vld [tilespmem:s15+$0xD0];
	_ =	sdelay $0x4  }
0x9d: {  	v3 =	vld [tilespmem:s23+$0xC0];
	[tilespmem:$0x1FCA0] =	vst v14  }
0x9e: {  	v16 =	vld [tilespmem:s15+$0xA0];
	_ =	sdelay $0x4  }
0x9f: {  	v4 =	vld [tilespmem:s23+$0xD0];
	[tilespmem:$0x1FC70] =	vst v16  }
0xa0: {  	v15 =	vld [tilespmem:s15+$0xB0];
	_ =	sdelay $0x4  }
0xa1: {  	v6 =	vld [tilespmem:s23+$0xA0];
	[tilespmem:$0x1FC80] =	vst v15  }
0xa2: {  	v5 =	vld [tilespmem:s15+$0x80];
	_ =	sdelay $0x4  }
0xa3: {  	v7 =	vld [tilespmem:s23+$0xB0];
	[tilespmem:$0x1FC50] =	vst v5  }
0xa4: {  	v17 =	vld [tilespmem:s15+$0x90];
	_ =	sdelay $0x4  }
0xa5: {  	v8 =	vld [tilespmem:s23+$0x80];
	[tilespmem:$0x1FC60] =	vst v17  }
0xa6: {  	v25 =	vld [tilespmem:s15+$0xFFFFFF10];
	_ =	sdelay $0x3  }
0xa7: {  	v9 =	vld [tilespmem:s23+$0x90]  }
0xa8: {  	v10 =	vld [tilespmem:s23+$0xFFFFFF00];
	[tilespmem:$0x1FD70] =	vst v25  }
0xa9: {  	v23 =	vld [tilespmem:s15+$0xFFFFFF80];
	_ =	sdelay $0x4  }
0xaa: {  	v11 =	vld [tilespmem:s23+$0xFFFFFF10];
	[tilespmem:$0x1FE20] =	vst v23  }
0xab: {  	v1 =	vadd.f32 v1, v0;
	v0 =	vld [tilespmem:s15+$0xFFFFFF90];
	_ =	sdelay $0x4  }
0xac: {  	v2 =	vadd.f32 v2, v12;
	v12 =	vld [tilespmem:s23+$0xFFFFFF80];
	[tilespmem:$0x1FE30] =	vst v0  }
0xad: {  	v24 =	vld [tilespmem:s15+$0xFFFFFF00]  }
0xae: {  	v3 =	vadd.f32 v3, v13;
	v13 =	vld [tilespmem:s23+$0xFFFFFF90]  }
0xaf: {  	v29 =	vld [tilespmem:s15+$0x0]  }
0xb0: {  	v6 =	vadd.f32 v6, v16;
	v16 =	vld [tilespmem:s23+$0x0]  }
0xb1: {  	v8 =	vadd.f32 v8, v5;
	v5 =	vld [tilespmem:s15+$0x10]  }
0xb2: {  	v21 =	vld [tilespmem:s23+$0x10];
	[tilespmem:$0x1FD60] =	vst v24  }
0xb3: {  	v27 =	vld [tilespmem:s15+$0xFFFFFF20];
	_ =	sdelay $0x4  }
0xb4: {  	[tilespmem:$0x1FD90] =	vst v27  }
0xb5: {  	v26 =	vld [tilespmem:s15+$0xFFFFFF30]  }
0xb6: {  	v9 =	vadd.f32 v9, v17;
	_ =	sdelay $0x1  }
0xb7: {  	v20 =	vmul.f32 $2.000000030e-01, v9  }
0xb8: {  	vm3 =	vge.f32 v6, $0.0e+00;
	v22 =	vmul.f32 $2.000000030e-01, v6;
	vm6 =	vge.f32 v9, $0.0e+00  }
0xb9: {  	v7 =	vadd.f32 v7, v15;
	v19 =	vmul.f32 $2.000000030e-01, v8;
	v9 =	vsel vm6, v9, v20;
	v20 =	vld [tilespmem:s23+$0xFFFFFF20];
	[tilespmem:$0x1FDA0] =	vst v26  }
0xba: {  	v6 =	vsel vm3, v6, v22;
	vm5 =	vge.f32 v8, $0.0e+00;
	v22 =	vld [tilespmem:s15+$0xFFFFFFA0]  }
0xbb: {  	v8 =	vsel vm5, v8, v19;
	v19 =	vmul.f32 $2.000000030e-01, v7  }
0xbc: {  	vm4 =	vge.f32 v7, $0.0e+00;
	v9 =	vmul.f32 v9, v42  }
0xbd: {  	v17 =	vmul.f32 $2.000000030e-01, v3;
	v7 =	vsel vm4, v7, v19  }
0xbe: {  	vm1 =	vge.f32 v3, $0.0e+00;
	v7 =	vmul.f32 v7, v30;
	v9 =	vadd.f32 $0.0e+00, v9  }
0xbf: {  	v4 =	vadd.f32 v4, v14;
	v3 =	vsel vm1, v3, v17;
	v17 =	vld [tilespmem:s23+$0xFFFFFF30];
	[tilespmem:$0x1FE40] =	vst v22  }
0xc0: {  	v8 =	vmul.f32 v8, v41;
	v7 =	vadd.f32 v7, v9;
	v9 =	vadd.f32 v10, v24;
	v24 =	vld [tilespmem:s15+$0xFFFFFFB0]  }
0xc1: {  	v35 =	vld [tilespmem:$0x1FF80];
	v18 =	vmul.f32 $2.000000030e-01, v4  }
0xc2: {  	vm2 =	vge.f32 v4, $0.0e+00;
	v6 =	vmul.f32 v6, v28;
	v8 =	vadd.f32 $0.0e+00, v8  }
0xc3: {  	vm0 =	vge.f32 v1, $0.0e+00;
	v14 =	vmul.f32 $2.000000030e-01, v1;
	v4 =	vsel vm2, v4, v18  }
0xc4: {  	v4 =	vmul.f32 v4, v37;
	v3 =	vmul.f32 v3, v36;
	v6 =	vadd.f32 v6, v8  }
0xc5: {  	v1 =	vsel vm0, v1, v14;
	v8 =	vld [tilespmem:s23+$0xFFFFFFA0];
	[tilespmem:$0x1FE50] =	vst v24  }
0xc6: {  	v1 =	vmul.f32 v1, v35;
	v3 =	vadd.f32 v3, v6;
	v4 =	vadd.f32 v4, v7;
	v7 =	vld [tilespmem:s23+$0xFFFFFFB0]  }
0xc7: {  	v11 =	vadd.f32 v11, v25;
	v25 =	vld [tilespmem:s15+$0x20]  }
0xc8: {  	v1 =	vadd.f32 v1, v3;
	v3 =	vld [tilespmem:s23+$0x20]  }
0xc9: {  	v13 =	vadd.f32 v13, v0;
	v0 =	vld [tilespmem:s15+$0x30];
	[tilespmem:$0x1FAF0] =	vst v5  }
0xca: {  	v12 =	vadd.f32 v12, v23;
	v23 =	vld [tilespmem:s15+$0xFFFFFF40];
	_ =	sdelay $0x1  }
0xcb: {  	v44 =	vld [tilespmem:$0x1FF90];
	_ =	sdelay $0x1  }
0xcc: {  	v15 =	vmul.f32 $2.000000030e-01, v2  }
0xcd: {  	vm11 =	vge.f32 v2, $0.0e+00;
	v18 =	vld [tilespmem:s23+$0x30];
	[tilespmem:$0x1FDB0] =	vst v23  }
0xce: {  	v2 =	vsel vm11, v2, v15;
	v17 =	vadd.f32 v17, v26;
	v26 =	vld [tilespmem:s15+$0xFFFFFF50]  }
0xcf: {  	v2 =	vmul.f32 v2, v44;
	_ =	sdelay $0x1  }
0xd0: {  	v2 =	vadd.f32 v2, v4;
	_ =	sdelay $0x1  }
0xd1: {  	v6 =	vadd.f32 v2, v1;
	v1 =	vadd.f32 v20, v27;
	v20 =	vld [tilespmem:s23+$0xFFFFFF40];
	[tilespmem:$0x1FDC0] =	vst v26  }
0xd2: {  	v27 =	vld [tilespmem:s15+$0xFFFFFFC0];
	_ =	sdelay $0x3  }
0xd3: {  	v8 =	vadd.f32 v8, v22;
	v22 =	vld [tilespmem:s23+$0xFFFFFF50];
	[tilespmem:$0x1FB00] =	vst v25  }
0xd4: {  	[tilespmem:$0x1FE60] =	vst v27  }
0xd5: {  	v31 =	vld [tilespmem:s15+$0xFFFFFFD0];
	_ =	sdelay $0x1  }
0xd6: {  	v4 =	vmul.f32 $2.000000030e-01, v11  }
0xd7: {  	vm13 =	vge.f32 v11, $0.0e+00  }
0xd8: {  	v4 =	vsel vm13, v11, v4;
	v11 =	vld [tilespmem:s23+$0xFFFFFFC0];
	[tilespmem:$0x1FB10] =	vst v0  }
0xd9: {  	v15 =	vmul.f32 $2.000000030e-01, v12;
	v10 =	vmul.f32 $2.000000030e-01, v9;
	[tilespmem:$0x1FE70] =	vst v31  }
0xda: {  	vm14 =	vge.f32 v12, $0.0e+00;
	vm12 =	vge.f32 v9, $0.0e+00;
	v32 =	vld [tilespmem:s15+$0xFFFFFF60]  }
0xdb: {  	v9 =	vsel vm12, v9, v10;
	v10 =	vsel vm14, v12, v15;
	v15 =	vadd.f32 v18, v0;
	v18 =	vld [tilespmem:s23+$0xFFFFFFD0]  }
0xdc: {  	v0 =	vld [tilespmem:s15+$0x40]  }
0xdd: {  	v7 =	vadd.f32 v7, v24;
	v24 =	vld [tilespmem:s23+$0x40]  }
0xde: {  	v59 =	vmov v29;
	v14 =	vadd.f32 v16, v29;
	v29 =	vld [tilespmem:s15+$0x50]  }
0xdf: {  	v22 =	vadd.f32 v22, v26;
	v26 =	vld [tilespmem:s23+$0x50];
	[tilespmem:$0x1FDE0] =	vst v32  }
0xe0: {  	v16 =	vadd.f32 v21, v5;
	v33 =	vld [tilespmem:s15+$0xFFFFFF70]  }
0xe1: {  	v2 =	vmul.f32 $2.000000030e-01, v13;
	v19 =	vmul.f32 $2.000000030e-01, v14  }
0xe2: {  	v21 =	vmul.f32 $2.000000030e-01, v16;
	vm15 =	vge.f32 v13, $0.0e+00;
	vm8 =	vge.f32 v14, $0.0e+00  }
0xe3: {  	vm9 =	vge.f32 v16, $0.0e+00;
	v2 =	vsel vm15, v13, v2;
	v12 =	vsel vm8, v14, v19  }
0xe4: {  	v14 =	vsel vm9, v16, v21;
	v13 =	vmul.f32 $2.000000030e-01, v1;
	v16 =	vmul.f32 $2.000000030e-01, v17  }
0xe5: {  	vm10 =	vge.f32 v1, $0.0e+00;
	vm11 =	vge.f32 v17, $0.0e+00;
	v11 =	vadd.f32 v11, v27;
	v27 =	vld [tilespmem:s23+$0xFFFFFF60];
	[tilespmem:$0x1FE10] =	vst v33  }
0xe6: {  	v16 =	vsel vm11, v17, v16;
	v3 =	vadd.f32 v3, v25;
	v25 =	vmul.f32 $2.000000030e-01, v15;
	v17 =	vld [tilespmem:s23+$0xFFFFFF70];
	[tilespmem:$0x1FB20] =	vst v0  }
0xe7: {  	v1 =	vsel vm10, v1, v13;
	vm15 =	vge.f32 v15, $0.0e+00;
	v13 =	vadd.f32 v18, v31;
	v31 =	vld [tilespmem:s15+$0xFFFFFFE0];
	[tilespmem:$0x1FB30] =	vst v29  }
0xe8: {  	v15 =	vsel vm15, v15, v25;
	v25 =	vld [tilespmem:s23+$0xFFFFFFE0]  }
0xe9: {  	v38 =	vld [tilespmem:s15+$0xFFFFFFF0]  }
0xea: {  	v39 =	vld [tilespmem:s15+$0x60]  }
0xeb: {  	v40 =	vld [tilespmem:s15+$0x70]  }
0xec: {  	v62 =	vld [tilespmem:s23+$0x60]  }
0xed: {  	v18 =	vadd.f32 v24, v0;
	v34 =	vld [tilespmem:s23+$0x70]  }
0xee: {  	v24 =	vadd.f32 v26, v29;
	v29 =	vadd.f32 v27, v32;
	v27 =	vmov v31;
	v31 =	vld [tilespmem:s23+$0xFFFFFFF0];
	[tilespmem:$0x1FB40] =	vst v38  }
0xef: {  	[tilespmem:$0x1FB50] =	vst v39  }
0xf0: {  	s16 =	simm.s32 $0x14680;
	[tilespmem:$0x1FB60] =	vst v40  }
0xf1: {  	v63 =	vld [tilespmem:s16+$0xE0]  }
0xf2: {  	v21 =	vmul.f32 $2.000000030e-01, v7  }
0xf3: {  	v2 =	vmul.f32 v2, v42;
	vm13 =	vge.f32 v7, $0.0e+00  }
0xf4: {  	v7 =	vsel vm13, v7, v21  }
0xf5: {  	v2 =	vadd.f32 $0.0e+00, v2;
	v7 =	vmul.f32 v7, v30  }
0xf6: {  	[tilespmem:$0x1FD40] =	vst v63  }
0xf7: {  	v2 =	vadd.f32 v7, v2;
	v7 =	vld [tilespmem:s16+$0xF0]  }
0xf8: {  	v19 =	vmul.f32 $2.000000030e-01, v8  }
0xf9: {  	v10 =	vmul.f32 v10, v41;
	vm12 =	vge.f32 v8, $0.0e+00  }
0xfa: {  	v8 =	vsel vm12, v8, v19;
	v26 =	vmul.f32 $2.000000030e-01, v13  }
0xfb: {  	s17 =	simm.s32 $0x16680;
	v10 =	vadd.f32 $0.0e+00, v10;
	v8 =	vmul.f32 v8, v28;
	vm11 =	vge.f32 v13, $0.0e+00  }
0xfc: {  	v13 =	vsel vm11, v13, v26;
	v26 =	vld [tilespmem:s17+$0xE0];
	[tilespmem:$0x1FD50] =	vst v7  }
0xfd: {  	v8 =	vadd.f32 v8, v10;
	v10 =	vld [tilespmem:s16+$0xC0];
	_ =	sdelay $0x2  }
0xfe: {  	v9 =	vmul.f32 v9, v41  }
0xff: {  	v4 =	vmul.f32 v4, v42  }
0x100: {  	v14 =	vmul.f32 v14, v42;
	v9 =	vadd.f32 $0.0e+00, v9;
	v1 =	vmul.f32 v1, v28;
	v43 =	vld [tilespmem:s17+$0xF0];
	[tilespmem:$0x1FD20] =	vst v10  }
0x101: {  	v4 =	vadd.f32 $0.0e+00, v4;
	v20 =	vadd.f32 v20, v23;
	v45 =	vld [tilespmem:s16+$0xD0]  }
0x102: {  	v14 =	vadd.f32 $0.0e+00, v14;
	v1 =	vadd.f32 v1, v9;
	v16 =	vmul.f32 v16, v30  }
0x103: {  	v19 =	vmul.f32 $2.000000030e-01, v20;
	v17 =	vadd.f32 v17, v33;
	v25 =	vadd.f32 v25, v27  }
0x104: {  	v16 =	vadd.f32 v16, v4;
	vm8 =	vge.f32 v20, $0.0e+00;
	v15 =	vmul.f32 v15, v30  }
0x105: {  	v19 =	vsel vm8, v20, v19;
	v9 =	vmul.f32 $2.000000030e-01, v17;
	v4 =	vmul.f32 $2.000000030e-01, v25  }
0x106: {  	v14 =	vadd.f32 v15, v14;
	vm15 =	vge.f32 v17, $0.0e+00;
	vm8 =	vge.f32 v25, $0.0e+00;
	v15 =	vld [tilespmem:s17+$0xC0];
	[tilespmem:$0x1FD30] =	vst v45  }
0x107: {  	v9 =	vsel vm15, v17, v9;
	v17 =	vsel vm8, v25, v4;
	v4 =	vld [tilespmem:s16+$0xA0];
	_ =	sdelay $0x1  }
0x108: {  	v12 =	vmul.f32 v12, v41;
	v0 =	vmul.f32 $2.000000030e-01, v18;
	v31 =	vadd.f32 v31, v38  }
0x109: {  	v23 =	vmul.f32 $2.000000030e-01, v3;
	v21 =	vmul.f32 $2.000000030e-01, v22;
	vm12 =	vge.f32 v18, $0.0e+00  }
0x10a: {  	vm9 =	vge.f32 v22, $0.0e+00;
	v18 =	vsel vm12, v18, v0;
	v0 =	vmul.f32 $2.000000030e-01, v31  }
0x10b: {  	vm14 =	vge.f32 v3, $0.0e+00;
	v20 =	vsel vm9, v22, v21;
	vm9 =	vge.f32 v31, $0.0e+00;
	v46 =	vld [tilespmem:s17+$0xD0];
	[tilespmem:$0x1FD00] =	vst v4  }
0x10c: {  	v3 =	vsel vm14, v3, v23;
	v25 =	vsel vm9, v31, v0;
	v0 =	vld [tilespmem:s16+$0xB0]  }
0x10d: {  	v12 =	vadd.f32 $0.0e+00, v12;
	v3 =	vmul.f32 v3, v28;
	v19 =	vmul.f32 v19, v36  }
0x10e: {  	v20 =	vmul.f32 v20, v37;
	v22 =	vadd.f32 v34, v40  }
0x10f: {  	v12 =	vadd.f32 v3, v12;
	v1 =	vadd.f32 v19, v1  }
0x110: {  	v16 =	vadd.f32 v20, v16;
	v23 =	vmul.f32 $2.000000030e-01, v11;
	v3 =	vmul.f32 $2.000000030e-01, v22  }
0x111: {  	vm10 =	vge.f32 v11, $0.0e+00;
	v61 =	vmul.f32 $2.000000030e-01, v24;
	vm11 =	vge.f32 v22, $0.0e+00;
	v19 =	vld [tilespmem:s17+$0xA0];
	[tilespmem:$0x1FD10] =	vst v0  }
0x112: {  	v11 =	vsel vm10, v11, v23;
	vm13 =	vge.f32 v24, $0.0e+00;
	v20 =	vsel vm11, v22, v3;
	v3 =	vld [tilespmem:s16+$0x80]  }
0x113: {  	v11 =	vmul.f32 v11, v36;
	v24 =	vsel vm13, v24, v61  }
0x114: {  	v13 =	vmul.f32 v13, v37;
	v24 =	vmul.f32 v24, v37  }
0x115: {  	v8 =	vadd.f32 v11, v8;
	v21 =	vadd.f32 v62, v39  }
0x116: {  	v11 =	vadd.f32 v13, v2;
	v14 =	vadd.f32 v24, v14;
	v23 =	vmul.f32 $2.000000030e-01, v29  }
0x117: {  	vm14 =	vge.f32 v29, $0.0e+00;
	v18 =	vmul.f32 v18, v36;
	v40 =	vmul.f32 $2.000000030e-01, v21;
	v13 =	vld [tilespmem:s17+$0xB0];
	[tilespmem:$0x1FCD0] =	vst v3  }
0x118: {  	v23 =	vsel vm14, v29, v23;
	vm10 =	vge.f32 v21, $0.0e+00;
	v9 =	vmul.f32 v9, v44;
	v2 =	vld [tilespmem:s16+$0x90]  }
0x119: {  	v12 =	vadd.f32 v18, v12;
	v21 =	vsel vm10, v21, v40;
	v22 =	vmul.f32 v23, v35  }
0x11a: {  	v17 =	vmul.f32 v17, v35;
	v21 =	vmul.f32 v21, v35;
	v9 =	vadd.f32 v9, v16  }
0x11b: {  	v16 =	vmul.f32 v20, v44;
	v18 =	vadd.f32 v22, v1;
	v22 =	vmul.f32 v25, v44  }
0x11c: {  	v8 =	vadd.f32 v17, v8;
	v12 =	vadd.f32 v21, v12;
	v23 =	vld [tilespmem:s17+$0x80]  }
0x11d: {  	v14 =	vadd.f32 v16, v14;
	v11 =	vadd.f32 v22, v11;
	[tilespmem:$0x1FCE0] =	vst v2  }
0x11e: {  	v9 =	vadd.f32 v9, v18;
	v18 =	vadd.f32 v26, v63;
	v17 =	vld [tilespmem:s17+$0x90]  }
0x11f: {  	v8 =	vadd.f32 v11, v8;
	v20 =	vadd.f32 v43, v7;
	v16 =	vld [tilespmem:s17+$0xFFFFFF00]  }
0x120: {  	v15 =	vadd.f32 v15, v10;
	v21 =	vadd.f32 v46, v45;
	v1 =	vld [tilespmem:s16+$0xFFFFFF10]  }
0x121: {  	vm6 =	vge.f32 v18, $0.0e+00;
	v19 =	vadd.f32 v19, v4;
	v23 =	vadd.f32 v23, v3;
	v22 =	vld [tilespmem:s17+$0xFFFFFF10]  }
0x122: {  	(xrf2) =	vadd.scan.msk.f32 $0xffff, v6;
	vm12 =	vge.f32 v15, $0.0e+00;
	v48 =	vmul.f32 $2.000000030e-01, v21;
	vm5 =	vge.f32 v21, $0.0e+00;
	v33 =	vld [tilespmem:s16+$0xFFFFFF80]  }
0x123: {  	(xrf2) =	vadd.scan.msk.f32 $0xffff, v9;
	v47 =	vmul.f32 $2.000000030e-01, v19;
	v6 =	vadd.f32 v13, v0;
	v9 =	vld [tilespmem:s17+$0xFFFFFF80];
	v24 =	vmul.f32 $2.000000030e-01, v23  }
0x124: {  	vm13 =	vge.f32 v19, $0.0e+00;
	v0 =	vld [tilespmem:s16+$0xFFFFFF90];
	vm14 =	vge.f32 v23, $0.0e+00;
	v13 =	vadd.f32 v17, v2  }
0x125: {  	v19 =	vsel vm13, v19, v47;
	v31 =	vld [tilespmem:s17+$0xFFFFFF90];
	v23 =	vsel vm14, v23, v24;
	v24 =	vmul.f32 $2.000000030e-01, v6  }
0x126: {  	vm4 =	vge.f32 v6, $0.0e+00;
	v25 =	vld [tilespmem:s16+$0x0];
	v17 =	vmul.f32 $2.000000030e-01, v18;
	v26 =	vmul.f32 $2.000000030e-01, v13  }
0x127: {  	v49 =	vld [tilespmem:s17+$0x10];
	v23 =	vmul.f32 v23, v41;
	v6 =	vsel vm4, v6, v24;
	vm15 =	vge.f32 v13, $0.0e+00  }
0x128: {  	v4 =	vld [tilespmem:s16+$0xFFFFFF20];
	v17 =	vsel vm6, v18, v17;
	v18 =	vmul.f32 v19, v28;
	v13 =	vsel vm15, v13, v26  }
0x129: {  	v50 =	vld [tilespmem:s17+$0xFFFFFF20];
	v19 =	vadd.f32 $0.0e+00, v23;
	v26 =	vmul.f32 $2.000000030e-01, v15;
	v13 =	vmul.f32 v13, v42  }
0x12a: {  	v21 =	vsel vm5, v21, v48;
	v10 =	vld [tilespmem:s16+$0xFFFFFF30];
	v9 =	vadd.f32 v9, v33;
	v6 =	vmul.f32 v6, v30  }
0x12b: {  	v3 =	vld [tilespmem:s16+$0xFFFFFFA0];
	v23 =	vmul.f32 $2.000000030e-01, v20;
	v15 =	vsel vm12, v15, v26;
	v13 =	vadd.f32 $0.0e+00, v13  }
0x12c: {  	vm7 =	vge.f32 v20, $0.0e+00;
	v2 =	vld [tilespmem:s16+$0xFFFFFF00];
	v18 =	vadd.f32 v18, v19;
	v15 =	vmul.f32 v15, v36  }
0x12d: {  	v7 =	vld [tilespmem:s16+$0xFFFFFFB0];
	vm10 =	vge.f32 v9, $0.0e+00;
	v19, _, _ =	vpop (xrf2);
	v6 =	vadd.f32 v6, v13;
	v13 =	vsel vm7, v20, v23  }
0x12e: {  	v24 =	vld [tilespmem:s17+$0x0];
	v20 =	vmul.f32 v21, v37;
	v21, _, _ =	vpop (xrf2);
	v15 =	vadd.f32 v15, v18;
	v18 =	vmul.f32 $1.442695020e+00, v19  }
0x12f: {  	v17 =	vmul.f32 v17, v35;
	v26 =	vld [tilespmem:s16+$0x10];
	v23 =	vadd.f32 v50, v4;
	v19 =	vmul.f32 $1.442695020e+00, v21  }
0x130: {  	v21 =	vld [tilespmem:s17+$0xFFFFFF30];
	v13 =	vmul.f32 v13, v44;
	v20 =	vadd.f32 v20, v6;
	v11 =	vbroadcast v18, $0xF  }
0x131: {  	v6 =	vadd.f32 v14, v12;
	v12 =	vld [tilespmem:s17+$0xFFFFFFA0];
	v14 =	vadd.f32 v17, v15;
	[tilespmem:$0x1FB70] =	vst v2;
	v15 =	vbroadcast v19, $0xF  }
0x132: {  	[tilespmem:$0x1FB80] =	vst v1;
	v19 =	vadd.f32 v31, v0;
	v13 =	vadd.f32 v13, v20;
	(erf) = vpow2.f32 v11  }
0x133: {  	v17 =	vld [tilespmem:s17+$0xFFFFFFB0];
	v11 =	vadd.f32 v16, v2;
	v16 =	vadd.f32 v22, v1;
	v20 =	vmul.f32 $2.000000030e-01, v9  }
0x134: {  	v29 =	vld [tilespmem:s16+$0x20];
	v22 =	vadd.f32 v49, v26;
	(erf) = vpow2.f32 v15;
	v13 =	vadd.f32 v13, v14  }
0x135: {  	v18 =	vld [tilespmem:s17+$0x20];
	[tilespmem:$0x1FB90] =	vst v0;
	vm8 =	vge.f32 v11, $0.0e+00;
	v14 =	vmul.f32 $2.000000030e-01, v11;
	v15 =	vmul.f32 $2.000000030e-01, v16  }
0x136: {  	v34 =	vld [tilespmem:s16+$0x30];
	vm9 =	vge.f32 v16, $0.0e+00;
	v9 =	vsel vm10, v9, v20;
	v20 =	vmul.f32 $2.000000030e-01, v19  }
0x137: {  	v63 =	vld [tilespmem:s16+$0xFFFFFF40];
	v11 =	vsel vm8, v11, v14;
	v14 =	vsel vm9, v16, v15;
	v16 =	vadd.f32 v24, v25  }
0x138: {  	v38 =	vmul.f32 $2.000000030e-01, v23;
	vm11 =	vge.f32 v19, $0.0e+00;
	v31 =	vmul.f32 $2.000000030e-01, v22;
	v15 =	vld [tilespmem:s17+$0x30];
	[tilespmem:$0x1FBA0] =	vst v4  }
0x139: {  	v19 =	vsel vm11, v19, v20;
	v20 =	vadd.f32 v21, v10;
	v24 =	vld [tilespmem:s17+$0xFFFFFF40];
	[tilespmem:$0x1FBB0] =	vst v10;
	v21 =	vmul.f32 $2.000000030e-01, v16  }
0x13a: {  	vm14 =	vge.f32 v23, $0.0e+00;
	vm13 =	vge.f32 v22, $0.0e+00;
	v0 =	vld [tilespmem:s16+$0xFFFFFF50];
	[tilespmem:$0x1FBC0] =	vst v3;
	vm12 =	vge.f32 v16, $0.0e+00  }
0x13b: {  	v1 =	vld [tilespmem:s16+$0xFFFFFFC0];
	v16 =	vsel vm12, v16, v21;
	v21 =	vsel vm13, v22, v31;
	v31 =	vmul.f32 $2.000000030e-01, v20  }
0x13c: {  	v22 =	vsel vm14, v23, v38;
	v23 =	vld [tilespmem:s17+$0xFFFFFFC0]  }
0x13d: {  	v51 =	vld [tilespmem:s17+$0xFFFFFF50];
	[tilespmem:$0x1FBD0] =	vst v7  }
0x13e: {  	vm15 =	vge.f32 v20, $0.0e+00;
	v2 =	vld [tilespmem:s16+$0xFFFFFFD0]  }
0x13f: {  	v20 =	vsel vm15, v20, v31;
	v31 =	vmov v0;
	v0 =	vld [tilespmem:s16+$0x40]  }
0x140: {  	v12 =	vadd.f32 v12, v3;
	v17 =	vadd.f32 v17, v7;
	v32 =	vmov v1  }
0x141: {  	v9 =	vmul.f32 v9, v41;
	v18 =	vadd.f32 v18, v29;
	v53 =	vld [tilespmem:s17+$0xFFFFFFD0];
	v23 =	vadd.f32 v23, v32  }
0x142: {  	v52 =	vmul.f32 $2.000000030e-01, v12;
	vm4 =	vge.f32 v12, $0.0e+00;
	v11 =	vmul.f32 v11, v41;
	v45 =	vld [tilespmem:s17+$0x40]  }
0x143: {  	v14 =	vmul.f32 v14, v42;
	v15 =	vadd.f32 v15, v34;
	v1 =	vld [tilespmem:s16+$0x50];
	[tilespmem:$0x1FBE0] =	vst v2;
	v47 =	vmul.f32 $2.000000030e-01, v23  }
0x144: {  	v19 =	vmul.f32 v19, v42;
	v9 =	vadd.f32 $0.0e+00, v9;
	v58 =	vld [tilespmem:s17+$0x50];
	vm10 =	vge.f32 v23, $0.0e+00;
	[tilespmem:$0x1FBF0] =	vst v0  }
0x145: {  	v54 =	vmul.f32 $2.000000030e-01, v17;
	v46 =	vmul.f32 $2.000000030e-01, v15;
	v23 =	vsel vm10, v23, v47;
	v47 =	vld [tilespmem:s16+$0xFFFFFF60]  }
0x146: {  	v55 =	vmul.f32 $2.000000030e-01, v18;
	vm5 =	vge.f32 v17, $0.0e+00;
	vm7 =	vge.f32 v15, $0.0e+00;
	v50 =	vld [tilespmem:s17+$0xFFFFFF60]  }
0x147: {  	vm6 =	vge.f32 v18, $0.0e+00;
	v12 =	vsel vm4, v12, v52;
	v15 =	vsel vm7, v15, v46;
	v46 =	vld [tilespmem:s16+$0xFFFFFF70]  }
0x148: {  	v11 =	vadd.f32 $0.0e+00, v11;
	v14 =	vadd.f32 $0.0e+00, v14;
	v22 =	vmul.f32 v22, v28;
	v52 =	vld [tilespmem:s17+$0xFFFFFF70]  }
0x149: {  	v19 =	vadd.f32 $0.0e+00, v19;
	v17 =	vsel vm5, v17, v54;
	v60 =	vadd.f32 v45, v0;
	v0 =	vld [tilespmem:s16+$0xFFFFFFE0]  }
0x14a: {  	v12 =	vmul.f32 v12, v28;
	v20 =	vmul.f32 v20, v30;
	v11 =	vadd.f32 v22, v11;
	v22 =	vld [tilespmem:s17+$0xFFFFFFE0]  }
0x14b: {  	v18 =	vsel vm6, v18, v55;
	v17 =	vmul.f32 v17, v30;
	v39 =	vadd.f32 v53, v2;
	v40 =	vld [tilespmem:s16+$0xFFFFFFF0]  }
0x14c: {  	v9 =	vadd.f32 v12, v9;
	v12 =	vmul.f32 v21, v42;
	v14 =	vadd.f32 v20, v14;
	v20 =	vld [tilespmem:s17+$0xFFFFFFF0]  }
0x14d: {  	(xrf2) =	vadd.scan.msk.f32 $0xffff, v8;
	v8 =	vadd.f32 v17, v19;
	v56 =	vadd.f32 v51, v31;
	v48 =	vmul.f32 $2.000000030e-01, v39;
	v38 =	vld [tilespmem:s16+$0x60]  }
0x14e: {  	(xrf2) =	vadd.scan.msk.f32 $0xffff, v6;
	v17 =	vmul.f32 v18, v28;
	v6 =	vadd.f32 $0.0e+00, v12;
	vm11 =	vge.f32 v39, $0.0e+00;
	v18 =	vld [tilespmem:s17+$0x60]  }
0x14f: {  	v61 =	vmul.f32 $2.000000030e-01, v56;
	v48 =	vsel vm11, v39, v48;
	v39 =	vld [tilespmem:s16+$0x70];
	v43 =	vadd.f32 v58, v1;
	[tilespmem:$0x1FC00] =	vst v0  }
0x150: {  	vm9 =	vge.f32 v56, $0.0e+00;
	v21 =	vadd.f32 v50, v47;
	v19 =	vadd.f32 v22, v0;
	v22 =	vld [tilespmem:s17+$0x70];
	s17 =	simm.s32 $0x14880  }
0x151: {  	v12 =	vmul.f32 v15, v30;
	v49 =	vsel vm9, v56, v61;
	v56 =	vmul.f32 $2.000000030e-01, v43;
	v3 =	vld [tilespmem:s17+$0xA0]  }
0x152: {  	vm13 =	vge.f32 v43, $0.0e+00;
	v15 =	vmul.f32 $2.000000030e-01, v21  }
0x153: {  	v6 =	vadd.f32 v12, v6;
	v53 =	vsel vm13, v43, v56;
	vm14 =	vge.f32 v21, $0.0e+00  }
0x154: {  	v43 =	vld [tilespmem:s17+$0xC0];
	v12 =	vsel vm14, v21, v15;
	v15 =	vadd.f32 v20, v40;
	v20 =	vmul.f32 $2.000000030e-01, v19  }
0x155: {  	s18 =	simm.s32 $0x16880;
	vm4 =	vge.f32 v19, $0.0e+00;
	v58 =	vld [tilespmem:s17+$0xD0]  }
0x156: {  	v20 =	vsel vm4, v19, v20;
	v19 =	vadd.f32 v22, v39;
	v22 =	vld [tilespmem:s18+$0xC0];
	[tilespmem:$0x1FEB0] =	vst v3  }
0x157: {  	v45 =	vmov v1;
	v1 =	vld [tilespmem:s17+$0x80]  }
0x158: {  	v16 =	vmul.f32 v16, v41;
	v24 =	vadd.f32 v24, v63;
	_ =	sdelay $0x1  }
0x159: {  	v16 =	vadd.f32 $0.0e+00, v16;
	v57 =	vmul.f32 $2.000000030e-01, v24  }
0x15a: {  	(xrf2) =	vadd.scan.msk.f32 $0xffff, v13;
	vm8 =	vge.f32 v24, $0.0e+00;
	v13 =	vadd.f32 v52, v46  }
0x15b: {  	v16 =	vadd.f32 v17, v16;
	v24 =	vsel vm8, v24, v57;
	v62 =	vmul.f32 $2.000000030e-01, v60;
	v57 =	vld [tilespmem:s18+$0xA0];
	[tilespmem:$0x1FE90] =	vst v1  }
0x15c: {  	vm12 =	vge.f32 v60, $0.0e+00;
	v18 =	vadd.f32 v18, v38;
	v17 =	vmul.f32 $2.000000030e-01, v13;
	v0 =	vld [tilespmem:s17+$0xB0]  }
0x15d: {  	v51 =	vsel vm12, v60, v62;
	vm15 =	vge.f32 v13, $0.0e+00  }
0x15e: {  	vm6 =	vge.f32 v18, $0.0e+00;
	v13 =	vsel vm15, v13, v17;
	v17 =	vmul.f32 $2.000000030e-01, v15  }
0x15f: {  	v60 =	vmul.f32 v53, v37;
	v21 =	vmul.f32 $2.000000030e-01, v18;
	vm5 =	vge.f32 v15, $0.0e+00  }
0x160: {  	v12 =	vmul.f32 v12, v35;
	v15 =	vsel vm5, v15, v17;
	v17 =	vmul.f32 v24, v36  }
0x161: {  	v13 =	vmul.f32 v13, v44;
	v18 =	vsel vm6, v18, v21;
	v21 =	vmul.f32 v49, v37;
	v62 =	vld [tilespmem:s18+$0x80];
	[tilespmem:$0x1FED0] =	vst v0  }
0x162: {  	v24 =	vmul.f32 $2.000000030e-01, v19;
	v11 =	vadd.f32 v17, v11;
	v17 =	vmul.f32 v23, v36;
	v23, _, _ =	vpop (xrf2);
	v2 =	vld [tilespmem:s17+$0x90]  }
0x163: {  	v20 =	vmul.f32 v20, v35;
	vm7 =	vge.f32 v19, $0.0e+00;
	v21 =	vadd.f32 v21, v14;
	v54, _, _ =	vpop (xrf2)  }
0x164: {  	v18 =	vmul.f32 v18, v35;
	v24 =	vsel vm7, v19, v24;
	v9 =	vadd.f32 v17, v9;
	v61, _, _ =	vpop (xrf2)  }
0x165: {  	v19 =	vmul.f32 v48, v37;
	v13 =	vadd.f32 v13, v21;
	v50 =	vmul.f32 $1.442695020e+00, v61  }
0x166: {  	v17 =	vmul.f32 v51, v36;
	v11 =	vadd.f32 v12, v11;
	v9 =	vadd.f32 v20, v9  }
0x167: {  	v20 =	vmul.f32 v24, v44;
	v12 =	vbroadcast v50, $0xF;
	v24 =	vadd.f32 v62, v1;
	[tilespmem:$0x1FEA0] =	vst v2  }
0x168: {  	v15 =	vmul.f32 v15, v44;
	v8 =	vadd.f32 v19, v8;
	v16 =	vadd.f32 v17, v16;
	v1 =	vld [tilespmem:s17+$0xE0]  }
0x169: {  	v11 =	vadd.f32 v13, v11;
	(erf) = vpow2.f32 v12;
	v13 =	vmul.f32 $2.000000030e-01, v24;
	v53 =	vld [tilespmem:s18+$0x90]  }
0x16a: {  	v12 =	vadd.f32 v18, v16;
	v16 =	vadd.f32 v57, v3;
	vm8 =	vge.f32 v24, $0.0e+00;
	v21 =	vld [tilespmem:s18+$0xB0]  }
0x16b: {  	v6 =	vadd.f32 v60, v6;
	v22 =	vadd.f32 v22, v43;
	v13 =	vsel vm8, v24, v13;
	v55 =	vld [tilespmem:s18+$0xD0]  }
0x16c: {  	v8 =	vadd.f32 v15, v8;
	v60 =	vmul.f32 $2.000000030e-01, v16;
	v13 =	vmul.f32 v13, v41  }
0x16d: {  	vm12 =	vge.f32 v22, $0.0e+00;
	v6 =	vadd.f32 v20, v6;
	vm9 =	vge.f32 v16, $0.0e+00;
	[tilespmem:$0x1FEE0] =	vst v1  }
0x16e: {  	v8 =	vadd.f32 v8, v9;
	v16 =	vsel vm9, v16, v60;
	v13 =	vadd.f32 $0.0e+00, v13;
	v24 =	vld [tilespmem:s18+$0xE0]  }
0x16f: {  	v16 =	vmul.f32 v16, v28;
	v20 =	vadd.f32 v53, v2;
	v21 =	vadd.f32 v21, v0;
	v62 =	vld [tilespmem:s17+$0xF0]  }
0x170: {  	v9 =	vmul.f32 $1.442695020e+00, v54;
	v6 =	vadd.f32 v6, v12;
	v48 =	vadd.f32 v55, v58;
	v61 =	vld [tilespmem:s18+$0xF0]  }
0x171: {  	v13 =	vadd.f32 v16, v13;
	v53 =	vld [tilespmem:s18+$0xFFFFFF00];
	v56 =	vmul.f32 $2.000000030e-01, v20;
	v57 =	vmul.f32 $2.000000030e-01, v21  }
0x172: {  	(xrf2) =	vadd.scan.msk.f32 $0xffff, v11;
	v52 =	vld [tilespmem:s17+$0xFFFFFF10];
	vm10 =	vge.f32 v20, $0.0e+00;
	vm11 =	vge.f32 v21, $0.0e+00;
	v60 =	vmul.f32 $2.000000030e-01, v48  }
0x173: {  	v55 =	vld [tilespmem:s18+$0xFFFFFF10];
	v20 =	vsel vm10, v20, v56;
	v11 =	vsel vm11, v21, v57;
	v21 =	vmul.f32 $2.000000030e-01, v22  }
0x174: {  	v49 =	vld [tilespmem:s17+$0xFFFFFF90];
	vm13 =	vge.f32 v48, $0.0e+00;
	v20 =	vmul.f32 v20, v42;
	v11 =	vmul.f32 v11, v30  }
0x175: {  	v50 =	vld [tilespmem:s17+$0x0];
	v24 =	vadd.f32 v24, v1;
	v21 =	vsel vm12, v22, v21;
	v51 =	vadd.f32 v61, v62  }
0x176: {  	v0 =	vld [tilespmem:s17+$0xFFFFFF00];
	v22 =	vsel vm13, v48, v60;
	v20 =	vadd.f32 $0.0e+00, v20;
	v16 =	vmul.f32 v21, v36  }
0x177: {  	v12 =	vld [tilespmem:s18+$0xFFFFFF20];
	v61 =	vmul.f32 $2.000000030e-01, v24;
	vm14 =	vge.f32 v24, $0.0e+00;
	v21 =	vmul.f32 $2.000000030e-01, v51  }
0x178: {  	v56 =	vld [tilespmem:s18+$0xFFFFFF80];
	vm15 =	vge.f32 v51, $0.0e+00;
	v11 =	vadd.f32 v11, v20;
	v20 =	vmul.f32 v22, v37  }
0x179: {  	v48 =	vld [tilespmem:s17+$0xFFFFFF80];
	v13 =	vadd.f32 v16, v13;
	v16 =	vmul.f32 $1.442695020e+00, v23;
	v24 =	vsel vm14, v24, v61  }
0x17a: {  	v57 =	vld [tilespmem:s18+$0xFFFFFF90];
	v21 =	vsel vm15, v51, v21;
	v11 =	vadd.f32 v20, v11;
	v20 =	vmul.f32 v24, v35  }
0x17b: {  	(xrf2) =	vadd.scan.msk.f32 $0xffff, v8;
	v1 =	vld [tilespmem:s17+$0xFFFFFF20];
	v21 =	vmul.f32 v21, v44;
	v16 =	vbroadcast v16, $0xF  }
0x17c: {  	v9 =	vbroadcast v9, $0xF;
	(xrf2) =	vadd.scan.msk.f32 $0xffff, v6;
	v6 =	vadd.f32 v55, v52;
	v22 =	vld [tilespmem:s18+$0x0];
	v23, _, _ =	vpop (xrf2);
	v13 =	vadd.f32 v20, v13  }
0x17d: {  	v51 =	vld [tilespmem:s17+$0x10];
	v11 =	vadd.f32 v21, v11;
	v20 =	vmul.f32 $1.442695020e+00, v23;
	(erf) = vpow2.f32 v16  }
0x17e: {  	vm5 =	vge.f32 v6, $0.0e+00;
	v24 =	vld [tilespmem:s18+$0x10];
	[tilespmem:$0x1FC10] =	vst v0;
	(erf) = vpow2.f32 v9;
	v9 =	vadd.f32 v56, v48  }
0x17f: {  	v61 =	vld [tilespmem:s17+$0xFFFFFF30];
	v8 =	vadd.f32 v11, v13;
	v11 =	vbroadcast v20, $0xF;
	v13 =	vadd.f32 v53, v0  }
0x180: {  	v16 =	vld [tilespmem:s18+$0xFFFFFF30];
	v21 =	vmul.f32 $2.000000030e-01, v6;
	v23 =	vmul.f32 $2.000000030e-01, v9;
	vm6 =	vge.f32 v9, $0.0e+00  }
0x181: {  	v53 =	vld [tilespmem:s17+$0xFFFFFFA0];
	(erf) = vpow2.f32 v11;
	(xrf2) =	vadd.scan.msk.f32 $0xffff, v8;
	v8 =	vmul.f32 $2.000000030e-01, v13;
	v11 =	vadd.f32 v57, v49  }
0x182: {  	v22 =	vadd.f32 v22, v50;
	v20 =	vld [tilespmem:s18+$0xFFFFFFA0];
	vm4 =	vge.f32 v13, $0.0e+00;
	v2 =	vsel vm6, v9, v23  }
0x183: {  	v0 =	vld [tilespmem:s17+$0xFFFFFFB0];
	v17 =	vsel vm4, v13, v8;
	[tilespmem:$0x1FD80] =	vst v2;
	v8 =	vadd.f32 v24, v51;
	v9 =	vmul.f32 $2.000000030e-01, v11  }
0x184: {  	v21 =	vsel vm5, v6, v21;
	v24 =	vmul.f32 $2.000000030e-01, v22;
	vm7 =	vge.f32 v11, $0.0e+00;
	v6 =	vld [tilespmem:s18+$0xFFFFFFB0]  }
0x185: {  	vm8 =	vge.f32 v22, $0.0e+00;
	v54 =	vld [tilespmem:s17+$0x20];
	[tilespmem:$0x1FC20] =	vst v1;
	v23 =	vsel vm7, v11, v9;
	v11 =	vmul.f32 $2.000000030e-01, v8  }
0x186: {  	v12 =	vadd.f32 v12, v1;
	v57 =	vld [tilespmem:s18+$0x20];
	v1 =	vsel vm8, v22, v24;
	vm9 =	vge.f32 v8, $0.0e+00  }
0x187: {  	[tilespmem:$0x1FDD0] =	vst v1;
	v1 =	vsel vm9, v8, v11;
	_ =	sdelay $0x1  }
0x188: {  	v4 =	vld [tilespmem:s17+$0x30]  }
0x189: {  	v24 =	vmul.f32 $2.000000030e-01, v12;
	v22 =	vld [tilespmem:s18+$0x30];
	v11 =	vadd.f32 v20, v53;
	[tilespmem:$0x1FDF0] =	vst v1;
	v1, _, _ =	vpop (xrf2)  }
0x18a: {  	vm10 =	vge.f32 v12, $0.0e+00;
	v57 =	vadd.f32 v57, v54;
	[tilespmem:$0x1FF50] =	vst v1;
	v56, _, _ =	vpop (xrf2)  }
0x18b: {  	v24 =	vsel vm10, v12, v24;
	v12 =	vadd.f32 v6, v0;
	v1 =	vmul.f32 $2.000000030e-01, v11;
	v55 =	vld [tilespmem:s17+$0xFFFFFF40];
	[tilespmem:$0x1FC30] =	vst v0;
	v0, _, _ =	vpop (xrf2)  }
0x18c: {  	v2 =	vmul.f32 $1.442695020e+00, v0;
	v0 =	vmul.f32 $2.000000030e-01, v57  }
0x18d: {  	v16 =	vadd.f32 v16, v61;
	vm12 =	vge.f32 v11, $0.0e+00;
	vm14 =	vge.f32 v57, $0.0e+00;
	v20 =	vld [tilespmem:s18+$0xFFFFFF40]  }
0x18e: {  	v15 =	vsel vm12, v11, v1;
	v1 =	vld [tilespmem:$0x1FC50];
	v19 =	vsel vm14, v57, v0;
	v0 =	vbroadcast v2, $0xF  }
0x18f: {  	v60 =	vmul.f32 $2.000000030e-01, v16;
	v6 =	vld [tilespmem:s17+$0xFFFFFF50]  }
0x190: {  	v11 =	vmul.f32 $2.000000030e-01, v12;
	v2 =	vpop (erf);
	(erf) = vpow2.f32 v0;
	v0 =	vld [tilespmem:$0x1FC60]  }
0x191: {  	vm11 =	vge.f32 v16, $0.0e+00;
	vm13 =	vge.f32 v12, $0.0e+00;
	v22 =	vadd.f32 v22, v4;
	v3 =	vld [tilespmem:s18+$0xFFFFFF50]  }
0x192: {  	v16 =	vsel vm11, v16, v60;
	v60 =	vld [tilespmem:s17+$0xFFFFFFC0];
	[tilespmem:$0x1FC40] =	vst v4;
	v14 =	vsel vm13, v12, v11  }
0x193: {  	v7 =	vld [tilespmem:s18+$0xFFFFFFC0];
	v4 =	vmul.f32 v2, v1;
	v11 =	vadd.f32 v20, v55;
	v20 =	vmul.f32 $2.000000030e-01, v22  }
0x194: {  	v5 =	vld [tilespmem:s17+$0xFFFFFFD0];
	vm15 =	vge.f32 v22, $0.0e+00  }
0x195: {  	v12 =	vld [tilespmem:s18+$0xFFFFFFD0];
	[tilespmem:s15+$0x80] =	vst v4;
	v1 =	vmul.f32 v2, v0;
	v0 =	vsel vm15, v22, v20  }
0x196: {  	[tilespmem:$0x1FE00] =	vst v0;
	v0 =	vld [tilespmem:$0x1FC70];
	_ =	sdelay $0x4  }
0x197: {  	v4 =	vmul.f32 v2, v0  }
0x198: {  	[tilespmem:s15+$0x90] =	vst v1  }
0x199: {  	v1 =	vld [tilespmem:$0x1FC80];
	[tilespmem:s15+$0xA0] =	vst v4  }
0x19a: {  	v4 =	vld [tilespmem:$0x1FC90];
	_ =	sdelay $0x2  }
0x19b: {  	v20 =	vmul.f32 $2.000000030e-01, v11  }
0x19c: {  	vm4 =	vge.f32 v11, $0.0e+00;
	v1 =	vmul.f32 v2, v1  }
0x19d: {  	v57 =	vsel vm4, v11, v20;
	v11 =	vmul.f32 v2, v4  }
0x19e: {  	v4 =	vld [tilespmem:$0x1FCA0];
	[tilespmem:s15+$0xB0] =	vst v1  }
0x19f: {  	[tilespmem:s15+$0xC0] =	vst v11  }
0x1a0: {  	v1 =	vld [tilespmem:$0x1FCB0];
	_ =	sdelay $0x4  }
0x1a1: {  	v9 =	vmul.f32 v2, v4;
	v4 =	vmul.f32 v2, v1;
	v1 =	vld [tilespmem:$0x1FCC0]  }
0x1a2: {  	v3 =	vadd.f32 v3, v6;
	_ =	sdelay $0x1  }
0x1a3: {  	v8 =	vadd.f32 v7, v60;
	v7 =	vadd.f32 v12, v5;
	v12 =	vmul.f32 $2.000000030e-01, v3;
	v22 =	vld [tilespmem:s18+$0x40]  }
0x1a4: {  	vm5 =	vge.f32 v3, $0.0e+00;
	v18 =	vld [tilespmem:s17+$0x50]  }
0x1a5: {  	v13 =	vld [tilespmem:s18+$0x50];
	[tilespmem:s15+$0xD0] =	vst v9;
	v10 =	vmul.f32 v2, v1;
	v1 =	vsel vm5, v3, v12  }
0x1a6: {  	v0 =	vld [tilespmem:s17+$0x40];
	v12 =	vmul.f32 $2.000000030e-01, v7;
	[tilespmem:$0x1FEC0] =	vst v1  }
0x1a7: {  	vm7 =	vge.f32 v7, $0.0e+00;
	[tilespmem:s15+$0xE0] =	vst v4  }
0x1a8: {  	[tilespmem:s15+$0xF0] =	vst v10;
	v7 =	vsel vm7, v7, v12  }
0x1a9: {  	[tilespmem:$0x1FF00] =	vst v7;
	v7 =	vld [tilespmem:$0x1FCD0]  }
0x1aa: {  	v9 =	vmul.f32 $2.000000030e-01, v8  }
0x1ab: {  	vm6 =	vge.f32 v8, $0.0e+00  }
0x1ac: {  	v8 =	vsel vm6, v8, v9;
	v3 =	vpop (erf)  }
0x1ad: {  	s20 =	simm.s32 $0x18480;
	v1 =	vpop (erf);
	[tilespmem:$0x1FEF0] =	vst v8  }
0x1ae: {  	[tilespmem:s20+$0x80] =	vst v2;
	v7 =	vmul.f32 v1, v7  }
0x1af: {  	v2 =	vld [tilespmem:$0x1FCE0];
	[tilespmem:$0x1FCF0] =	vst v18  }
0x1b0: {  	v4 =	vadd.f32 v22, v0;
	[tilespmem:s16+$0x80] =	vst v7  }
0x1b1: {  	v7 =	vld [tilespmem:$0x1FD00]  }
0x1b2: {  	v9 =	vmul.f32 $2.000000030e-01, v4  }
0x1b3: {  	vm8 =	vge.f32 v4, $0.0e+00  }
0x1b4: {  	v4 =	vsel vm8, v4, v9;
	v2 =	vmul.f32 v1, v2;
	v10 =	vld [tilespmem:$0x1FD10]  }
0x1b5: {  	[tilespmem:$0x1FF10] =	vst v4  }
0x1b6: {  	[tilespmem:s16+$0x90] =	vst v2;
	v7 =	vmul.f32 v1, v7  }
0x1b7: {  	v8 =	vadd.f32 v13, v18;
	v2 =	vld [tilespmem:$0x1FD20]  }
0x1b8: {  	[tilespmem:s16+$0xA0] =	vst v7  }
0x1b9: {  	v4 =	vmul.f32 $2.000000030e-01, v8;
	v10 =	vmul.f32 v1, v10;
	v7 =	vld [tilespmem:$0x1FD30]  }
0x1ba: {  	vm9 =	vge.f32 v8, $0.0e+00  }
0x1bb: {  	v4 =	vsel vm9, v8, v4;
	[tilespmem:s16+$0xB0] =	vst v10  }
0x1bc: {  	v2 =	vmul.f32 v1, v2;
	[tilespmem:$0x1FF30] =	vst v4;
	v4 =	vld [tilespmem:$0x1FD40];
	_ =	sdelay $0x1  }
0x1bd: {  	[tilespmem:s16+$0xC0] =	vst v2;
	v7 =	vmul.f32 v1, v7  }
0x1be: {  	v2 =	vld [tilespmem:$0x1FD50]  }
0x1bf: {  	v9 =	vmul.f32 v17, v41;
	[tilespmem:s16+$0xD0] =	vst v7  }
0x1c0: {  	v4 =	vmul.f32 v1, v4;
	v7 =	vld [tilespmem:$0x1FD60]  }
0x1c1: {  	v13 =	vmul.f32 v24, v28;
	v9 =	vadd.f32 $0.0e+00, v9  }
0x1c2: {  	[tilespmem:s16+$0xE0] =	vst v4  }
0x1c3: {  	v22 =	vadd.f32 v13, v9;
	v2 =	vmul.f32 v1, v2;
	v9 =	vld [tilespmem:$0x1FD80];
	_ =	sdelay $0x1  }
0x1c4: {  	s19 =	simm.s32 $0x18680;
	v4 =	vld [tilespmem:$0x1FD70];
	[tilespmem:s16+$0xF0] =	vst v2;
	v7 =	vmul.f32 v3, v7  }
0x1c5: {  	v2 =	vld [tilespmem:$0x1FD90];
	[tilespmem:s19+$0x80] =	vst v1  }
0x1c6: {  	v1 =	vld [tilespmem:$0x1FDA0];
	[tilespmem:s15+$0xFFFFFF00] =	vst v7  }
0x1c7: {  	v8 =	vmul.f32 v21, v42;
	v9 =	vmul.f32 v9, v41;
	v7 =	vld [tilespmem:$0x1FDB0]  }
0x1c8: {  	v16 =	vmul.f32 v16, v30;
	v15 =	vmul.f32 v15, v28;
	v10 =	vld [tilespmem:s17+$0xFFFFFF60]  }
0x1c9: {  	v8 =	vadd.f32 $0.0e+00, v8;
	v24 =	vld [tilespmem:s18+$0xFFFFFF60];
	v4 =	vmul.f32 v3, v4;
	v9 =	vadd.f32 $0.0e+00, v9  }
0x1ca: {  	v13 =	vld [tilespmem:s17+$0xFFFFFF70]  }
0x1cb: {  	v20 =	vadd.f32 v16, v8;
	v8 =	vmul.f32 v23, v42;
	v23 =	vld [tilespmem:s18+$0xFFFFFF70];
	[tilespmem:s15+$0xFFFFFF10] =	vst v4;
	v4 =	vadd.f32 v15, v9  }
0x1cc: {  	v11 =	vmul.f32 v3, v7;
	v7 =	vld [tilespmem:s17+$0xFFFFFFE0]  }
0x1cd: {  	[tilespmem:$0x1FF20] =	vst v4;
	v4 =	vld [tilespmem:$0x1FDC0];
	_ =	sdelay $0x2  }
0x1ce: {  	v14 =	vmul.f32 v14, v30;
	v8 =	vadd.f32 $0.0e+00, v8;
	v2 =	vmul.f32 v3, v2;
	_ =	sdelay $0x1  }
0x1cf: {  	v12 =	vmul.f32 v3, v4;
	v4 =	vld [tilespmem:$0x1FDD0];
	[tilespmem:s15+$0xFFFFFF20] =	vst v2;
	v2 =	vadd.f32 v14, v8  }
0x1d0: {  	v17 =	vld [tilespmem:s18+$0xFFFFFFE0]  }
0x1d1: {  	[tilespmem:$0x1FF40] =	vst v2;
	v2 =	vld [tilespmem:$0x1FDE0];
	_ =	sdelay $0x4  }
0x1d2: {  	v14 =	vmul.f32 v3, v2;
	v2 =	vld [tilespmem:$0x1FDF0];
	_ =	sdelay $0x2  }
0x1d3: {  	v1 =	vmul.f32 v3, v1;
	_ =	sdelay $0x1  }
0x1d4: {  	[tilespmem:s15+$0xFFFFFF30] =	vst v1;
	v2 =	vmul.f32 v2, v42  }
0x1d5: {  	[tilespmem:s15+$0xFFFFFF40] =	vst v11  }
0x1d6: {  	v11 =	vadd.f32 v23, v13;
	v23 =	vadd.f32 $0.0e+00, v2;
	v2 =	vld [tilespmem:$0x1FE00];
	_ =	sdelay $0x3  }
0x1d7: {  	[tilespmem:s15+$0xFFFFFF50] =	vst v12  }
0x1d8: {  	v9 =	vmul.f32 v2, v30;
	v2 =	vld [tilespmem:$0x1FE10];
	_ =	sdelay $0x4  }
0x1d9: {  	v1 =	vadd.f32 v24, v10;
	v12 =	vmul.f32 v3, v2  }
0x1da: {  	v2 =	vld [tilespmem:$0x1FE20];
	[tilespmem:s15+$0xFFFFFF60] =	vst v14  }
0x1db: {  	v30 =	vadd.f32 v9, v23;
	v9 =	vmul.f32 $2.000000030e-01, v1;
	[tilespmem:s15+$0xFFFFFF70] =	vst v12  }
0x1dc: {  	v4 =	vmul.f32 v4, v41;
	vm10 =	vge.f32 v1, $0.0e+00;
	[tilespmem:s20+$0xFFFFFF00] =	vst v3  }
0x1dd: {  	v23 =	vsel vm10, v1, v9;
	v1 =	vld [tilespmem:$0x1FE30]  }
0x1de: {  	v19 =	vmul.f32 v19, v28;
	v24 =	vadd.f32 $0.0e+00, v4  }
0x1df: {  	v21 =	vpop (erf)  }
0x1e0: {  	v28 =	vadd.f32 v19, v24;
	v19 =	vmul.f32 v21, v2  }
0x1e1: {  	v8 =	vld [tilespmem:s17+$0xFFFFFFF0]  }
0x1e2: {  	v16 =	vld [tilespmem:s18+$0xFFFFFFF0];
	[tilespmem:s15+$0xFFFFFF80] =	vst v19;
	v3 =	vmul.f32 v21, v1  }
0x1e3: {  	v1 =	vld [tilespmem:$0x1FE40]  }
0x1e4: {  	[tilespmem:s15+$0xFFFFFF90] =	vst v3  }
0x1e5: {  	v14 =	vmul.f32 $2.000000030e-01, v11;
	v2 =	vld [tilespmem:$0x1FE50]  }
0x1e6: {  	vm11 =	vge.f32 v11, $0.0e+00;
	v12 =	vadd.f32 v17, v7  }
0x1e7: {  	v15 =	vld [tilespmem:s18+$0x60];
	v24 =	vsel vm11, v11, v14  }
0x1e8: {  	v4 =	vld [tilespmem:s17+$0x60];
	v14 =	vadd.f32 v16, v8;
	v16 =	vmul.f32 $2.000000030e-01, v12;
	v9 =	vmul.f32 v21, v1  }
0x1e9: {  	vm12 =	vge.f32 v12, $0.0e+00;
	v19 =	vld [tilespmem:s18+$0x70]  }
0x1ea: {  	v1 =	vld [tilespmem:s17+$0x70];
	[tilespmem:s15+$0xFFFFFFA0] =	vst v9;
	v17 =	vmul.f32 v21, v2;
	v2 =	vsel vm12, v12, v16  }
0x1eb: {  	[tilespmem:$0x1FF60] =	vst v2;
	v2 =	vld [tilespmem:$0x1FE60];
	_ =	sdelay $0x3  }
0x1ec: {  	[tilespmem:s15+$0xFFFFFFB0] =	vst v17  }
0x1ed: {  	v18 =	vmul.f32 v21, v2;
	v2 =	vld [tilespmem:$0x1FE70];
	_ =	sdelay $0x2  }
0x1ee: {  	v16 =	vmul.f32 $2.000000030e-01, v14  }
0x1ef: {  	vm13 =	vge.f32 v14, $0.0e+00;
	[tilespmem:$0x1FE80] =	vst v21  }
0x1f0: {  	[tilespmem:s15+$0xFFFFFFC0] =	vst v18;
	v17 =	vmul.f32 v21, v2;
	v2 =	vsel vm13, v14, v16  }
0x1f1: {  	[tilespmem:$0x1FF70] =	vst v2;
	v2 =	vld [tilespmem:$0x1FE90];
	_ =	sdelay $0x1  }
0x1f2: {  	v3 =	vpop (erf)  }
0x1f3: {  	v9 =	vpop (erf)  }
0x1f4: {  	v11 =	vpop (erf);
	[tilespmem:s15+$0xFFFFFFD0] =	vst v17  }
0x1f5: {  	v16 =	vmul.f32 v11, v2;
	v2 =	vld [tilespmem:$0x1FEA0]  }
0x1f6: {  	v15 =	vadd.f32 v15, v4;
	_ =	sdelay $0x1  }
0x1f7: {  	v12 =	vmul.f32 $2.000000030e-01, v15  }
0x1f8: {  	vm14 =	vge.f32 v15, $0.0e+00;
	[tilespmem:s17+$0x80] =	vst v16  }
0x1f9: {  	v14 =	vsel vm14, v15, v12;
	v12 =	vmul.f32 v11, v2;
	v2 =	vld [tilespmem:$0x1FEB0];
	_ =	sdelay $0x4  }
0x1fa: {  	v16 =	vmul.f32 v11, v2;
	v2 =	vld [tilespmem:$0x1FEC0];
	_ =	sdelay $0x3  }
0x1fb: {  	[tilespmem:s17+$0x90] =	vst v12  }
0x1fc: {  	v18 =	vmul.f32 v2, v37;
	v2 =	vld [tilespmem:$0x1FED0];
	_ =	sdelay $0x4  }
0x1fd: {  	v12 =	vmul.f32 v11, v2  }
0x1fe: {  	[tilespmem:s17+$0xA0] =	vst v16  }
0x1ff: {  	[tilespmem:s17+$0xB0] =	vst v12  }
0x200: {  	v2 =	vld [tilespmem:$0x1FEE0];
	_ =	sdelay $0x4  }
0x201: {  	v15 =	vmul.f32 v57, v36;
	v17 =	vadd.f32 v19, v1;
	v19 =	vmul.f32 v11, v2;
	v2 =	vld [tilespmem:$0x1FEF0];
	_ =	sdelay $0x1  }
0x202: {  	v22 =	vadd.f32 v15, v22;
	v15 =	vmul.f32 v11, v43;
	_ =	sdelay $0x1  }
0x203: {  	[tilespmem:s17+$0xC0] =	vst v15  }
0x204: {  	v12 =	vmul.f32 v2, v36;
	v2 =	vld [tilespmem:$0x1FF00];
	_ =	sdelay $0x2  }
0x205: {  	v20 =	vadd.f32 v18, v20;
	v18 =	vmul.f32 $2.000000030e-01, v17  }
0x206: {  	vm15 =	vge.f32 v17, $0.0e+00  }
0x207: {  	v15 =	vsel vm15, v17, v18;
	v17 =	vmul.f32 v2, v37;
	v2 =	vld [tilespmem:$0x1FF10];
	_ =	sdelay $0x1  }
0x208: {  	v16 =	vmul.f32 v11, v58;
	_ =	sdelay $0x1  }
0x209: {  	[tilespmem:s17+$0xD0] =	vst v16  }
0x20a: {  	v21 =	vmul.f32 v2, v36;
	v2 =	vld [tilespmem:$0x1FF20];
	_ =	sdelay $0x4  }
0x20b: {  	v12 =	vadd.f32 v12, v2;
	v2 =	vld [tilespmem:$0x1FF30];
	_ =	sdelay $0x3  }
0x20c: {  	[tilespmem:s17+$0xE0] =	vst v19  }
0x20d: {  	v18 =	vmul.f32 v2, v37;
	v2 =	vld [tilespmem:$0x1FF40];
	_ =	sdelay $0x1  }
0x20e: {  	v16 =	vmul.f32 v11, v62;
	_ =	sdelay $0x1  }
0x20f: {  	[tilespmem:s17+$0xF0] =	vst v16  }
0x210: {  	v19 =	vadd.f32 v17, v2;
	v2 =	vld [tilespmem:$0x1FF50];
	_ =	sdelay $0x2  }
0x211: {  	s21 =	simm.s32 $0x18880  }
0x212: {  	[tilespmem:s21+$0x80] =	vst v11  }
0x213: {  	v16 =	vmul.f32 $1.442695020e+00, v2;
	v2 =	vld [tilespmem:$0x1FF60];
	_ =	sdelay $0x2  }
0x214: {  	v17 =	vadd.f32 v21, v28;
	v21 =	vmul.f32 v23, v35;
	_ =	sdelay $0x1  }
0x215: {  	v23 =	vadd.f32 v21, v22;
	v21 =	vmul.f32 v2, v35;
	v2 =	vld [tilespmem:$0x1FF70];
	_ =	sdelay $0x4  }
0x216: {  	s22 =	simm.s32 $0x8;
	s23 =	simm.s32 $0x14A80;
	v24 =	vmul.f32 v24, v44;
	v18 =	vadd.f32 v18, v30;
	v22 =	vmul.f32 v2, v44  }
.LBB2_7:
0x217: {  	v44 =	vld [tilespmem:$0x1FF80]  }
0x218: {  	v35 =	vld [tilespmem:$0x1FF90];
	_ =	sdelay $0x4  }
0x219: {  	v14 =	vmul.f32 v14, v44;
	v15 =	vmul.f32 v15, v35  }
0x21a: {  	v21 =	vadd.f32 v21, v12;
	v19 =	vadd.f32 v22, v19  }
0x21b: {  	v17 =	vadd.f32 v14, v17;
	v15 =	vadd.f32 v15, v18;
	_ =	sdelay $0x1  }
0x21c: {  	v19 =	vadd.f32 v19, v21;
	v21 =	vadd.f32 v15, v17;
	v15 =	vld [tilespmem:$0x1FB80];
	_ =	sdelay $0x4  }
0x21d: {  	v11 =	vld [tilespmem:$0x1FB70];
	v12 =	vmul.f32 v9, v15  }
0x21e: {  	v2 =	vld [tilespmem:$0x1FC10]  }
0x21f: {  	v15 =	vmov v52  }
0x220: {  	[tilespmem:$0x1FB80] =	vst v15;
	v15 =	vld [tilespmem:$0x1FE80]  }
0x221: {  	[tilespmem:s16+$0xFFFFFF10] =	vst v12;
	v12 =	vmov v10;
	v10 =	vld [tilespmem:$0x1FB40]  }
0x222: {  	v20 =	vadd.f32 v24, v20  }
0x223: {  	v28 =	vmov v55;
	v17 =	vmul.f32 v9, v11;
	v11 =	vmov v2;
	v2 =	vld [tilespmem:$0x1FC20]  }
0x224: {  	v57 =	vld [tilespmem:s23+$0xE0];
	v18 =	vadd.f32 v20, v23  }
0x225: {  	[tilespmem:$0x1FB70] =	vst v11;
	v11 =	vld [tilespmem:$0x1FBA0]  }
0x226: {  	[tilespmem:$0x1FA30] =	vst v28;
	v28 =	vmov v51;
	v22 =	vmul.f32 $1.442695020e+00, v56;
	v62 =	vmul.f32 v15, v10;
	v10 =	vld [tilespmem:$0x1FC00]  }
0x227: {  	v16 =	vbroadcast v16, $0xF;
	[tilespmem:$0x1FAD0] =	vst v28  }
0x228: {  	v43 =	vld [tilespmem:s23+$0xD0];
	v20 =	vbroadcast v22, $0xF;
	(xrf2) =	vadd.scan.msk.f32 $0xffff, v18;
	v18 =	vmovc v6;
	v6 =	vmul.f32 v9, v47;
	v2 =	vmov v2  }
0x229: {  	[tilespmem:$0x1F9F0] =	vst v57;
	(erf) = vpow2.f32 v16  }
0x22a: {  	(erf) = vpow2.f32 v20;
	[tilespmem:s16+$0xFFFFFF60] =	vst v6;
	v20 =	vmul.f32 v9, v11;
	v11 =	vld [tilespmem:$0x1FBB0]  }
0x22b: {  	v6 =	vld [tilespmem:$0x1FB20];
	[tilespmem:$0x1FBA0] =	vst v2;
	v2 =	vmov v10  }
0x22c: {  	[tilespmem:$0x1FA90] =	vst v2;
	v2 =	vld [tilespmem:$0x1FAF0]  }
0x22d: {  	[tilespmem:$0x1F9E0] =	vst v43  }
0x22e: {  	[tilespmem:s16+$0xFFFFFF00] =	vst v17;
	v52 =	vmul.f32 v9, v63  }
0x22f: {  	[tilespmem:$0x1FAC0] =	vst v18;
	v22 =	vmul.f32 v9, v11;
	v11 =	vmov v61  }
0x230: {  	[tilespmem:s16+$0xFFFFFF40] =	vst v52  }
0x231: {  	[tilespmem:$0x1FBB0] =	vst v11;
	v10 =	vmovc v25;
	v25 =	vmul.f32 v3, v6;
	v6 =	vld [tilespmem:$0x1FB30];
	v47 =	vmul.f32 v3, v2;
	v2 =	vmov v50  }
0x232: {  	v11 =	vmov v13;
	[tilespmem:$0x1FAA0] =	vst v2;
	v2 =	vld [tilespmem:$0x1FB00]  }
0x233: {  	s18 =	sadd.s32 $0x200, s18;
	v58 =	vld [tilespmem:s23+$0xF0];
	[tilespmem:s16+$0xFFFFFF20] =	vst v20  }
0x234: {  	v24 =	vld [tilespmem:s18+$0xE0];
	[tilespmem:$0x1FA50] =	vst v12  }
0x235: {  	v55 =	vld [tilespmem:s18+$0xA0];
	v20 =	vmul.f32 v9, v46;
	[tilespmem:$0x1FA60] =	vst v11;
	v11 =	vmov v54  }
0x236: {  	(xrf2) =	vadd.scan.msk.f32 $0xffff, v19;
	v61 =	vmul.f32 v9, v31;
	[tilespmem:$0x1FAB0] =	vst v11;
	v11 =	vld [tilespmem:$0x1FBC0]  }
0x237: {  	(xrf2) =	vadd.scan.msk.f32 $0xffff, v21;
	[tilespmem:s16+$0xFFFFFF70] =	vst v20;
	v21 =	vmul.f32 v3, v2;
	v2 =	vmovc v26;
	v26 =	vmul.f32 v3, v6;
	v6 =	vld [tilespmem:$0x1FB50]  }
0x238: {  	v16 =	vld [tilespmem:s18+$0xC0];
	[tilespmem:s16+$0xFFFFFF30] =	vst v22  }
0x239: {  	v14 =	vld [tilespmem:s23+$0xC0];
	[tilespmem:s16+$0xFFFFFF50] =	vst v61  }
0x23a: {  	v61 =	vpop (erf);
	[tilespmem:$0x1FA40] =	vst v10;
	v10 =	vld [tilespmem:$0x1FB10]  }
0x23b: {  	[tilespmem:s19+$0xFFFFFF00] =	vst v9;
	v28 =	vmul.f32 v61, v11;
	v11 =	vld [tilespmem:$0x1FBD0]  }
0x23c: {  	v22 =	vmul.f32 v15, v27;
	[tilespmem:$0x1FAF0] =	vst v2;
	v2 =	vmov v48;
	v27 =	vmul.f32 v3, v6;
	v6 =	vld [tilespmem:$0x1FB60]  }
0x23d: {  	v9 =	vmul.f32 v61, v33;
	[tilespmem:$0x1FA70] =	vst v2;
	v2 =	vld [tilespmem:$0x1FC30]  }
0x23e: {  	v51 =	vld [tilespmem:s18+$0x80];
	[tilespmem:s15+$0xFFFFFFE0] =	vst v22  }
0x23f: {  	v56 =	vld [tilespmem:s18+$0xF0];
	v31 =	vmov v34;
	v12 =	vmov v29;
	[tilespmem:s16+$0xFFFFFF80] =	vst v9  }
0x240: {  	v23 =	vld [tilespmem:s18+$0xD0];
	v46, _, _ =	vpop (xrf2);
	v13 =	vmul.f32 v3, v59;
	[tilespmem:$0x1FB10] =	vst v31;
	v63 =	vmul.f32 v3, v10  }
0x241: {  	v59 =	vadd.f32 v16, v14;
	v16, _, _ =	vpop (xrf2);
	[tilespmem:s16+$0xFFFFFFA0] =	vst v28;
	v48 =	vmul.f32 $1.442695020e+00, v46;
	v10 =	vmul.f32 v3, v6;
	v6 =	vld [tilespmem:$0x1FB90]  }
0x242: {  	v19 =	vld [tilespmem:s23+$0x80];
	[tilespmem:$0x1FB00] =	vst v12;
	v12 =	vmovc v53;
	v29 =	vmul.f32 v61, v11;
	v11 =	vmov v2;
	v2 =	vmul.f32 $1.442695020e+00, v16  }
0x243: {  	v17 =	vld [tilespmem:s23+$0xA0];
	v22 =	vmov v49;
	[tilespmem:$0x1FBC0] =	vst v12;
	v49 =	vbroadcast v48, $0xF  }
0x244: {  	[tilespmem:$0x1F9D0] =	vst v2;
	v2 =	vld [tilespmem:$0x1FC40]  }
0x245: {  	v18 =	vld [tilespmem:s23+$0xB0];
	[tilespmem:$0x1FB90] =	vst v22  }
0x246: {  	v20 =	vld [tilespmem:s23+$0x90];
	v16 =	vmov v60;
	[tilespmem:$0x1FBD0] =	vst v11;
	v30 =	vmul.f32 v61, v6  }
0x247: {  	v54 =	vld [tilespmem:s18+$0x90];
	[tilespmem:$0x1FA80] =	vst v16;
	v6 =	vpop (erf);
	(erf) = vpow2.f32 v49;
	v49 =	vmov v5;
	v5 =	vmov v61  }
0x248: {  	v11 =	vld [tilespmem:$0x1FBE0];
	[tilespmem:$0x1FE80] =	vst v5  }
0x249: {  	v50 =	vld [tilespmem:s18+$0xB0];
	v46 =	vmov v2;
	[tilespmem:s16+$0xFFFFFF90] =	vst v30  }
0x24a: {  	v31 =	vld [tilespmem:s18+$0xFFFFFF10];
	v2, _, _ =	vpop (xrf2);
	[tilespmem:$0x1FAE0] =	vst v46  }
0x24b: {  	v16 =	vld [tilespmem:s23+$0x0];
	[tilespmem:$0x1FA00] =	vst v2  }
0x24c: {  	v2 =	vmov v0;
	v0 =	vld [tilespmem:s18+$0x0];
	[tilespmem:s15+$0x0] =	vst v13  }
0x24d: {  	v30 =	vmul.f32 v61, v11;
	v11 =	vld [tilespmem:s23+$0xFFFFFF80];
	[tilespmem:s16+$0xFFFFFFB0] =	vst v29  }
0x24e: {  	v28 =	vadd.f32 v55, v17;
	v55 =	vadd.f32 v50, v18;
	v50 =	vld [tilespmem:$0x1FBF0];
	v13 =	vmov v7;
	[tilespmem:$0x1FBF0] =	vst v2  }
0x24f: {  	v23 =	vadd.f32 v23, v43;
	v9 =	vmul.f32 v61, v32;
	v22 =	vld [tilespmem:s18+$0xFFFFFF00];
	v7 =	vmov v40;
	[tilespmem:$0x1FC00] =	vst v13  }
0x250: {  	v24 =	vadd.f32 v24, v57;
	v2 =	vld [tilespmem:$0x1FCF0];
	[tilespmem:$0x1FB40] =	vst v7  }
0x251: {  	v57 =	vmul.f32 $2.000000030e-01, v23;
	v54 =	vadd.f32 v54, v20;
	v29 =	vld [tilespmem:s18+$0xFFFFFF80];
	[tilespmem:s16+$0xFFFFFFC0] =	vst v9  }
0x252: {  	vm1 =	vge.f32 v24, $0.0e+00;
	vm2 =	vge.f32 v23, $0.0e+00;
	v46 =	vld [tilespmem:s23+$0xFFFFFF00];
	[tilespmem:s16+$0xFFFFFFD0] =	vst v30  }
0x253: {  	v23 =	vsel vm2, v23, v57;
	v52 =	vmul.f32 $2.000000030e-01, v54;
	v53 =	vadd.f32 v56, v58;
	v9 =	vmovc v50;
	v30 =	vld [tilespmem:s18+$0xFFFFFF90];
	[tilespmem:s15+$0xFFFFFFF0] =	vst v62  }
0x254: {  	vm3 =	vge.f32 v59, $0.0e+00;
	vm7 =	vge.f32 v54, $0.0e+00;
	v48 =	vadd.f32 v51, v19;
	v50 =	vld [tilespmem:$0x1FFA0];
	[tilespmem:$0x1FB20] =	vst v9  }
0x255: {  	v54 =	vsel vm7, v54, v52;
	vm4 =	vge.f32 v28, $0.0e+00;
	v32 =	vmul.f32 $2.000000030e-01, v53;
	v43 =	vld [tilespmem:s23+$0xFFFFFF90];
	[tilespmem:s20+$0xFFFFFF80] =	vst v15  }
0x256: {  	vm0 =	vge.f32 v53, $0.0e+00;
	v51 =	vmul.f32 $2.000000030e-01, v48;
	v60 =	vmul.f32 $2.000000030e-01, v24;
	v15 =	vmovc v2;
	v2 =	vld [tilespmem:s23+$0x10];
	[tilespmem:s15+$0x10] =	vst v47  }
0x257: {  	vm6 =	vge.f32 v48, $0.0e+00;
	v5 =	vmul.f32 $2.000000030e-01, v28;
	v9 =	vmul.f32 $2.000000030e-01, v59;
	v7 =	vld [tilespmem:s18+$0x10];
	[tilespmem:s15+$0x20] =	vst v21  }
0x258: {  	v56 =	vmovc v45;
	v12 =	vld [tilespmem:s23+$0xFFFFFF10];
	v45 =	vmul.f32 $2.000000030e-01, v55;
	v24 =	vsel vm1, v24, v60;
	v13 =	vsel vm6, v48, v51;
	[tilespmem:s15+$0x30] =	vst v63  }
0x259: {  	v5 =	vsel vm4, v28, v5;
	v51 =	vld [tilespmem:$0x1FFB0];
	v28 =	vsel vm3, v59, v9;
	v0 =	vadd.f32 v0, v16;
	[tilespmem:s15+$0x40] =	vst v25  }
0x25a: {  	vm5 =	vge.f32 v55, $0.0e+00;
	v21 =	vmovc v8;
	v8 =	vmul.f32 v13, v41;
	v13 =	vmul.f32 v54, v42;
	[tilespmem:s15+$0x50] =	vst v26  }
0x25b: {  	v5 =	vmul.f32 v5, v50;
	v26 =	vmul.f32 v28, v36;
	[tilespmem:s15+$0x70] =	vst v10;
	v10 =	vadd.f32 v22, v46  }
0x25c: {  	v61 =	vld [tilespmem:s23+$0xFFFFFF30];
	v22 =	vsel vm0, v53, v32;
	vm12 =	vge.f32 v0, $0.0e+00;
	[tilespmem:$0x1FA20] =	vst v21;
	v21 =	vsel vm5, v55, v45  }
0x25d: {  	[tilespmem:s15+$0x60] =	vst v27;
	v28 =	vld [tilespmem:s23+$0xFFFFFFB0];
	v27 =	vmul.f32 v22, v35;
	v22 =	vadd.f32 v31, v12;
	v8 =	vadd.f32 $0.0e+00, v8  }
0x25e: {  	v53 =	vmovc v4;
	v4 =	vld [tilespmem:s18+$0xFFFFFFB0];
	[tilespmem:s20+$0x0] =	vst v3;
	v3 =	vmovc v6;
	v13 =	vadd.f32 $0.0e+00, v13;
	v21 =	vmul.f32 v21, v51;
	v6 =	vmul.f32 $2.000000030e-01, v10  }
0x25f: {  	v40 =	vld [tilespmem:s18+$0xFFFFFF30];
	v63 =	vmovc v1;
	vm8 =	vge.f32 v10, $0.0e+00;
	v1 =	vmul.f32 $2.000000030e-01, v22;
	vm9 =	vge.f32 v22, $0.0e+00  }
0x260: {  	v62 =	vld [tilespmem:s23+$0xFFFFFFA0];
	v5 =	vadd.f32 v5, v8;
	v8 =	vadd.f32 v21, v13;
	v13 =	vmul.f32 v23, v37  }
0x261: {  	v60 =	vld [tilespmem:s23+$0xFFFFFFC0];
	v21 =	vmul.f32 v24, v44;
	v24 =	vadd.f32 v29, v11;
	v29 =	vmul.f32 $2.000000030e-01, v0  }
0x262: {  	v47 =	vld [tilespmem:s23+$0xFFFFFF20];
	v10 =	vsel vm8, v10, v6;
	v5 =	vadd.f32 v26, v5;
	v8 =	vadd.f32 v13, v8  }
0x263: {  	v23 =	vld [tilespmem:s18+$0xFFFFFFA0];
	v7 =	vadd.f32 v7, v2;
	v4 =	vadd.f32 v4, v28;
	v1 =	vsel vm9, v22, v1  }
0x264: {  	[tilespmem:$0x1FB30] =	vst v56;
	v25 =	vld [tilespmem:s18+$0xFFFFFF20];
	v35 =	vmul.f32 v10, v41;
	v5 =	vadd.f32 v21, v5;
	v8 =	vadd.f32 v27, v8  }
0x265: {  	[tilespmem:$0x1FBE0] =	vst v49;
	v54 =	vld [tilespmem:s23+$0x20];
	v26 =	vmovc v38;
	vm10 =	vge.f32 v24, $0.0e+00;
	v1 =	vmul.f32 v1, v42;
	v31 =	vmul.f32 $2.000000030e-01, v7  }
0x266: {  	v49 =	vld [tilespmem:s23+$0x50];
	[tilespmem:$0x1FB50] =	vst v26;
	vm13 =	vge.f32 v7, $0.0e+00;
	v33 =	vmul.f32 $2.000000030e-01, v4;
	v13 =	vmovc v39;
	v5 =	vadd.f32 v8, v5  }
0x267: {  	v56 =	vld [tilespmem:s18+$0x50];
	v35 =	vadd.f32 $0.0e+00, v35;
	v21 =	vmul.f32 $2.000000030e-01, v24;
	[tilespmem:$0x1FB60] =	vst v13;
	v13 =	vadd.f32 v30, v43  }
0x268: {  	v26 =	vld [tilespmem:s18+$0x20];
	vm9 =	vge.f32 v4, $0.0e+00;
	v30 =	vadd.f32 v40, v61;
	v23 =	vadd.f32 v23, v62;
	(xrf2) =	vadd.scan.msk.f32 $0xffff, v5  }
0x269: {  	v44 =	vld [tilespmem:s18+$0x30];
	v7 =	vsel vm13, v7, v31;
	v8 =	vadd.f32 v25, v47;
	v21 =	vsel vm10, v24, v21  }
0x26a: {  	v27 =	vld [tilespmem:s23+$0x30];
	v24 =	vsel vm12, v0, v29;
	v48 =	vmul.f32 v7, v42;
	v25 =	vmul.f32 $2.000000030e-01, v13  }
0x26b: {  	v55 =	vld [tilespmem:s23+$0xFFFFFF40];
	vm11 =	vge.f32 v13, $0.0e+00;
	v31 =	vmul.f32 $2.000000030e-01, v30;
	v32 =	vmul.f32 $2.000000030e-01, v23  }
0x26c: {  	v45 =	vld [tilespmem:s18+$0xFFFFFFD0];
	vm15 =	vge.f32 v30, $0.0e+00;
	v21 =	vmul.f32 v21, v41;
	vm8 =	vge.f32 v23, $0.0e+00  }
0x26d: {  	v52 =	vmovc v41;
	v6 =	vld [tilespmem:s23+$0xFFFFFF50];
	v24 =	vmul.f32 v24, v41;
	v41 =	vadd.f32 v56, v49;
	v22 =	vadd.f32 v26, v54  }
0x26e: {  	v0 =	vld [tilespmem:s23+$0x40];
	vm14 =	vge.f32 v8, $0.0e+00;
	v40 =	vadd.f32 $0.0e+00, v48;
	v13 =	vsel vm11, v13, v25  }
0x26f: {  	[tilespmem:$0x1FC20] =	vst v47;
	v47 =	vld [tilespmem:s18+$0x40];
	v25 =	vmul.f32 $2.000000030e-01, v8;
	v29 =	vadd.f32 v44, v27;
	v30 =	vsel vm15, v30, v31  }
0x270: {  	v5 =	vld [tilespmem:s18+$0xFFFFFF40];
	v23 =	vsel vm8, v23, v32;
	v31 =	vsel vm9, v4, v33;
	v21 =	vadd.f32 $0.0e+00, v21  }
0x271: {  	v26 =	vld [tilespmem:s18+$0xFFFFFF50];
	v24 =	vadd.f32 $0.0e+00, v24;
	vm9 =	vge.f32 v41, $0.0e+00;
	v34 =	vmul.f32 $2.000000030e-01, v22  }
0x272: {  	v48 =	vld [tilespmem:s18+$0x60];
	v38 =	vmul.f32 v13, v42;
	vm10 =	vge.f32 v22, $0.0e+00;
	v30 =	vmul.f32 v30, v51;
	v10, _, _ =	vpop (xrf2)  }
0x273: {  	v56 =	vmovc v42;
	v4 =	vld [tilespmem:s18+$0xFFFFFF70];
	v42 =	vadd.f32 $0.0e+00, v1;
	v23 =	vmul.f32 v23, v50;
	v7 =	vmul.f32 $1.442695020e+00, v10  }
0x274: {  	[tilespmem:$0x1FC10] =	vst v46;
	v13 =	vld [tilespmem:s23+$0xFFFFFF70];
	v31 =	vmul.f32 v31, v51;
	v46 =	vmul.f32 $2.000000030e-01, v29;
	vm11 =	vge.f32 v29, $0.0e+00  }
0x275: {  	[tilespmem:$0x1FC40] =	vst v27;
	v27 =	vld [tilespmem:s18+$0xFFFFFFC0];
	v25 =	vsel vm14, v8, v25;
	v32 =	vadd.f32 v47, v0;
	v7 =	vbroadcast v7, $0xF  }
0x276: {  	v8 =	vld [tilespmem:s18+$0xFFFFFF60];
	v22 =	vsel vm10, v22, v34;
	v25 =	vmul.f32 v25, v50;
	v38 =	vadd.f32 $0.0e+00, v38  }
0x277: {  	v9 =	vpop (erf);
	[tilespmem:$0x1FC30] =	vst v28;
	v30 =	vadd.f32 v30, v42;
	v28 =	vadd.f32 v5, v55;
	v5 =	vld [tilespmem:s23+$0xFFFFFFD0];
	(erf) = vpow2.f32 v7  }
0x278: {  	v21 =	vadd.f32 v23, v21;
	v26 =	vadd.f32 v26, v6;
	v29 =	vsel vm11, v29, v46;
	v10 =	vld [tilespmem:s23+$0xFFFFFF60]  }
0x279: {  	v57 =	vmovc v43;
	v43 =	vmul.f32 $2.000000030e-01, v32;
	v22 =	vmul.f32 v22, v50;
	v47 =	vadd.f32 v4, v13;
	v4 =	vld [tilespmem:s23+$0x60]  }
0x27a: {  	v1 =	vld [tilespmem:s18+$0xFFFFFFE0];
	vm8 =	vge.f32 v32, $0.0e+00;
	v27 =	vadd.f32 v27, v60;
	v29 =	vmul.f32 v29, v51  }
0x27b: {  	v46 =	vld [tilespmem:s18+$0xFFFFFFF0];
	v33 =	vmul.f32 $2.000000030e-01, v28;
	v34 =	vmul.f32 $2.000000030e-01, v26;
	vm12 =	vge.f32 v28, $0.0e+00  }
0x27c: {  	v59 =	vmovc v37;
	vm13 =	vge.f32 v26, $0.0e+00;
	v22 =	vadd.f32 v22, v24;
	v37 =	vmul.f32 $2.000000030e-01, v27;
	v7 =	vld [tilespmem:s23+$0xFFFFFFE0]  }
0x27d: {  	[tilespmem:$0x1FA10] =	vst v58;
	v58 =	vmovc v36;
	v36 =	vadd.f32 v45, v5;
	v45 =	vmul.f32 $2.000000030e-01, v41;
	v44 =	vadd.f32 v8, v10;
	v8 =	vld [tilespmem:s23+$0xFFFFFFF0]  }
0x27e: {  	vm14 =	vge.f32 v27, $0.0e+00;
	v28 =	vsel vm12, v28, v33;
	v33 =	vadd.f32 v48, v4;
	v48 =	vmovc v11;
	v11 =	vld [tilespmem:$0x1F9E0]  }
0x27f: {  	v26 =	vsel vm13, v26, v34;
	vm11 =	vge.f32 v47, $0.0e+00;
	v34 =	vsel vm9, v41, v45;
	v41 =	vmovc v52;
	v52 =	vmovc v12;
	v12 =	vld [tilespmem:$0x1FA10]  }
0x280: {  	v50 =	vld [tilespmem:s18+$0x70];
	v26 =	vmul.f32 v26, v59;
	v39 =	vmul.f32 $2.000000030e-01, v36;
	vm15 =	vge.f32 v36, $0.0e+00;
	v51 =	vpop (erf)  }
0x281: {  	[tilespmem:$0x1FCF0] =	vst v49;
	v23 =	vmul.f32 $2.000000030e-01, v33;
	v49 =	vadd.f32 v1, v7;
	v1 =	vld [tilespmem:s23+$0x70];
	v19 =	vmul.f32 v51, v19  }
0x282: {  	v46 =	vadd.f32 v46, v8;
	v20 =	vmul.f32 v51, v20;
	v17 =	vmul.f32 v51, v17  }
0x283: {  	v42 =	vmovc v56;
	vm12 =	vge.f32 v49, $0.0e+00;
	v18 =	vmul.f32 v51, v18;
	v14 =	vmul.f32 v51, v14;
	[tilespmem:s23+$0x80] =	vst v19  }
0x284: {  	v45 =	vmovc v15;
	vm13 =	vge.f32 v46, $0.0e+00;
	v15 =	vmul.f32 v51, v11;
	v11 =	vld [tilespmem:$0x1F9F0];
	v12 =	vmul.f32 v51, v12;
	[tilespmem:s23+$0x90] =	vst v20  }
0x285: {  	v56 =	vld [tilespmem:$0x1FA00];
	v19 =	vsel vm14, v27, v37;
	v27 =	vsel vm15, v36, v39;
	v20 =	vsel vm8, v32, v43;
	[tilespmem:s23+$0xB0] =	vst v18  }
0x286: {  	v32 =	vadd.f32 v50, v1;
	v50 =	vmovc v16;
	v16 =	vld [tilespmem:$0x1F9D0];
	v18 =	vadd.f32 v25, v35;
	v25 =	vmul.f32 $2.000000030e-01, v47;
	[tilespmem:s23+$0xC0] =	vst v14  }
0x287: {  	v14 =	vmul.f32 $2.000000030e-01, v49;
	[tilespmem:s23+$0xF0] =	vst v12;
	v12 =	vmul.f32 v28, v58;
	v28 =	vadd.f32 v29, v40;
	v40 =	vld [tilespmem:$0x1FA20]  }
0x288: {  	v39 =	vmovc v63;
	[tilespmem:s23+$0xD0] =	vst v15;
	v15 =	vmul.f32 $2.000000030e-01, v46;
	v63 =	vld [tilespmem:$0x1FA30];
	vm14 =	vge.f32 v33, $0.0e+00;
	v19 =	vmul.f32 v19, v58  }
0x289: {  	v27 =	vmul.f32 v27, v59;
	v25 =	vsel vm11, v47, v25;
	v47 =	vld [tilespmem:$0x1FA50];
	v11 =	vmul.f32 v51, v11  }
0x28a: {  	v36 =	vmovc v58;
	v29 =	vmul.f32 v20, v58;
	v58 =	vsel vm12, v49, v14;
	v14 =	vsel vm14, v33, v23;
	v33 =	vld [tilespmem:$0x1FA70]  }
0x28b: {  	v37 =	vmovc v59;
	v24 =	vmul.f32 $2.000000030e-01, v32;
	[tilespmem:s23+$0xE0] =	vst v11;
	v11 =	vadd.f32 v31, v38;
	v31 =	vmul.f32 v34, v59;
	v59 =	vld [tilespmem:$0x1FA40]  }
0x28c: {  	vm15 =	vge.f32 v32, $0.0e+00;
	v38 =	vmovc v53;
	v53 =	vmov v62;
	v62 =	vsel vm13, v46, v15;
	v46 =	vld [tilespmem:$0x1FA60]  }
0x28d: {  	s20 =	smov.u32 s19;
	s19 =	smov.u32 s21;
	s21 =	sadd.s32 $0x200, s21;
	[tilespmem:s23+$0xA0] =	vst v17;
	v15 =	vsel vm15, v32, v24;
	v32 =	vld [tilespmem:$0x1FA80]  }
0x28e: {  	v23 =	vadd.f32 v12, v18;
	[tilespmem:s21+$0x80] =	vst v51;
	v51 =	vmov v2;
	v2 =	vld [tilespmem:$0x1FF80]  }
0x28f: {  	s22 =	sadd.s32 $0x4, s22;
	v12 =	vadd.f32 v19, v21;
	v19 =	vadd.f32 v27, v11;
	v11 =	vld [tilespmem:$0x1FF90]  }
0x290: {  	p2 =	slt.u32 s22, $0x3C;
	v17 =	vmul.f32 $2.000000030e-01, v44;
	v34 =	vld [tilespmem:$0x1FAE0]  }
.Ltmp2:
0x291: {  	vm10 =	vge.f32 v44, $0.0e+00;
	v27 =	vld [tilespmem:$0x1FA90];
	(pc) =	sbr.rel @p2 .LBB2_7-.Ltmp2, $4  }
0x292: {  	v17 =	vsel vm10, v44, v17;
	v18 =	vadd.f32 v31, v28;
	v31 =	vld [tilespmem:$0x1FAC0]  }
0x293: {  	v20 =	vadd.f32 v26, v30;
	v26 =	vmul.f32 v17, v2;
	v17 =	vadd.f32 v29, v22;
	v29 =	vld [tilespmem:$0x1FAB0]  }
0x294: {  	s15 =	smov.u32 s16;
	v24 =	vmul.f32 v25, v11;
	v25 =	vld [tilespmem:$0x1FAA0]  }
0x295: {  	s16 =	smov.u32 s17;
	s17 =	smov.u32 s23;
	v49 =	vmovc v57;
	s23 =	sadd.s32 $0x200, s23;
	v21 =	vmul.f32 v58, v2;
	v22 =	vmul.f32 v62, v11;
	v23 =	vadd.f32 v26, v23;
	v26 =	vld [tilespmem:$0x1FAD0]  }
0x296: {  	v2 =	vld [tilespmem:$0x1FB70]  }
0x297: {  	v44 =	vld [tilespmem:$0x1FB80];
	_ =	sdelay $0x3  }
0x298: {  	v43 =	vmul.f32 v9, v2  }
0x299: {  	v57 =	vmul.f32 v9, v44  }
0x29a: {  	[tilespmem:s16+$0xFFFFFF00] =	vst v43  }
0x29b: {  	v58 =	vld [tilespmem:$0x1FBA0];
	[tilespmem:s16+$0xFFFFFF10] =	vst v57  }
0x29c: {  	v11 =	vadd.f32 v24, v20;
	v20 =	vld [tilespmem:$0x1FBB0]  }
0x29d: {  	v24 =	vmul.f32 v9, v63  }
0x29e: {  	v35 =	vmul.f32 v9, v31  }
0x29f: {  	v43 =	vmul.f32 v9, v47;
	[tilespmem:s16+$0xFFFFFF40] =	vst v24  }
0x2a0: {  	[tilespmem:s16+$0xFFFFFF50] =	vst v35;
	v62 =	vmul.f32 v9, v58  }
0x2a1: {  	v11 =	vadd.f32 v11, v23;
	[tilespmem:s16+$0xFFFFFF60] =	vst v43;
	v23 =	vmul.f32 v9, v20  }
0x2a2: {  	[tilespmem:s16+$0xFFFFFF20] =	vst v62  }
0x2a3: {  	[tilespmem:s16+$0xFFFFFF30] =	vst v23  }
0x2a4: {  	v16 =	vbroadcast v16, $0xF;
	v20 =	vld [tilespmem:$0x1FE80];
	_ =	sdelay $0x1  }
0x2a5: {  	(erf) = vpow2.f32 v16  }
0x2a6: {  	v44 =	vmul.f32 v9, v46;
	_ =	sdelay $0x1  }
0x2a7: {  	[tilespmem:s16+$0xFFFFFF70] =	vst v44;
	v46 =	vmul.f32 v20, v27  }
0x2a8: {  	[tilespmem:s19+$0xFFFFFF00] =	vst v9  }
0x2a9: {  	[tilespmem:s15+$0xFFFFFFE0] =	vst v46  }
0x2aa: {  	v57 =	vld [tilespmem:$0x1FB90];
	_ =	sdelay $0x2  }
0x2ab: {  	v16 =	vpop (erf)  }
0x2ac: {  	v47 =	vmul.f32 v16, v33  }
0x2ad: {  	v12 =	vadd.f32 v21, v12;
	v19 =	vadd.f32 v22, v19;
	v58 =	vmul.f32 v16, v57  }
0x2ae: {  	[tilespmem:s16+$0xFFFFFF80] =	vst v47  }
0x2af: {  	v12 =	vadd.f32 v19, v12;
	v19 =	vld [tilespmem:$0x1FBC0];
	[tilespmem:s16+$0xFFFFFF90] =	vst v58  }
0x2b0: {  	v22 =	vld [tilespmem:$0x1FBD0];
	_ =	sdelay $0x3  }
0x2b1: {  	v21 =	vmul.f32 v16, v19  }
0x2b2: {  	v23 =	vmul.f32 v16, v22  }
0x2b3: {  	v24 =	vmul.f32 v16, v32;
	[tilespmem:s16+$0xFFFFFFA0] =	vst v21  }
0x2b4: {  	[tilespmem:s16+$0xFFFFFFB0] =	vst v23  }
0x2b5: {  	v32 =	vld [tilespmem:$0x1FBE0];
	[tilespmem:s16+$0xFFFFFFC0] =	vst v24  }
0x2b6: {  	v35 =	vld [tilespmem:$0x1FB40]  }
0x2b7: {  	(xrf2) =	vadd.scan.msk.f32 $0xffff, v11;
	_ =	sdelay $0x2  }
0x2b8: {  	v33 =	vmul.f32 v16, v32  }
0x2b9: {  	v43 =	vmul.f32 v20, v35  }
0x2ba: {  	[tilespmem:s16+$0xFFFFFFD0] =	vst v33  }
0x2bb: {  	[tilespmem:s15+$0xFFFFFFF0] =	vst v43  }
0x2bc: {  	[tilespmem:s20+$0xFFFFFF80] =	vst v20  }
0x2bd: {  	v46 =	vld [tilespmem:$0x1FAF0];
	_ =	sdelay $0x1  }
0x2be: {  	v63, _, _ =	vpop (xrf2);
	v62 =	vmul.f32 $1.442695020e+00, v56  }
0x2bf: {  	v9 =	vmul.f32 $1.442695020e+00, v63  }
0x2c0: {  	(xrf2) =	vadd.scan.msk.f32 $0xffff, v12;
	v12 =	vbroadcast v62, $0xF;
	v44 =	vmul.f32 v3, v59  }
0x2c1: {  	v9 =	vbroadcast v9, $0xF;
	v2 =	vmul.f32 v3, v46  }
0x2c2: {  	(erf) = vpow2.f32 v12;
	[tilespmem:s15+$0x0] =	vst v44  }
0x2c3: {  	(erf) = vpow2.f32 v9;
	v9 =	vld [tilespmem:$0x1FB00];
	[tilespmem:s15+$0x10] =	vst v2  }
0x2c4: {  	v2 =	vld [tilespmem:$0x1FB10];
	_ =	sdelay $0x1  }
0x2c5: {  	v11 =	vld [tilespmem:$0x1FB20];
	_ =	sdelay $0x1  }
0x2c6: {  	v9 =	vmul.f32 v3, v9  }
0x2c7: {  	v2 =	vmul.f32 v3, v2  }
0x2c8: {  	[tilespmem:s15+$0x20] =	vst v9  }
0x2c9: {  	v11 =	vmul.f32 v3, v11;
	[tilespmem:s15+$0x30] =	vst v2  }
0x2ca: {  	v2 =	vld [tilespmem:$0x1FB30]  }
0x2cb: {  	[tilespmem:s15+$0x40] =	vst v11  }
0x2cc: {  	v11 =	vld [tilespmem:$0x1FB50]  }
0x2cd: {  	v12 =	vld [tilespmem:$0x1FB60];
	_ =	sdelay $0x1  }
0x2ce: {  	v2 =	vmul.f32 v3, v2;
	_ =	sdelay $0x1  }
0x2cf: {  	v11 =	vmul.f32 v3, v11;
	[tilespmem:s15+$0x50] =	vst v2  }
0x2d0: {  	v12 =	vmul.f32 v3, v12;
	v19 =	vld [tilespmem:$0x1FF80]  }
0x2d1: {  	v56 =	vld [tilespmem:$0x1FF90];
	[tilespmem:s15+$0x60] =	vst v11  }
0x2d2: {  	[tilespmem:s15+$0x70] =	vst v12  }
0x2d3: {  	v47, _, _ =	vpop (xrf2);
	v58 =	vld [tilespmem:$0x1FC10]  }
0x2d4: {  	v9 =	vmul.f32 $1.442695020e+00, v47;
	_ =	sdelay $0x1  }
0x2d5: {  	v9 =	vbroadcast v9, $0xF;
	v2 =	vpop (erf)  }
0x2d6: {  	v57 =	vpop (erf)  }
0x2d7: {  	(erf) = vpow2.f32 v9;
	v9 =	vmul.f32 v57, v58  }
0x2d8: {  	[tilespmem:s20+$0x0] =	vst v3  }
0x2d9: {  	v15 =	vmul.f32 v15, v56;
	[tilespmem:s17+$0xFFFFFF00] =	vst v9  }
0x2da: {  	v63 =	vmul.f32 v57, v52;
	v14 =	vmul.f32 v14, v19;
	v9 =	vld [tilespmem:$0x1FC20]  }
0x2db: {  	v62 =	vadd.f32 v15, v18;
	v15 =	vmul.f32 v57, v61  }
0x2dc: {  	v59 =	vadd.f32 v14, v17;
	v17 =	vmul.f32 v57, v55;
	[tilespmem:s17+$0xFFFFFF10] =	vst v63  }
0x2dd: {  	v18 =	vmul.f32 v57, v6;
	[tilespmem:s17+$0xFFFFFF30] =	vst v15  }
0x2de: {  	v19 =	vmul.f32 v57, v10;
	[tilespmem:s17+$0xFFFFFF40] =	vst v17  }
0x2df: {  	[tilespmem:s17+$0xFFFFFF50] =	vst v18;
	v9 =	vmul.f32 v57, v9  }
0x2e0: {  	[tilespmem:s17+$0xFFFFFF60] =	vst v19  }
0x2e1: {  	[tilespmem:s17+$0xFFFFFF20] =	vst v9  }
0x2e2: {  	v6 =	vld [tilespmem:$0x1FC00]  }
0x2e3: {  	v20 =	vmul.f32 v57, v13;
	v21 =	vpop (erf)  }
0x2e4: {  	v12 =	vadd.f32 v62, v59;
	v22 =	vmul.f32 v21, v48  }
0x2e5: {  	v23 =	vmul.f32 v21, v49;
	[tilespmem:s17+$0xFFFFFF70] =	vst v20  }
0x2e6: {  	(xrf2) =	vadd.scan.msk.f32 $0xffff, v12;
	[tilespmem:s17+$0xFFFFFF80] =	vst v22  }
0x2e7: {  	[tilespmem:s17+$0xFFFFFF90] =	vst v23;
	v6 =	vmul.f32 v16, v6  }
0x2e8: {  	[tilespmem:s21+$0xFFFFFF00] =	vst v57  }
0x2e9: {  	[tilespmem:s16+$0xFFFFFFE0] =	vst v6  }
0x2ea: {  	v6 =	vld [tilespmem:$0x1FC30];
	_ =	sdelay $0x2  }
0x2eb: {  	v24 =	vmul.f32 v21, v53  }
0x2ec: {  	v32 =	vmul.f32 v21, v60  }
0x2ed: {  	[tilespmem:s17+$0xFFFFFFA0] =	vst v24;
	v6 =	vmul.f32 v21, v6  }
0x2ee: {  	v35 =	vmul.f32 v21, v5;
	v33, _, _ =	vpop (xrf2);
	[tilespmem:s17+$0xFFFFFFC0] =	vst v32  }
0x2ef: {  	v40 =	vmul.f32 v16, v40;
	[tilespmem:s17+$0xFFFFFFB0] =	vst v6;
	v6 =	vmul.f32 $1.442695020e+00, v33  }
0x2f0: {  	v43 =	vmul.f32 v2, v25;
	[tilespmem:s17+$0xFFFFFFD0] =	vst v35  }
0x2f1: {  	v44 =	vmul.f32 v2, v26;
	[tilespmem:s16+$0xFFFFFFF0] =	vst v40;
	v6 =	vbroadcast v6, $0xF  }
0x2f2: {  	v46 =	vmul.f32 v2, v29;
	[tilespmem:s16+$0x0] =	vst v43  }
0x2f3: {  	[tilespmem:s16+$0x10] =	vst v44;
	(erf) = vpow2.f32 v6  }
0x2f4: {  	v47 =	vmul.f32 v2, v34;
	[tilespmem:s16+$0x20] =	vst v46  }
0x2f5: {  	v48 =	vmul.f32 v2, v45;
	[tilespmem:s19+$0xFFFFFF80] =	vst v16  }
0x2f6: {  	v49 =	vmul.f32 v2, v38;
	v6 =	vld [tilespmem:$0x1FBF0];
	[tilespmem:s16+$0x30] =	vst v47  }
0x2f7: {  	v52 =	vmul.f32 v2, v39;
	[tilespmem:s16+$0x50] =	vst v48  }
0x2f8: {  	v53 =	vmul.f32 v21, v7;
	[tilespmem:s16+$0x60] =	vst v49  }
0x2f9: {  	v55 =	vmul.f32 v21, v8;
	[tilespmem:s16+$0x70] =	vst v52  }
0x2fa: {  	[tilespmem:s17+$0xFFFFFFE0] =	vst v53  }
0x2fb: {  	[tilespmem:s17+$0xFFFFFFF0] =	vst v55;
	v6 =	vmul.f32 v2, v6  }
0x2fc: {  	[tilespmem:s21+$0xFFFFFF80] =	vst v21;
	v56 =	vpop (erf)  }
0x2fd: {  	[tilespmem:s16+$0x40] =	vst v6;
	v57 =	vmul.f32 v56, v50  }
0x2fe: {  	[tilespmem:s19+$0x0] =	vst v2;
	v58 =	vmul.f32 v56, v51  }
0x2ff: {  	[tilespmem:s17+$0x0] =	vst v57  }
0x300: {  	[tilespmem:s17+$0x10] =	vst v58  }
0x301: {  	v3 =	vld [tilespmem:$0x1FC40];
	_ =	sdelay $0x3  }
0x302: {  	v59 =	vmul.f32 v56, v54  }
0x303: {  	v3 =	vmul.f32 v56, v3  }
0x304: {  	[tilespmem:s17+$0x20] =	vst v59  }
0x305: {  	[tilespmem:s17+$0x30] =	vst v3  }
0x306: {  	v2 =	vld [tilespmem:$0x1FCF0];
	_ =	sdelay $0x1  }
0x307: {  	v0 =	vmul.f32 v56, v0  }
0x308: {  	v60 =	vmul.f32 v56, v4  }
0x309: {  	v1 =	vmul.f32 v56, v1;
	[tilespmem:s17+$0x40] =	vst v0  }
0x30a: {  	v61 =	vlaneseq.u32;
	[tilespmem:s17+$0x60] =	vst v60;
	v2 =	vmul.f32 v56, v2  }
0x30b: {  	v0 =	vmul.u32 $0x80, v61;
	[tilespmem:s17+$0x70] =	vst v1  }
0x30c: {  	[tilespmem:s17+$0x50] =	vst v2  }
0x30d: {  	[tilespmem:s21+$0x0] =	vst v56  }
0x30e: {  	v1 =	vld [tilespmem:$0x14300];
	_ =	sdelay $0x2  }
0x30f: {  	v2 =	vld.idx.msk [tilespmem:v0+s11+$0x0], $0xffff;
	_ =	sdelay $0x3  }
0x310: {  	v62 =	vor.u32 $0x800, v0  }
0x311: {  	[tilespmem:v1+s4+$0x0] =	vst.idx.add.f32.msk $0xffff, v2  }
0x312: {  	v1 =	vld [tilespmem:$0x14310];
	_ =	sdelay $0x2  }
0x313: {  	v2 =	vld.idx.msk [tilespmem:v62+s11+$0x0], $0xffff;
	_ =	sdelay $0x3  }
0x314: {  	v63 =	vor.u32 $0x1000, v0  }
0x315: {  	[tilespmem:v1+s4+$0x0] =	vst.idx.add.f32.msk $0xffff, v2  }
0x316: {  	v1 =	vld [tilespmem:$0x14320];
	_ =	sdelay $0x2  }
0x317: {  	v2 =	vld.idx.msk [tilespmem:v63+s11+$0x0], $0xffff;
	_ =	sdelay $0x3  }
0x318: {  	v0 =	vor.u32 $0x1800, v0  }
0x319: {  	[tilespmem:v1+s4+$0x0] =	vst.idx.add.f32.msk $0xffff, v2  }
0x31a: {  	v1 =	vld [tilespmem:$0x14330];
	_ =	sdelay $0x2  }
0x31b: {  	v0 =	vld.idx.msk [tilespmem:v0+s11+$0x0], $0xffff;
	_ =	sdelay $0x2  }
0x31c: {  	s14 =	sadd.s32 $0x1, s14  }
0x31d: {  	p2 =	sne.s32 s14, $0xA2  }
.Ltmp3:
0x31e: {  	[tilespmem:v1+s4+$0x0] =	vst.idx.add.f32.msk $0xffff, v0;
	(pc) =	sbr.rel @p2 .LBB2_6-.Ltmp3, $4  }
0x31f: {  	[spmem:s2] =	stream.indirect.scatter.add.f32 [tilespmem:s26], [sflag:$0x3], $0x80, s31, s3, $0xb8;
	[tilespmem:$0x1CC80] =	vst v63  }
0x320: {  	_ =	swait.ge [sflag:s28], $0x2000  }
0x321: {  	[sflag:s28] =	ssyncset.done $0x0;
	v28 =	vld [tilespmem:$0x1FFA0]  }
0x322: {  	v30 =	vld [tilespmem:$0x1FFB0];
	[sflag:s28] =	ssyncadd.s32 $0xFFFFE000  }
0x323: {  	s14 =	simm.s32 $0x50;
	s15 =	simm.s32 $0x1CB80  }
0x324: {  	[spmem:s24] =	stream.indirect.scatter.add.f32 [tilespmem:s4], [sflag:$0x3], $0x80, s15, s14, $0xb8;
	[tilespmem:$0x1CC80] =	vst v63  }
0x325: {  	_ =	swait.ge [sflag:s28], $0x2800  }
0x326: {  	[sflag:s28] =	ssyncset.done $0x0  }
0x327: {  	s22 =	stileid.u32;
	[sflag:s28] =	ssyncadd.s32 $0xFFFFD800  }
0x328: {  	s14 =	sshll.u32 s22, $0x6;
	[bflag:$0x0] =	sbarrier.arrive $0xFFFF  }
0x329: {  	s23 =	sshrl.u32 s10, $0x3;
	s14 =	sor.u32 $0x1C03, s14;
	s17 =	rddreg [dreg:$0x7]  }
0x32a: {  	[hbm:s17], [sflag:s14] =	dma.local [spmem:s23], $0x2800  }
0x32b: {  	_ =	swait.ge [sflag:s28], $0x2800  }
0x32c: {  	[sflag:s28] =	ssyncset.done $0x0  }
0x32d: {  	s15 =	rddreg [dreg:$0x8];
	[sflag:s28] =	ssyncadd.s32 $0xFFFFD800  }
0x32e: {  	[hbm:s15], [sflag:s14] =	dma.local @!p1 [spmem:s25], $0x80  }
0x32f: {  	s14 =	simm.s32 @!p1 $0x3  }
0x330: {  	_ =	swait.ge @!p1 [sflag:s14], $0x80  }
0x331: {  	s16 =	smov.u32 s24;
	s13 =	sadd.s32 $0x1, s13;
	s24 =	rddreg [dreg:$0x9]  }
0x332: {  	p2 =	sne.s32 s13, s24  }
.Ltmp4:
0x333: {  	_ = 	snop;
	(pc) =	sbr.rel @p2 .LBB2_1-.Ltmp4, $3  }
0x334: {  	_ =	sdelay $0x1  }
0x335: {  	[sflag:s14] =	ssyncset.done @!p1 $0x0  }
0x336: {  	v1 =	vimm.f32 $0.0e+00;
	[sflag:s14] =	ssyncadd.s32 @!p1 $0xFFFFFF80  }
0x337: {  	_ =	sfence.sel $0x180000  }
0x338: {  	[bflag:$0x0] =	sbarrier.arrive $0xFFFF  }
0x339: {  	_ =	strace $0x9000004A  }
0x33a: {  	[bflag:$0x2] =	sbarrier.arrive $0xFFFF  }
0x33b: {  	s0 =	rddreg [dreg:$0x5]  }
0x33c: {  	s0 =	sadd.s32 @!p0 $0x100000, s0  }
0x33d: {  	[sflag:s0] =	ssyncadd.tile.s32 @!p0 $0x1;
	_ =	shalt  }
.Lfunc_end2:
_tile_overlayer_lowered:
.L_overlay_start_2:
0x33e: {  	(tag) =	ssettag $0x2  }
0x33f: {  	s0 =	rddreg [dreg:$0x0];
	s2 =	stileid.u32  }
0x340: {  	s1 =	rddreg [dreg:$0x1];
	p0 =	sne.s32 s2, $0x0  }
0x341: {  	s3 =	rddreg [dreg:$0x2];
	[bflag:$0x3] =	sbarrier.arrive $0xFFFF;
	s2 =	simm.s32 @!p0 $0x1C03  }
0x342: {  	[timem:s3], [sflag:s2] =	dma.local @!p0 [hbm:s0], s1  }
0x343: {  	s0 =	simm.s32 @!p0 $0x3  }
0x344: {  	_ =	swait.ge @!p0 [sflag:s0], s1  }
0x345: {  	s1 =	ssub.s32 @!p0 $0x0, s1;
	[sflag:s0] =	ssyncset.done @!p0 $0x0  }
0x346: {  	[sflag:s0] =	ssyncadd.s32 @!p0 s1  }
0x347: {  	[bflag:$0x3] =	sbarrier.arrive $0xFFFF  }
0x348: {  	_ =	shalt  }

// kernel: kernel.7.cloned.1.call-start
scs
__scs_entry_jumppad:
0x0: {  	(pc) =	sbr.rel $0x88, $3  }
0x1: {  	(tag) =	ssettag $0x0;
	lr =	simm.s32 $0x1  }
0x2: {  	[smem:$0x3F91] =	sst lr;
	_ =	strace $0xD0000000  }
0x3: {  	_ = 	snop  }
0x4: {  	_ = 	snop  }
0x5: {  	_ = 	snop  }
0x6: {  	_ = 	snop  }
0x7: {  	_ = 	snop  }
__scs_overlays_trampoline_lowered:
0x8: {  	[smem:$0x3FA0] =	sst s0  }
0x9: {  	[smem:$0x3FA1] =	sst s1  }
0xa: {  	[smem:$0x3FA2] =	sst s2  }
0xb: {  	[smem:$0x3FA3] =	sst s3  }
0xc: {  	[smem:$0x3FA4] =	sst s4  }
0xd: {  	[smem:$0x3FA5] =	sst s5  }
0xe: {  	[smem:$0x3FA6] =	sst s6  }
0xf: {  	[smem:$0x3FA7] =	sst s7  }
0x10: {  	[smem:$0x3FA8] =	sst s8  }
0x11: {  	[smem:$0x3FA9] =	sst s9;
	s0 =	simm.s32 @!p0 $0x0  }
0x12: {  	s1 =	sld [smem:$0x3F8F];
	s0 =	simm.s32 @p0 $0x1  }
0x13: {  	[smem:$0x3FAA] =	sst s0;
	s0 =	simm.s32 @!p1 $0x0  }
0x14: {  	s2 =	sld [smem:$0x3F8E];
	s0 =	simm.s32 @p1 $0x1  }
0x15: {  	[smem:$0x3FAB] =	sst s0;
	s0 =	simm.s32 @!p2 $0x0  }
0x16: {  	s3 =	sld [smem:$0x3FDB];
	s0 =	simm.s32 @p2 $0x1  }
0x17: {  	s4 =	simm.s32 $0x1BF5;
	[smem:$0x3FAD] =	sst s0  }
0x18: {  	s0 =	sld [smem:$0x3F90];
	_ =	swait.ge [sflag:s4], $0x0  }
0x19: {  	s7 =	sld [smem:$0x3F91]  }
0x1a: {  	s8 =	sadd.s32 $0xFFFFE003, lr  }
0x1b: {  	s9 =	sadd.s32 $0xFFFFFEF7, lr;
	s5 =	simm.s32 $0xFFFFFFFF;
	p2 =	slt.u32 s8, $0xFFFFF086  }
0x1c: {  	p1 =	slt.u32 s9, $0xF7A;
	s5 =	simm.s32 @!p2 $0x0  }
0x1d: {  	s5 =	simm.s32 @p1 $0x1;
	p0 =	seq.s32 s7, s2  }
0x1e: {  	s7 =	smul.u32 @!p0 $0xF7A, s2;
	p2 =	seq.s32 @!p0 s5, $0x0  }
0x1f: {  	s9 =	smul.u32 $0xF7A, s1;
	s8 =	simm.s32 @!p0 $0x1BF5;
	p2 =	por !p2, p0  }
0x20: {  	[sflag:s8] =	ssyncset.s32 @!p0 $0xFFFFF086;
	s6 =	sadd.s32 @!p0 s3, s7;
	s7 =	simm.s32 @!p0 $0x108  }
0x21: {  	s3 =	sadd.s32 s3, s9;
	s6 =	sadd.s32 @!p0 $0x88, s6;
	s7 =	simm.s32 @p2 $0x1082  }
0x22: {  	[simem:s7], [sflag:s8] =	dma.local @!p0 [hbm:s6], $0xF7A  }
0x23: {  	s9 =	sor.u32 $0xD0000000, s2;
	s6 =	simm.s32 $0x108;
	_ =	swait.ge @!p0 [sflag:s8], $0x0  }
0x24: {  	s3 =	sadd.s32 $0x88, s3;
	s6 =	simm.s32 @!p1 $0x1082;
	[sflag:s4] =	ssyncset.s32 $0xFFFFF086  }
0x25: {  	[simem:s6], [sflag:s4] =	dma.local [hbm:s3], $0xF7A  }
0x26: {  	[smem:$0x3F91] =	sst s1;
	(tag) =	ssettag s2;
	_ =	strace s9  }
0x27: {  	s1 =	sld [smem:$0x3FA1]  }
0x28: {  	s2 =	sld [smem:$0x3FA2]  }
0x29: {  	s4 =	sld [smem:$0x3FA4]  }
0x2a: {  	p0 =	seq.s32 s5, $0x0;
	s5 =	sld [smem:$0x3FA5]  }
0x2b: {  	s6 =	sld [smem:$0x3FA6]  }
0x2c: {  	s7 =	sld [smem:$0x3FA7]  }
0x2d: {  	s3 =	simm.s32 $0x108;
	s8 =	sld [smem:$0x3FA8]  }
0x2e: {  	s3 =	simm.s32 @!p0 $0x1082;
	s9 =	sld [smem:$0x3FA9]  }
0x2f: {  	lr =	sadd.s32 s0, s3;
	s0 =	sld [smem:$0x3FA0]  }
0x30: {  	s3 =	sld [smem:$0x3FA3]  }
0x31: {  	[smem:$0x3FAC] =	sst s10  }
0x32: {  	s10 =	sld [smem:$0x3FAA];
	_ =	sdelay $0x3  }
0x33: {  	p0 =	seq.s32 s10, $0x1;
	s10 =	sld [smem:$0x3FAC];
	_ =	sdelay $0x3  }
0x34: {  	[smem:$0x3FAC] =	sst s10  }
0x35: {  	s10 =	sld [smem:$0x3FAB];
	_ =	sdelay $0x3  }
0x36: {  	p1 =	seq.s32 s10, $0x1;
	s10 =	sld [smem:$0x3FAC];
	_ =	sdelay $0x3  }
0x37: {  	[smem:$0x3FAC] =	sst s10  }
0x38: {  	s10 =	sld [smem:$0x3FAD]  }
0x39: {  	_ = 	snop;
	(pc) =	sbr.ind lr, $3  }
0x3a: {  	_ = 	snop  }
0x3b: {  	_ = 	snop  }
0x3c: {  	p2 =	seq.s32 s10, $0x1;
	s10 =	sld [smem:$0x3FAC]  }
0x3d: {  	_ =	shalt  }
0x3e: {  	_ =	shalt  }
0x3f: {  	_ =	shalt  }
0x40: {  	_ =	shalt  }
0x41: {  	_ =	shalt  }
0x42: {  	_ =	shalt  }
0x43: {  	_ =	shalt  }
0x44: {  	_ =	shalt  }
0x45: {  	_ =	shalt  }
0x46: {  	_ =	shalt  }
0x47: {  	_ =	shalt  }
0x48: {  	_ =	shalt  }
0x49: {  	_ =	shalt  }
0x4a: {  	_ =	shalt  }
0x4b: {  	_ =	shalt  }
0x4c: {  	_ =	shalt  }
0x4d: {  	_ =	shalt  }
0x4e: {  	_ =	shalt  }
0x4f: {  	_ =	shalt  }
0x50: {  	_ =	shalt  }
0x51: {  	_ =	shalt  }
0x52: {  	_ =	shalt  }
0x53: {  	_ =	shalt  }
0x54: {  	_ =	shalt  }
0x55: {  	_ =	shalt  }
0x56: {  	_ =	shalt  }
0x57: {  	_ =	shalt  }
0x58: {  	_ =	shalt  }
0x59: {  	_ =	shalt  }
0x5a: {  	_ =	shalt  }
0x5b: {  	_ =	shalt  }
0x5c: {  	_ =	shalt  }
0x5d: {  	_ =	shalt  }
0x5e: {  	_ =	shalt  }
0x5f: {  	_ =	shalt  }
0x60: {  	_ =	shalt  }
0x61: {  	_ =	shalt  }
0x62: {  	_ =	shalt  }
0x63: {  	_ =	shalt  }
0x64: {  	_ =	shalt  }
0x65: {  	_ =	shalt  }
0x66: {  	_ =	shalt  }
0x67: {  	_ =	shalt  }
0x68: {  	_ =	shalt  }
0x69: {  	_ =	shalt  }
0x6a: {  	_ =	shalt  }
0x6b: {  	_ =	shalt  }
0x6c: {  	_ =	shalt  }
0x6d: {  	_ =	shalt  }
0x6e: {  	_ =	shalt  }
0x6f: {  	_ =	shalt  }
0x70: {  	_ =	shalt  }
0x71: {  	_ =	shalt  }
0x72: {  	_ =	shalt  }
0x73: {  	_ =	shalt  }
0x74: {  	_ =	shalt  }
0x75: {  	_ =	shalt  }
0x76: {  	_ =	shalt  }
0x77: {  	_ =	shalt  }
0x78: {  	_ =	shalt  }
0x79: {  	_ =	shalt  }
0x7a: {  	_ =	shalt  }
0x7b: {  	_ =	shalt  }
0x7c: {  	_ =	shalt  }
0x7d: {  	_ =	shalt  }
0x7e: {  	_ =	shalt  }
0x7f: {  	_ =	shalt  }
0x80: {  	_ =	shalt  }
0x81: {  	_ =	shalt  }
0x82: {  	_ =	shalt  }
0x83: {  	_ =	shalt  }
0x84: {  	_ =	shalt  }
0x85: {  	_ =	shalt  }
0x86: {  	_ =	shalt  }
0x87: {  	_ =	shalt  }
.Lfunc_end0:
.L_simem_size_0:
called_computation_lowered:
.L_overlay_start_0:
0x88: {  	s2 =	sld [smem:$0x3FD9]  }
0x89: {  	s3 =	sld [smem:$0x3FFE];
	_ =	sdelay $0x1  }
0x8a: {  	s1 =	srdreg.scid  }
0x8b: {  	s0 =	sand.u32 $0x1, s1  }
0x8c: {  	s17 =	sshll.u32 s0, $0xA;
	s2 =	sadd.s32 s3, s2  }
0x8d: {  	s2 =	sadd.s32 s2, s17  }
0x8e: {  	[smem:$0x3FB8] =	sst s2  }
0x8f: {  	_ = 	snop  }
0x90: {  	s2 =	sld [smem:$0x3FC3]  }
0x91: {  	s18 =	sld [smem:$0x3FD0];
	(tm) =	ssettm $0x1  }
0x92: {  	s4 =	sld [smem:$0x3FFB];
	_ =	sdelay $0x3  }
0x93: {  	_ =	strace s4  }
0x94: {  	s4 =	sld [smem:$0x3FFC];
	_ =	sdelay $0x3  }
0x95: {  	_ =	strace s4  }
0x96: {  	s4 =	sld [smem:$0x3FFD];
	_ =	sdelay $0x3  }
0x97: {  	_ =	strace s4  }
0x98: {  	_ =	strace $0x8FFFFFFF  }
0x99: {  	s19 =	sld [smem:$0x3FDB];
	_ =	sdelay $0x1  }
0x9a: {  	s5 =	simm.s32 $_scs_section_size  }
0x9b: {  	s6 =	simm.s32 $_size__tile_overlayer_lowered;
	s7 =	simm.s32 $_tile_overlayer_lowered  }
0x9c: {  	s22 =	simm.s32 $0x1BFF;
	s21 =	sshll.u32 s7, $0x1;
	s4 =	sadd.s32 s5, s19  }
0x9d: {  	s8 =	simm.s32 $0x0;
	s20 =	sshll.u32 s6, $0x1;
	s6 =	sadd.s32 s21, s4  }
0x9e: {  	[timem:s8], [sflag:s22] =	dma.local [hbm:s6], s20  }
0x9f: {  	_ =	swait.ge [sflag:s22], s20  }
0xa0: {  	s5 =	ssub.s32 $0x0, s20;
	[sflag:s22] =	ssyncset.done $0x0  }
0xa1: {  	[sflag:s22] =	ssyncadd.s32 s5;
	_ =	sdelay $0x1  }
0xa2: {  	s23 =	simm.s32 $0x1B8B  }
0xa3: {  	_ =	swait.ge [sflag:s23], $0x1  }
0xa4: {  	[sflag:s23] =	ssyncset.done $0x0  }
0xa5: {  	s25 =	simm.s32 $0x1B8E;
	s24 =	sld [smem:$0x3FFE];
	[sflag:s23] =	ssyncadd.s32 $0xFFFFFFFF  }
0xa6: {  	s26 =	simm.s32 $execute0_lowered;
	[smem:$0x3FD2] =	sst s25  }
0xa7: {  	s6 =	sshll.u32 s26, $0x1;
	_ =	strace $0x80000046;
	[dreg:$0x1] =	wrdreg $0xFFFFFFFF  }
0xa8: {  	s28 =	simm.s32 $_size_execute0_lowered;
	s4 =	sadd.s32 s4, s6;
	[dreg:$0x0] =	wrdreg $0x0  }
0xa9: {  	s6 =	sshll.u32 s28, $0x1;
	[dreg:$0x2] =	wrdreg s4  }
0xaa: {  	[dreg:$0x3] =	wrdreg s6  }
0xab: {  	[dreg:$0x4] =	wrdreg $0xC0  }
0xac: {  	_ =	task [dreg:s8], $0x5FFFF  }
0xad: {  	[dreg:$0x1] =	wrdreg $0xFFFFFFFF  }
0xae: {  	[dreg:$0x0] =	wrdreg $0x60  }
0xaf: {  	[dreg:$0x2] =	wrdreg s24  }
0xb0: {  	[dreg:$0x3] =	wrdreg s18  }
0xb1: {  	[dreg:$0x4] =	wrdreg s2  }
0xb2: {  	[dreg:$0x5] =	wrdreg $0x0  }
0xb3: {  	[dreg:$0x6] =	wrdreg $0x140000  }
0xb4: {  	[dreg:$0x7] =	wrdreg $0x9  }
0xb5: {  	_ =	task.clear_ibuf [dreg:s8], $0x8FFFF;
	_ =	strace $0x90000046  }
0xb6: {  	s29 =	simm.s32 $0x9;
	_ =	strace $0x80000048  }
0xb7: {  	_ =	swait.ge [sflag:s29], $0x1  }
0xb8: {  	[sflag:s29] =	ssyncadd.s32 $0xFFFFFFFF  }
0xb9: {  	_ =	strace $0x90000048  }
0xba: {  	_ =	sfence  }
0xbb: {  	s30 =	sld [smem:$0x0];
	_ =	sdelay $0x2  }
0xbc: {  	s31 =	sshll.u32 s1, $0xD;
	s1 =	sshrl.u32 s1, $0x2  }
0xbd: {  	s3 =	sand.u32 $0x4000, s31;
	s1 =	sadd.s32 s1, s30  }
0xbe: {  	s0 =	sor.u32 s3, s0;
	s1 =	sshll.u32 s1, $0x11  }
0xbf: {  	s0 =	sor.u32 s1, s0  }
0xc0: {  	s0 =	sadd.s32 $0x8F2B, s0  }
0xc1: {  	[sflag:s0] =	ssyncadd.remote.s32 $0x1  }
0xc2: {  	_ =	sfence.sel $0xFFFF  }
0xc3: {  	[dreg:$0x0] =	wrdreg $0xFFFFFFFF;
	(pc) =	sbr.abs _section_cstart, $3  }
0xc4: {  	[dreg:$0x1] =	wrdreg $0xFFFFFFFF  }
0xc5: {  	_ =	task.clear_ibuf [dreg:s8], $0x2FFFF;
	_ =	strace $0x9FFFFFFF  }
0xc6: {  	(tm) =	ssettm $0x7FFFFFFF  }
0xc7: {  	_ =	shalt  }
tec
execute0_lowered:
.L_overlay_start_1:
0x0: {  	(tag) =	ssettag $0x1  }
0x1: {  	s1 =	rddreg [dreg:$0x0]  }
0x2: {  	s0 =	rddreg [dreg:$0x1]  }
0x3: {  	s2 =	rddreg [dreg:$0x3];
	s3 =	srdreg.scid  }
0x4: {  	s16 =	rddreg [dreg:$0x4];
	s13 =	stileid.u32  }
0x5: {  	s6 =	simm.s32 $0x0;
	s28 =	simm.s32 $0x3;
	s30 =	simm.s32 $0x14280  }
0x6: {  	s31 =	simm.s32 $0x14300;
	s29 =	simm.s32 $0x1;
	s3 =	sand.u32 $0x1, s3  }
0x7: {  	s5 =	smul.u32 $0x280, s13;
	[smem:$0x7FF] =	sst s6;
	s7 =	sadd.s32 $0xD800, s1  }
0x8: {  	s8 =	sadd.s32 $0x35800, s1;
	s11 =	sshll.u32 s13, $0xA;
	s4 =	smul.u32 $0x2800, s3  }
0x9: {  	s9 =	sadd.s32 $0x3600, s1;
	s12 =	smul.u32 $0x50000, s13;
	s14 =	sadd.s32 $0x2000, s16  }
0xa: {  	_ =	strace $0x80000047;
	s10 =	ssub.s32 $0x2, s3;
	s5 =	sadd.s32 s5, s4  }
0xb: {  	[dreg:$0x6] =	wrdreg s14;
	s4 =	sadd.s32 s4, s11;
	s5 =	sshll.u32 s5, $0x4  }
0xc: {  	s26 =	sshrl.u32 s10, $0x1;
	s4 =	sshrl.u32 s4, $0x3;
	s5 =	sadd.s32 s5, s1  }
0xd: {  	s12 =	sshrl.u32 s12, $0x2;
	s1 =	sadd.s32 s4, s1;
	s15 =	sadd.s32 $0x5D800, s5  }
0xe: {  	s4 =	ssub.s32 s10, s26;
	s1 =	sadd.s32 $0xAD800, s1;
	[dreg:$0x7] =	wrdreg s15  }
0xf: {  	s10 =	sadd.s32 s12, s2;
	s17 =	smax.u32 s4, $0x1;
	[dreg:$0x8] =	wrdreg s1  }
0x10: {  	p0 =	sne.s32 s13, $0x0;
	s18 =	sadd.s32 $0x2000, s10;
	[dreg:$0x9] =	wrdreg s17  }
0x11: {  	p1 =	sgt.u32 s13, $0x9;
	s19 =	sadd.s32 $0x4000, s10;
	[dreg:$0xa] =	wrdreg s18  }
0x12: {  	s3 =	sshll.u32 s3, $0x4;
	s20 =	sadd.s32 $0x6000, s10;
	[dreg:$0xb] =	wrdreg s19  }
0x13: {  	s3 =	sor.u32 s13, s3;
	s21 =	sadd.s32 $0x8000, s10;
	[dreg:$0xc] =	wrdreg s20  }
0x14: {  	s13 =	simm.s32 $0x0;
	s22 =	sadd.s32 $0xA000, s10;
	[dreg:$0xd] =	wrdreg s21  }
0x15: {  	v0 =	vlaneseq.u32;
	s12 =	smul.u32 $0x2880, s3;
	s23 =	sadd.s32 $0xC000, s10;
	[dreg:$0xe] =	wrdreg s22  }
0x16: {  	v2 =	vor.u32 $0x10, v0;
	s3 =	sadd.s32 s11, s16;
	s24 =	sadd.s32 $0xE000, s10;
	[dreg:$0xf] =	wrdreg s23  }
0x17: {  	[tilespmem:$0x1FFC0] =	vst v2;
	v2 =	vor.u32 $0x20, v0;
	s11 =	simm.s32 $0x18380;
	s25 =	sadd.s32 $0x10000, s10;
	[dreg:$0x10] =	wrdreg s24  }
0x18: {  	[tilespmem:$0x1FFD0] =	vst v2;
	v2 =	vor.u32 $0x30, v0;
	s26 =	sadd.s32 $0x12000, s10;
	s5 =	simm.s32 $0x2;
	[dreg:$0x11] =	wrdreg s25  }
0x19: {  	v0 =	vor.u32 $0x40, v0;
	[tilespmem:$0x1FFE0] =	vst v2;
	s4 =	simm.s32 $0x1A380;
	[dreg:$0x12] =	wrdreg s26;
	s25 =	sshrl.u32 @!p1 s3, $0x3  }
0x1a: {  	v1 =	vimm.f32 $0.0e+00;
	[tilespmem:$0x1FFF0] =	vst v0;
	s26 =	simm.s32 $0x14380;
	s3 =	simm.s32 $0x40;
	s1 =	simm.s32 $0x16380  }
.LBB2_1:
0x1b: {  	s14 =	simm.s32 $0x0;
	s15 =	simm.s32 $0x200  }
.LBB2_2:
0x1c: {  	p2 =	sne.s32 s15, $0x7E00;
	[tilespmem:s14+$0x143F0] =	vst v1  }
0x1d: {  	[tilespmem:s14+$0x14380] =	vst v1  }
0x1e: {  	[tilespmem:s14+$0x14390] =	vst v1  }
.Ltmp0:
0x1f: {  	[tilespmem:s14+$0x143A0] =	vst v1;
	(pc) =	sbr.rel @p2 .LBB2_2-.Ltmp0, $4  }
0x20: {  	[tilespmem:s14+$0x143B0] =	vst v1  }
0x21: {  	[tilespmem:s14+$0x143C0] =	vst v1  }
0x22: {  	[tilespmem:s14+$0x143D0] =	vst v1  }
0x23: {  	[tilespmem:s14+$0x143E0] =	vst v1;
	s14 =	sshra.s32 s15, $0x2;
	s15 =	sadd.s32 $0x200, s15  }
0x24: {  	[tilespmem:s14+$0x143F0] =	vst v1  }
0x25: {  	[tilespmem:s14+$0x14380] =	vst v1  }
0x26: {  	[tilespmem:s14+$0x14390] =	vst v1  }
0x27: {  	[tilespmem:s14+$0x143A0] =	vst v1  }
0x28: {  	[tilespmem:s14+$0x143B0] =	vst v1  }
0x29: {  	[tilespmem:s14+$0x143C0] =	vst v1  }
0x2a: {  	[tilespmem:s14+$0x143D0] =	vst v1  }
0x2b: {  	[tilespmem:s14+$0x143E0] =	vst v1  }
0x2c: {  	[spmem:s10] =	stream.linear.scatter [tilespmem:s26], [sflag:$0x3], $0x2000, $0x38;
	[tilespmem:$0x1CC80] =	vst v63  }
0x2d: {  	_ =	swait.ge [sflag:s28], $0x2000  }
0x2e: {  	[sflag:s28] =	ssyncset.done $0x0  }
0x2f: {  	s15 =	rddreg [dreg:$0xa];
	[sflag:s28] =	ssyncadd.s32 $0xFFFFE000  }
0x30: {  	[spmem:s15] =	stream.linear.scatter [tilespmem:s26], [sflag:$0x3], $0x2000, $0x38;
	[tilespmem:$0x1CC80] =	vst v63  }
0x31: {  	_ =	swait.ge [sflag:s28], $0x2000  }
0x32: {  	[sflag:s28] =	ssyncset.done $0x0  }
0x33: {  	s17 =	rddreg [dreg:$0xb];
	[sflag:s28] =	ssyncadd.s32 $0xFFFFE000  }
0x34: {  	[spmem:s17] =	stream.linear.scatter [tilespmem:s26], [sflag:$0x3], $0x2000, $0x38;
	[tilespmem:$0x1CC80] =	vst v63  }
0x35: {  	_ =	swait.ge [sflag:s28], $0x2000  }
0x36: {  	[sflag:s28] =	ssyncset.done $0x0  }
0x37: {  	s18 =	rddreg [dreg:$0xc];
	[sflag:s28] =	ssyncadd.s32 $0xFFFFE000  }
0x38: {  	[spmem:s18] =	stream.linear.scatter [tilespmem:s26], [sflag:$0x3], $0x2000, $0x38;
	[tilespmem:$0x1CC80] =	vst v63  }
0x39: {  	_ =	swait.ge [sflag:s28], $0x2000  }
0x3a: {  	[sflag:s28] =	ssyncset.done $0x0  }
0x3b: {  	s19 =	rddreg [dreg:$0xd];
	[sflag:s28] =	ssyncadd.s32 $0xFFFFE000  }
0x3c: {  	[spmem:s19] =	stream.linear.scatter [tilespmem:s26], [sflag:$0x3], $0x2000, $0x38;
	[tilespmem:$0x1CC80] =	vst v63  }
0x3d: {  	_ =	swait.ge [sflag:s28], $0x2000  }
0x3e: {  	[sflag:s28] =	ssyncset.done $0x0  }
0x3f: {  	s20 =	rddreg [dreg:$0xe];
	[sflag:s28] =	ssyncadd.s32 $0xFFFFE000  }
0x40: {  	[spmem:s20] =	stream.linear.scatter [tilespmem:s26], [sflag:$0x3], $0x2000, $0x38;
	[tilespmem:$0x1CC80] =	vst v63  }
0x41: {  	_ =	swait.ge [sflag:s28], $0x2000  }
0x42: {  	[sflag:s28] =	ssyncset.done $0x0  }
0x43: {  	s21 =	rddreg [dreg:$0xf];
	[sflag:s28] =	ssyncadd.s32 $0xFFFFE000  }
0x44: {  	[spmem:s21] =	stream.linear.scatter [tilespmem:s26], [sflag:$0x3], $0x2000, $0x38;
	[tilespmem:$0x1CC80] =	vst v63  }
0x45: {  	_ =	swait.ge [sflag:s28], $0x2000  }
0x46: {  	[sflag:s28] =	ssyncset.done $0x0  }
0x47: {  	s22 =	rddreg [dreg:$0x10];
	[sflag:s28] =	ssyncadd.s32 $0xFFFFE000  }
0x48: {  	[spmem:s22] =	stream.linear.scatter [tilespmem:s26], [sflag:$0x3], $0x2000, $0x38;
	[tilespmem:$0x1CC80] =	vst v63  }
0x49: {  	_ =	swait.ge [sflag:s28], $0x2000  }
0x4a: {  	[sflag:s28] =	ssyncset.done $0x0  }
0x4b: {  	s23 =	rddreg [dreg:$0x11];
	[sflag:s28] =	ssyncadd.s32 $0xFFFFE000  }
0x4c: {  	[spmem:s23] =	stream.linear.scatter [tilespmem:s26], [sflag:$0x3], $0x2000, $0x38;
	[tilespmem:$0x1CC80] =	vst v63  }
0x4d: {  	_ =	swait.ge [sflag:s28], $0x2000  }
0x4e: {  	[sflag:s28] =	ssyncset.done $0x0  }
0x4f: {  	s24 =	rddreg [dreg:$0x12];
	[sflag:s28] =	ssyncadd.s32 $0xFFFFE000  }
0x50: {  	[spmem:s24] =	stream.linear.scatter [tilespmem:s26], [sflag:$0x3], $0x2000, $0x38;
	[tilespmem:$0x1CC80] =	vst v63  }
0x51: {  	_ =	swait.ge [sflag:s28], $0x2000  }
0x52: {  	[sflag:s28] =	ssyncset.done $0x0  }
0x53: {  	s14 =	simm.s32 $0x0;
	s15 =	simm.s32 $0x200;
	[sflag:s28] =	ssyncadd.s32 $0xFFFFE000  }
.LBB2_4:
0x54: {  	p2 =	sne.s32 s15, $0x9E00;
	[tilespmem:s14+$0x1A3F0] =	vst v1  }
0x55: {  	[tilespmem:s14+$0x1A380] =	vst v1  }
0x56: {  	[tilespmem:s14+$0x1A390] =	vst v1  }
.Ltmp1:
0x57: {  	[tilespmem:s14+$0x1A3A0] =	vst v1;
	(pc) =	sbr.rel @p2 .LBB2_4-.Ltmp1, $4  }
0x58: {  	[tilespmem:s14+$0x1A3B0] =	vst v1  }
0x59: {  	[tilespmem:s14+$0x1A3C0] =	vst v1  }
0x5a: {  	[tilespmem:s14+$0x1A3D0] =	vst v1  }
0x5b: {  	[tilespmem:s14+$0x1A3E0] =	vst v1;
	s14 =	sshra.s32 s15, $0x2;
	s15 =	sadd.s32 $0x200, s15  }
0x5c: {  	[tilespmem:s14+$0x1A3F0] =	vst v1  }
0x5d: {  	[tilespmem:s14+$0x1A380] =	vst v1  }
0x5e: {  	[tilespmem:s14+$0x1A390] =	vst v1  }
0x5f: {  	[tilespmem:s14+$0x1A3A0] =	vst v1  }
0x60: {  	[tilespmem:s14+$0x1A3B0] =	vst v1  }
0x61: {  	[tilespmem:s14+$0x1A3C0] =	vst v1  }
0x62: {  	[tilespmem:s14+$0x1A3D0] =	vst v1  }
0x63: {  	[tilespmem:s14+$0x1A3E0] =	vst v1;
	s14 =	simm.s32 @!p0 $0x14380;
	s15 =	simm.s32 @!p0 $0x3  }
0x64: {  	[spmem:s16] =	stream.linear.scatter @!p0 [tilespmem:s14], [sflag:$0x3], $0x2000, $0x38;
	[tilespmem:$0x1CC80] =	vst v63  }
0x65: {  	_ =	swait.ge @!p0 [sflag:s15], $0x2000  }
0x66: {  	[sflag:s15] =	ssyncset.done @!p0 $0x0  }
0x67: {  	s24 =	smov.u32 s16;
	s16 =	rddreg [dreg:$0x6];
	[sflag:s15] =	ssyncadd.s32 @!p0 $0xFFFFE000  }
0x68: {  	[spmem:s16] =	stream.linear.scatter @!p0 [tilespmem:s14], [sflag:$0x3], $0x800, $0x38;
	[tilespmem:$0x1CC80] =	vst v63  }
0x69: {  	_ =	swait.ge @!p0 [sflag:s15], $0x800  }
0x6a: {  	v58 =	vld [tilespmem:$0x1FFC0]  }
0x6b: {  	v59 =	vld [tilespmem:$0x1FFD0]  }
0x6c: {  	[sflag:s15] =	ssyncset.done @!p0 $0x0;
	v60 =	vld [tilespmem:$0x1FFE0]  }
0x6d: {  	v0 =	vlaneseq.u32;
	v61 =	vld [tilespmem:$0x1FFF0];
	[sflag:s15] =	ssyncadd.s32 @!p0 $0xFFFFF800  }
0x6e: {  	[tilespmem:$0x1CB80] =	vst v0  }
0x6f: {  	[tilespmem:$0x1CB90] =	vst v58  }
0x70: {  	[tilespmem:$0x1CBA0] =	vst v59  }
0x71: {  	[tilespmem:$0x1CBB0] =	vst v60  }
0x72: {  	s23 =	simm.s32 $0x1CC00;
	s14 =	simm.s32 $0x0;
	s15 =	rddreg [dreg:$0x2];
	[tilespmem:$0x1CBC0] =	vst v61  }
0x73: {  	[tilespmem:s23], [sflag:$0x3] =	stream.linear.gather [hbm4b:s15+s14], $0x80, $0x38;
	[tilespmem:$0x1CC80] =	vst v63  }
0x74: {  	_ =	swait.ge [sflag:s28], $0x80  }
0x75: {  	[sflag:s28] =	ssyncset.done $0x0  }
0x76: {  	[sflag:s28] =	ssyncadd.s32 $0xFFFFFF80  }
0x77: {  	[bflag:$0x0] =	sbarrier.arrive $0xFFFF  }
0x78: {  	v62 =	vld [tilespmem:$0x1CC60]  }
0x79: {  	v63 =	vld [tilespmem:$0x1CC70]  }
0x7a: {  	v28 =	vld [tilespmem:$0x1CC20]  }
0x7b: {  	v30 =	vld [tilespmem:$0x1CC30];
	_ =	sdelay $0x1  }
0x7c: {  	v41 =	vld [tilespmem:$0x1CC00];
	[tilespmem:$0x1FF80] =	vst v62  }
0x7d: {  	v42 =	vld [tilespmem:$0x1CC10];
	[tilespmem:$0x1FF90] =	vst v63  }
0x7e: {  	v36 =	vld [tilespmem:$0x1CC40];
	[tilespmem:$0x1FFA0] =	vst v28  }
0x7f: {  	v37 =	vld [tilespmem:$0x1CC50];
	[tilespmem:$0x1FFB0] =	vst v30  }
.LBB2_6:
0x80: {  	s15 =	sshll.u32 s14, $0x6  }
0x81: {  	s15 =	sadd.s32 s12, s15  }
0x82: {  	s15 =	sshrl.u32 s15, $0x3  }
0x83: {  	s16 =	sadd.s32 s0, s15  }
0x84: {  	[tilespmem:s30], [sflag:$0x3] =	stream.linear.gather [hbm4b:s16+s6], $0x40, $0x38;
	[tilespmem:$0x1CC80] =	vst v63  }
0x85: {  	_ =	swait.ge [sflag:s28], $0x40  }
0x86: {  	[sflag:s28] =	ssyncset.done $0x0  }
0x87: {  	s15 =	sadd.s32 s9, s15;
	[sflag:s28] =	ssyncadd.s32 $0xFFFFFFC0  }
0x88: {  	[tilespmem:s31], [sflag:$0x3] =	stream.linear.gather [hbm4b:s15+s6], $0x40, $0x38;
	[tilespmem:$0x1CC80] =	vst v63  }
0x89: {  	_ =	swait.ge [sflag:s28], $0x40  }
0x8a: {  	[sflag:s28] =	ssyncset.done $0x0  }
0x8b: {  	[sflag:s28] =	ssyncadd.s32 $0xFFFFFFC0  }
0x8c: {  	[tilespmem:s26], [sflag:$0x1] =	stream.indirect.gather [hbm4b:s7+s3], $0x80, s30, s3, $0xb8;
	[tilespmem:$0x1CC80] =	vst v63  }
0x8d: {  	_ = 	snop  }
0x8e: {  	[tilespmem:s1], [sflag:$0x2] =	stream.indirect.gather [hbm4b:s8+s3], $0x80, s31, s3, $0xb8;
	[tilespmem:$0x1CC80] =	vst v63  }
0x8f: {  	_ =	swait.ge [sflag:s29], $0x2000  }
0x90: {  	[sflag:s29] =	ssyncset.done $0x0  }
0x91: {  	[sflag:s29] =	ssyncadd.s32 $0xFFFFE000  }
0x92: {  	_ =	swait.ge [sflag:s5], $0x2000  }
0x93: {  	[sflag:s5] =	ssyncset.done $0x0  }
0x94: {  	s15 =	simm.s32 $0x14480;
	[sflag:s5] =	ssyncadd.s32 $0xFFFFE000  }
0x95: {  	v0 =	vld [tilespmem:s15+$0xE0];
	_ =	sdelay $0x4  }
0x96: {  	[tilespmem:$0x1FCB0] =	vst v0  }
0x97: {  	v12 =	vld [tilespmem:s15+$0xF0];
	_ =	sdelay $0x3  }
0x98: {  	s23 =	simm.s32 $0x16480  }
0x99: {  	v1 =	vld [tilespmem:s23+$0xE0];
	[tilespmem:$0x1FCC0] =	vst v12  }
0x9a: {  	v13 =	vld [tilespmem:s15+$0xC0];
	_ =	sdelay $0x4  }
0x9b: {  	v2 =	vld [tilespmem:s23+$0xF0];
	[tilespmem:$0x1FC90] =	vst v13  }
0x9c: {  	v14 =	vld [tilespmem:s15+$0xD0];
	_ =	sdelay $0x4  }
0x9d: {  	v3 =	vld [tilespmem:s23+$0xC0];
	[tilespmem:$0x1FCA0] =	vst v14  }
0x9e: {  	v16 =	vld [tilespmem:s15+$0xA0];
	_ =	sdelay $0x4  }
0x9f: {  	v4 =	vld [tilespmem:s23+$0xD0];
	[tilespmem:$0x1FC70] =	vst v16  }
0xa0: {  	v15 =	vld [tilespmem:s15+$0xB0];
	_ =	sdelay $0x4  }
0xa1: {  	v6 =	vld [tilespmem:s23+$0xA0];
	[tilespmem:$0x1FC80] =	vst v15  }
0xa2: {  	v5 =	vld [tilespmem:s15+$0x80];
	_ =	sdelay $0x4  }
0xa3: {  	v7 =	vld [tilespmem:s23+$0xB0];
	[tilespmem:$0x1FC50] =	vst v5  }
0xa4: {  	v17 =	vld [tilespmem:s15+$0x90];
	_ =	sdelay $0x4  }
0xa5: {  	v8 =	vld [tilespmem:s23+$0x80];
	[tilespmem:$0x1FC60] =	vst v17  }
0xa6: {  	v25 =	vld [tilespmem:s15+$0xFFFFFF10];
	_ =	sdelay $0x3  }
0xa7: {  	v9 =	vld [tilespmem:s23+$0x90]  }
0xa8: {  	v10 =	vld [tilespmem:s23+$0xFFFFFF00];
	[tilespmem:$0x1FD70] =	vst v25  }
0xa9: {  	v23 =	vld [tilespmem:s15+$0xFFFFFF80];
	_ =	sdelay $0x4  }
0xaa: {  	v11 =	vld [tilespmem:s23+$0xFFFFFF10];
	[tilespmem:$0x1FE20] =	vst v23  }
0xab: {  	v1 =	vadd.f32 v1, v0;
	v0 =	vld [tilespmem:s15+$0xFFFFFF90];
	_ =	sdelay $0x4  }
0xac: {  	v2 =	vadd.f32 v2, v12;
	v12 =	vld [tilespmem:s23+$0xFFFFFF80];
	[tilespmem:$0x1FE30] =	vst v0  }
0xad: {  	v24 =	vld [tilespmem:s15+$0xFFFFFF00]  }
0xae: {  	v3 =	vadd.f32 v3, v13;
	v13 =	vld [tilespmem:s23+$0xFFFFFF90]  }
0xaf: {  	v29 =	vld [tilespmem:s15+$0x0]  }
0xb0: {  	v6 =	vadd.f32 v6, v16;
	v16 =	vld [tilespmem:s23+$0x0]  }
0xb1: {  	v8 =	vadd.f32 v8, v5;
	v5 =	vld [tilespmem:s15+$0x10]  }
0xb2: {  	v21 =	vld [tilespmem:s23+$0x10];
	[tilespmem:$0x1FD60] =	vst v24  }
0xb3: {  	v27 =	vld [tilespmem:s15+$0xFFFFFF20];
	_ =	sdelay $0x4  }
0xb4: {  	[tilespmem:$0x1FD90] =	vst v27  }
0xb5: {  	v26 =	vld [tilespmem:s15+$0xFFFFFF30]  }
0xb6: {  	v9 =	vadd.f32 v9, v17;
	_ =	sdelay $0x1  }
0xb7: {  	v20 =	vmul.f32 $2.000000030e-01, v9  }
0xb8: {  	vm3 =	vge.f32 v6, $0.0e+00;
	v22 =	vmul.f32 $2.000000030e-01, v6;
	vm6 =	vge.f32 v9, $0.0e+00  }
0xb9: {  	v7 =	vadd.f32 v7, v15;
	v19 =	vmul.f32 $2.000000030e-01, v8;
	v9 =	vsel vm6, v9, v20;
	v20 =	vld [tilespmem:s23+$0xFFFFFF20];
	[tilespmem:$0x1FDA0] =	vst v26  }
0xba: {  	v6 =	vsel vm3, v6, v22;
	vm5 =	vge.f32 v8, $0.0e+00;
	v22 =	vld [tilespmem:s15+$0xFFFFFFA0]  }
0xbb: {  	v8 =	vsel vm5, v8, v19;
	v19 =	vmul.f32 $2.000000030e-01, v7  }
0xbc: {  	vm4 =	vge.f32 v7, $0.0e+00;
	v9 =	vmul.f32 v9, v42  }
0xbd: {  	v17 =	vmul.f32 $2.000000030e-01, v3;
	v7 =	vsel vm4, v7, v19  }
0xbe: {  	vm1 =	vge.f32 v3, $0.0e+00;
	v7 =	vmul.f32 v7, v30;
	v9 =	vadd.f32 $0.0e+00, v9  }
0xbf: {  	v4 =	vadd.f32 v4, v14;
	v3 =	vsel vm1, v3, v17;
	v17 =	vld [tilespmem:s23+$0xFFFFFF30];
	[tilespmem:$0x1FE40] =	vst v22  }
0xc0: {  	v8 =	vmul.f32 v8, v41;
	v7 =	vadd.f32 v7, v9;
	v9 =	vadd.f32 v10, v24;
	v24 =	vld [tilespmem:s15+$0xFFFFFFB0]  }
0xc1: {  	v35 =	vld [tilespmem:$0x1FF80];
	v18 =	vmul.f32 $2.000000030e-01, v4  }
0xc2: {  	vm2 =	vge.f32 v4, $0.0e+00;
	v6 =	vmul.f32 v6, v28;
	v8 =	vadd.f32 $0.0e+00, v8  }
0xc3: {  	vm0 =	vge.f32 v1, $0.0e+00;
	v14 =	vmul.f32 $2.000000030e-01, v1;
	v4 =	vsel vm2, v4, v18  }
0xc4: {  	v4 =	vmul.f32 v4, v37;
	v3 =	vmul.f32 v3, v36;
	v6 =	vadd.f32 v6, v8  }
0xc5: {  	v1 =	vsel vm0, v1, v14;
	v8 =	vld [tilespmem:s23+$0xFFFFFFA0];
	[tilespmem:$0x1FE50] =	vst v24  }
0xc6: {  	v1 =	vmul.f32 v1, v35;
	v3 =	vadd.f32 v3, v6;
	v4 =	vadd.f32 v4, v7;
	v7 =	vld [tilespmem:s23+$0xFFFFFFB0]  }
0xc7: {  	v11 =	vadd.f32 v11, v25;
	v25 =	vld [tilespmem:s15+$0x20]  }
0xc8: {  	v1 =	vadd.f32 v1, v3;
	v3 =	vld [tilespmem:s23+$0x20]  }
0xc9: {  	v13 =	vadd.f32 v13, v0;
	v0 =	vld [tilespmem:s15+$0x30];
	[tilespmem:$0x1FAF0] =	vst v5  }
0xca: {  	v12 =	vadd.f32 v12, v23;
	v23 =	vld [tilespmem:s15+$0xFFFFFF40];
	_ =	sdelay $0x1  }
0xcb: {  	v44 =	vld [tilespmem:$0x1FF90];
	_ =	sdelay $0x1  }
0xcc: {  	v15 =	vmul.f32 $2.000000030e-01, v2  }
0xcd: {  	vm11 =	vge.f32 v2, $0.0e+00;
	v18 =	vld [tilespmem:s23+$0x30];
	[tilespmem:$0x1FDB0] =	vst v23  }
0xce: {  	v2 =	vsel vm11, v2, v15;
	v17 =	vadd.f32 v17, v26;
	v26 =	vld [tilespmem:s15+$0xFFFFFF50]  }
0xcf: {  	v2 =	vmul.f32 v2, v44;
	_ =	sdelay $0x1  }
0xd0: {  	v2 =	vadd.f32 v2, v4;
	_ =	sdelay $0x1  }
0xd1: {  	v6 =	vadd.f32 v2, v1;
	v1 =	vadd.f32 v20, v27;
	v20 =	vld [tilespmem:s23+$0xFFFFFF40];
	[tilespmem:$0x1FDC0] =	vst v26  }
0xd2: {  	v27 =	vld [tilespmem:s15+$0xFFFFFFC0];
	_ =	sdelay $0x3  }
0xd3: {  	v8 =	vadd.f32 v8, v22;
	v22 =	vld [tilespmem:s23+$0xFFFFFF50];
	[tilespmem:$0x1FB00] =	vst v25  }
0xd4: {  	[tilespmem:$0x1FE60] =	vst v27  }
0xd5: {  	v31 =	vld [tilespmem:s15+$0xFFFFFFD0];
	_ =	sdelay $0x1  }
0xd6: {  	v4 =	vmul.f32 $2.000000030e-01, v11  }
0xd7: {  	vm13 =	vge.f32 v11, $0.0e+00  }
0xd8: {  	v4 =	vsel vm13, v11, v4;
	v11 =	vld [tilespmem:s23+$0xFFFFFFC0];
	[tilespmem:$0x1FB10] =	vst v0  }
0xd9: {  	v15 =	vmul.f32 $2.000000030e-01, v12;
	v10 =	vmul.f32 $2.000000030e-01, v9;
	[tilespmem:$0x1FE70] =	vst v31  }
0xda: {  	vm14 =	vge.f32 v12, $0.0e+00;
	vm12 =	vge.f32 v9, $0.0e+00;
	v32 =	vld [tilespmem:s15+$0xFFFFFF60]  }
0xdb: {  	v9 =	vsel vm12, v9, v10;
	v10 =	vsel vm14, v12, v15;
	v15 =	vadd.f32 v18, v0;
	v18 =	vld [tilespmem:s23+$0xFFFFFFD0]  }
0xdc: {  	v0 =	vld [tilespmem:s15+$0x40]  }
0xdd: {  	v7 =	vadd.f32 v7, v24;
	v24 =	vld [tilespmem:s23+$0x40]  }
0xde: {  	v59 =	vmov v29;
	v14 =	vadd.f32 v16, v29;
	v29 =	vld [tilespmem:s15+$0x50]  }
0xdf: {  	v22 =	vadd.f32 v22, v26;
	v26 =	vld [tilespmem:s23+$0x50];
	[tilespmem:$0x1FDE0] =	vst v32  }
0xe0: {  	v16 =	vadd.f32 v21, v5;
	v33 =	vld [tilespmem:s15+$0xFFFFFF70]  }
0xe1: {  	v2 =	vmul.f32 $2.000000030e-01, v13;
	v19 =	vmul.f32 $2.000000030e-01, v14  }
0xe2: {  	v21 =	vmul.f32 $2.000000030e-01, v16;
	vm15 =	vge.f32 v13, $0.0e+00;
	vm8 =	vge.f32 v14, $0.0e+00  }
0xe3: {  	vm9 =	vge.f32 v16, $0.0e+00;
	v2 =	vsel vm15, v13, v2;
	v12 =	vsel vm8, v14, v19  }
0xe4: {  	v14 =	vsel vm9, v16, v21;
	v13 =	vmul.f32 $2.000000030e-01, v1;
	v16 =	vmul.f32 $2.000000030e-01, v17  }
0xe5: {  	vm10 =	vge.f32 v1, $0.0e+00;
	vm11 =	vge.f32 v17, $0.0e+00;
	v11 =	vadd.f32 v11, v27;
	v27 =	vld [tilespmem:s23+$0xFFFFFF60];
	[tilespmem:$0x1FE10] =	vst v33  }
0xe6: {  	v16 =	vsel vm11, v17, v16;
	v3 =	vadd.f32 v3, v25;
	v25 =	vmul.f32 $2.000000030e-01, v15;
	v17 =	vld [tilespmem:s23+$0xFFFFFF70];
	[tilespmem:$0x1FB20] =	vst v0  }
0xe7: {  	v1 =	vsel vm10, v1, v13;
	vm15 =	vge.f32 v15, $0.0e+00;
	v13 =	vadd.f32 v18, v31;
	v31 =	vld [tilespmem:s15+$0xFFFFFFE0];
	[tilespmem:$0x1FB30] =	vst v29  }
0xe8: {  	v15 =	vsel vm15, v15, v25;
	v25 =	vld [tilespmem:s23+$0xFFFFFFE0]  }
0xe9: {  	v38 =	vld [tilespmem:s15+$0xFFFFFFF0]  }
0xea: {  	v39 =	vld [tilespmem:s15+$0x60]  }
0xeb: {  	v40 =	vld [tilespmem:s15+$0x70]  }
0xec: {  	v62 =	vld [tilespmem:s23+$0x60]  }
0xed: {  	v18 =	vadd.f32 v24, v0;
	v34 =	vld [tilespmem:s23+$0x70]  }
0xee: {  	v24 =	vadd.f32 v26, v29;
	v29 =	vadd.f32 v27, v32;
	v27 =	vmov v31;
	v31 =	vld [tilespmem:s23+$0xFFFFFFF0];
	[tilespmem:$0x1FB40] =	vst v38  }
0xef: {  	[tilespmem:$0x1FB50] =	vst v39  }
0xf0: {  	s16 =	simm.s32 $0x14680;
	[tilespmem:$0x1FB60] =	vst v40  }
0xf1: {  	v63 =	vld [tilespmem:s16+$0xE0]  }
0xf2: {  	v21 =	vmul.f32 $2.000000030e-01, v7  }
0xf3: {  	v2 =	vmul.f32 v2, v42;
	vm13 =	vge.f32 v7, $0.0e+00  }
0xf4: {  	v7 =	vsel vm13, v7, v21  }
0xf5: {  	v2 =	vadd.f32 $0.0e+00, v2;
	v7 =	vmul.f32 v7, v30  }
0xf6: {  	[tilespmem:$0x1FD40] =	vst v63  }
0xf7: {  	v2 =	vadd.f32 v7, v2;
	v7 =	vld [tilespmem:s16+$0xF0]  }
0xf8: {  	v19 =	vmul.f32 $2.000000030e-01, v8  }
0xf9: {  	v10 =	vmul.f32 v10, v41;
	vm12 =	vge.f32 v8, $0.0e+00  }
0xfa: {  	v8 =	vsel vm12, v8, v19;
	v26 =	vmul.f32 $2.000000030e-01, v13  }
0xfb: {  	s17 =	simm.s32 $0x16680;
	v10 =	vadd.f32 $0.0e+00, v10;
	v8 =	vmul.f32 v8, v28;
	vm11 =	vge.f32 v13, $0.0e+00  }
0xfc: {  	v13 =	vsel vm11, v13, v26;
	v26 =	vld [tilespmem:s17+$0xE0];
	[tilespmem:$0x1FD50] =	vst v7  }
0xfd: {  	v8 =	vadd.f32 v8, v10;
	v10 =	vld [tilespmem:s16+$0xC0];
	_ =	sdelay $0x2  }
0xfe: {  	v9 =	vmul.f32 v9, v41  }
0xff: {  	v4 =	vmul.f32 v4, v42  }
0x100: {  	v14 =	vmul.f32 v14, v42;
	v9 =	vadd.f32 $0.0e+00, v9;
	v1 =	vmul.f32 v1, v28;
	v43 =	vld [tilespmem:s17+$0xF0];
	[tilespmem:$0x1FD20] =	vst v10  }
0x101: {  	v4 =	vadd.f32 $0.0e+00, v4;
	v20 =	vadd.f32 v20, v23;
	v45 =	vld [tilespmem:s16+$0xD0]  }
0x102: {  	v14 =	vadd.f32 $0.0e+00, v14;
	v1 =	vadd.f32 v1, v9;
	v16 =	vmul.f32 v16, v30  }
0x103: {  	v19 =	vmul.f32 $2.000000030e-01, v20;
	v17 =	vadd.f32 v17, v33;
	v25 =	vadd.f32 v25, v27  }
0x104: {  	v16 =	vadd.f32 v16, v4;
	vm8 =	vge.f32 v20, $0.0e+00;
	v15 =	vmul.f32 v15, v30  }
0x105: {  	v19 =	vsel vm8, v20, v19;
	v9 =	vmul.f32 $2.000000030e-01, v17;
	v4 =	vmul.f32 $2.000000030e-01, v25  }
0x106: {  	v14 =	vadd.f32 v15, v14;
	vm15 =	vge.f32 v17, $0.0e+00;
	vm8 =	vge.f32 v25, $0.0e+00;
	v15 =	vld [tilespmem:s17+$0xC0];
	[tilespmem:$0x1FD30] =	vst v45  }
0x107: {  	v9 =	vsel vm15, v17, v9;
	v17 =	vsel vm8, v25, v4;
	v4 =	vld [tilespmem:s16+$0xA0];
	_ =	sdelay $0x1  }
0x108: {  	v12 =	vmul.f32 v12, v41;
	v0 =	vmul.f32 $2.000000030e-01, v18;
	v31 =	vadd.f32 v31, v38  }
0x109: {  	v23 =	vmul.f32 $2.000000030e-01, v3;
	v21 =	vmul.f32 $2.000000030e-01, v22;
	vm12 =	vge.f32 v18, $0.0e+00  }
0x10a: {  	vm9 =	vge.f32 v22, $0.0e+00;
	v18 =	vsel vm12, v18, v0;
	v0 =	vmul.f32 $2.000000030e-01, v31  }
0x10b: {  	vm14 =	vge.f32 v3, $0.0e+00;
	v20 =	vsel vm9, v22, v21;
	vm9 =	vge.f32 v31, $0.0e+00;
	v46 =	vld [tilespmem:s17+$0xD0];
	[tilespmem:$0x1FD00] =	vst v4  }
0x10c: {  	v3 =	vsel vm14, v3, v23;
	v25 =	vsel vm9, v31, v0;
	v0 =	vld [tilespmem:s16+$0xB0]  }
0x10d: {  	v12 =	vadd.f32 $0.0e+00, v12;
	v3 =	vmul.f32 v3, v28;
	v19 =	vmul.f32 v19, v36  }
0x10e: {  	v20 =	vmul.f32 v20, v37;
	v22 =	vadd.f32 v34, v40  }
0x10f: {  	v12 =	vadd.f32 v3, v12;
	v1 =	vadd.f32 v19, v1  }
0x110: {  	v16 =	vadd.f32 v20, v16;
	v23 =	vmul.f32 $2.000000030e-01, v11;
	v3 =	vmul.f32 $2.000000030e-01, v22  }
0x111: {  	vm10 =	vge.f32 v11, $0.0e+00;
	v61 =	vmul.f32 $2.000000030e-01, v24;
	vm11 =	vge.f32 v22, $0.0e+00;
	v19 =	vld [tilespmem:s17+$0xA0];
	[tilespmem:$0x1FD10] =	vst v0  }
0x112: {  	v11 =	vsel vm10, v11, v23;
	vm13 =	vge.f32 v24, $0.0e+00;
	v20 =	vsel vm11, v22, v3;
	v3 =	vld [tilespmem:s16+$0x80]  }
0x113: {  	v11 =	vmul.f32 v11, v36;
	v24 =	vsel vm13, v24, v61  }
0x114: {  	v13 =	vmul.f32 v13, v37;
	v24 =	vmul.f32 v24, v37  }
0x115: {  	v8 =	vadd.f32 v11, v8;
	v21 =	vadd.f32 v62, v39  }
0x116: {  	v11 =	vadd.f32 v13, v2;
	v14 =	vadd.f32 v24, v14;
	v23 =	vmul.f32 $2.000000030e-01, v29  }
0x117: {  	vm14 =	vge.f32 v29, $0.0e+00;
	v18 =	vmul.f32 v18, v36;
	v40 =	vmul.f32 $2.000000030e-01, v21;
	v13 =	vld [tilespmem:s17+$0xB0];
	[tilespmem:$0x1FCD0] =	vst v3  }
0x118: {  	v23 =	vsel vm14, v29, v23;
	vm10 =	vge.f32 v21, $0.0e+00;
	v9 =	vmul.f32 v9, v44;
	v2 =	vld [tilespmem:s16+$0x90]  }
0x119: {  	v12 =	vadd.f32 v18, v12;
	v21 =	vsel vm10, v21, v40;
	v22 =	vmul.f32 v23, v35  }
0x11a: {  	v17 =	vmul.f32 v17, v35;
	v21 =	vmul.f32 v21, v35;
	v9 =	vadd.f32 v9, v16  }
0x11b: {  	v16 =	vmul.f32 v20, v44;
	v18 =	vadd.f32 v22, v1;
	v22 =	vmul.f32 v25, v44  }
0x11c: {  	v8 =	vadd.f32 v17, v8;
	v12 =	vadd.f32 v21, v12;
	v23 =	vld [tilespmem:s17+$0x80]  }
0x11d: {  	v14 =	vadd.f32 v16, v14;
	v11 =	vadd.f32 v22, v11;
	[tilespmem:$0x1FCE0] =	vst v2  }
0x11e: {  	v9 =	vadd.f32 v9, v18;
	v18 =	vadd.f32 v26, v63;
	v17 =	vld [tilespmem:s17+$0x90]  }
0x11f: {  	v8 =	vadd.f32 v11, v8;
	v20 =	vadd.f32 v43, v7;
	v16 =	vld [tilespmem:s17+$0xFFFFFF00]  }
0x120: {  	v15 =	vadd.f32 v15, v10;
	v21 =	vadd.f32 v46, v45;
	v1 =	vld [tilespmem:s16+$0xFFFFFF10]  }
0x121: {  	vm6 =	vge.f32 v18, $0.0e+00;
	v19 =	vadd.f32 v19, v4;
	v23 =	vadd.f32 v23, v3;
	v22 =	vld [tilespmem:s17+$0xFFFFFF10]  }
0x122: {  	(xrf2) =	vadd.scan.msk.f32 $0xffff, v6;
	vm12 =	vge.f32 v15, $0.0e+00;
	v48 =	vmul.f32 $2.000000030e-01, v21;
	vm5 =	vge.f32 v21, $0.0e+00;
	v33 =	vld [tilespmem:s16+$0xFFFFFF80]  }
0x123: {  	(xrf2) =	vadd.scan.msk.f32 $0xffff, v9;
	v47 =	vmul.f32 $2.000000030e-01, v19;
	v6 =	vadd.f32 v13, v0;
	v9 =	vld [tilespmem:s17+$0xFFFFFF80];
	v24 =	vmul.f32 $2.000000030e-01, v23  }
0x124: {  	vm13 =	vge.f32 v19, $0.0e+00;
	v0 =	vld [tilespmem:s16+$0xFFFFFF90];
	vm14 =	vge.f32 v23, $0.0e+00;
	v13 =	vadd.f32 v17, v2  }
0x125: {  	v19 =	vsel vm13, v19, v47;
	v31 =	vld [tilespmem:s17+$0xFFFFFF90];
	v23 =	vsel vm14, v23, v24;
	v24 =	vmul.f32 $2.000000030e-01, v6  }
0x126: {  	vm4 =	vge.f32 v6, $0.0e+00;
	v25 =	vld [tilespmem:s16+$0x0];
	v17 =	vmul.f32 $2.000000030e-01, v18;
	v26 =	vmul.f32 $2.000000030e-01, v13  }
0x127: {  	v49 =	vld [tilespmem:s17+$0x10];
	v23 =	vmul.f32 v23, v41;
	v6 =	vsel vm4, v6, v24;
	vm15 =	vge.f32 v13, $0.0e+00  }
0x128: {  	v4 =	vld [tilespmem:s16+$0xFFFFFF20];
	v17 =	vsel vm6, v18, v17;
	v18 =	vmul.f32 v19, v28;
	v13 =	vsel vm15, v13, v26  }
0x129: {  	v50 =	vld [tilespmem:s17+$0xFFFFFF20];
	v19 =	vadd.f32 $0.0e+00, v23;
	v26 =	vmul.f32 $2.000000030e-01, v15;
	v13 =	vmul.f32 v13, v42  }
0x12a: {  	v21 =	vsel vm5, v21, v48;
	v10 =	vld [tilespmem:s16+$0xFFFFFF30];
	v9 =	vadd.f32 v9, v33;
	v6 =	vmul.f32 v6, v30  }
0x12b: {  	v3 =	vld [tilespmem:s16+$0xFFFFFFA0];
	v23 =	vmul.f32 $2.000000030e-01, v20;
	v15 =	vsel vm12, v15, v26;
	v13 =	vadd.f32 $0.0e+00, v13  }
0x12c: {  	vm7 =	vge.f32 v20, $0.0e+00;
	v2 =	vld [tilespmem:s16+$0xFFFFFF00];
	v18 =	vadd.f32 v18, v19;
	v15 =	vmul.f32 v15, v36  }
0x12d: {  	v7 =	vld [tilespmem:s16+$0xFFFFFFB0];
	vm10 =	vge.f32 v9, $0.0e+00;
	v19, _, _ =	vpop (xrf2);
	v6 =	vadd.f32 v6, v13;
	v13 =	vsel vm7, v20, v23  }
0x12e: {  	v24 =	vld [tilespmem:s17+$0x0];
	v20 =	vmul.f32 v21, v37;
	v21, _, _ =	vpop (xrf2);
	v15 =	vadd.f32 v15, v18;
	v18 =	vmul.f32 $1.442695020e+00, v19  }
0x12f: {  	v17 =	vmul.f32 v17, v35;
	v26 =	vld [tilespmem:s16+$0x10];
	v23 =	vadd.f32 v50, v4;
	v19 =	vmul.f32 $1.442695020e+00, v21  }
0x130: {  	v21 =	vld [tilespmem:s17+$0xFFFFFF30];
	v13 =	vmul.f32 v13, v44;
	v20 =	vadd.f32 v20, v6;
	v11 =	vbroadcast v18, $0xF  }
0x131: {  	v6 =	vadd.f32 v14, v12;
	v12 =	vld [tilespmem:s17+$0xFFFFFFA0];
	v14 =	vadd.f32 v17, v15;
	[tilespmem:$0x1FB70] =	vst v2;
	v15 =	vbroadcast v19, $0xF  }
0x132: {  	[tilespmem:$0x1FB80] =	vst v1;
	v19 =	vadd.f32 v31, v0;
	v13 =	vadd.f32 v13, v20;
	(erf) = vpow2.f32 v11  }
0x133: {  	v17 =	vld [tilespmem:s17+$0xFFFFFFB0];
	v11 =	vadd.f32 v16, v2;
	v16 =	vadd.f32 v22, v1;
	v20 =	vmul.f32 $2.000000030e-01, v9  }
0x134: {  	v29 =	vld [tilespmem:s16+$0x20];
	v22 =	vadd.f32 v49, v26;
	(erf) = vpow2.f32 v15;
	v13 =	vadd.f32 v13, v14  }
0x135: {  	v18 =	vld [tilespmem:s17+$0x20];
	[tilespmem:$0x1FB90] =	vst v0;
	vm8 =	vge.f32 v11, $0.0e+00;
	v14 =	vmul.f32 $2.000000030e-01, v11;
	v15 =	vmul.f32 $2.000000030e-01, v16  }
0x136: {  	v34 =	vld [tilespmem:s16+$0x30];
	vm9 =	vge.f32 v16, $0.0e+00;
	v9 =	vsel vm10, v9, v20;
	v20 =	vmul.f32 $2.000000030e-01, v19  }
0x137: {  	v63 =	vld [tilespmem:s16+$0xFFFFFF40];
	v11 =	vsel vm8, v11, v14;
	v14 =	vsel vm9, v16, v15;
	v16 =	vadd.f32 v24, v25  }
0x138: {  	v38 =	vmul.f32 $2.000000030e-01, v23;
	vm11 =	vge.f32 v19, $0.0e+00;
	v31 =	vmul.f32 $2.000000030e-01, v22;
	v15 =	vld [tilespmem:s17+$0x30];
	[tilespmem:$0x1FBA0] =	vst v4  }
0x139: {  	v19 =	vsel vm11, v19, v20;
	v20 =	vadd.f32 v21, v10;
	v24 =	vld [tilespmem:s17+$0xFFFFFF40];
	[tilespmem:$0x1FBB0] =	vst v10;
	v21 =	vmul.f32 $2.000000030e-01, v16  }
0x13a: {  	vm14 =	vge.f32 v23, $0.0e+00;
	vm13 =	vge.f32 v22, $0.0e+00;
	v0 =	vld [tilespmem:s16+$0xFFFFFF50];
	[tilespmem:$0x1FBC0] =	vst v3;
	vm12 =	vge.f32 v16, $0.0e+00  }
0x13b: {  	v1 =	vld [tilespmem:s16+$0xFFFFFFC0];
	v16 =	vsel vm12, v16, v21;
	v21 =	vsel vm13, v22, v31;
	v31 =	vmul.f32 $2.000000030e-01, v20  }
0x13c: {  	v22 =	vsel vm14, v23, v38;
	v23 =	vld [tilespmem:s17+$0xFFFFFFC0]  }
0x13d: {  	v51 =	vld [tilespmem:s17+$0xFFFFFF50];
	[tilespmem:$0x1FBD0] =	vst v7  }
0x13e: {  	vm15 =	vge.f32 v20, $0.0e+00;
	v2 =	vld [tilespmem:s16+$0xFFFFFFD0]  }
0x13f: {  	v20 =	vsel vm15, v20, v31;
	v31 =	vmov v0;
	v0 =	vld [tilespmem:s16+$0x40]  }
0x140: {  	v12 =	vadd.f32 v12, v3;
	v17 =	vadd.f32 v17, v7;
	v32 =	vmov v1  }
0x141: {  	v9 =	vmul.f32 v9, v41;
	v18 =	vadd.f32 v18, v29;
	v53 =	vld [tilespmem:s17+$0xFFFFFFD0];
	v23 =	vadd.f32 v23, v32  }
0x142: {  	v52 =	vmul.f32 $2.000000030e-01, v12;
	vm4 =	vge.f32 v12, $0.0e+00;
	v11 =	vmul.f32 v11, v41;
	v45 =	vld [tilespmem:s17+$0x40]  }
0x143: {  	v14 =	vmul.f32 v14, v42;
	v15 =	vadd.f32 v15, v34;
	v1 =	vld [tilespmem:s16+$0x50];
	[tilespmem:$0x1FBE0] =	vst v2;
	v47 =	vmul.f32 $2.000000030e-01, v23  }
0x144: {  	v19 =	vmul.f32 v19, v42;
	v9 =	vadd.f32 $0.0e+00, v9;
	v58 =	vld [tilespmem:s17+$0x50];
	vm10 =	vge.f32 v23, $0.0e+00;
	[tilespmem:$0x1FBF0] =	vst v0  }
0x145: {  	v54 =	vmul.f32 $2.000000030e-01, v17;
	v46 =	vmul.f32 $2.000000030e-01, v15;
	v23 =	vsel vm10, v23, v47;
	v47 =	vld [tilespmem:s16+$0xFFFFFF60]  }
0x146: {  	v55 =	vmul.f32 $2.000000030e-01, v18;
	vm5 =	vge.f32 v17, $0.0e+00;
	vm7 =	vge.f32 v15, $0.0e+00;
	v50 =	vld [tilespmem:s17+$0xFFFFFF60]  }
0x147: {  	vm6 =	vge.f32 v18, $0.0e+00;
	v12 =	vsel vm4, v12, v52;
	v15 =	vsel vm7, v15, v46;
	v46 =	vld [tilespmem:s16+$0xFFFFFF70]  }
0x148: {  	v11 =	vadd.f32 $0.0e+00, v11;
	v14 =	vadd.f32 $0.0e+00, v14;
	v22 =	vmul.f32 v22, v28;
	v52 =	vld [tilespmem:s17+$0xFFFFFF70]  }
0x149: {  	v19 =	vadd.f32 $0.0e+00, v19;
	v17 =	vsel vm5, v17, v54;
	v60 =	vadd.f32 v45, v0;
	v0 =	vld [tilespmem:s16+$0xFFFFFFE0]  }
0x14a: {  	v12 =	vmul.f32 v12, v28;
	v20 =	vmul.f32 v20, v30;
	v11 =	vadd.f32 v22, v11;
	v22 =	vld [tilespmem:s17+$0xFFFFFFE0]  }
0x14b: {  	v18 =	vsel vm6, v18, v55;
	v17 =	vmul.f32 v17, v30;
	v39 =	vadd.f32 v53, v2;
	v40 =	vld [tilespmem:s16+$0xFFFFFFF0]  }
0x14c: {  	v9 =	vadd.f32 v12, v9;
	v12 =	vmul.f32 v21, v42;
	v14 =	vadd.f32 v20, v14;
	v20 =	vld [tilespmem:s17+$0xFFFFFFF0]  }
0x14d: {  	(xrf2) =	vadd.scan.msk.f32 $0xffff, v8;
	v8 =	vadd.f32 v17, v19;
	v56 =	vadd.f32 v51, v31;
	v48 =	vmul.f32 $2.000000030e-01, v39;
	v38 =	vld [tilespmem:s16+$0x60]  }
0x14e: {  	(xrf2) =	vadd.scan.msk.f32 $0xffff, v6;
	v17 =	vmul.f32 v18, v28;
	v6 =	vadd.f32 $0.0e+00, v12;
	vm11 =	vge.f32 v39, $0.0e+00;
	v18 =	vld [tilespmem:s17+$0x60]  }
0x14f: {  	v61 =	vmul.f32 $2.000000030e-01, v56;
	v48 =	vsel vm11, v39, v48;
	v39 =	vld [tilespmem:s16+$0x70];
	v43 =	vadd.f32 v58, v1;
	[tilespmem:$0x1FC00] =	vst v0  }
0x150: {  	vm9 =	vge.f32 v56, $0.0e+00;
	v21 =	vadd.f32 v50, v47;
	v19 =	vadd.f32 v22, v0;
	v22 =	vld [tilespmem:s17+$0x70];
	s17 =	simm.s32 $0x14880  }
0x151: {  	v12 =	vmul.f32 v15, v30;
	v49 =	vsel vm9, v56, v61;
	v56 =	vmul.f32 $2.000000030e-01, v43;
	v3 =	vld [tilespmem:s17+$0xA0]  }
0x152: {  	vm13 =	vge.f32 v43, $0.0e+00;
	v15 =	vmul.f32 $2.000000030e-01, v21  }
0x153: {  	v6 =	vadd.f32 v12, v6;
	v53 =	vsel vm13, v43, v56;
	vm14 =	vge.f32 v21, $0.0e+00  }
0x154: {  	v43 =	vld [tilespmem:s17+$0xC0];
	v12 =	vsel vm14, v21, v15;
	v15 =	vadd.f32 v20, v40;
	v20 =	vmul.f32 $2.000000030e-01, v19  }
0x155: {  	s18 =	simm.s32 $0x16880;
	vm4 =	vge.f32 v19, $0.0e+00;
	v58 =	vld [tilespmem:s17+$0xD0]  }
0x156: {  	v20 =	vsel vm4, v19, v20;
	v19 =	vadd.f32 v22, v39;
	v22 =	vld [tilespmem:s18+$0xC0];
	[tilespmem:$0x1FEB0] =	vst v3  }
0x157: {  	v45 =	vmov v1;
	v1 =	vld [tilespmem:s17+$0x80]  }
0x158: {  	v16 =	vmul.f32 v16, v41;
	v24 =	vadd.f32 v24, v63;
	_ =	sdelay $0x1  }
0x159: {  	v16 =	vadd.f32 $0.0e+00, v16;
	v57 =	vmul.f32 $2.000000030e-01, v24  }
0x15a: {  	(xrf2) =	vadd.scan.msk.f32 $0xffff, v13;
	vm8 =	vge.f32 v24, $0.0e+00;
	v13 =	vadd.f32 v52, v46  }
0x15b: {  	v16 =	vadd.f32 v17, v16;
	v24 =	vsel vm8, v24, v57;
	v62 =	vmul.f32 $2.000000030e-01, v60;
	v57 =	vld [tilespmem:s18+$0xA0];
	[tilespmem:$0x1FE90] =	vst v1  }
0x15c: {  	vm12 =	vge.f32 v60, $0.0e+00;
	v18 =	vadd.f32 v18, v38;
	v17 =	vmul.f32 $2.000000030e-01, v13;
	v0 =	vld [tilespmem:s17+$0xB0]  }
0x15d: {  	v51 =	vsel vm12, v60, v62;
	vm15 =	vge.f32 v13, $0.0e+00  }
0x15e: {  	vm6 =	vge.f32 v18, $0.0e+00;
	v13 =	vsel vm15, v13, v17;
	v17 =	vmul.f32 $2.000000030e-01, v15  }
0x15f: {  	v60 =	vmul.f32 v53, v37;
	v21 =	vmul.f32 $2.000000030e-01, v18;
	vm5 =	vge.f32 v15, $0.0e+00  }
0x160: {  	v12 =	vmul.f32 v12, v35;
	v15 =	vsel vm5, v15, v17;
	v17 =	vmul.f32 v24, v36  }
0x161: {  	v13 =	vmul.f32 v13, v44;
	v18 =	vsel vm6, v18, v21;
	v21 =	vmul.f32 v49, v37;
	v62 =	vld [tilespmem:s18+$0x80];
	[tilespmem:$0x1FED0] =	vst v0  }
0x162: {  	v24 =	vmul.f32 $2.000000030e-01, v19;
	v11 =	vadd.f32 v17, v11;
	v17 =	vmul.f32 v23, v36;
	v23, _, _ =	vpop (xrf2);
	v2 =	vld [tilespmem:s17+$0x90]  }
0x163: {  	v20 =	vmul.f32 v20, v35;
	vm7 =	vge.f32 v19, $0.0e+00;
	v21 =	vadd.f32 v21, v14;
	v54, _, _ =	vpop (xrf2)  }
0x164: {  	v18 =	vmul.f32 v18, v35;
	v24 =	vsel vm7, v19, v24;
	v9 =	vadd.f32 v17, v9;
	v61, _, _ =	vpop (xrf2)  }
0x165: {  	v19 =	vmul.f32 v48, v37;
	v13 =	vadd.f32 v13, v21;
	v50 =	vmul.f32 $1.442695020e+00, v61  }
0x166: {  	v17 =	vmul.f32 v51, v36;
	v11 =	vadd.f32 v12, v11;
	v9 =	vadd.f32 v20, v9  }
0x167: {  	v20 =	vmul.f32 v24, v44;
	v12 =	vbroadcast v50, $0xF;
	v24 =	vadd.f32 v62, v1;
	[tilespmem:$0x1FEA0] =	vst v2  }
0x168: {  	v15 =	vmul.f32 v15, v44;
	v8 =	vadd.f32 v19, v8;
	v16 =	vadd.f32 v17, v16;
	v1 =	vld [tilespmem:s17+$0xE0]  }
0x169: {  	v11 =	vadd.f32 v13, v11;
	(erf) = vpow2.f32 v12;
	v13 =	vmul.f32 $2.000000030e-01, v24;
	v53 =	vld [tilespmem:s18+$0x90]  }
0x16a: {  	v12 =	vadd.f32 v18, v16;
	v16 =	vadd.f32 v57, v3;
	vm8 =	vge.f32 v24, $0.0e+00;
	v21 =	vld [tilespmem:s18+$0xB0]  }
0x16b: {  	v6 =	vadd.f32 v60, v6;
	v22 =	vadd.f32 v22, v43;
	v13 =	vsel vm8, v24, v13;
	v55 =	vld [tilespmem:s18+$0xD0]  }
0x16c: {  	v8 =	vadd.f32 v15, v8;
	v60 =	vmul.f32 $2.000000030e-01, v16;
	v13 =	vmul.f32 v13, v41  }
0x16d: {  	vm12 =	vge.f32 v22, $0.0e+00;
	v6 =	vadd.f32 v20, v6;
	vm9 =	vge.f32 v16, $0.0e+00;
	[tilespmem:$0x1FEE0] =	vst v1  }
0x16e: {  	v8 =	vadd.f32 v8, v9;
	v16 =	vsel vm9, v16, v60;
	v13 =	vadd.f32 $0.0e+00, v13;
	v24 =	vld [tilespmem:s18+$0xE0]  }
0x16f: {  	v16 =	vmul.f32 v16, v28;
	v20 =	vadd.f32 v53, v2;
	v21 =	vadd.f32 v21, v0;
	v62 =	vld [tilespmem:s17+$0xF0]  }
0x170: {  	v9 =	vmul.f32 $1.442695020e+00, v54;
	v6 =	vadd.f32 v6, v12;
	v48 =	vadd.f32 v55, v58;
	v61 =	vld [tilespmem:s18+$0xF0]  }
0x171: {  	v13 =	vadd.f32 v16, v13;
	v53 =	vld [tilespmem:s18+$0xFFFFFF00];
	v56 =	vmul.f32 $2.000000030e-01, v20;
	v57 =	vmul.f32 $2.000000030e-01, v21  }
0x172: {  	(xrf2) =	vadd.scan.msk.f32 $0xffff, v11;
	v52 =	vld [tilespmem:s17+$0xFFFFFF10];
	vm10 =	vge.f32 v20, $0.0e+00;
	vm11 =	vge.f32 v21, $0.0e+00;
	v60 =	vmul.f32 $2.000000030e-01, v48  }
0x173: {  	v55 =	vld [tilespmem:s18+$0xFFFFFF10];
	v20 =	vsel vm10, v20, v56;
	v11 =	vsel vm11, v21, v57;
	v21 =	vmul.f32 $2.000000030e-01, v22  }
0x174: {  	v49 =	vld [tilespmem:s17+$0xFFFFFF90];
	vm13 =	vge.f32 v48, $0.0e+00;
	v20 =	vmul.f32 v20, v42;
	v11 =	vmul.f32 v11, v30  }
0x175: {  	v50 =	vld [tilespmem:s17+$0x0];
	v24 =	vadd.f32 v24, v1;
	v21 =	vsel vm12, v22, v21;
	v51 =	vadd.f32 v61, v62  }
0x176: {  	v0 =	vld [tilespmem:s17+$0xFFFFFF00];
	v22 =	vsel vm13, v48, v60;
	v20 =	vadd.f32 $0.0e+00, v20;
	v16 =	vmul.f32 v21, v36  }
0x177: {  	v12 =	vld [tilespmem:s18+$0xFFFFFF20];
	v61 =	vmul.f32 $2.000000030e-01, v24;
	vm14 =	vge.f32 v24, $0.0e+00;
	v21 =	vmul.f32 $2.000000030e-01, v51  }
0x178: {  	v56 =	vld [tilespmem:s18+$0xFFFFFF80];
	vm15 =	vge.f32 v51, $0.0e+00;
	v11 =	vadd.f32 v11, v20;
	v20 =	vmul.f32 v22, v37  }
0x179: {  	v48 =	vld [tilespmem:s17+$0xFFFFFF80];
	v13 =	vadd.f32 v16, v13;
	v16 =	vmul.f32 $1.442695020e+00, v23;
	v24 =	vsel vm14, v24, v61  }
0x17a: {  	v57 =	vld [tilespmem:s18+$0xFFFFFF90];
	v21 =	vsel vm15, v51, v21;
	v11 =	vadd.f32 v20, v11;
	v20 =	vmul.f32 v24, v35  }
0x17b: {  	(xrf2) =	vadd.scan.msk.f32 $0xffff, v8;
	v1 =	vld [tilespmem:s17+$0xFFFFFF20];
	v21 =	vmul.f32 v21, v44;
	v16 =	vbroadcast v16, $0xF  }
0x17c: {  	v9 =	vbroadcast v9, $0xF;
	(xrf2) =	vadd.scan.msk.f32 $0xffff, v6;
	v6 =	vadd.f32 v55, v52;
	v22 =	vld [tilespmem:s18+$0x0];
	v23, _, _ =	vpop (xrf2);
	v13 =	vadd.f32 v20, v13  }
0x17d: {  	v51 =	vld [tilespmem:s17+$0x10];
	v11 =	vadd.f32 v21, v11;
	v20 =	vmul.f32 $1.442695020e+00, v23;
	(erf) = vpow2.f32 v16  }
0x17e: {  	vm5 =	vge.f32 v6, $0.0e+00;
	v24 =	vld [tilespmem:s18+$0x10];
	[tilespmem:$0x1FC10] =	vst v0;
	(erf) = vpow2.f32 v9;
	v9 =	vadd.f32 v56, v48  }
0x17f: {  	v61 =	vld [tilespmem:s17+$0xFFFFFF30];
	v8 =	vadd.f32 v11, v13;
	v11 =	vbroadcast v20, $0xF;
	v13 =	vadd.f32 v53, v0  }
0x180: {  	v16 =	vld [tilespmem:s18+$0xFFFFFF30];
	v21 =	vmul.f32 $2.000000030e-01, v6;
	v23 =	vmul.f32 $2.000000030e-01, v9;
	vm6 =	vge.f32 v9, $0.0e+00  }
0x181: {  	v53 =	vld [tilespmem:s17+$0xFFFFFFA0];
	(erf) = vpow2.f32 v11;
	(xrf2) =	vadd.scan.msk.f32 $0xffff, v8;
	v8 =	vmul.f32 $2.000000030e-01, v13;
	v11 =	vadd.f32 v57, v49  }
0x182: {  	v22 =	vadd.f32 v22, v50;
	v20 =	vld [tilespmem:s18+$0xFFFFFFA0];
	vm4 =	vge.f32 v13, $0.0e+00;
	v2 =	vsel vm6, v9, v23  }
0x183: {  	v0 =	vld [tilespmem:s17+$0xFFFFFFB0];
	v17 =	vsel vm4, v13, v8;
	[tilespmem:$0x1FD80] =	vst v2;
	v8 =	vadd.f32 v24, v51;
	v9 =	vmul.f32 $2.000000030e-01, v11  }
0x184: {  	v21 =	vsel vm5, v6, v21;
	v24 =	vmul.f32 $2.000000030e-01, v22;
	vm7 =	vge.f32 v11, $0.0e+00;
	v6 =	vld [tilespmem:s18+$0xFFFFFFB0]  }
0x185: {  	vm8 =	vge.f32 v22, $0.0e+00;
	v54 =	vld [tilespmem:s17+$0x20];
	[tilespmem:$0x1FC20] =	vst v1;
	v23 =	vsel vm7, v11, v9;
	v11 =	vmul.f32 $2.000000030e-01, v8  }
0x186: {  	v12 =	vadd.f32 v12, v1;
	v57 =	vld [tilespmem:s18+$0x20];
	v1 =	vsel vm8, v22, v24;
	vm9 =	vge.f32 v8, $0.0e+00  }
0x187: {  	[tilespmem:$0x1FDD0] =	vst v1;
	v1 =	vsel vm9, v8, v11;
	_ =	sdelay $0x1  }
0x188: {  	v4 =	vld [tilespmem:s17+$0x30]  }
0x189: {  	v24 =	vmul.f32 $2.000000030e-01, v12;
	v22 =	vld [tilespmem:s18+$0x30];
	v11 =	vadd.f32 v20, v53;
	[tilespmem:$0x1FDF0] =	vst v1;
	v1, _, _ =	vpop (xrf2)  }
0x18a: {  	vm10 =	vge.f32 v12, $0.0e+00;
	v57 =	vadd.f32 v57, v54;
	[tilespmem:$0x1FF50] =	vst v1;
	v56, _, _ =	vpop (xrf2)  }
0x18b: {  	v24 =	vsel vm10, v12, v24;
	v12 =	vadd.f32 v6, v0;
	v1 =	vmul.f32 $2.000000030e-01, v11;
	v55 =	vld [tilespmem:s17+$0xFFFFFF40];
	[tilespmem:$0x1FC30] =	vst v0;
	v0, _, _ =	vpop (xrf2)  }
0x18c: {  	v2 =	vmul.f32 $1.442695020e+00, v0;
	v0 =	vmul.f32 $2.000000030e-01, v57  }
0x18d: {  	v16 =	vadd.f32 v16, v61;
	vm12 =	vge.f32 v11, $0.0e+00;
	vm14 =	vge.f32 v57, $0.0e+00;
	v20 =	vld [tilespmem:s18+$0xFFFFFF40]  }
0x18e: {  	v15 =	vsel vm12, v11, v1;
	v1 =	vld [tilespmem:$0x1FC50];
	v19 =	vsel vm14, v57, v0;
	v0 =	vbroadcast v2, $0xF  }
0x18f: {  	v60 =	vmul.f32 $2.000000030e-01, v16;
	v6 =	vld [tilespmem:s17+$0xFFFFFF50]  }
0x190: {  	v11 =	vmul.f32 $2.000000030e-01, v12;
	v2 =	vpop (erf);
	(erf) = vpow2.f32 v0;
	v0 =	vld [tilespmem:$0x1FC60]  }
0x191: {  	vm11 =	vge.f32 v16, $0.0e+00;
	vm13 =	vge.f32 v12, $0.0e+00;
	v22 =	vadd.f32 v22, v4;
	v3 =	vld [tilespmem:s18+$0xFFFFFF50]  }
0x192: {  	v16 =	vsel vm11, v16, v60;
	v60 =	vld [tilespmem:s17+$0xFFFFFFC0];
	[tilespmem:$0x1FC40] =	vst v4;
	v14 =	vsel vm13, v12, v11  }
0x193: {  	v7 =	vld [tilespmem:s18+$0xFFFFFFC0];
	v4 =	vmul.f32 v2, v1;
	v11 =	vadd.f32 v20, v55;
	v20 =	vmul.f32 $2.000000030e-01, v22  }
0x194: {  	v5 =	vld [tilespmem:s17+$0xFFFFFFD0];
	vm15 =	vge.f32 v22, $0.0e+00  }
0x195: {  	v12 =	vld [tilespmem:s18+$0xFFFFFFD0];
	[tilespmem:s15+$0x80] =	vst v4;
	v1 =	vmul.f32 v2, v0;
	v0 =	vsel vm15, v22, v20  }
0x196: {  	[tilespmem:$0x1FE00] =	vst v0;
	v0 =	vld [tilespmem:$0x1FC70];
	_ =	sdelay $0x4  }
0x197: {  	v4 =	vmul.f32 v2, v0  }
0x198: {  	[tilespmem:s15+$0x90] =	vst v1  }
0x199: {  	v1 =	vld [tilespmem:$0x1FC80];
	[tilespmem:s15+$0xA0] =	vst v4  }
0x19a: {  	v4 =	vld [tilespmem:$0x1FC90];
	_ =	sdelay $0x2  }
0x19b: {  	v20 =	vmul.f32 $2.000000030e-01, v11  }
0x19c: {  	vm4 =	vge.f32 v11, $0.0e+00;
	v1 =	vmul.f32 v2, v1  }
0x19d: {  	v57 =	vsel vm4, v11, v20;
	v11 =	vmul.f32 v2, v4  }
0x19e: {  	v4 =	vld [tilespmem:$0x1FCA0];
	[tilespmem:s15+$0xB0] =	vst v1  }
0x19f: {  	[tilespmem:s15+$0xC0] =	vst v11  }
0x1a0: {  	v1 =	vld [tilespmem:$0x1FCB0];
	_ =	sdelay $0x4  }
0x1a1: {  	v9 =	vmul.f32 v2, v4;
	v4 =	vmul.f32 v2, v1;
	v1 =	vld [tilespmem:$0x1FCC0]  }
0x1a2: {  	v3 =	vadd.f32 v3, v6;
	_ =	sdelay $0x1  }
0x1a3: {  	v8 =	vadd.f32 v7, v60;
	v7 =	vadd.f32 v12, v5;
	v12 =	vmul.f32 $2.000000030e-01, v3;
	v22 =	vld [tilespmem:s18+$0x40]  }
0x1a4: {  	vm5 =	vge.f32 v3, $0.0e+00;
	v18 =	vld [tilespmem:s17+$0x50]  }
0x1a5: {  	v13 =	vld [tilespmem:s18+$0x50];
	[tilespmem:s15+$0xD0] =	vst v9;
	v10 =	vmul.f32 v2, v1;
	v1 =	vsel vm5, v3, v12  }
0x1a6: {  	v0 =	vld [tilespmem:s17+$0x40];
	v12 =	vmul.f32 $2.000000030e-01, v7;
	[tilespmem:$0x1FEC0] =	vst v1  }
0x1a7: {  	vm7 =	vge.f32 v7, $0.0e+00;
	[tilespmem:s15+$0xE0] =	vst v4  }
0x1a8: {  	[tilespmem:s15+$0xF0] =	vst v10;
	v7 =	vsel vm7, v7, v12  }
0x1a9: {  	[tilespmem:$0x1FF00] =	vst v7;
	v7 =	vld [tilespmem:$0x1FCD0]  }
0x1aa: {  	v9 =	vmul.f32 $2.000000030e-01, v8  }
0x1ab: {  	vm6 =	vge.f32 v8, $0.0e+00  }
0x1ac: {  	v8 =	vsel vm6, v8, v9;
	v3 =	vpop (erf)  }
0x1ad: {  	s20 =	simm.s32 $0x18480;
	v1 =	vpop (erf);
	[tilespmem:$0x1FEF0] =	vst v8  }
0x1ae: {  	[tilespmem:s20+$0x80] =	vst v2;
	v7 =	vmul.f32 v1, v7  }
0x1af: {  	v2 =	vld [tilespmem:$0x1FCE0];
	[tilespmem:$0x1FCF0] =	vst v18  }
0x1b0: {  	v4 =	vadd.f32 v22, v0;
	[tilespmem:s16+$0x80] =	vst v7  }
0x1b1: {  	v7 =	vld [tilespmem:$0x1FD00]  }
0x1b2: {  	v9 =	vmul.f32 $2.000000030e-01, v4  }
0x1b3: {  	vm8 =	vge.f32 v4, $0.0e+00  }
0x1b4: {  	v4 =	vsel vm8, v4, v9;
	v2 =	vmul.f32 v1, v2;
	v10 =	vld [tilespmem:$0x1FD10]  }
0x1b5: {  	[tilespmem:$0x1FF10] =	vst v4  }
0x1b6: {  	[tilespmem:s16+$0x90] =	vst v2;
	v7 =	vmul.f32 v1, v7  }
0x1b7: {  	v8 =	vadd.f32 v13, v18;
	v2 =	vld [tilespmem:$0x1FD20]  }
0x1b8: {  	[tilespmem:s16+$0xA0] =	vst v7  }
0x1b9: {  	v4 =	vmul.f32 $2.000000030e-01, v8;
	v10 =	vmul.f32 v1, v10;
	v7 =	vld [tilespmem:$0x1FD30]  }
0x1ba: {  	vm9 =	vge.f32 v8, $0.0e+00  }
0x1bb: {  	v4 =	vsel vm9, v8, v4;
	[tilespmem:s16+$0xB0] =	vst v10  }
0x1bc: {  	v2 =	vmul.f32 v1, v2;
	[tilespmem:$0x1FF30] =	vst v4;
	v4 =	vld [tilespmem:$0x1FD40];
	_ =	sdelay $0x1  }
0x1bd: {  	[tilespmem:s16+$0xC0] =	vst v2;
	v7 =	vmul.f32 v1, v7  }
0x1be: {  	v2 =	vld [tilespmem:$0x1FD50]  }
0x1bf: {  	v9 =	vmul.f32 v17, v41;
	[tilespmem:s16+$0xD0] =	vst v7  }
0x1c0: {  	v4 =	vmul.f32 v1, v4;
	v7 =	vld [tilespmem:$0x1FD60]  }
0x1c1: {  	v13 =	vmul.f32 v24, v28;
	v9 =	vadd.f32 $0.0e+00, v9  }
0x1c2: {  	[tilespmem:s16+$0xE0] =	vst v4  }
0x1c3: {  	v22 =	vadd.f32 v13, v9;
	v2 =	vmul.f32 v1, v2;
	v9 =	vld [tilespmem:$0x1FD80];
	_ =	sdelay $0x1  }
0x1c4: {  	s19 =	simm.s32 $0x18680;
	v4 =	vld [tilespmem:$0x1FD70];
	[tilespmem:s16+$0xF0] =	vst v2;
	v7 =	vmul.f32 v3, v7  }
0x1c5: {  	v2 =	vld [tilespmem:$0x1FD90];
	[tilespmem:s19+$0x80] =	vst v1  }
0x1c6: {  	v1 =	vld [tilespmem:$0x1FDA0];
	[tilespmem:s15+$0xFFFFFF00] =	vst v7  }
0x1c7: {  	v8 =	vmul.f32 v21, v42;
	v9 =	vmul.f32 v9, v41;
	v7 =	vld [tilespmem:$0x1FDB0]  }
0x1c8: {  	v16 =	vmul.f32 v16, v30;
	v15 =	vmul.f32 v15, v28;
	v10 =	vld [tilespmem:s17+$0xFFFFFF60]  }
0x1c9: {  	v8 =	vadd.f32 $0.0e+00, v8;
	v24 =	vld [tilespmem:s18+$0xFFFFFF60];
	v4 =	vmul.f32 v3, v4;
	v9 =	vadd.f32 $0.0e+00, v9  }
0x1ca: {  	v13 =	vld [tilespmem:s17+$0xFFFFFF70]  }
0x1cb: {  	v20 =	vadd.f32 v16, v8;
	v8 =	vmul.f32 v23, v42;
	v23 =	vld [tilespmem:s18+$0xFFFFFF70];
	[tilespmem:s15+$0xFFFFFF10] =	vst v4;
	v4 =	vadd.f32 v15, v9  }
0x1cc: {  	v11 =	vmul.f32 v3, v7;
	v7 =	vld [tilespmem:s17+$0xFFFFFFE0]  }
0x1cd: {  	[tilespmem:$0x1FF20] =	vst v4;
	v4 =	vld [tilespmem:$0x1FDC0];
	_ =	sdelay $0x2  }
0x1ce: {  	v14 =	vmul.f32 v14, v30;
	v8 =	vadd.f32 $0.0e+00, v8;
	v2 =	vmul.f32 v3, v2;
	_ =	sdelay $0x1  }
0x1cf: {  	v12 =	vmul.f32 v3, v4;
	v4 =	vld [tilespmem:$0x1FDD0];
	[tilespmem:s15+$0xFFFFFF20] =	vst v2;
	v2 =	vadd.f32 v14, v8  }
0x1d0: {  	v17 =	vld [tilespmem:s18+$0xFFFFFFE0]  }
0x1d1: {  	[tilespmem:$0x1FF40] =	vst v2;
	v2 =	vld [tilespmem:$0x1FDE0];
	_ =	sdelay $0x4  }
0x1d2: {  	v14 =	vmul.f32 v3, v2;
	v2 =	vld [tilespmem:$0x1FDF0];
	_ =	sdelay $0x2  }
0x1d3: {  	v1 =	vmul.f32 v3, v1;
	_ =	sdelay $0x1  }
0x1d4: {  	[tilespmem:s15+$0xFFFFFF30] =	vst v1;
	v2 =	vmul.f32 v2, v42  }
0x1d5: {  	[tilespmem:s15+$0xFFFFFF40] =	vst v11  }
0x1d6: {  	v11 =	vadd.f32 v23, v13;
	v23 =	vadd.f32 $0.0e+00, v2;
	v2 =	vld [tilespmem:$0x1FE00];
	_ =	sdelay $0x3  }
0x1d7: {  	[tilespmem:s15+$0xFFFFFF50] =	vst v12  }
0x1d8: {  	v9 =	vmul.f32 v2, v30;
	v2 =	vld [tilespmem:$0x1FE10];
	_ =	sdelay $0x4  }
0x1d9: {  	v1 =	vadd.f32 v24, v10;
	v12 =	vmul.f32 v3, v2  }
0x1da: {  	v2 =	vld [tilespmem:$0x1FE20];
	[tilespmem:s15+$0xFFFFFF60] =	vst v14  }
0x1db: {  	v30 =	vadd.f32 v9, v23;
	v9 =	vmul.f32 $2.000000030e-01, v1;
	[tilespmem:s15+$0xFFFFFF70] =	vst v12  }
0x1dc: {  	v4 =	vmul.f32 v4, v41;
	vm10 =	vge.f32 v1, $0.0e+00;
	[tilespmem:s20+$0xFFFFFF00] =	vst v3  }
0x1dd: {  	v23 =	vsel vm10, v1, v9;
	v1 =	vld [tilespmem:$0x1FE30]  }
0x1de: {  	v19 =	vmul.f32 v19, v28;
	v24 =	vadd.f32 $0.0e+00, v4  }
0x1df: {  	v21 =	vpop (erf)  }
0x1e0: {  	v28 =	vadd.f32 v19, v24;
	v19 =	vmul.f32 v21, v2  }
0x1e1: {  	v8 =	vld [tilespmem:s17+$0xFFFFFFF0]  }
0x1e2: {  	v16 =	vld [tilespmem:s18+$0xFFFFFFF0];
	[tilespmem:s15+$0xFFFFFF80] =	vst v19;
	v3 =	vmul.f32 v21, v1  }
0x1e3: {  	v1 =	vld [tilespmem:$0x1FE40]  }
0x1e4: {  	[tilespmem:s15+$0xFFFFFF90] =	vst v3  }
0x1e5: {  	v14 =	vmul.f32 $2.000000030e-01, v11;
	v2 =	vld [tilespmem:$0x1FE50]  }
0x1e6: {  	vm11 =	vge.f32 v11, $0.0e+00;
	v12 =	vadd.f32 v17, v7  }
0x1e7: {  	v15 =	vld [tilespmem:s18+$0x60];
	v24 =	vsel vm11, v11, v14  }
0x1e8: {  	v4 =	vld [tilespmem:s17+$0x60];
	v14 =	vadd.f32 v16, v8;
	v16 =	vmul.f32 $2.000000030e-01, v12;
	v9 =	vmul.f32 v21, v1  }
0x1e9: {  	vm12 =	vge.f32 v12, $0.0e+00;
	v19 =	vld [tilespmem:s18+$0x70]  }
0x1ea: {  	v1 =	vld [tilespmem:s17+$0x70];
	[tilespmem:s15+$0xFFFFFFA0] =	vst v9;
	v17 =	vmul.f32 v21, v2;
	v2 =	vsel vm12, v12, v16  }
0x1eb: {  	[tilespmem:$0x1FF60] =	vst v2;
	v2 =	vld [tilespmem:$0x1FE60];
	_ =	sdelay $0x3  }
0x1ec: {  	[tilespmem:s15+$0xFFFFFFB0] =	vst v17  }
0x1ed: {  	v18 =	vmul.f32 v21, v2;
	v2 =	vld [tilespmem:$0x1FE70];
	_ =	sdelay $0x2  }
0x1ee: {  	v16 =	vmul.f32 $2.000000030e-01, v14  }
0x1ef: {  	vm13 =	vge.f32 v14, $0.0e+00;
	[tilespmem:$0x1FE80] =	vst v21  }
0x1f0: {  	[tilespmem:s15+$0xFFFFFFC0] =	vst v18;
	v17 =	vmul.f32 v21, v2;
	v2 =	vsel vm13, v14, v16  }
0x1f1: {  	[tilespmem:$0x1FF70] =	vst v2;
	v2 =	vld [tilespmem:$0x1FE90];
	_ =	sdelay $0x1  }
0x1f2: {  	v3 =	vpop (erf)  }
0x1f3: {  	v9 =	vpop (erf)  }
0x1f4: {  	v11 =	vpop (erf);
	[tilespmem:s15+$0xFFFFFFD0] =	vst v17  }
0x1f5: {  	v16 =	vmul.f32 v11, v2;
	v2 =	vld [tilespmem:$0x1FEA0]  }
0x1f6: {  	v15 =	vadd.f32 v15, v4;
	_ =	sdelay $0x1  }
0x1f7: {  	v12 =	vmul.f32 $2.000000030e-01, v15  }
0x1f8: {  	vm14 =	vge.f32 v15, $0.0e+00;
	[tilespmem:s17+$0x80] =	vst v16  }
0x1f9: {  	v14 =	vsel vm14, v15, v12;
	v12 =	vmul.f32 v11, v2;
	v2 =	vld [tilespmem:$0x1FEB0];
	_ =	sdelay $0x4  }
0x1fa: {  	v16 =	vmul.f32 v11, v2;
	v2 =	vld [tilespmem:$0x1FEC0];
	_ =	sdelay $0x3  }
0x1fb: {  	[tilespmem:s17+$0x90] =	vst v12  }
0x1fc: {  	v18 =	vmul.f32 v2, v37;
	v2 =	vld [tilespmem:$0x1FED0];
	_ =	sdelay $0x4  }
0x1fd: {  	v12 =	vmul.f32 v11, v2  }
0x1fe: {  	[tilespmem:s17+$0xA0] =	vst v16  }
0x1ff: {  	[tilespmem:s17+$0xB0] =	vst v12  }
0x200: {  	v2 =	vld [tilespmem:$0x1FEE0];
	_ =	sdelay $0x4  }
0x201: {  	v15 =	vmul.f32 v57, v36;
	v17 =	vadd.f32 v19, v1;
	v19 =	vmul.f32 v11, v2;
	v2 =	vld [tilespmem:$0x1FEF0];
	_ =	sdelay $0x1  }
0x202: {  	v22 =	vadd.f32 v15, v22;
	v15 =	vmul.f32 v11, v43;
	_ =	sdelay $0x1  }
0x203: {  	[tilespmem:s17+$0xC0] =	vst v15  }
0x204: {  	v12 =	vmul.f32 v2, v36;
	v2 =	vld [tilespmem:$0x1FF00];
	_ =	sdelay $0x2  }
0x205: {  	v20 =	vadd.f32 v18, v20;
	v18 =	vmul.f32 $2.000000030e-01, v17  }
0x206: {  	vm15 =	vge.f32 v17, $0.0e+00  }
0x207: {  	v15 =	vsel vm15, v17, v18;
	v17 =	vmul.f32 v2, v37;
	v2 =	vld [tilespmem:$0x1FF10];
	_ =	sdelay $0x1  }
0x208: {  	v16 =	vmul.f32 v11, v58;
	_ =	sdelay $0x1  }
0x209: {  	[tilespmem:s17+$0xD0] =	vst v16  }
0x20a: {  	v21 =	vmul.f32 v2, v36;
	v2 =	vld [tilespmem:$0x1FF20];
	_ =	sdelay $0x4  }
0x20b: {  	v12 =	vadd.f32 v12, v2;
	v2 =	vld [tilespmem:$0x1FF30];
	_ =	sdelay $0x3  }
0x20c: {  	[tilespmem:s17+$0xE0] =	vst v19  }
0x20d: {  	v18 =	vmul.f32 v2, v37;
	v2 =	vld [tilespmem:$0x1FF40];
	_ =	sdelay $0x1  }
0x20e: {  	v16 =	vmul.f32 v11, v62;
	_ =	sdelay $0x1  }
0x20f: {  	[tilespmem:s17+$0xF0] =	vst v16  }
0x210: {  	v19 =	vadd.f32 v17, v2;
	v2 =	vld [tilespmem:$0x1FF50];
	_ =	sdelay $0x2  }
0x211: {  	s21 =	simm.s32 $0x18880  }
0x212: {  	[tilespmem:s21+$0x80] =	vst v11  }
0x213: {  	v16 =	vmul.f32 $1.442695020e+00, v2;
	v2 =	vld [tilespmem:$0x1FF60];
	_ =	sdelay $0x2  }
0x214: {  	v17 =	vadd.f32 v21, v28;
	v21 =	vmul.f32 v23, v35;
	_ =	sdelay $0x1  }
0x215: {  	v23 =	vadd.f32 v21, v22;
	v21 =	vmul.f32 v2, v35;
	v2 =	vld [tilespmem:$0x1FF70];
	_ =	sdelay $0x4  }
0x216: {  	s22 =	simm.s32 $0x8;
	s23 =	simm.s32 $0x14A80;
	v24 =	vmul.f32 v24, v44;
	v18 =	vadd.f32 v18, v30;
	v22 =	vmul.f32 v2, v44  }
.LBB2_7:
0x217: {  	v44 =	vld [tilespmem:$0x1FF80]  }
0x218: {  	v35 =	vld [tilespmem:$0x1FF90];
	_ =	sdelay $0x4  }
0x219: {  	v14 =	vmul.f32 v14, v44;
	v15 =	vmul.f32 v15, v35  }
0x21a: {  	v21 =	vadd.f32 v21, v12;
	v19 =	vadd.f32 v22, v19  }
0x21b: {  	v17 =	vadd.f32 v14, v17;
	v15 =	vadd.f32 v15, v18;
	_ =	sdelay $0x1  }
0x21c: {  	v19 =	vadd.f32 v19, v21;
	v21 =	vadd.f32 v15, v17;
	v15 =	vld [tilespmem:$0x1FB80];
	_ =	sdelay $0x4  }
0x21d: {  	v11 =	vld [tilespmem:$0x1FB70];
	v12 =	vmul.f32 v9, v15  }
0x21e: {  	v2 =	vld [tilespmem:$0x1FC10]  }
0x21f: {  	v15 =	vmov v52  }
0x220: {  	[tilespmem:$0x1FB80] =	vst v15;
	v15 =	vld [tilespmem:$0x1FE80]  }
0x221: {  	[tilespmem:s16+$0xFFFFFF10] =	vst v12;
	v12 =	vmov v10;
	v10 =	vld [tilespmem:$0x1FB40]  }
0x222: {  	v20 =	vadd.f32 v24, v20  }
0x223: {  	v28 =	vmov v55;
	v17 =	vmul.f32 v9, v11;
	v11 =	vmov v2;
	v2 =	vld [tilespmem:$0x1FC20]  }
0x224: {  	v57 =	vld [tilespmem:s23+$0xE0];
	v18 =	vadd.f32 v20, v23  }
0x225: {  	[tilespmem:$0x1FB70] =	vst v11;
	v11 =	vld [tilespmem:$0x1FBA0]  }
0x226: {  	[tilespmem:$0x1FA30] =	vst v28;
	v28 =	vmov v51;
	v22 =	vmul.f32 $1.442695020e+00, v56;
	v62 =	vmul.f32 v15, v10;
	v10 =	vld [tilespmem:$0x1FC00]  }
0x227: {  	v16 =	vbroadcast v16, $0xF;
	[tilespmem:$0x1FAD0] =	vst v28  }
0x228: {  	v43 =	vld [tilespmem:s23+$0xD0];
	v20 =	vbroadcast v22, $0xF;
	(xrf2) =	vadd.scan.msk.f32 $0xffff, v18;
	v18 =	vmovc v6;
	v6 =	vmul.f32 v9, v47;
	v2 =	vmov v2  }
0x229: {  	[tilespmem:$0x1F9F0] =	vst v57;
	(erf) = vpow2.f32 v16  }
0x22a: {  	(erf) = vpow2.f32 v20;
	[tilespmem:s16+$0xFFFFFF60] =	vst v6;
	v20 =	vmul.f32 v9, v11;
	v11 =	vld [tilespmem:$0x1FBB0]  }
0x22b: {  	v6 =	vld [tilespmem:$0x1FB20];
	[tilespmem:$0x1FBA0] =	vst v2;
	v2 =	vmov v10  }
0x22c: {  	[tilespmem:$0x1FA90] =	vst v2;
	v2 =	vld [tilespmem:$0x1FAF0]  }
0x22d: {  	[tilespmem:$0x1F9E0] =	vst v43  }
0x22e: {  	[tilespmem:s16+$0xFFFFFF00] =	vst v17;
	v52 =	vmul.f32 v9, v63  }
0x22f: {  	[tilespmem:$0x1FAC0] =	vst v18;
	v22 =	vmul.f32 v9, v11;
	v11 =	vmov v61  }
0x230: {  	[tilespmem:s16+$0xFFFFFF40] =	vst v52  }
0x231: {  	[tilespmem:$0x1FBB0] =	vst v11;
	v10 =	vmovc v25;
	v25 =	vmul.f32 v3, v6;
	v6 =	vld [tilespmem:$0x1FB30];
	v47 =	vmul.f32 v3, v2;
	v2 =	vmov v50  }
0x232: {  	v11 =	vmov v13;
	[tilespmem:$0x1FAA0] =	vst v2;
	v2 =	vld [tilespmem:$0x1FB00]  }
0x233: {  	s18 =	sadd.s32 $0x200, s18;
	v58 =	vld [tilespmem:s23+$0xF0];
	[tilespmem:s16+$0xFFFFFF20] =	vst v20  }
0x234: {  	v24 =	vld [tilespmem:s18+$0xE0];
	[tilespmem:$0x1FA50] =	vst v12  }
0x235: {  	v55 =	vld [tilespmem:s18+$0xA0];
	v20 =	vmul.f32 v9, v46;
	[tilespmem:$0x1FA60] =	vst v11;
	v11 =	vmov v54  }
0x236: {  	(xrf2) =	vadd.scan.msk.f32 $0xffff, v19;
	v61 =	vmul.f32 v9, v31;
	[tilespmem:$0x1FAB0] =	vst v11;
	v11 =	vld [tilespmem:$0x1FBC0]  }
0x237: {  	(xrf2) =	vadd.scan.msk.f32 $0xffff, v21;
	[tilespmem:s16+$0xFFFFFF70] =	vst v20;
	v21 =	vmul.f32 v3, v2;
	v2 =	vmovc v26;
	v26 =	vmul.f32 v3, v6;
	v6 =	vld [tilespmem:$0x1FB50]  }
0x238: {  	v16 =	vld [tilespmem:s18+$0xC0];
	[tilespmem:s16+$0xFFFFFF30] =	vst v22  }
0x239: {  	v14 =	vld [tilespmem:s23+$0xC0];
	[tilespmem:s16+$0xFFFFFF50] =	vst v61  }
0x23a: {  	v61 =	vpop (erf);
	[tilespmem:$0x1FA40] =	vst v10;
	v10 =	vld [tilespmem:$0x1FB10]  }
0x23b: {  	[tilespmem:s19+$0xFFFFFF00] =	vst v9;
	v28 =	vmul.f32 v61, v11;
	v11 =	vld [tilespmem:$0x1FBD0]  }
0x23c: {  	v22 =	vmul.f32 v15, v27;
	[tilespmem:$0x1FAF0] =	vst v2;
	v2 =	vmov v48;
	v27 =	vmul.f32 v3, v6;
	v6 =	vld [tilespmem:$0x1FB60]  }
0x23d: {  	v9 =	vmul.f32 v61, v33;
	[tilespmem:$0x1FA70] =	vst v2;
	v2 =	vld [tilespmem:$0x1FC30]  }
0x23e: {  	v51 =	vld [tilespmem:s18+$0x80];
	[tilespmem:s15+$0xFFFFFFE0] =	vst v22  }
0x23f: {  	v56 =	vld [tilespmem:s18+$0xF0];
	v31 =	vmov v34;
	v12 =	vmov v29;
	[tilespmem:s16+$0xFFFFFF80] =	vst v9  }
0x240: {  	v23 =	vld [tilespmem:s18+$0xD0];
	v46, _, _ =	vpop (xrf2);
	v13 =	vmul.f32 v3, v59;
	[tilespmem:$0x1FB10] =	vst v31;
	v63 =	vmul.f32 v3, v10  }
0x241: {  	v59 =	vadd.f32 v16, v14;
	v16, _, _ =	vpop (xrf2);
	[tilespmem:s16+$0xFFFFFFA0] =	vst v28;
	v48 =	vmul.f32 $1.442695020e+00, v46;
	v10 =	vmul.f32 v3, v6;
	v6 =	vld [tilespmem:$0x1FB90]  }
0x242: {  	v19 =	vld [tilespmem:s23+$0x80];
	[tilespmem:$0x1FB00] =	vst v12;
	v12 =	vmovc v53;
	v29 =	vmul.f32 v61, v11;
	v11 =	vmov v2;
	v2 =	vmul.f32 $1.442695020e+00, v16  }
0x243: {  	v17 =	vld [tilespmem:s23+$0xA0];
	v22 =	vmov v49;
	[tilespmem:$0x1FBC0] =	vst v12;
	v49 =	vbroadcast v48, $0xF  }
0x244: {  	[tilespmem:$0x1F9D0] =	vst v2;
	v2 =	vld [tilespmem:$0x1FC40]  }
0x245: {  	v18 =	vld [tilespmem:s23+$0xB0];
	[tilespmem:$0x1FB90] =	vst v22  }
0x246: {  	v20 =	vld [tilespmem:s23+$0x90];
	v16 =	vmov v60;
	[tilespmem:$0x1FBD0] =	vst v11;
	v30 =	vmul.f32 v61, v6  }
0x247: {  	v54 =	vld [tilespmem:s18+$0x90];
	[tilespmem:$0x1FA80] =	vst v16;
	v6 =	vpop (erf);
	(erf) = vpow2.f32 v49;
	v49 =	vmov v5;
	v5 =	vmov v61  }
0x248: {  	v11 =	vld [tilespmem:$0x1FBE0];
	[tilespmem:$0x1FE80] =	vst v5  }
0x249: {  	v50 =	vld [tilespmem:s18+$0xB0];
	v46 =	vmov v2;
	[tilespmem:s16+$0xFFFFFF90] =	vst v30  }
0x24a: {  	v31 =	vld [tilespmem:s18+$0xFFFFFF10];
	v2, _, _ =	vpop (xrf2);
	[tilespmem:$0x1FAE0] =	vst v46  }
0x24b: {  	v16 =	vld [tilespmem:s23+$0x0];
	[tilespmem:$0x1FA00] =	vst v2  }
0x24c: {  	v2 =	vmov v0;
	v0 =	vld [tilespmem:s18+$0x0];
	[tilespmem:s15+$0x0] =	vst v13  }
0x24d: {  	v30 =	vmul.f32 v61, v11;
	v11 =	vld [tilespmem:s23+$0xFFFFFF80];
	[tilespmem:s16+$0xFFFFFFB0] =	vst v29  }
0x24e: {  	v28 =	vadd.f32 v55, v17;
	v55 =	vadd.f32 v50, v18;
	v50 =	vld [tilespmem:$0x1FBF0];
	v13 =	vmov v7;
	[tilespmem:$0x1FBF0] =	vst v2  }
0x24f: {  	v23 =	vadd.f32 v23, v43;
	v9 =	vmul.f32 v61, v32;
	v22 =	vld [tilespmem:s18+$0xFFFFFF00];
	v7 =	vmov v40;
	[tilespmem:$0x1FC00] =	vst v13  }
0x250: {  	v24 =	vadd.f32 v24, v57;
	v2 =	vld [tilespmem:$0x1FCF0];
	[tilespmem:$0x1FB40] =	vst v7  }
0x251: {  	v57 =	vmul.f32 $2.000000030e-01, v23;
	v54 =	vadd.f32 v54, v20;
	v29 =	vld [tilespmem:s18+$0xFFFFFF80];
	[tilespmem:s16+$0xFFFFFFC0] =	vst v9  }
0x252: {  	vm1 =	vge.f32 v24, $0.0e+00;
	vm2 =	vge.f32 v23, $0.0e+00;
	v46 =	vld [tilespmem:s23+$0xFFFFFF00];
	[tilespmem:s16+$0xFFFFFFD0] =	vst v30  }
0x253: {  	v23 =	vsel vm2, v23, v57;
	v52 =	vmul.f32 $2.000000030e-01, v54;
	v53 =	vadd.f32 v56, v58;
	v9 =	vmovc v50;
	v30 =	vld [tilespmem:s18+$0xFFFFFF90];
	[tilespmem:s15+$0xFFFFFFF0] =	vst v62  }
0x254: {  	vm3 =	vge.f32 v59, $0.0e+00;
	vm7 =	vge.f32 v54, $0.0e+00;
	v48 =	vadd.f32 v51, v19;
	v50 =	vld [tilespmem:$0x1FFA0];
	[tilespmem:$0x1FB20] =	vst v9  }
0x255: {  	v54 =	vsel vm7, v54, v52;
	vm4 =	vge.f32 v28, $0.0e+00;
	v32 =	vmul.f32 $2.000000030e-01, v53;
	v43 =	vld [tilespmem:s23+$0xFFFFFF90];
	[tilespmem:s20+$0xFFFFFF80] =	vst v15  }
0x256: {  	vm0 =	vge.f32 v53, $0.0e+00;
	v51 =	vmul.f32 $2.000000030e-01, v48;
	v60 =	vmul.f32 $2.000000030e-01, v24;
	v15 =	vmovc v2;
	v2 =	vld [tilespmem:s23+$0x10];
	[tilespmem:s15+$0x10] =	vst v47  }
0x257: {  	vm6 =	vge.f32 v48, $0.0e+00;
	v5 =	vmul.f32 $2.000000030e-01, v28;
	v9 =	vmul.f32 $2.000000030e-01, v59;
	v7 =	vld [tilespmem:s18+$0x10];
	[tilespmem:s15+$0x20] =	vst v21  }
0x258: {  	v56 =	vmovc v45;
	v12 =	vld [tilespmem:s23+$0xFFFFFF10];
	v45 =	vmul.f32 $2.000000030e-01, v55;
	v24 =	vsel vm1, v24, v60;
	v13 =	vsel vm6, v48, v51;
	[tilespmem:s15+$0x30] =	vst v63  }
0x259: {  	v5 =	vsel vm4, v28, v5;
	v51 =	vld [tilespmem:$0x1FFB0];
	v28 =	vsel vm3, v59, v9;
	v0 =	vadd.f32 v0, v16;
	[tilespmem:s15+$0x40] =	vst v25  }
0x25a: {  	vm5 =	vge.f32 v55, $0.0e+00;
	v21 =	vmovc v8;
	v8 =	vmul.f32 v13, v41;
	v13 =	vmul.f32 v54, v42;
	[tilespmem:s15+$0x50] =	vst v26  }
0x25b: {  	v5 =	vmul.f32 v5, v50;
	v26 =	vmul.f32 v28, v36;
	[tilespmem:s15+$0x70] =	vst v10;
	v10 =	vadd.f32 v22, v46  }
0x25c: {  	v61 =	vld [tilespmem:s23+$0xFFFFFF30];
	v22 =	vsel vm0, v53, v32;
	vm12 =	vge.f32 v0, $0.0e+00;
	[tilespmem:$0x1FA20] =	vst v21;
	v21 =	vsel vm5, v55, v45  }
0x25d: {  	[tilespmem:s15+$0x60] =	vst v27;
	v28 =	vld [tilespmem:s23+$0xFFFFFFB0];
	v27 =	vmul.f32 v22, v35;
	v22 =	vadd.f32 v31, v12;
	v8 =	vadd.f32 $0.0e+00, v8  }
0x25e: {  	v53 =	vmovc v4;
	v4 =	vld [tilespmem:s18+$0xFFFFFFB0];
	[tilespmem:s20+$0x0] =	vst v3;
	v3 =	vmovc v6;
	v13 =	vadd.f32 $0.0e+00, v13;
	v21 =	vmul.f32 v21, v51;
	v6 =	vmul.f32 $2.000000030e-01, v10  }
0x25f: {  	v40 =	vld [tilespmem:s18+$0xFFFFFF30];
	v63 =	vmovc v1;
	vm8 =	vge.f32 v10, $0.0e+00;
	v1 =	vmul.f32 $2.000000030e-01, v22;
	vm9 =	vge.f32 v22, $0.0e+00  }
0x260: {  	v62 =	vld [tilespmem:s23+$0xFFFFFFA0];
	v5 =	vadd.f32 v5, v8;
	v8 =	vadd.f32 v21, v13;
	v13 =	vmul.f32 v23, v37  }
0x261: {  	v60 =	vld [tilespmem:s23+$0xFFFFFFC0];
	v21 =	vmul.f32 v24, v44;
	v24 =	vadd.f32 v29, v11;
	v29 =	vmul.f32 $2.000000030e-01, v0  }
0x262: {  	v47 =	vld [tilespmem:s23+$0xFFFFFF20];
	v10 =	vsel vm8, v10, v6;
	v5 =	vadd.f32 v26, v5;
	v8 =	vadd.f32 v13, v8  }
0x263: {  	v23 =	vld [tilespmem:s18+$0xFFFFFFA0];
	v7 =	vadd.f32 v7, v2;
	v4 =	vadd.f32 v4, v28;
	v1 =	vsel vm9, v22, v1  }
0x264: {  	[tilespmem:$0x1FB30] =	vst v56;
	v25 =	vld [tilespmem:s18+$0xFFFFFF20];
	v35 =	vmul.f32 v10, v41;
	v5 =	vadd.f32 v21, v5;
	v8 =	vadd.f32 v27, v8  }
0x265: {  	[tilespmem:$0x1FBE0] =	vst v49;
	v54 =	vld [tilespmem:s23+$0x20];
	v26 =	vmovc v38;
	vm10 =	vge.f32 v24, $0.0e+00;
	v1 =	vmul.f32 v1, v42;
	v31 =	vmul.f32 $2.000000030e-01, v7  }
0x266: {  	v49 =	vld [tilespmem:s23+$0x50];
	[tilespmem:$0x1FB50] =	vst v26;
	vm13 =	vge.f32 v7, $0.0e+00;
	v33 =	vmul.f32 $2.000000030e-01, v4;
	v13 =	vmovc v39;
	v5 =	vadd.f32 v8, v5  }
0x267: {  	v56 =	vld [tilespmem:s18+$0x50];
	v35 =	vadd.f32 $0.0e+00, v35;
	v21 =	vmul.f32 $2.000000030e-01, v24;
	[tilespmem:$0x1FB60] =	vst v13;
	v13 =	vadd.f32 v30, v43  }
0x268: {  	v26 =	vld [tilespmem:s18+$0x20];
	vm9 =	vge.f32 v4, $0.0e+00;
	v30 =	vadd.f32 v40, v61;
	v23 =	vadd.f32 v23, v62;
	(xrf2) =	vadd.scan.msk.f32 $0xffff, v5  }
0x269: {  	v44 =	vld [tilespmem:s18+$0x30];
	v7 =	vsel vm13, v7, v31;
	v8 =	vadd.f32 v25, v47;
	v21 =	vsel vm10, v24, v21  }
0x26a: {  	v27 =	vld [tilespmem:s23+$0x30];
	v24 =	vsel vm12, v0, v29;
	v48 =	vmul.f32 v7, v42;
	v25 =	vmul.f32 $2.000000030e-01, v13  }
0x26b: {  	v55 =	vld [tilespmem:s23+$0xFFFFFF40];
	vm11 =	vge.f32 v13, $0.0e+00;
	v31 =	vmul.f32 $2.000000030e-01, v30;
	v32 =	vmul.f32 $2.000000030e-01, v23  }
0x26c: {  	v45 =	vld [tilespmem:s18+$0xFFFFFFD0];
	vm15 =	vge.f32 v30, $0.0e+00;
	v21 =	vmul.f32 v21, v41;
	vm8 =	vge.f32 v23, $0.0e+00  }
0x26d: {  	v52 =	vmovc v41;
	v6 =	vld [tilespmem:s23+$0xFFFFFF50];
	v24 =	vmul.f32 v24, v41;
	v41 =	vadd.f32 v56, v49;
	v22 =	vadd.f32 v26, v54  }
0x26e: {  	v0 =	vld [tilespmem:s23+$0x40];
	vm14 =	vge.f32 v8, $0.0e+00;
	v40 =	vadd.f32 $0.0e+00, v48;
	v13 =	vsel vm11, v13, v25  }
0x26f: {  	[tilespmem:$0x1FC20] =	vst v47;
	v47 =	vld [tilespmem:s18+$0x40];
	v25 =	vmul.f32 $2.000000030e-01, v8;
	v29 =	vadd.f32 v44, v27;
	v30 =	vsel vm15, v30, v31  }
0x270: {  	v5 =	vld [tilespmem:s18+$0xFFFFFF40];
	v23 =	vsel vm8, v23, v32;
	v31 =	vsel vm9, v4, v33;
	v21 =	vadd.f32 $0.0e+00, v21  }
0x271: {  	v26 =	vld [tilespmem:s18+$0xFFFFFF50];
	v24 =	vadd.f32 $0.0e+00, v24;
	vm9 =	vge.f32 v41, $0.0e+00;
	v34 =	vmul.f32 $2.000000030e-01, v22  }
0x272: {  	v48 =	vld [tilespmem:s18+$0x60];
	v38 =	vmul.f32 v13, v42;
	vm10 =	vge.f32 v22, $0.0e+00;
	v30 =	vmul.f32 v30, v51;
	v10, _, _ =	vpop (xrf2)  }
0x273: {  	v56 =	vmovc v42;
	v4 =	vld [tilespmem:s18+$0xFFFFFF70];
	v42 =	vadd.f32 $0.0e+00, v1;
	v23 =	vmul.f32 v23, v50;
	v7 =	vmul.f32 $1.442695020e+00, v10  }
0x274: {  	[tilespmem:$0x1FC10] =	vst v46;
	v13 =	vld [tilespmem:s23+$0xFFFFFF70];
	v31 =	vmul.f32 v31, v51;
	v46 =	vmul.f32 $2.000000030e-01, v29;
	vm11 =	vge.f32 v29, $0.0e+00  }
0x275: {  	[tilespmem:$0x1FC40] =	vst v27;
	v27 =	vld [tilespmem:s18+$0xFFFFFFC0];
	v25 =	vsel vm14, v8, v25;
	v32 =	vadd.f32 v47, v0;
	v7 =	vbroadcast v7, $0xF  }
0x276: {  	v8 =	vld [tilespmem:s18+$0xFFFFFF60];
	v22 =	vsel vm10, v22, v34;
	v25 =	vmul.f32 v25, v50;
	v38 =	vadd.f32 $0.0e+00, v38  }
0x277: {  	v9 =	vpop (erf);
	[tilespmem:$0x1FC30] =	vst v28;
	v30 =	vadd.f32 v30, v42;
	v28 =	vadd.f32 v5, v55;
	v5 =	vld [tilespmem:s23+$0xFFFFFFD0];
	(erf) = vpow2.f32 v7  }
0x278: {  	v21 =	vadd.f32 v23, v21;
	v26 =	vadd.f32 v26, v6;
	v29 =	vsel vm11, v29, v46;
	v10 =	vld [tilespmem:s23+$0xFFFFFF60]  }
0x279: {  	v57 =	vmovc v43;
	v43 =	vmul.f32 $2.000000030e-01, v32;
	v22 =	vmul.f32 v22, v50;
	v47 =	vadd.f32 v4, v13;
	v4 =	vld [tilespmem:s23+$0x60]  }
0x27a: {  	v1 =	vld [tilespmem:s18+$0xFFFFFFE0];
	vm8 =	vge.f32 v32, $0.0e+00;
	v27 =	vadd.f32 v27, v60;
	v29 =	vmul.f32 v29, v51  }
0x27b: {  	v46 =	vld [tilespmem:s18+$0xFFFFFFF0];
	v33 =	vmul.f32 $2.000000030e-01, v28;
	v34 =	vmul.f32 $2.000000030e-01, v26;
	vm12 =	vge.f32 v28, $0.0e+00  }
0x27c: {  	v59 =	vmovc v37;
	vm13 =	vge.f32 v26, $0.0e+00;
	v22 =	vadd.f32 v22, v24;
	v37 =	vmul.f32 $2.000000030e-01, v27;
	v7 =	vld [tilespmem:s23+$0xFFFFFFE0]  }
0x27d: {  	[tilespmem:$0x1FA10] =	vst v58;
	v58 =	vmovc v36;
	v36 =	vadd.f32 v45, v5;
	v45 =	vmul.f32 $2.000000030e-01, v41;
	v44 =	vadd.f32 v8, v10;
	v8 =	vld [tilespmem:s23+$0xFFFFFFF0]  }
0x27e: {  	vm14 =	vge.f32 v27, $0.0e+00;
	v28 =	vsel vm12, v28, v33;
	v33 =	vadd.f32 v48, v4;
	v48 =	vmovc v11;
	v11 =	vld [tilespmem:$0x1F9E0]  }
0x27f: {  	v26 =	vsel vm13, v26, v34;
	vm11 =	vge.f32 v47, $0.0e+00;
	v34 =	vsel vm9, v41, v45;
	v41 =	vmovc v52;
	v52 =	vmovc v12;
	v12 =	vld [tilespmem:$0x1FA10]  }
0x280: {  	v50 =	vld [tilespmem:s18+$0x70];
	v26 =	vmul.f32 v26, v59;
	v39 =	vmul.f32 $2.000000030e-01, v36;
	vm15 =	vge.f32 v36, $0.0e+00;
	v51 =	vpop (erf)  }
0x281: {  	[tilespmem:$0x1FCF0] =	vst v49;
	v23 =	vmul.f32 $2.000000030e-01, v33;
	v49 =	vadd.f32 v1, v7;
	v1 =	vld [tilespmem:s23+$0x70];
	v19 =	vmul.f32 v51, v19  }
0x282: {  	v46 =	vadd.f32 v46, v8;
	v20 =	vmul.f32 v51, v20;
	v17 =	vmul.f32 v51, v17  }
0x283: {  	v42 =	vmovc v56;
	vm12 =	vge.f32 v49, $0.0e+00;
	v18 =	vmul.f32 v51, v18;
	v14 =	vmul.f32 v51, v14;
	[tilespmem:s23+$0x80] =	vst v19  }
0x284: {  	v45 =	vmovc v15;
	vm13 =	vge.f32 v46, $0.0e+00;
	v15 =	vmul.f32 v51, v11;
	v11 =	vld [tilespmem:$0x1F9F0];
	v12 =	vmul.f32 v51, v12;
	[tilespmem:s23+$0x90] =	vst v20  }
0x285: {  	v56 =	vld [tilespmem:$0x1FA00];
	v19 =	vsel vm14, v27, v37;
	v27 =	vsel vm15, v36, v39;
	v20 =	vsel vm8, v32, v43;
	[tilespmem:s23+$0xB0] =	vst v18  }
0x286: {  	v32 =	vadd.f32 v50, v1;
	v50 =	vmovc v16;
	v16 =	vld [tilespmem:$0x1F9D0];
	v18 =	vadd.f32 v25, v35;
	v25 =	vmul.f32 $2.000000030e-01, v47;
	[tilespmem:s23+$0xC0] =	vst v14  }
0x287: {  	v14 =	vmul.f32 $2.000000030e-01, v49;
	[tilespmem:s23+$0xF0] =	vst v12;
	v12 =	vmul.f32 v28, v58;
	v28 =	vadd.f32 v29, v40;
	v40 =	vld [tilespmem:$0x1FA20]  }
0x288: {  	v39 =	vmovc v63;
	[tilespmem:s23+$0xD0] =	vst v15;
	v15 =	vmul.f32 $2.000000030e-01, v46;
	v63 =	vld [tilespmem:$0x1FA30];
	vm14 =	vge.f32 v33, $0.0e+00;
	v19 =	vmul.f32 v19, v58  }
0x289: {  	v27 =	vmul.f32 v27, v59;
	v25 =	vsel vm11, v47, v25;
	v47 =	vld [tilespmem:$0x1FA50];
	v11 =	vmul.f32 v51, v11  }
0x28a: {  	v36 =	vmovc v58;
	v29 =	vmul.f32 v20, v58;
	v58 =	vsel vm12, v49, v14;
	v14 =	vsel vm14, v33, v23;
	v33 =	vld [tilespmem:$0x1FA70]  }
0x28b: {  	v37 =	vmovc v59;
	v24 =	vmul.f32 $2.000000030e-01, v32;
	[tilespmem:s23+$0xE0] =	vst v11;
	v11 =	vadd.f32 v31, v38;
	v31 =	vmul.f32 v34, v59;
	v59 =	vld [tilespmem:$0x1FA40]  }
0x28c: {  	vm15 =	vge.f32 v32, $0.0e+00;
	v38 =	vmovc v53;
	v53 =	vmov v62;
	v62 =	vsel vm13, v46, v15;
	v46 =	vld [tilespmem:$0x1FA60]  }
0x28d: {  	s20 =	smov.u32 s19;
	s19 =	smov.u32 s21;
	s21 =	sadd.s32 $0x200, s21;
	[tilespmem:s23+$0xA0] =	vst v17;
	v15 =	vsel vm15, v32, v24;
	v32 =	vld [tilespmem:$0x1FA80]  }
0x28e: {  	v23 =	vadd.f32 v12, v18;
	[tilespmem:s21+$0x80] =	vst v51;
	v51 =	vmov v2;
	v2 =	vld [tilespmem:$0x1FF80]  }
0x28f: {  	s22 =	sadd.s32 $0x4, s22;
	v12 =	vadd.f32 v19, v21;
	v19 =	vadd.f32 v27, v11;
	v11 =	vld [tilespmem:$0x1FF90]  }
0x290: {  	p2 =	slt.u32 s22, $0x3C;
	v17 =	vmul.f32 $2.000000030e-01, v44;
	v34 =	vld [tilespmem:$0x1FAE0]  }
.Ltmp2:
0x291: {  	vm10 =	vge.f32 v44, $0.0e+00;
	v27 =	vld [tilespmem:$0x1FA90];
	(pc) =	sbr.rel @p2 .LBB2_7-.Ltmp2, $4  }
0x292: {  	v17 =	vsel vm10, v44, v17;
	v18 =	vadd.f32 v31, v28;
	v31 =	vld [tilespmem:$0x1FAC0]  }
0x293: {  	v20 =	vadd.f32 v26, v30;
	v26 =	vmul.f32 v17, v2;
	v17 =	vadd.f32 v29, v22;
	v29 =	vld [tilespmem:$0x1FAB0]  }
0x294: {  	s15 =	smov.u32 s16;
	v24 =	vmul.f32 v25, v11;
	v25 =	vld [tilespmem:$0x1FAA0]  }
0x295: {  	s16 =	smov.u32 s17;
	s17 =	smov.u32 s23;
	v49 =	vmovc v57;
	s23 =	sadd.s32 $0x200, s23;
	v21 =	vmul.f32 v58, v2;
	v22 =	vmul.f32 v62, v11;
	v23 =	vadd.f32 v26, v23;
	v26 =	vld [tilespmem:$0x1FAD0]  }
0x296: {  	v2 =	vld [tilespmem:$0x1FB70]  }
0x297: {  	v44 =	vld [tilespmem:$0x1FB80];
	_ =	sdelay $0x3  }
0x298: {  	v43 =	vmul.f32 v9, v2  }
0x299: {  	v57 =	vmul.f32 v9, v44  }
0x29a: {  	[tilespmem:s16+$0xFFFFFF00] =	vst v43  }
0x29b: {  	v58 =	vld [tilespmem:$0x1FBA0];
	[tilespmem:s16+$0xFFFFFF10] =	vst v57  }
0x29c: {  	v11 =	vadd.f32 v24, v20;
	v20 =	vld [tilespmem:$0x1FBB0]  }
0x29d: {  	v24 =	vmul.f32 v9, v63  }
0x29e: {  	v35 =	vmul.f32 v9, v31  }
0x29f: {  	v43 =	vmul.f32 v9, v47;
	[tilespmem:s16+$0xFFFFFF40] =	vst v24  }
0x2a0: {  	[tilespmem:s16+$0xFFFFFF50] =	vst v35;
	v62 =	vmul.f32 v9, v58  }
0x2a1: {  	v11 =	vadd.f32 v11, v23;
	[tilespmem:s16+$0xFFFFFF60] =	vst v43;
	v23 =	vmul.f32 v9, v20  }
0x2a2: {  	[tilespmem:s16+$0xFFFFFF20] =	vst v62  }
0x2a3: {  	[tilespmem:s16+$0xFFFFFF30] =	vst v23  }
0x2a4: {  	v16 =	vbroadcast v16, $0xF;
	v20 =	vld [tilespmem:$0x1FE80];
	_ =	sdelay $0x1  }
0x2a5: {  	(erf) = vpow2.f32 v16  }
0x2a6: {  	v44 =	vmul.f32 v9, v46;
	_ =	sdelay $0x1  }
0x2a7: {  	[tilespmem:s16+$0xFFFFFF70] =	vst v44;
	v46 =	vmul.f32 v20, v27  }
0x2a8: {  	[tilespmem:s19+$0xFFFFFF00] =	vst v9  }
0x2a9: {  	[tilespmem:s15+$0xFFFFFFE0] =	vst v46  }
0x2aa: {  	v57 =	vld [tilespmem:$0x1FB90];
	_ =	sdelay $0x2  }
0x2ab: {  	v16 =	vpop (erf)  }
0x2ac: {  	v47 =	vmul.f32 v16, v33  }
0x2ad: {  	v12 =	vadd.f32 v21, v12;
	v19 =	vadd.f32 v22, v19;
	v58 =	vmul.f32 v16, v57  }
0x2ae: {  	[tilespmem:s16+$0xFFFFFF80] =	vst v47  }
0x2af: {  	v12 =	vadd.f32 v19, v12;
	v19 =	vld [tilespmem:$0x1FBC0];
	[tilespmem:s16+$0xFFFFFF90] =	vst v58  }
0x2b0: {  	v22 =	vld [tilespmem:$0x1FBD0];
	_ =	sdelay $0x3  }
0x2b1: {  	v21 =	vmul.f32 v16, v19  }
0x2b2: {  	v23 =	vmul.f32 v16, v22  }
0x2b3: {  	v24 =	vmul.f32 v16, v32;
	[tilespmem:s16+$0xFFFFFFA0] =	vst v21  }
0x2b4: {  	[tilespmem:s16+$0xFFFFFFB0] =	vst v23  }
0x2b5: {  	v32 =	vld [tilespmem:$0x1FBE0];
	[tilespmem:s16+$0xFFFFFFC0] =	vst v24  }
0x2b6: {  	v35 =	vld [tilespmem:$0x1FB40]  }
0x2b7: {  	(xrf2) =	vadd.scan.msk.f32 $0xffff, v11;
	_ =	sdelay $0x2  }
0x2b8: {  	v33 =	vmul.f32 v16, v32  }
0x2b9: {  	v43 =	vmul.f32 v20, v35  }
0x2ba: {  	[tilespmem:s16+$0xFFFFFFD0] =	vst v33  }
0x2bb: {  	[tilespmem:s15+$0xFFFFFFF0] =	vst v43  }
0x2bc: {  	[tilespmem:s20+$0xFFFFFF80] =	vst v20  }
0x2bd: {  	v46 =	vld [tilespmem:$0x1FAF0];
	_ =	sdelay $0x1  }
0x2be: {  	v63, _, _ =	vpop (xrf2);
	v62 =	vmul.f32 $1.442695020e+00, v56  }
0x2bf: {  	v9 =	vmul.f32 $1.442695020e+00, v63  }
0x2c0: {  	(xrf2) =	vadd.scan.msk.f32 $0xffff, v12;
	v12 =	vbroadcast v62, $0xF;
	v44 =	vmul.f32 v3, v59  }
0x2c1: {  	v9 =	vbroadcast v9, $0xF;
	v2 =	vmul.f32 v3, v46  }
0x2c2: {  	(erf) = vpow2.f32 v12;
	[tilespmem:s15+$0x0] =	vst v44  }
0x2c3: {  	(erf) = vpow2.f32 v9;
	v9 =	vld [tilespmem:$0x1FB00];
	[tilespmem:s15+$0x10] =	vst v2  }
0x2c4: {  	v2 =	vld [tilespmem:$0x1FB10];
	_ =	sdelay $0x1  }
0x2c5: {  	v11 =	vld [tilespmem:$0x1FB20];
	_ =	sdelay $0x1  }
0x2c6: {  	v9 =	vmul.f32 v3, v9  }
0x2c7: {  	v2 =	vmul.f32 v3, v2  }
0x2c8: {  	[tilespmem:s15+$0x20] =	vst v9  }
0x2c9: {  	v11 =	vmul.f32 v3, v11;
	[tilespmem:s15+$0x30] =	vst v2  }
0x2ca: {  	v2 =	vld [tilespmem:$0x1FB30]  }
0x2cb: {  	[tilespmem:s15+$0x40] =	vst v11  }
0x2cc: {  	v11 =	vld [tilespmem:$0x1FB50]  }
0x2cd: {  	v12 =	vld [tilespmem:$0x1FB60];
	_ =	sdelay $0x1  }
0x2ce: {  	v2 =	vmul.f32 v3, v2;
	_ =	sdelay $0x1  }
0x2cf: {  	v11 =	vmul.f32 v3, v11;
	[tilespmem:s15+$0x50] =	vst v2  }
0x2d0: {  	v12 =	vmul.f32 v3, v12;
	v19 =	vld [tilespmem:$0x1FF80]  }
0x2d1: {  	v56 =	vld [tilespmem:$0x1FF90];
	[tilespmem:s15+$0x60] =	vst v11  }
0x2d2: {  	[tilespmem:s15+$0x70] =	vst v12  }
0x2d3: {  	v47, _, _ =	vpop (xrf2);
	v58 =	vld [tilespmem:$0x1FC10]  }
0x2d4: {  	v9 =	vmul.f32 $1.442695020e+00, v47;
	_ =	sdelay $0x1  }
0x2d5: {  	v9 =	vbroadcast v9, $0xF;
	v2 =	vpop (erf)  }
0x2d6: {  	v57 =	vpop (erf)  }
0x2d7: {  	(erf) = vpow2.f32 v9;
	v9 =	vmul.f32 v57, v58  }
0x2d8: {  	[tilespmem:s20+$0x0] =	vst v3  }
0x2d9: {  	v15 =	vmul.f32 v15, v56;
	[tilespmem:s17+$0xFFFFFF00] =	vst v9  }
0x2da: {  	v63 =	vmul.f32 v57, v52;
	v14 =	vmul.f32 v14, v19;
	v9 =	vld [tilespmem:$0x1FC20]  }
0x2db: {  	v62 =	vadd.f32 v15, v18;
	v15 =	vmul.f32 v57, v61  }
0x2dc: {  	v59 =	vadd.f32 v14, v17;
	v17 =	vmul.f32 v57, v55;
	[tilespmem:s17+$0xFFFFFF10] =	vst v63  }
0x2dd: {  	v18 =	vmul.f32 v57, v6;
	[tilespmem:s17+$0xFFFFFF30] =	vst v15  }
0x2de: {  	v19 =	vmul.f32 v57, v10;
	[tilespmem:s17+$0xFFFFFF40] =	vst v17  }
0x2df: {  	[tilespmem:s17+$0xFFFFFF50] =	vst v18;
	v9 =	vmul.f32 v57, v9  }
0x2e0: {  	[tilespmem:s17+$0xFFFFFF60] =	vst v19  }
0x2e1: {  	[tilespmem:s17+$0xFFFFFF20] =	vst v9  }
0x2e2: {  	v6 =	vld [tilespmem:$0x1FC00]  }
0x2e3: {  	v20 =	vmul.f32 v57, v13;
	v21 =	vpop (erf)  }
0x2e4: {  	v12 =	vadd.f32 v62, v59;
	v22 =	vmul.f32 v21, v48  }
0x2e5: {  	v23 =	vmul.f32 v21, v49;
	[tilespmem:s17+$0xFFFFFF70] =	vst v20  }
0x2e6: {  	(xrf2) =	vadd.scan.msk.f32 $0xffff, v12;
	[tilespmem:s17+$0xFFFFFF80] =	vst v22  }
0x2e7: {  	[tilespmem:s17+$0xFFFFFF90] =	vst v23;
	v6 =	vmul.f32 v16, v6  }
0x2e8: {  	[tilespmem:s21+$0xFFFFFF00] =	vst v57  }
0x2e9: {  	[tilespmem:s16+$0xFFFFFFE0] =	vst v6  }
0x2ea: {  	v6 =	vld [tilespmem:$0x1FC30];
	_ =	sdelay $0x2  }
0x2eb: {  	v24 =	vmul.f32 v21, v53  }
0x2ec: {  	v32 =	vmul.f32 v21, v60  }
0x2ed: {  	[tilespmem:s17+$0xFFFFFFA0] =	vst v24;
	v6 =	vmul.f32 v21, v6  }
0x2ee: {  	v35 =	vmul.f32 v21, v5;
	v33, _, _ =	vpop (xrf2);
	[tilespmem:s17+$0xFFFFFFC0] =	vst v32  }
0x2ef: {  	v40 =	vmul.f32 v16, v40;
	[tilespmem:s17+$0xFFFFFFB0] =	vst v6;
	v6 =	vmul.f32 $1.442695020e+00, v33  }
0x2f0: {  	v43 =	vmul.f32 v2, v25;
	[tilespmem:s17+$0xFFFFFFD0] =	vst v35  }
0x2f1: {  	v44 =	vmul.f32 v2, v26;
	[tilespmem:s16+$0xFFFFFFF0] =	vst v40;
	v6 =	vbroadcast v6, $0xF  }
0x2f2: {  	v46 =	vmul.f32 v2, v29;
	[tilespmem:s16+$0x0] =	vst v43  }
0x2f3: {  	[tilespmem:s16+$0x10] =	vst v44;
	(erf) = vpow2.f32 v6  }
0x2f4: {  	v47 =	vmul.f32 v2, v34;
	[tilespmem:s16+$0x20] =	vst v46  }
0x2f5: {  	v48 =	vmul.f32 v2, v45;
	[tilespmem:s19+$0xFFFFFF80] =	vst v16  }
0x2f6: {  	v49 =	vmul.f32 v2, v38;
	v6 =	vld [tilespmem:$0x1FBF0];
	[tilespmem:s16+$0x30] =	vst v47  }
0x2f7: {  	v52 =	vmul.f32 v2, v39;
	[tilespmem:s16+$0x50] =	vst v48  }
0x2f8: {  	v53 =	vmul.f32 v21, v7;
	[tilespmem:s16+$0x60] =	vst v49  }
0x2f9: {  	v55 =	vmul.f32 v21, v8;
	[tilespmem:s16+$0x70] =	vst v52  }
0x2fa: {  	[tilespmem:s17+$0xFFFFFFE0] =	vst v53  }
0x2fb: {  	[tilespmem:s17+$0xFFFFFFF0] =	vst v55;
	v6 =	vmul.f32 v2, v6  }
0x2fc: {  	[tilespmem:s21+$0xFFFFFF80] =	vst v21;
	v56 =	vpop (erf)  }
0x2fd: {  	[tilespmem:s16+$0x40] =	vst v6;
	v57 =	vmul.f32 v56, v50  }
0x2fe: {  	[tilespmem:s19+$0x0] =	vst v2;
	v58 =	vmul.f32 v56, v51  }
0x2ff: {  	[tilespmem:s17+$0x0] =	vst v57  }
0x300: {  	[tilespmem:s17+$0x10] =	vst v58  }
0x301: {  	v3 =	vld [tilespmem:$0x1FC40];
	_ =	sdelay $0x3  }
0x302: {  	v59 =	vmul.f32 v56, v54  }
0x303: {  	v3 =	vmul.f32 v56, v3  }
0x304: {  	[tilespmem:s17+$0x20] =	vst v59  }
0x305: {  	[tilespmem:s17+$0x30] =	vst v3  }
0x306: {  	v2 =	vld [tilespmem:$0x1FCF0];
	_ =	sdelay $0x1  }
0x307: {  	v0 =	vmul.f32 v56, v0  }
0x308: {  	v60 =	vmul.f32 v56, v4  }
0x309: {  	v1 =	vmul.f32 v56, v1;
	[tilespmem:s17+$0x40] =	vst v0  }
0x30a: {  	v61 =	vlaneseq.u32;
	[tilespmem:s17+$0x60] =	vst v60;
	v2 =	vmul.f32 v56, v2  }
0x30b: {  	v0 =	vmul.u32 $0x80, v61;
	[tilespmem:s17+$0x70] =	vst v1  }
0x30c: {  	[tilespmem:s17+$0x50] =	vst v2  }
0x30d: {  	[tilespmem:s21+$0x0] =	vst v56  }
0x30e: {  	v1 =	vld [tilespmem:$0x14300];
	_ =	sdelay $0x2  }
0x30f: {  	v2 =	vld.idx.msk [tilespmem:v0+s11+$0x0], $0xffff;
	_ =	sdelay $0x3  }
0x310: {  	v62 =	vor.u32 $0x800, v0  }
0x311: {  	[tilespmem:v1+s4+$0x0] =	vst.idx.add.f32.msk $0xffff, v2  }
0x312: {  	v1 =	vld [tilespmem:$0x14310];
	_ =	sdelay $0x2  }
0x313: {  	v2 =	vld.idx.msk [tilespmem:v62+s11+$0x0], $0xffff;
	_ =	sdelay $0x3  }
0x314: {  	v63 =	vor.u32 $0x1000, v0  }
0x315: {  	[tilespmem:v1+s4+$0x0] =	vst.idx.add.f32.msk $0xffff, v2  }
0x316: {  	v1 =	vld [tilespmem:$0x14320];
	_ =	sdelay $0x2  }
0x317: {  	v2 =	vld.idx.msk [tilespmem:v63+s11+$0x0], $0xffff;
	_ =	sdelay $0x3  }
0x318: {  	v0 =	vor.u32 $0x1800, v0  }
0x319: {  	[tilespmem:v1+s4+$0x0] =	vst.idx.add.f32.msk $0xffff, v2  }
0x31a: {  	v1 =	vld [tilespmem:$0x14330];
	_ =	sdelay $0x2  }
0x31b: {  	v0 =	vld.idx.msk [tilespmem:v0+s11+$0x0], $0xffff;
	_ =	sdelay $0x2  }
0x31c: {  	s14 =	sadd.s32 $0x1, s14  }
0x31d: {  	p2 =	sne.s32 s14, $0xA2  }
.Ltmp3:
0x31e: {  	[tilespmem:v1+s4+$0x0] =	vst.idx.add.f32.msk $0xffff, v0;
	(pc) =	sbr.rel @p2 .LBB2_6-.Ltmp3, $4  }
0x31f: {  	[spmem:s2] =	stream.indirect.scatter.add.f32 [tilespmem:s26], [sflag:$0x3], $0x80, s31, s3, $0xb8;
	[tilespmem:$0x1CC80] =	vst v63  }
0x320: {  	_ =	swait.ge [sflag:s28], $0x2000  }
0x321: {  	[sflag:s28] =	ssyncset.done $0x0;
	v28 =	vld [tilespmem:$0x1FFA0]  }
0x322: {  	v30 =	vld [tilespmem:$0x1FFB0];
	[sflag:s28] =	ssyncadd.s32 $0xFFFFE000  }
0x323: {  	s14 =	simm.s32 $0x50;
	s15 =	simm.s32 $0x1CB80  }
0x324: {  	[spmem:s24] =	stream.indirect.scatter.add.f32 [tilespmem:s4], [sflag:$0x3], $0x80, s15, s14, $0xb8;
	[tilespmem:$0x1CC80] =	vst v63  }
0x325: {  	_ =	swait.ge [sflag:s28], $0x2800  }
0x326: {  	[sflag:s28] =	ssyncset.done $0x0  }
0x327: {  	s22 =	stileid.u32;
	[sflag:s28] =	ssyncadd.s32 $0xFFFFD800  }
0x328: {  	s14 =	sshll.u32 s22, $0x6;
	[bflag:$0x0] =	sbarrier.arrive $0xFFFF  }
0x329: {  	s23 =	sshrl.u32 s10, $0x3;
	s14 =	sor.u32 $0x1C03, s14;
	s17 =	rddreg [dreg:$0x7]  }
0x32a: {  	[hbm:s17], [sflag:s14] =	dma.local [spmem:s23], $0x2800  }
0x32b: {  	_ =	swait.ge [sflag:s28], $0x2800  }
0x32c: {  	[sflag:s28] =	ssyncset.done $0x0  }
0x32d: {  	s15 =	rddreg [dreg:$0x8];
	[sflag:s28] =	ssyncadd.s32 $0xFFFFD800  }
0x32e: {  	[hbm:s15], [sflag:s14] =	dma.local @!p1 [spmem:s25], $0x80  }
0x32f: {  	s14 =	simm.s32 @!p1 $0x3  }
0x330: {  	_ =	swait.ge @!p1 [sflag:s14], $0x80  }
0x331: {  	s16 =	smov.u32 s24;
	s13 =	sadd.s32 $0x1, s13;
	s24 =	rddreg [dreg:$0x9]  }
0x332: {  	p2 =	sne.s32 s13, s24  }
.Ltmp4:
0x333: {  	_ = 	snop;
	(pc) =	sbr.rel @p2 .LBB2_1-.Ltmp4, $3  }
0x334: {  	_ =	sdelay $0x1  }
0x335: {  	[sflag:s14] =	ssyncset.done @!p1 $0x0  }
0x336: {  	v1 =	vimm.f32 $0.0e+00;
	[sflag:s14] =	ssyncadd.s32 @!p1 $0xFFFFFF80  }
0x337: {  	_ =	sfence.sel $0x180000  }
0x338: {  	[bflag:$0x0] =	sbarrier.arrive $0xFFFF  }
0x339: {  	_ =	strace $0x90000047  }
0x33a: {  	[bflag:$0x2] =	sbarrier.arrive $0xFFFF  }
0x33b: {  	s0 =	rddreg [dreg:$0x5]  }
0x33c: {  	s0 =	sadd.s32 @!p0 $0x100000, s0  }
0x33d: {  	[sflag:s0] =	ssyncadd.tile.s32 @!p0 $0x1;
	_ =	shalt  }
.Lfunc_end2:
_tile_overlayer_lowered:
.L_overlay_start_2:
0x33e: {  	(tag) =	ssettag $0x2  }
0x33f: {  	s0 =	rddreg [dreg:$0x0];
	s2 =	stileid.u32  }
0x340: {  	s1 =	rddreg [dreg:$0x1];
	p0 =	sne.s32 s2, $0x0  }
0x341: {  	s3 =	rddreg [dreg:$0x2];
	[bflag:$0x3] =	sbarrier.arrive $0xFFFF;
	s2 =	simm.s32 @!p0 $0x1C03  }
0x342: {  	[timem:s3], [sflag:s2] =	dma.local @!p0 [hbm:s0], s1  }
0x343: {  	s0 =	simm.s32 @!p0 $0x3  }
0x344: {  	_ =	swait.ge @!p0 [sflag:s0], s1  }
0x345: {  	s1 =	ssub.s32 @!p0 $0x0, s1;
	[sflag:s0] =	ssyncset.done @!p0 $0x0  }
0x346: {  	[sflag:s0] =	ssyncadd.s32 @!p0 s1  }
0x347: {  	[bflag:$0x3] =	sbarrier.arrive $0xFFFF  }
0x348: {  	_ =	shalt  }

</sc_bundles>
